<compile_context>
chip_gen: v7x
topology: tpu7x:2x2x1
jax: 0.10.2.dev20260603
libtpu: 0.0.44.dev20260713+nightly
codegen_flags: <defaults>
</compile_context>

<pallas_src>
import jax
import jax.numpy as jnp
from jax import lax
from jax.experimental import pallas as pl
from jax.experimental.pallas import tpu as pltpu
from jax.experimental.pallas import tpu_sc as plsc

_NC, _NS, _L = 2, 16, 16
_NW = _NC * _NS

_NI = 16384
_NJ = 200
_IB = _NI // 128
_R = 2
_NG = _IB // _R
_SPAN = _R * 512
_NUNIT = (_NJ // 8) * _NG
_PER_W = _NUNIT // _NW


def _sc_body(x_hbm, tab_hbm, w_hbm, b_hbm, out_hbm,
             tab_v, w_v, b_v, fused_cs, x_vs, out_vs, in_sems, out_sems):
    wid = lax.axis_index("s") * _NC + lax.axis_index("c")
    u0 = wid * _PER_W

    pltpu.sync_copy(tab_hbm, tab_v)
    pltpu.sync_copy(w_hbm, w_v)
    pltpu.sync_copy(b_hbm, b_v)

    iota = lax.iota(jnp.int32, _L)
    zero16 = jnp.bitwise_and(iota, 0)

    k4 = lax.shift_left(iota, 2)
    for c in range(4):
        acc = plsc.load_gather(b_v, [zero16 + (c + 1)])
        for d in range(4):
            tv = plsc.load_gather(tab_v, [k4 + d])
            wv = plsc.load_gather(w_v, [zero16 + (4 * c + d + 1)])
            acc = acc + tv * wv
        fused_cs[c][...] = acc

    def in_copy(u, s):
        jb = lax.shift_right_logical(u, 6)
        ib0 = pl.multiple_of(lax.shift_left(jnp.bitwise_and(u, 63), 1), _R)
        return pltpu.make_async_copy(
            x_hbm.at[jb, pl.ds(ib0, _R)], x_vs[s], in_sems[s])

    def out_copy_jr(u, s, jr):
        jb = lax.shift_right_logical(u, 6)
        ib0 = lax.shift_left(jnp.bitwise_and(u, 63), 1)
        off = pl.multiple_of((jb * 8 + jr) * 65536 + ib0 * 512, _SPAN)
        return pltpu.make_async_copy(
            out_vs[s].at[jr], out_hbm.at[pl.ds(off, _SPAN)], out_sems[s])

    def compute(s):
        x_v, out_v = x_vs[s], out_vs[s]

        @plsc.parallel_loop(0, 8, unroll=4)
        def body(m):
            m16 = pl.multiple_of(m * 16, 16)
            for r in range(_R):
                for jr in range(8):
                    xv = x_v[r, jr, pl.ds(m16, 16)]
                    vals = [plsc.load_gather(fused_cs[c], [xv])
                            for c in range(4)]
                    for c in range(4):
                        out_v[jr, pl.ds(r * 512 + c * 128 + m16, 16)] = vals[c]

    in_copy(u0, 0).start()

    def step(h, _):
        for s in range(2):
            t = h + s
            u = u0 + t

            @pl.when(t + 1 < _PER_W)
            def _():
                in_copy(u + 1, 1 - s).start()

            in_copy(u, s).wait()

            @pl.when(t >= 2)
            def _():
                for jr in range(8):
                    out_copy_jr(u - 2, s, jr).wait()

            compute(s)
            for jr in range(8):
                out_copy_jr(u, s, jr).start()
        return ()

    lax.fori_loop(0, _PER_W // 2, lambda i, c: step(i * 2, c), ())
    if _PER_W % 2:
        t = _PER_W - 1
        u = u0 + t
        in_copy(u, 0).wait()
        for jr in range(8):
            out_copy_jr(u - 2, 0, jr).wait()
        compute(0)
        for jr in range(8):
            out_copy_jr(u, 0, jr).start()
        for jr in range(8):
            out_copy_jr(u - 1, 1, jr).wait()
            out_copy_jr(u, 0, jr).wait()
    else:
        for jr in range(8):
            out_copy_jr(u0 + _PER_W - 2, 0, jr).wait()
            out_copy_jr(u0 + _PER_W - 1, 1, jr).wait()


@jax.jit
def _run(x4, tab_p, w_p, b_p):
    mesh = plsc.VectorSubcoreMesh(core_axis_name="c", subcore_axis_name="s",
                                  num_cores=_NC, num_subcores=_NS)
    f = pl.kernel(
        _sc_body,
        out_type=jax.ShapeDtypeStruct((_NI * _NJ * 4,), jnp.float32),
        mesh=mesh,
        compiler_params=pltpu.CompilerParams(needs_layout_passes=False),
        scratch_types=[
            pltpu.VMEM((64,), jnp.float32),
            pltpu.VMEM((32,), jnp.float32),
            pltpu.VMEM((16,), jnp.float32),
            [pltpu.VMEM((16,), jnp.float32) for _ in range(4)],
            [pltpu.VMEM((_R, 8, 128), jnp.int32),
             pltpu.VMEM((_R, 8, 128), jnp.int32)],
            [pltpu.VMEM((8, _SPAN), jnp.float32),
             pltpu.VMEM((8, _SPAN), jnp.float32)],
            [pltpu.SemaphoreType.DMA, pltpu.SemaphoreType.DMA],
            [pltpu.SemaphoreType.DMA, pltpu.SemaphoreType.DMA],
        ],
    )
    return f(x4, tab_p, w_p, b_p)


def kernel(x, table, W, b):
    x4 = (jnp.transpose(x.astype(jnp.int32))
          .reshape(25, 8, 128, 128).transpose(0, 2, 1, 3))
    tab_p = jnp.zeros((64,), jnp.float32).at[:40].set(table.reshape(-1))
    w_p = jnp.zeros((32,), jnp.float32).at[1:17].set(W.reshape(-1))
    b_p = jnp.zeros((16,), jnp.float32).at[1:5].set(b)
    out_flat = _run(x4, tab_p, w_p, b_p)
    return (out_flat.reshape(_NJ, _IB, 4, 128)
            .transpose(1, 3, 0, 2).reshape(_NI, _NJ, 4))

# --- scband reference (transcript-rebuilt; emitter-appended) ---
"""Pipeline reference for scband-dummy-model-3985729651581 (READ-ONLY COPY).

The authoritative reference and input builder live on the scoring server;
editing this copy changes nothing except your own understanding.
"""

import jax, jax.numpy as jnp
import numpy as np


def setup_inputs(seed: int = 0) -> dict:
    key = jax.random.key(seed)
    k1, k2, k3, k4 = jax.random.split(key, 4)
    # forward input: indices into a 10-row embedding table (hardcoded in module)
    x = jax.random.randint(k1, (16384, 200), 0, 10)
    # learned parameters sized per the module's __init__
    table = jax.random.normal(k2, (10, 4), dtype=jnp.float32)  # nn.Embedding(10, 4)
    W = jax.random.normal(k3, (4, 4), dtype=jnp.float32) * 0.5  # nn.Linear(4, 4) weight
    b = jax.random.normal(k4, (4,), dtype=jnp.float32) * 0.1    # nn.Linear(4, 4) bias
    return {"x": x, "table": table, "W": W, "b": b}


def reference(x, table, W, b):
    # embedding lookup: gather rows of the table
    emb = jnp.take(table, x, axis=0)            # [B, L, 4]
    # linear layer: x @ W^T + b (torch Linear convention)
    out = emb @ W.T + b                          # [B, L, 4]
    return out

if __name__ == "__main__":
    import jax
    _d = setup_inputs()
    print(jax.jit(kernel)(*tuple(_d.values())))

</pallas_src>

<mosaic_0001>
#map = affine_map<(d0, d1) -> (0, 0, 0, 0)>
#map1 = affine_map<(d0, d1) -> (0)>
module attributes {stable_mosaic.version = 14 : i64} {
  func.func @_sc_body(%arg0: i32, %arg1: i32, %arg2: memref<25x128x8x128xi32, #tpu.memory_space<hbm>>, %arg3: memref<64xf32, #tpu.memory_space<hbm>>, %arg4: memref<32xf32, #tpu.memory_space<hbm>>, %arg5: memref<16xf32, #tpu.memory_space<hbm>>, %arg6: memref<13107200xf32, #tpu.memory_space<hbm>>, %arg7: memref<64xf32, #tpu.memory_space<vmem>>, %arg8: memref<32xf32, #tpu.memory_space<vmem>>, %arg9: memref<16xf32, #tpu.memory_space<vmem>>, %arg10: memref<16xf32, #tpu.memory_space<vmem>>, %arg11: memref<16xf32, #tpu.memory_space<vmem>>, %arg12: memref<16xf32, #tpu.memory_space<vmem>>, %arg13: memref<16xf32, #tpu.memory_space<vmem>>, %arg14: memref<2x8x128xi32, #tpu.memory_space<vmem>>, %arg15: memref<2x8x128xi32, #tpu.memory_space<vmem>>, %arg16: memref<8x1024xf32, #tpu.memory_space<vmem>>, %arg17: memref<8x1024xf32, #tpu.memory_space<vmem>>, %arg18: memref<!tpu.dma_semaphore, #tpu.memory_space<semaphore_mem>>, %arg19: memref<!tpu.dma_semaphore, #tpu.memory_space<semaphore_mem>>, %arg20: memref<!tpu.dma_semaphore, #tpu.memory_space<semaphore_mem>>, %arg21: memref<!tpu.dma_semaphore, #tpu.memory_space<semaphore_mem>>) attributes {dimension_semantics = [#tpu.dimension_semantics<core_parallel>, #tpu.dimension_semantics<subcore_parallel>], iteration_bounds = array<i64: 2, 16>, scalar_prefetch = 0 : i64, scratch_operands = 15 : i64, tpu.core_type = #tpu.core_type<sc_vector_subcore>, window_params = [{transform_indices = #map}, {transform_indices = #map1}, {transform_indices = #map1}, {transform_indices = #map1}, {transform_indices = #map1}]} {
    %mul3A = arith.constant 2 : i32
    %mul3A_0 = arith.muli %arg1, %mul3A : i32
    %add3A = arith.addi %mul3A_0, %arg0 : i32
    %mul3A_1 = arith.constant 50 : i32
    %mul3A_2 = arith.muli %add3A, %mul3A_1 : i32
    "tpu.region"() ({
      %run_scoped3A = tpu.sem_alloc : memref<!tpu.dma_semaphore, #tpu.memory_space<semaphore_mem>>
      tpu.enqueue_dma source(%arg3 : memref<64xf32, #tpu.memory_space<hbm>>) target(%arg7 : memref<64xf32, #tpu.memory_space<vmem>>) target_semaphore(%run_scoped3A : memref<!tpu.dma_semaphore, #tpu.memory_space<semaphore_mem>>)
      tpu.wait_dma2 semaphore(%run_scoped3A : memref<!tpu.dma_semaphore, #tpu.memory_space<semaphore_mem>>) src(%arg3 : memref<64xf32, #tpu.memory_space<hbm>>) dst(%arg7 : memref<64xf32, #tpu.memory_space<vmem>>)
      tpu.yield
    }) : () -> ()
    "tpu.region"() ({
      %run_scoped3A = tpu.sem_alloc : memref<!tpu.dma_semaphore, #tpu.memory_space<semaphore_mem>>
      tpu.enqueue_dma source(%arg4 : memref<32xf32, #tpu.memory_space<hbm>>) target(%arg8 : memref<32xf32, #tpu.memory_space<vmem>>) target_semaphore(%run_scoped3A : memref<!tpu.dma_semaphore, #tpu.memory_space<semaphore_mem>>)
      tpu.wait_dma2 semaphore(%run_scoped3A : memref<!tpu.dma_semaphore, #tpu.memory_space<semaphore_mem>>) src(%arg4 : memref<32xf32, #tpu.memory_space<hbm>>) dst(%arg8 : memref<32xf32, #tpu.memory_space<vmem>>)
      tpu.yield
    }) : () -> ()
    "tpu.region"() ({
      %run_scoped3A = tpu.sem_alloc : memref<!tpu.dma_semaphore, #tpu.memory_space<semaphore_mem>>
      tpu.enqueue_dma source(%arg5 : memref<16xf32, #tpu.memory_space<hbm>>) target(%arg9 : memref<16xf32, #tpu.memory_space<vmem>>) target_semaphore(%run_scoped3A : memref<!tpu.dma_semaphore, #tpu.memory_space<semaphore_mem>>)
      tpu.wait_dma2 semaphore(%run_scoped3A : memref<!tpu.dma_semaphore, #tpu.memory_space<semaphore_mem>>) src(%arg5 : memref<16xf32, #tpu.memory_space<hbm>>) dst(%arg9 : memref<16xf32, #tpu.memory_space<vmem>>)
      tpu.yield
    }) : () -> ()
    %iota3A = tpu.iota {dimensions = array<i32: 0>} : vector<16xi32>
    %and3A = arith.constant 0 : i32
    %and3A_3 = vector.broadcast %and3A : i32 to vector<16xi32>
    %and3A_4 = arith.andi %iota3A, %and3A_3 : vector<16xi32>
    %shift_left3A = arith.constant 2 : i32
    %shift_left3A_5 = vector.broadcast %shift_left3A : i32 to vector<16xi32>
    %shift_left3A_6 = arith.shli %iota3A, %shift_left3A_5 : vector<16xi32>
    %add3A_7 = arith.constant 1 : i32
    %add3A_8 = vector.broadcast %add3A_7 : i32 to vector<16xi32>
    %add3A_9 = arith.addi %and3A_4, %add3A_8 : vector<16xi32>
    %gather3A = tpu.vector_load_idx %arg9[%add3A_9] : memref<16xf32, #tpu.memory_space<vmem>>[vector<16xi32>], vector<16xf32>,
    %add3A_10 = arith.constant 0 : i32
    %add3A_11 = vector.broadcast %add3A_10 : i32 to vector<16xi32>
    %add3A_12 = arith.addi %shift_left3A_6, %add3A_11 : vector<16xi32>
    %gather3A_13 = tpu.vector_load_idx %arg7[%add3A_12] : memref<64xf32, #tpu.memory_space<vmem>>[vector<16xi32>], vector<16xf32>,
    %add3A_14 = arith.constant 1 : i32
    %add3A_15 = vector.broadcast %add3A_14 : i32 to vector<16xi32>
    %add3A_16 = arith.addi %and3A_4, %add3A_15 : vector<16xi32>
    %gather3A_17 = tpu.vector_load_idx %arg8[%add3A_16] : memref<32xf32, #tpu.memory_space<vmem>>[vector<16xi32>], vector<16xf32>,
    %mul3A_18 = arith.mulf %gather3A_13, %gather3A_17 : vector<16xf32>
    %add3A_19 = arith.addf %gather3A, %mul3A_18 : vector<16xf32>
    %add3A_20 = arith.constant 1 : i32
    %add3A_21 = vector.broadcast %add3A_20 : i32 to vector<16xi32>
    %add3A_22 = arith.addi %shift_left3A_6, %add3A_21 : vector<16xi32>
    %gather3A_23 = tpu.vector_load_idx %arg7[%add3A_22] : memref<64xf32, #tpu.memory_space<vmem>>[vector<16xi32>], vector<16xf32>,
    %add3A_24 = arith.constant 2 : i32
    %add3A_25 = vector.broadcast %add3A_24 : i32 to vector<16xi32>
    %add3A_26 = arith.addi %and3A_4, %add3A_25 : vector<16xi32>
    %gather3A_27 = tpu.vector_load_idx %arg8[%add3A_26] : memref<32xf32, #tpu.memory_space<vmem>>[vector<16xi32>], vector<16xf32>,
    %mul3A_28 = arith.mulf %gather3A_23, %gather3A_27 : vector<16xf32>
    %add3A_29 = arith.addf %add3A_19, %mul3A_28 : vector<16xf32>
    %add3A_30 = arith.constant 2 : i32
    %add3A_31 = vector.broadcast %add3A_30 : i32 to vector<16xi32>
    %add3A_32 = arith.addi %shift_left3A_6, %add3A_31 : vector<16xi32>
    %gather3A_33 = tpu.vector_load_idx %arg7[%add3A_32] : memref<64xf32, #tpu.memory_space<vmem>>[vector<16xi32>], vector<16xf32>,
    %add3A_34 = arith.constant 3 : i32
    %add3A_35 = vector.broadcast %add3A_34 : i32 to vector<16xi32>
    %add3A_36 = arith.addi %and3A_4, %add3A_35 : vector<16xi32>
    %gather3A_37 = tpu.vector_load_idx %arg8[%add3A_36] : memref<32xf32, #tpu.memory_space<vmem>>[vector<16xi32>], vector<16xf32>,
    %mul3A_38 = arith.mulf %gather3A_33, %gather3A_37 : vector<16xf32>
    %add3A_39 = arith.addf %add3A_29, %mul3A_38 : vector<16xf32>
    %add3A_40 = arith.constant 3 : i32
    %add3A_41 = vector.broadcast %add3A_40 : i32 to vector<16xi32>
    %add3A_42 = arith.addi %shift_left3A_6, %add3A_41 : vector<16xi32>
    %gather3A_43 = tpu.vector_load_idx %arg7[%add3A_42] : memref<64xf32, #tpu.memory_space<vmem>>[vector<16xi32>], vector<16xf32>,
    %add3A_44 = arith.constant 4 : i32
    %add3A_45 = vector.broadcast %add3A_44 : i32 to vector<16xi32>
    %add3A_46 = arith.addi %and3A_4, %add3A_45 : vector<16xi32>
    %gather3A_47 = tpu.vector_load_idx %arg8[%add3A_46] : memref<32xf32, #tpu.memory_space<vmem>>[vector<16xi32>], vector<16xf32>,
    %mul3A_48 = arith.mulf %gather3A_43, %gather3A_47 : vector<16xf32>
    %add3A_49 = arith.addf %add3A_39, %mul3A_48 : vector<16xf32>
    %swap3A = arith.constant 0 : index
    %swap3A_50 = tpu.vector_load %arg10[%swap3A] {strides = array<i32>} : memref<16xf32, #tpu.memory_space<vmem>>, vector<16xf32>,
    tpu.vector_store %arg10[%swap3A], %add3A_49 {strides = array<i32>} : memref<16xf32, #tpu.memory_space<vmem>>, vector<16xf32>,
    %add3A_51 = arith.constant 2 : i32
    %add3A_52 = vector.broadcast %add3A_51 : i32 to vector<16xi32>
    %add3A_53 = arith.addi %and3A_4, %add3A_52 : vector<16xi32>
    %gather3A_54 = tpu.vector_load_idx %arg9[%add3A_53] : memref<16xf32, #tpu.memory_space<vmem>>[vector<16xi32>], vector<16xf32>,
    %add3A_55 = arith.constant 0 : i32
    %add3A_56 = vector.broadcast %add3A_55 : i32 to vector<16xi32>
    %add3A_57 = arith.addi %shift_left3A_6, %add3A_56 : vector<16xi32>
    %gather3A_58 = tpu.vector_load_idx %arg7[%add3A_57] : memref<64xf32, #tpu.memory_space<vmem>>[vector<16xi32>], vector<16xf32>,
    %add3A_59 = arith.constant 5 : i32
    %add3A_60 = vector.broadcast %add3A_59 : i32 to vector<16xi32>
    %add3A_61 = arith.addi %and3A_4, %add3A_60 : vector<16xi32>
    %gather3A_62 = tpu.vector_load_idx %arg8[%add3A_61] : memref<32xf32, #tpu.memory_space<vmem>>[vector<16xi32>], vector<16xf32>,
    %mul3A_63 = arith.mulf %gather3A_58, %gather3A_62 : vector<16xf32>
    %add3A_64 = arith.addf %gather3A_54, %mul3A_63 : vector<16xf32>
    %add3A_65 = arith.constant 1 : i32
    %add3A_66 = vector.broadcast %add3A_65 : i32 to vector<16xi32>
    %add3A_67 = arith.addi %shift_left3A_6, %add3A_66 : vector<16xi32>
    %gather3A_68 = tpu.vector_load_idx %arg7[%add3A_67] : memref<64xf32, #tpu.memory_space<vmem>>[vector<16xi32>], vector<16xf32>,
    %add3A_69 = arith.constant 6 : i32
    %add3A_70 = vector.broadcast %add3A_69 : i32 to vector<16xi32>
    %add3A_71 = arith.addi %and3A_4, %add3A_70 : vector<16xi32>
    %gather3A_72 = tpu.vector_load_idx %arg8[%add3A_71] : memref<32xf32, #tpu.memory_space<vmem>>[vector<16xi32>], vector<16xf32>,
    %mul3A_73 = arith.mulf %gather3A_68, %gather3A_72 : vector<16xf32>
    %add3A_74 = arith.addf %add3A_64, %mul3A_73 : vector<16xf32>
    %add3A_75 = arith.constant 2 : i32
    %add3A_76 = vector.broadcast %add3A_75 : i32 to vector<16xi32>
    %add3A_77 = arith.addi %shift_left3A_6, %add3A_76 : vector<16xi32>
    %gather3A_78 = tpu.vector_load_idx %arg7[%add3A_77] : memref<64xf32, #tpu.memory_space<vmem>>[vector<16xi32>], vector<16xf32>,
    %add3A_79 = arith.constant 7 : i32
    %add3A_80 = vector.broadcast %add3A_79 : i32 to vector<16xi32>
    %add3A_81 = arith.addi %and3A_4, %add3A_80 : vector<16xi32>
    %gather3A_82 = tpu.vector_load_idx %arg8[%add3A_81] : memref<32xf32, #tpu.memory_space<vmem>>[vector<16xi32>], vector<16xf32>,
    %mul3A_83 = arith.mulf %gather3A_78, %gather3A_82 : vector<16xf32>
    %add3A_84 = arith.addf %add3A_74, %mul3A_83 : vector<16xf32>
    %add3A_85 = arith.constant 3 : i32
    %add3A_86 = vector.broadcast %add3A_85 : i32 to vector<16xi32>
    %add3A_87 = arith.addi %shift_left3A_6, %add3A_86 : vector<16xi32>
    %gather3A_88 = tpu.vector_load_idx %arg7[%add3A_87] : memref<64xf32, #tpu.memory_space<vmem>>[vector<16xi32>], vector<16xf32>,
    %add3A_89 = arith.constant 8 : i32
    %add3A_90 = vector.broadcast %add3A_89 : i32 to vector<16xi32>
    %add3A_91 = arith.addi %and3A_4, %add3A_90 : vector<16xi32>
    %gather3A_92 = tpu.vector_load_idx %arg8[%add3A_91] : memref<32xf32, #tpu.memory_space<vmem>>[vector<16xi32>], vector<16xf32>,
    %mul3A_93 = arith.mulf %gather3A_88, %gather3A_92 : vector<16xf32>
    %add3A_94 = arith.addf %add3A_84, %mul3A_93 : vector<16xf32>
    %swap3A_95 = arith.constant 0 : index
    %swap3A_96 = tpu.vector_load %arg11[%swap3A_95] {strides = array<i32>} : memref<16xf32, #tpu.memory_space<vmem>>, vector<16xf32>,
    tpu.vector_store %arg11[%swap3A_95], %add3A_94 {strides = array<i32>} : memref<16xf32, #tpu.memory_space<vmem>>, vector<16xf32>,
    %add3A_97 = arith.constant 3 : i32
    %add3A_98 = vector.broadcast %add3A_97 : i32 to vector<16xi32>
    %add3A_99 = arith.addi %and3A_4, %add3A_98 : vector<16xi32>
    %gather3A_100 = tpu.vector_load_idx %arg9[%add3A_99] : memref<16xf32, #tpu.memory_space<vmem>>[vector<16xi32>], vector<16xf32>,
    %add3A_101 = arith.constant 0 : i32
    %add3A_102 = vector.broadcast %add3A_101 : i32 to vector<16xi32>
    %add3A_103 = arith.addi %shift_left3A_6, %add3A_102 : vector<16xi32>
    %gather3A_104 = tpu.vector_load_idx %arg7[%add3A_103] : memref<64xf32, #tpu.memory_space<vmem>>[vector<16xi32>], vector<16xf32>,
    %add3A_105 = arith.constant 9 : i32
    %add3A_106 = vector.broadcast %add3A_105 : i32 to vector<16xi32>
    %add3A_107 = arith.addi %and3A_4, %add3A_106 : vector<16xi32>
    %gather3A_108 = tpu.vector_load_idx %arg8[%add3A_107] : memref<32xf32, #tpu.memory_space<vmem>>[vector<16xi32>], vector<16xf32>,
    %mul3A_109 = arith.mulf %gather3A_104, %gather3A_108 : vector<16xf32>
    %add3A_110 = arith.addf %gather3A_100, %mul3A_109 : vector<16xf32>
    %add3A_111 = arith.constant 1 : i32
    %add3A_112 = vector.broadcast %add3A_111 : i32 to vector<16xi32>
    %add3A_113 = arith.addi %shift_left3A_6, %add3A_112 : vector<16xi32>
    %gather3A_114 = tpu.vector_load_idx %arg7[%add3A_113] : memref<64xf32, #tpu.memory_space<vmem>>[vector<16xi32>], vector<16xf32>,
    %add3A_115 = arith.constant 10 : i32
    %add3A_116 = vector.broadcast %add3A_115 : i32 to vector<16xi32>
    %add3A_117 = arith.addi %and3A_4, %add3A_116 : vector<16xi32>
    %gather3A_118 = tpu.vector_load_idx %arg8[%add3A_117] : memref<32xf32, #tpu.memory_space<vmem>>[vector<16xi32>], vector<16xf32>,
    %mul3A_119 = arith.mulf %gather3A_114, %gather3A_118 : vector<16xf32>
    %add3A_120 = arith.addf %add3A_110, %mul3A_119 : vector<16xf32>
    %add3A_121 = arith.constant 2 : i32
    %add3A_122 = vector.broadcast %add3A_121 : i32 to vector<16xi32>
    %add3A_123 = arith.addi %shift_left3A_6, %add3A_122 : vector<16xi32>
    %gather3A_124 = tpu.vector_load_idx %arg7[%add3A_123] : memref<64xf32, #tpu.memory_space<vmem>>[vector<16xi32>], vector<16xf32>,
    %add3A_125 = arith.constant 11 : i32
    %add3A_126 = vector.broadcast %add3A_125 : i32 to vector<16xi32>
    %add3A_127 = arith.addi %and3A_4, %add3A_126 : vector<16xi32>
    %gather3A_128 = tpu.vector_load_idx %arg8[%add3A_127] : memref<32xf32, #tpu.memory_space<vmem>>[vector<16xi32>], vector<16xf32>,
    %mul3A_129 = arith.mulf %gather3A_124, %gather3A_128 : vector<16xf32>
    %add3A_130 = arith.addf %add3A_120, %mul3A_129 : vector<16xf32>
    %add3A_131 = arith.constant 3 : i32
    %add3A_132 = vector.broadcast %add3A_131 : i32 to vector<16xi32>
    %add3A_133 = arith.addi %shift_left3A_6, %add3A_132 : vector<16xi32>
    %gather3A_134 = tpu.vector_load_idx %arg7[%add3A_133] : memref<64xf32, #tpu.memory_space<vmem>>[vector<16xi32>], vector<16xf32>,
    %add3A_135 = arith.constant 12 : i32
    %add3A_136 = vector.broadcast %add3A_135 : i32 to vector<16xi32>
    %add3A_137 = arith.addi %and3A_4, %add3A_136 : vector<16xi32>
    %gather3A_138 = tpu.vector_load_idx %arg8[%add3A_137] : memref<32xf32, #tpu.memory_space<vmem>>[vector<16xi32>], vector<16xf32>,
    %mul3A_139 = arith.mulf %gather3A_134, %gather3A_138 : vector<16xf32>
    %add3A_140 = arith.addf %add3A_130, %mul3A_139 : vector<16xf32>
    %swap3A_141 = arith.constant 0 : index
    %swap3A_142 = tpu.vector_load %arg12[%swap3A_141] {strides = array<i32>} : memref<16xf32, #tpu.memory_space<vmem>>, vector<16xf32>,
    tpu.vector_store %arg12[%swap3A_141], %add3A_140 {strides = array<i32>} : memref<16xf32, #tpu.memory_space<vmem>>, vector<16xf32>,
    %add3A_143 = arith.constant 4 : i32
    %add3A_144 = vector.broadcast %add3A_143 : i32 to vector<16xi32>
    %add3A_145 = arith.addi %and3A_4, %add3A_144 : vector<16xi32>
    %gather3A_146 = tpu.vector_load_idx %arg9[%add3A_145] : memref<16xf32, #tpu.memory_space<vmem>>[vector<16xi32>], vector<16xf32>,
    %add3A_147 = arith.constant 0 : i32
    %add3A_148 = vector.broadcast %add3A_147 : i32 to vector<16xi32>
    %add3A_149 = arith.addi %shift_left3A_6, %add3A_148 : vector<16xi32>
    %gather3A_150 = tpu.vector_load_idx %arg7[%add3A_149] : memref<64xf32, #tpu.memory_space<vmem>>[vector<16xi32>], vector<16xf32>,
    %add3A_151 = arith.constant 13 : i32
    %add3A_152 = vector.broadcast %add3A_151 : i32 to vector<16xi32>
    %add3A_153 = arith.addi %and3A_4, %add3A_152 : vector<16xi32>
    %gather3A_154 = tpu.vector_load_idx %arg8[%add3A_153] : memref<32xf32, #tpu.memory_space<vmem>>[vector<16xi32>], vector<16xf32>,
    %mul3A_155 = arith.mulf %gather3A_150, %gather3A_154 : vector<16xf32>
    %add3A_156 = arith.addf %gather3A_146, %mul3A_155 : vector<16xf32>
    %add3A_157 = arith.constant 1 : i32
    %add3A_158 = vector.broadcast %add3A_157 : i32 to vector<16xi32>
    %add3A_159 = arith.addi %shift_left3A_6, %add3A_158 : vector<16xi32>
    %gather3A_160 = tpu.vector_load_idx %arg7[%add3A_159] : memref<64xf32, #tpu.memory_space<vmem>>[vector<16xi32>], vector<16xf32>,
    %add3A_161 = arith.constant 14 : i32
    %add3A_162 = vector.broadcast %add3A_161 : i32 to vector<16xi32>
    %add3A_163 = arith.addi %and3A_4, %add3A_162 : vector<16xi32>
    %gather3A_164 = tpu.vector_load_idx %arg8[%add3A_163] : memref<32xf32, #tpu.memory_space<vmem>>[vector<16xi32>], vector<16xf32>,
    %mul3A_165 = arith.mulf %gather3A_160, %gather3A_164 : vector<16xf32>
    %add3A_166 = arith.addf %add3A_156, %mul3A_165 : vector<16xf32>
    %add3A_167 = arith.constant 2 : i32
    %add3A_168 = vector.broadcast %add3A_167 : i32 to vector<16xi32>
    %add3A_169 = arith.addi %shift_left3A_6, %add3A_168 : vector<16xi32>
    %gather3A_170 = tpu.vector_load_idx %arg7[%add3A_169] : memref<64xf32, #tpu.memory_space<vmem>>[vector<16xi32>], vector<16xf32>,
    %add3A_171 = arith.constant 15 : i32
    %add3A_172 = vector.broadcast %add3A_171 : i32 to vector<16xi32>
    %add3A_173 = arith.addi %and3A_4, %add3A_172 : vector<16xi32>
    %gather3A_174 = tpu.vector_load_idx %arg8[%add3A_173] : memref<32xf32, #tpu.memory_space<vmem>>[vector<16xi32>], vector<16xf32>,
    %mul3A_175 = arith.mulf %gather3A_170, %gather3A_174 : vector<16xf32>
    %add3A_176 = arith.addf %add3A_166, %mul3A_175 : vector<16xf32>
    %add3A_177 = arith.constant 3 : i32
    %add3A_178 = vector.broadcast %add3A_177 : i32 to vector<16xi32>
    %add3A_179 = arith.addi %shift_left3A_6, %add3A_178 : vector<16xi32>
    %gather3A_180 = tpu.vector_load_idx %arg7[%add3A_179] : memref<64xf32, #tpu.memory_space<vmem>>[vector<16xi32>], vector<16xf32>,
    %add3A_181 = arith.constant 16 : i32
    %add3A_182 = vector.broadcast %add3A_181 : i32 to vector<16xi32>
    %add3A_183 = arith.addi %and3A_4, %add3A_182 : vector<16xi32>
    %gather3A_184 = tpu.vector_load_idx %arg8[%add3A_183] : memref<32xf32, #tpu.memory_space<vmem>>[vector<16xi32>], vector<16xf32>,
    %mul3A_185 = arith.mulf %gather3A_180, %gather3A_184 : vector<16xf32>
    %add3A_186 = arith.addf %add3A_176, %mul3A_185 : vector<16xf32>
    %swap3A_187 = arith.constant 0 : index
    %swap3A_188 = tpu.vector_load %arg13[%swap3A_187] {strides = array<i32>} : memref<16xf32, #tpu.memory_space<vmem>>, vector<16xf32>,
    tpu.vector_store %arg13[%swap3A_187], %add3A_186 {strides = array<i32>} : memref<16xf32, #tpu.memory_space<vmem>>, vector<16xf32>,
    %shift_right_logical3A = arith.constant 6 : i32
    %shift_right_logical3A_189 = arith.shrui %mul3A_2, %shift_right_logical3A : i32
    %and3A_190 = arith.constant 63 : i32
    %and3A_191 = arith.andi %mul3A_2, %and3A_190 : i32
    %shift_left3A_192 = arith.constant 1 : i32
    %shift_left3A_193 = arith.shli %and3A_191, %shift_left3A_192 : i32
    %multiple_of3A = tpu.assume_multiple %shift_left3A_193, 2 : i32
    %dma_start3A = arith.constant 0 : i32
    %dma_start3A_194 = arith.constant 0 : i32
    %dma_start3A_195 = tpu.memref_slice %arg2[%shift_right_logical3A_189, %multiple_of3A, %dma_start3A, %dma_start3A_194] : memref<25x128x8x128xi32, #tpu.memory_space<hbm>> -> memref<1x2x8x128xi32, #tpu.memory_space<hbm>>
    %dma_start3A_196 = tpu.memref_squeeze %dma_start3A_195 : memref<1x2x8x128xi32, #tpu.memory_space<hbm>> -> memref<2x8x128xi32, #tpu.memory_space<hbm>>
    %dma_start3A_197 = arith.constant 0 : i32
    %dma_start3A_198 = arith.constant 0 : i32
    %dma_start3A_199 = tpu.memref_slice %arg2[%shift_right_logical3A_189, %multiple_of3A, %dma_start3A_197, %dma_start3A_198] : memref<25x128x8x128xi32, #tpu.memory_space<hbm>> -> memref<1x2x8x128xi32, #tpu.memory_space<hbm>>
    %dma_start3A_200 = tpu.memref_squeeze %dma_start3A_199 : memref<1x2x8x128xi32, #tpu.memory_space<hbm>> -> memref<2x8x128xi32, #tpu.memory_space<hbm>>
    tpu.enqueue_dma source(%dma_start3A_200 : memref<2x8x128xi32, #tpu.memory_space<hbm>>) target(%arg14 : memref<2x8x128xi32, #tpu.memory_space<vmem>>) target_semaphore(%arg18 : memref<!tpu.dma_semaphore, #tpu.memory_space<semaphore_mem>>)
    %scan3A = arith.constant 0 : i32
    %scan3A_201 = arith.constant 25 : i32
    %scan3A_202 = arith.addi %scan3A, %scan3A_201 : i32
    %scan3A_203 = arith.constant 1 : i32
    scf.for %scan3A_667 = %scan3A to %scan3A_202 step %scan3A_203  : i32 {
      %mul3A_668 = arith.constant 2 : i32
      %mul3A_669 = arith.muli %scan3A_667, %mul3A_668 : i32
      %add3A_670 = arith.constant 0 : i32
      %add3A_671 = arith.addi %mul3A_669, %add3A_670 : i32
      %add3A_672 = arith.addi %mul3A_2, %add3A_671 : i32
      %add3A_673 = arith.constant 1 : i32
      %add3A_674 = arith.addi %add3A_671, %add3A_673 : i32
      %lt3A = arith.constant 50 : i32
      %lt3A_675 = arith.cmpi slt, %add3A_674, %lt3A : i32
      %convert_element_type3A = arith.extui %lt3A_675 : i1 to i32
      %cond3A = arith.constant 0 : i32
      %cond3A_676 = arith.cmpi ne, %convert_element_type3A, %cond3A : i32
      scf.if %cond3A_676 {
        %add3A_1131 = arith.constant 1 : i32
        %add3A_1132 = arith.addi %add3A_672, %add3A_1131 : i32
        %shift_right_logical3A_1133 = arith.constant 6 : i32
        %shift_right_logical3A_1134 = arith.shrui %add3A_1132, %shift_right_logical3A_1133 : i32
        %and3A_1135 = arith.constant 63 : i32
        %and3A_1136 = arith.andi %add3A_1132, %and3A_1135 : i32
        %shift_left3A_1137 = arith.constant 1 : i32
        %shift_left3A_1138 = arith.shli %and3A_1136, %shift_left3A_1137 : i32
        %multiple_of3A_1139 = tpu.assume_multiple %shift_left3A_1138, 2 : i32
        %dma_start3A_1140 = arith.constant 0 : i32
        %dma_start3A_1141 = arith.constant 0 : i32
        %dma_start3A_1142 = tpu.memref_slice %arg2[%shift_right_logical3A_1134, %multiple_of3A_1139, %dma_start3A_1140, %dma_start3A_1141] : memref<25x128x8x128xi32, #tpu.memory_space<hbm>> -> memref<1x2x8x128xi32, #tpu.memory_space<hbm>>
        %dma_start3A_1143 = tpu.memref_squeeze %dma_start3A_1142 : memref<1x2x8x128xi32, #tpu.memory_space<hbm>> -> memref<2x8x128xi32, #tpu.memory_space<hbm>>
        %dma_start3A_1144 = arith.constant 0 : i32
        %dma_start3A_1145 = arith.constant 0 : i32
        %dma_start3A_1146 = tpu.memref_slice %arg2[%shift_right_logical3A_1134, %multiple_of3A_1139, %dma_start3A_1144, %dma_start3A_1145] : memref<25x128x8x128xi32, #tpu.memory_space<hbm>> -> memref<1x2x8x128xi32, #tpu.memory_space<hbm>>
        %dma_start3A_1147 = tpu.memref_squeeze %dma_start3A_1146 : memref<1x2x8x128xi32, #tpu.memory_space<hbm>> -> memref<2x8x128xi32, #tpu.memory_space<hbm>>
        tpu.enqueue_dma source(%dma_start3A_1147 : memref<2x8x128xi32, #tpu.memory_space<hbm>>) target(%arg15 : memref<2x8x128xi32, #tpu.memory_space<vmem>>) target_semaphore(%arg19 : memref<!tpu.dma_semaphore, #tpu.memory_space<semaphore_mem>>)
      } else {
      }
      %shift_right_logical3A_677 = arith.constant 6 : i32
      %shift_right_logical3A_678 = arith.shrui %add3A_672, %shift_right_logical3A_677 : i32
      %and3A_679 = arith.constant 63 : i32
      %and3A_680 = arith.andi %add3A_672, %and3A_679 : i32
      %shift_left3A_681 = arith.constant 1 : i32
      %shift_left3A_682 = arith.shli %and3A_680, %shift_left3A_681 : i32
      %multiple_of3A_683 = tpu.assume_multiple %shift_left3A_682, 2 : i32
      %dma_wait3A_684 = arith.constant 0 : i32
      %dma_wait3A_685 = arith.constant 0 : i32
      %dma_wait3A_686 = tpu.memref_slice %arg2[%shift_right_logical3A_678, %multiple_of3A_683, %dma_wait3A_684, %dma_wait3A_685] : memref<25x128x8x128xi32, #tpu.memory_space<hbm>> -> memref<1x2x8x128xi32, #tpu.memory_space<hbm>>
      %dma_wait3A_687 = tpu.memref_squeeze %dma_wait3A_686 : memref<1x2x8x128xi32, #tpu.memory_space<hbm>> -> memref<2x8x128xi32, #tpu.memory_space<hbm>>
      %dma_wait3A_688 = arith.constant 0 : i32
      %dma_wait3A_689 = arith.constant 0 : i32
      %dma_wait3A_690 = tpu.memref_slice %arg2[%shift_right_logical3A_678, %multiple_of3A_683, %dma_wait3A_688, %dma_wait3A_689] : memref<25x128x8x128xi32, #tpu.memory_space<hbm>> -> memref<1x2x8x128xi32, #tpu.memory_space<hbm>>
      %dma_wait3A_691 = tpu.memref_squeeze %dma_wait3A_690 : memref<1x2x8x128xi32, #tpu.memory_space<hbm>> -> memref<2x8x128xi32, #tpu.memory_space<hbm>>
      tpu.wait_dma2 semaphore(%arg18 : memref<!tpu.dma_semaphore, #tpu.memory_space<semaphore_mem>>) src(%dma_wait3A_691 : memref<2x8x128xi32, #tpu.memory_space<hbm>>) dst(%arg14 : memref<2x8x128xi32, #tpu.memory_space<vmem>>)
      %ge3A = arith.constant 2 : i32
      %ge3A_692 = arith.cmpi sge, %add3A_671, %ge3A : i32
      %convert_element_type3A_693 = arith.extui %ge3A_692 : i1 to i32
      %cond3A_694 = arith.constant 0 : i32
      %cond3A_695 = arith.cmpi ne, %convert_element_type3A_693, %cond3A_694 : i32
      scf.if %cond3A_695 {
        %sub3A_1131 = arith.constant 2 : i32
        %sub3A_1132 = arith.subi %add3A_672, %sub3A_1131 : i32
        %shift_right_logical3A_1133 = arith.constant 6 : i32
        %shift_right_logical3A_1134 = arith.shrui %sub3A_1132, %shift_right_logical3A_1133 : i32
        %and3A_1135 = arith.constant 63 : i32
        %and3A_1136 = arith.andi %sub3A_1132, %and3A_1135 : i32
        %shift_left3A_1137 = arith.constant 1 : i32
        %shift_left3A_1138 = arith.shli %and3A_1136, %shift_left3A_1137 : i32
        %mul3A_1139 = arith.constant 8 : i32
        %mul3A_1140 = arith.muli %shift_right_logical3A_1134, %mul3A_1139 : i32
        %add3A_1141 = arith.constant 0 : i32
        %add3A_1142 = arith.addi %mul3A_1140, %add3A_1141 : i32
        %mul3A_1143 = arith.constant 65536 : i32
        %mul3A_1144 = arith.muli %add3A_1142, %mul3A_1143 : i32
        %mul3A_1145 = arith.constant 512 : i32
        %mul3A_1146 = arith.muli %shift_left3A_1138, %mul3A_1145 : i32
        %add3A_1147 = arith.addi %mul3A_1144, %mul3A_1146 : i32
        %multiple_of3A_1148 = tpu.assume_multiple %add3A_1147, 1024 : i32
        %dma_wait3A_1149 = arith.constant 0 : i32
        %dma_wait3A_1150 = arith.constant 0 : i32
        %dma_wait3A_1151 = tpu.memref_slice %arg16[%dma_wait3A_1149, %dma_wait3A_1150] : memref<8x1024xf32, #tpu.memory_space<vmem>> -> memref<1x1024xf32, #tpu.memory_space<vmem>>
        %dma_wait3A_1152 = tpu.memref_squeeze %dma_wait3A_1151 : memref<1x1024xf32, #tpu.memory_space<vmem>> -> memref<1024xf32, #tpu.memory_space<vmem>>
        %dma_wait3A_1153 = tpu.memref_slice %arg6[%multiple_of3A_1148] : memref<13107200xf32, #tpu.memory_space<hbm>> -> memref<1024xf32, #tpu.memory_space<hbm>>
        %dma_wait3A_1154 = tpu.memref_slice %arg6[%multiple_of3A_1148] : memref<13107200xf32, #tpu.memory_space<hbm>> -> memref<1024xf32, #tpu.memory_space<hbm>>
        %dma_wait3A_1155 = arith.constant 0 : i32
        %dma_wait3A_1156 = tpu.memref_slice %arg16[%dma_wait3A_1149, %dma_wait3A_1155] : memref<8x1024xf32, #tpu.memory_space<vmem>> -> memref<1x1024xf32, #tpu.memory_space<vmem>>
        %dma_wait3A_1157 = tpu.memref_squeeze %dma_wait3A_1156 : memref<1x1024xf32, #tpu.memory_space<vmem>> -> memref<1024xf32, #tpu.memory_space<vmem>>
        tpu.wait_dma2 semaphore(%arg20 : memref<!tpu.dma_semaphore, #tpu.memory_space<semaphore_mem>>) src(%dma_wait3A_1157 : memref<1024xf32, #tpu.memory_space<vmem>>) dst(%dma_wait3A_1154 : memref<1024xf32, #tpu.memory_space<hbm>>)
        %sub3A_1158 = arith.constant 2 : i32
        %sub3A_1159 = arith.subi %add3A_672, %sub3A_1158 : i32
        %shift_right_logical3A_1160 = arith.constant 6 : i32
        %shift_right_logical3A_1161 = arith.shrui %sub3A_1159, %shift_right_logical3A_1160 : i32
        %and3A_1162 = arith.constant 63 : i32
        %and3A_1163 = arith.andi %sub3A_1159, %and3A_1162 : i32
        %shift_left3A_1164 = arith.constant 1 : i32
        %shift_left3A_1165 = arith.shli %and3A_1163, %shift_left3A_1164 : i32
        %mul3A_1166 = arith.constant 8 : i32
        %mul3A_1167 = arith.muli %shift_right_logical3A_1161, %mul3A_1166 : i32
        %add3A_1168 = arith.constant 1 : i32
        %add3A_1169 = arith.addi %mul3A_1167, %add3A_1168 : i32
        %mul3A_1170 = arith.constant 65536 : i32
        %mul3A_1171 = arith.muli %add3A_1169, %mul3A_1170 : i32
        %mul3A_1172 = arith.constant 512 : i32
        %mul3A_1173 = arith.muli %shift_left3A_1165, %mul3A_1172 : i32
        %add3A_1174 = arith.addi %mul3A_1171, %mul3A_1173 : i32
        %multiple_of3A_1175 = tpu.assume_multiple %add3A_1174, 1024 : i32
        %dma_wait3A_1176 = arith.constant 1 : i32
        %dma_wait3A_1177 = arith.constant 0 : i32
        %dma_wait3A_1178 = tpu.memref_slice %arg16[%dma_wait3A_1176, %dma_wait3A_1177] : memref<8x1024xf32, #tpu.memory_space<vmem>> -> memref<1x1024xf32, #tpu.memory_space<vmem>>
        %dma_wait3A_1179 = tpu.memref_squeeze %dma_wait3A_1178 : memref<1x1024xf32, #tpu.memory_space<vmem>> -> memref<1024xf32, #tpu.memory_space<vmem>>
        %dma_wait3A_1180 = tpu.memref_slice %arg6[%multiple_of3A_1175] : memref<13107200xf32, #tpu.memory_space<hbm>> -> memref<1024xf32, #tpu.memory_space<hbm>>
        %dma_wait3A_1181 = tpu.memref_slice %arg6[%multiple_of3A_1175] : memref<13107200xf32, #tpu.memory_space<hbm>> -> memref<1024xf32, #tpu.memory_space<hbm>>
        %dma_wait3A_1182 = arith.constant 0 : i32
        %dma_wait3A_1183 = tpu.memref_slice %arg16[%dma_wait3A_1176, %dma_wait3A_1182] : memref<8x1024xf32, #tpu.memory_space<vmem>> -> memref<1x1024xf32, #tpu.memory_space<vmem>>
        %dma_wait3A_1184 = tpu.memref_squeeze %dma_wait3A_1183 : memref<1x1024xf32, #tpu.memory_space<vmem>> -> memref<1024xf32, #tpu.memory_space<vmem>>
        tpu.wait_dma2 semaphore(%arg20 : memref<!tpu.dma_semaphore, #tpu.memory_space<semaphore_mem>>) src(%dma_wait3A_1184 : memref<1024xf32, #tpu.memory_space<vmem>>) dst(%dma_wait3A_1181 : memref<1024xf32, #tpu.memory_space<hbm>>)
        %sub3A_1185 = arith.constant 2 : i32
        %sub3A_1186 = arith.subi %add3A_672, %sub3A_1185 : i32
        %shift_right_logical3A_1187 = arith.constant 6 : i32
        %shift_right_logical3A_1188 = arith.shrui %sub3A_1186, %shift_right_logical3A_1187 : i32
        %and3A_1189 = arith.constant 63 : i32
        %and3A_1190 = arith.andi %sub3A_1186, %and3A_1189 : i32
        %shift_left3A_1191 = arith.constant 1 : i32
        %shift_left3A_1192 = arith.shli %and3A_1190, %shift_left3A_1191 : i32
        %mul3A_1193 = arith.constant 8 : i32
        %mul3A_1194 = arith.muli %shift_right_logical3A_1188, %mul3A_1193 : i32
        %add3A_1195 = arith.constant 2 : i32
        %add3A_1196 = arith.addi %mul3A_1194, %add3A_1195 : i32
        %mul3A_1197 = arith.constant 65536 : i32
        %mul3A_1198 = arith.muli %add3A_1196, %mul3A_1197 : i32
        %mul3A_1199 = arith.constant 512 : i32
        %mul3A_1200 = arith.muli %shift_left3A_1192, %mul3A_1199 : i32
        %add3A_1201 = arith.addi %mul3A_1198, %mul3A_1200 : i32
        %multiple_of3A_1202 = tpu.assume_multiple %add3A_1201, 1024 : i32
        %dma_wait3A_1203 = arith.constant 2 : i32
        %dma_wait3A_1204 = arith.constant 0 : i32
        %dma_wait3A_1205 = tpu.memref_slice %arg16[%dma_wait3A_1203, %dma_wait3A_1204] : memref<8x1024xf32, #tpu.memory_space<vmem>> -> memref<1x1024xf32, #tpu.memory_space<vmem>>
        %dma_wait3A_1206 = tpu.memref_squeeze %dma_wait3A_1205 : memref<1x1024xf32, #tpu.memory_space<vmem>> -> memref<1024xf32, #tpu.memory_space<vmem>>
        %dma_wait3A_1207 = tpu.memref_slice %arg6[%multiple_of3A_1202] : memref<13107200xf32, #tpu.memory_space<hbm>> -> memref<1024xf32, #tpu.memory_space<hbm>>
        %dma_wait3A_1208 = tpu.memref_slice %arg6[%multiple_of3A_1202] : memref<13107200xf32, #tpu.memory_space<hbm>> -> memref<1024xf32, #tpu.memory_space<hbm>>
        %dma_wait3A_1209 = arith.constant 0 : i32
        %dma_wait3A_1210 = tpu.memref_slice %arg16[%dma_wait3A_1203, %dma_wait3A_1209] : memref<8x1024xf32, #tpu.memory_space<vmem>> -> memref<1x1024xf32, #tpu.memory_space<vmem>>
        %dma_wait3A_1211 = tpu.memref_squeeze %dma_wait3A_1210 : memref<1x1024xf32, #tpu.memory_space<vmem>> -> memref<1024xf32, #tpu.memory_space<vmem>>
        tpu.wait_dma2 semaphore(%arg20 : memref<!tpu.dma_semaphore, #tpu.memory_space<semaphore_mem>>) src(%dma_wait3A_1211 : memref<1024xf32, #tpu.memory_space<vmem>>) dst(%dma_wait3A_1208 : memref<1024xf32, #tpu.memory_space<hbm>>)
        %sub3A_1212 = arith.constant 2 : i32
        %sub3A_1213 = arith.subi %add3A_672, %sub3A_1212 : i32
        %shift_right_logical3A_1214 = arith.constant 6 : i32
        %shift_right_logical3A_1215 = arith.shrui %sub3A_1213, %shift_right_logical3A_1214 : i32
        %and3A_1216 = arith.constant 63 : i32
        %and3A_1217 = arith.andi %sub3A_1213, %and3A_1216 : i32
        %shift_left3A_1218 = arith.constant 1 : i32
        %shift_left3A_1219 = arith.shli %and3A_1217, %shift_left3A_1218 : i32
        %mul3A_1220 = arith.constant 8 : i32
        %mul3A_1221 = arith.muli %shift_right_logical3A_1215, %mul3A_1220 : i32
        %add3A_1222 = arith.constant 3 : i32
        %add3A_1223 = arith.addi %mul3A_1221, %add3A_1222 : i32
        %mul3A_1224 = arith.constant 65536 : i32
        %mul3A_1225 = arith.muli %add3A_1223, %mul3A_1224 : i32
        %mul3A_1226 = arith.constant 512 : i32
        %mul3A_1227 = arith.muli %shift_left3A_1219, %mul3A_1226 : i32
        %add3A_1228 = arith.addi %mul3A_1225, %mul3A_1227 : i32
        %multiple_of3A_1229 = tpu.assume_multiple %add3A_1228, 1024 : i32
        %dma_wait3A_1230 = arith.constant 3 : i32
        %dma_wait3A_1231 = arith.constant 0 : i32
        %dma_wait3A_1232 = tpu.memref_slice %arg16[%dma_wait3A_1230, %dma_wait3A_1231] : memref<8x1024xf32, #tpu.memory_space<vmem>> -> memref<1x1024xf32, #tpu.memory_space<vmem>>
        %dma_wait3A_1233 = tpu.memref_squeeze %dma_wait3A_1232 : memref<1x1024xf32, #tpu.memory_space<vmem>> -> memref<1024xf32, #tpu.memory_space<vmem>>
        %dma_wait3A_1234 = tpu.memref_slice %arg6[%multiple_of3A_1229] : memref<13107200xf32, #tpu.memory_space<hbm>> -> memref<1024xf32, #tpu.memory_space<hbm>>
        %dma_wait3A_1235 = tpu.memref_slice %arg6[%multiple_of3A_1229] : memref<13107200xf32, #tpu.memory_space<hbm>> -> memref<1024xf32, #tpu.memory_space<hbm>>
        %dma_wait3A_1236 = arith.constant 0 : i32
        %dma_wait3A_1237 = tpu.memref_slice %arg16[%dma_wait3A_1230, %dma_wait3A_1236] : memref<8x1024xf32, #tpu.memory_space<vmem>> -> memref<1x1024xf32, #tpu.memory_space<vmem>>
        %dma_wait3A_1238 = tpu.memref_squeeze %dma_wait3A_1237 : memref<1x1024xf32, #tpu.memory_space<vmem>> -> memref<1024xf32, #tpu.memory_space<vmem>>
        tpu.wait_dma2 semaphore(%arg20 : memref<!tpu.dma_semaphore, #tpu.memory_space<semaphore_mem>>) src(%dma_wait3A_1238 : memref<1024xf32, #tpu.memory_space<vmem>>) dst(%dma_wait3A_1235 : memref<1024xf32, #tpu.memory_space<hbm>>)
        %sub3A_1239 = arith.constant 2 : i32
        %sub3A_1240 = arith.subi %add3A_672, %sub3A_1239 : i32
        %shift_right_logical3A_1241 = arith.constant 6 : i32
        %shift_right_logical3A_1242 = arith.shrui %sub3A_1240, %shift_right_logical3A_1241 : i32
        %and3A_1243 = arith.constant 63 : i32
        %and3A_1244 = arith.andi %sub3A_1240, %and3A_1243 : i32
        %shift_left3A_1245 = arith.constant 1 : i32
        %shift_left3A_1246 = arith.shli %and3A_1244, %shift_left3A_1245 : i32
        %mul3A_1247 = arith.constant 8 : i32
        %mul3A_1248 = arith.muli %shift_right_logical3A_1242, %mul3A_1247 : i32
        %add3A_1249 = arith.constant 4 : i32
        %add3A_1250 = arith.addi %mul3A_1248, %add3A_1249 : i32
        %mul3A_1251 = arith.constant 65536 : i32
        %mul3A_1252 = arith.muli %add3A_1250, %mul3A_1251 : i32
        %mul3A_1253 = arith.constant 512 : i32
        %mul3A_1254 = arith.muli %shift_left3A_1246, %mul3A_1253 : i32
        %add3A_1255 = arith.addi %mul3A_1252, %mul3A_1254 : i32
        %multiple_of3A_1256 = tpu.assume_multiple %add3A_1255, 1024 : i32
        %dma_wait3A_1257 = arith.constant 4 : i32
        %dma_wait3A_1258 = arith.constant 0 : i32
        %dma_wait3A_1259 = tpu.memref_slice %arg16[%dma_wait3A_1257, %dma_wait3A_1258] : memref<8x1024xf32, #tpu.memory_space<vmem>> -> memref<1x1024xf32, #tpu.memory_space<vmem>>
        %dma_wait3A_1260 = tpu.memref_squeeze %dma_wait3A_1259 : memref<1x1024xf32, #tpu.memory_space<vmem>> -> memref<1024xf32, #tpu.memory_space<vmem>>
        %dma_wait3A_1261 = tpu.memref_slice %arg6[%multiple_of3A_1256] : memref<13107200xf32, #tpu.memory_space<hbm>> -> memref<1024xf32, #tpu.memory_space<hbm>>
        %dma_wait3A_1262 = tpu.memref_slice %arg6[%multiple_of3A_1256] : memref<13107200xf32, #tpu.memory_space<hbm>> -> memref<1024xf32, #tpu.memory_space<hbm>>
        %dma_wait3A_1263 = arith.constant 0 : i32
        %dma_wait3A_1264 = tpu.memref_slice %arg16[%dma_wait3A_1257, %dma_wait3A_1263] : memref<8x1024xf32, #tpu.memory_space<vmem>> -> memref<1x1024xf32, #tpu.memory_space<vmem>>
        %dma_wait3A_1265 = tpu.memref_squeeze %dma_wait3A_1264 : memref<1x1024xf32, #tpu.memory_space<vmem>> -> memref<1024xf32, #tpu.memory_space<vmem>>
        tpu.wait_dma2 semaphore(%arg20 : memref<!tpu.dma_semaphore, #tpu.memory_space<semaphore_mem>>) src(%dma_wait3A_1265 : memref<1024xf32, #tpu.memory_space<vmem>>) dst(%dma_wait3A_1262 : memref<1024xf32, #tpu.memory_space<hbm>>)
        %sub3A_1266 = arith.constant 2 : i32
        %sub3A_1267 = arith.subi %add3A_672, %sub3A_1266 : i32
        %shift_right_logical3A_1268 = arith.constant 6 : i32
        %shift_right_logical3A_1269 = arith.shrui %sub3A_1267, %shift_right_logical3A_1268 : i32
        %and3A_1270 = arith.constant 63 : i32
        %and3A_1271 = arith.andi %sub3A_1267, %and3A_1270 : i32
        %shift_left3A_1272 = arith.constant 1 : i32
        %shift_left3A_1273 = arith.shli %and3A_1271, %shift_left3A_1272 : i32
        %mul3A_1274 = arith.constant 8 : i32
        %mul3A_1275 = arith.muli %shift_right_logical3A_1269, %mul3A_1274 : i32
        %add3A_1276 = arith.constant 5 : i32
        %add3A_1277 = arith.addi %mul3A_1275, %add3A_1276 : i32
        %mul3A_1278 = arith.constant 65536 : i32
        %mul3A_1279 = arith.muli %add3A_1277, %mul3A_1278 : i32
        %mul3A_1280 = arith.constant 512 : i32
        %mul3A_1281 = arith.muli %shift_left3A_1273, %mul3A_1280 : i32
        %add3A_1282 = arith.addi %mul3A_1279, %mul3A_1281 : i32
        %multiple_of3A_1283 = tpu.assume_multiple %add3A_1282, 1024 : i32
        %dma_wait3A_1284 = arith.constant 5 : i32
        %dma_wait3A_1285 = arith.constant 0 : i32
        %dma_wait3A_1286 = tpu.memref_slice %arg16[%dma_wait3A_1284, %dma_wait3A_1285] : memref<8x1024xf32, #tpu.memory_space<vmem>> -> memref<1x1024xf32, #tpu.memory_space<vmem>>
        %dma_wait3A_1287 = tpu.memref_squeeze %dma_wait3A_1286 : memref<1x1024xf32, #tpu.memory_space<vmem>> -> memref<1024xf32, #tpu.memory_space<vmem>>
        %dma_wait3A_1288 = tpu.memref_slice %arg6[%multiple_of3A_1283] : memref<13107200xf32, #tpu.memory_space<hbm>> -> memref<1024xf32, #tpu.memory_space<hbm>>
        %dma_wait3A_1289 = tpu.memref_slice %arg6[%multiple_of3A_1283] : memref<13107200xf32, #tpu.memory_space<hbm>> -> memref<1024xf32, #tpu.memory_space<hbm>>
        %dma_wait3A_1290 = arith.constant 0 : i32
        %dma_wait3A_1291 = tpu.memref_slice %arg16[%dma_wait3A_1284, %dma_wait3A_1290] : memref<8x1024xf32, #tpu.memory_space<vmem>> -> memref<1x1024xf32, #tpu.memory_space<vmem>>
        %dma_wait3A_1292 = tpu.memref_squeeze %dma_wait3A_1291 : memref<1x1024xf32, #tpu.memory_space<vmem>> -> memref<1024xf32, #tpu.memory_space<vmem>>
        tpu.wait_dma2 semaphore(%arg20 : memref<!tpu.dma_semaphore, #tpu.memory_space<semaphore_mem>>) src(%dma_wait3A_1292 : memref<1024xf32, #tpu.memory_space<vmem>>) dst(%dma_wait3A_1289 : memref<1024xf32, #tpu.memory_space<hbm>>)
        %sub3A_1293 = arith.constant 2 : i32
        %sub3A_1294 = arith.subi %add3A_672, %sub3A_1293 : i32
        %shift_right_logical3A_1295 = arith.constant 6 : i32
        %shift_right_logical3A_1296 = arith.shrui %sub3A_1294, %shift_right_logical3A_1295 : i32
        %and3A_1297 = arith.constant 63 : i32
        %and3A_1298 = arith.andi %sub3A_1294, %and3A_1297 : i32
        %shift_left3A_1299 = arith.constant 1 : i32
        %shift_left3A_1300 = arith.shli %and3A_1298, %shift_left3A_1299 : i32
        %mul3A_1301 = arith.constant 8 : i32
        %mul3A_1302 = arith.muli %shift_right_logical3A_1296, %mul3A_1301 : i32
        %add3A_1303 = arith.constant 6 : i32
        %add3A_1304 = arith.addi %mul3A_1302, %add3A_1303 : i32
        %mul3A_1305 = arith.constant 65536 : i32
        %mul3A_1306 = arith.muli %add3A_1304, %mul3A_1305 : i32
        %mul3A_1307 = arith.constant 512 : i32
        %mul3A_1308 = arith.muli %shift_left3A_1300, %mul3A_1307 : i32
        %add3A_1309 = arith.addi %mul3A_1306, %mul3A_1308 : i32
        %multiple_of3A_1310 = tpu.assume_multiple %add3A_1309, 1024 : i32
        %dma_wait3A_1311 = arith.constant 6 : i32
        %dma_wait3A_1312 = arith.constant 0 : i32
        %dma_wait3A_1313 = tpu.memref_slice %arg16[%dma_wait3A_1311, %dma_wait3A_1312] : memref<8x1024xf32, #tpu.memory_space<vmem>> -> memref<1x1024xf32, #tpu.memory_space<vmem>>
        %dma_wait3A_1314 = tpu.memref_squeeze %dma_wait3A_1313 : memref<1x1024xf32, #tpu.memory_space<vmem>> -> memref<1024xf32, #tpu.memory_space<vmem>>
        %dma_wait3A_1315 = tpu.memref_slice %arg6[%multiple_of3A_1310] : memref<13107200xf32, #tpu.memory_space<hbm>> -> memref<1024xf32, #tpu.memory_space<hbm>>
        %dma_wait3A_1316 = tpu.memref_slice %arg6[%multiple_of3A_1310] : memref<13107200xf32, #tpu.memory_space<hbm>> -> memref<1024xf32, #tpu.memory_space<hbm>>
        %dma_wait3A_1317 = arith.constant 0 : i32
        %dma_wait3A_1318 = tpu.memref_slice %arg16[%dma_wait3A_1311, %dma_wait3A_1317] : memref<8x1024xf32, #tpu.memory_space<vmem>> -> memref<1x1024xf32, #tpu.memory_space<vmem>>
        %dma_wait3A_1319 = tpu.memref_squeeze %dma_wait3A_1318 : memref<1x1024xf32, #tpu.memory_space<vmem>> -> memref<1024xf32, #tpu.memory_space<vmem>>
        tpu.wait_dma2 semaphore(%arg20 : memref<!tpu.dma_semaphore, #tpu.memory_space<semaphore_mem>>) src(%dma_wait3A_1319 : memref<1024xf32, #tpu.memory_space<vmem>>) dst(%dma_wait3A_1316 : memref<1024xf32, #tpu.memory_space<hbm>>)
        %sub3A_1320 = arith.constant 2 : i32
        %sub3A_1321 = arith.subi %add3A_672, %sub3A_1320 : i32
        %shift_right_logical3A_1322 = arith.constant 6 : i32
        %shift_right_logical3A_1323 = arith.shrui %sub3A_1321, %shift_right_logical3A_1322 : i32
        %and3A_1324 = arith.constant 63 : i32
        %and3A_1325 = arith.andi %sub3A_1321, %and3A_1324 : i32
        %shift_left3A_1326 = arith.constant 1 : i32
        %shift_left3A_1327 = arith.shli %and3A_1325, %shift_left3A_1326 : i32
        %mul3A_1328 = arith.constant 8 : i32
        %mul3A_1329 = arith.muli %shift_right_logical3A_1323, %mul3A_1328 : i32
        %add3A_1330 = arith.constant 7 : i32
        %add3A_1331 = arith.addi %mul3A_1329, %add3A_1330 : i32
        %mul3A_1332 = arith.constant 65536 : i32
        %mul3A_1333 = arith.muli %add3A_1331, %mul3A_1332 : i32
        %mul3A_1334 = arith.constant 512 : i32
        %mul3A_1335 = arith.muli %shift_left3A_1327, %mul3A_1334 : i32
        %add3A_1336 = arith.addi %mul3A_1333, %mul3A_1335 : i32
        %multiple_of3A_1337 = tpu.assume_multiple %add3A_1336, 1024 : i32
        %dma_wait3A_1338 = arith.constant 7 : i32
        %dma_wait3A_1339 = arith.constant 0 : i32
        %dma_wait3A_1340 = tpu.memref_slice %arg16[%dma_wait3A_1338, %dma_wait3A_1339] : memref<8x1024xf32, #tpu.memory_space<vmem>> -> memref<1x1024xf32, #tpu.memory_space<vmem>>
        %dma_wait3A_1341 = tpu.memref_squeeze %dma_wait3A_1340 : memref<1x1024xf32, #tpu.memory_space<vmem>> -> memref<1024xf32, #tpu.memory_space<vmem>>
        %dma_wait3A_1342 = tpu.memref_slice %arg6[%multiple_of3A_1337] : memref<13107200xf32, #tpu.memory_space<hbm>> -> memref<1024xf32, #tpu.memory_space<hbm>>
        %dma_wait3A_1343 = tpu.memref_slice %arg6[%multiple_of3A_1337] : memref<13107200xf32, #tpu.memory_space<hbm>> -> memref<1024xf32, #tpu.memory_space<hbm>>
        %dma_wait3A_1344 = arith.constant 0 : i32
        %dma_wait3A_1345 = tpu.memref_slice %arg16[%dma_wait3A_1338, %dma_wait3A_1344] : memref<8x1024xf32, #tpu.memory_space<vmem>> -> memref<1x1024xf32, #tpu.memory_space<vmem>>
        %dma_wait3A_1346 = tpu.memref_squeeze %dma_wait3A_1345 : memref<1x1024xf32, #tpu.memory_space<vmem>> -> memref<1024xf32, #tpu.memory_space<vmem>>
        tpu.wait_dma2 semaphore(%arg20 : memref<!tpu.dma_semaphore, #tpu.memory_space<semaphore_mem>>) src(%dma_wait3A_1346 : memref<1024xf32, #tpu.memory_space<vmem>>) dst(%dma_wait3A_1343 : memref<1024xf32, #tpu.memory_space<hbm>>)
      } else {
      }
      %parallel_loop3A = arith.constant 0 : i32
      %parallel_loop3A_696 = arith.constant 8 : i32
      %parallel_loop3A_697 = arith.constant 1 : i32
      scf.for %parallel_loop3A_1131 = %parallel_loop3A to %parallel_loop3A_696 step %parallel_loop3A_697  : i32 {
        %parallel_loop3A_1132 = arith.constant 16 : i32
        %parallel_loop3A_1133 = arith.muli %parallel_loop3A_1131, %parallel_loop3A_1132 : i32
        %parallel_loop3A_1134 = tpu.assume_multiple %parallel_loop3A_1133, 16 : i32
        %parallel_loop3A_1135 = arith.constant 0 : i32
        %parallel_loop3A_1136 = arith.constant 0 : i32
        %parallel_loop3A_1137 = arith.index_cast %parallel_loop3A_1135 : i32 to index
        %parallel_loop3A_1138 = arith.index_cast %parallel_loop3A_1136 : i32 to index
        %parallel_loop3A_1139 = arith.index_cast %parallel_loop3A_1134 : i32 to index
        %parallel_loop3A_1140 = tpu.vector_load %arg14[%parallel_loop3A_1137, %parallel_loop3A_1138, %parallel_loop3A_1139] {strides = array<i32>} : memref<2x8x128xi32, #tpu.memory_space<vmem>>, vector<16xi32>,
        %parallel_loop3A_1141 = tpu.vector_load_idx %arg10[%parallel_loop3A_1140] : memref<16xf32, #tpu.memory_space<vmem>>[vector<16xi32>], vector<16xf32>,
        %parallel_loop3A_1142 = tpu.vector_load_idx %arg11[%parallel_loop3A_1140] : memref<16xf32, #tpu.memory_space<vmem>>[vector<16xi32>], vector<16xf32>,
        %parallel_loop3A_1143 = tpu.vector_load_idx %arg12[%parallel_loop3A_1140] : memref<16xf32, #tpu.memory_space<vmem>>[vector<16xi32>], vector<16xf32>,
        %parallel_loop3A_1144 = tpu.vector_load_idx %arg13[%parallel_loop3A_1140] : memref<16xf32, #tpu.memory_space<vmem>>[vector<16xi32>], vector<16xf32>,
        %parallel_loop3A_1145 = arith.constant 0 : i32
        %parallel_loop3A_1146 = arith.addi %parallel_loop3A_1145, %parallel_loop3A_1134 : i32
        %parallel_loop3A_1147 = arith.constant 0 : i32
        %parallel_loop3A_1148 = arith.index_cast %parallel_loop3A_1147 : i32 to index
        %parallel_loop3A_1149 = arith.index_cast %parallel_loop3A_1146 : i32 to index
        %parallel_loop3A_1150 = tpu.vector_load %arg16[%parallel_loop3A_1148, %parallel_loop3A_1149] {strides = array<i32>} : memref<8x1024xf32, #tpu.memory_space<vmem>>, vector<16xf32>,
        tpu.vector_store %arg16[%parallel_loop3A_1148, %parallel_loop3A_1149], %parallel_loop3A_1141 {strides = array<i32>} : memref<8x1024xf32, #tpu.memory_space<vmem>>, vector<16xf32>,
        %parallel_loop3A_1151 = arith.constant 128 : i32
        %parallel_loop3A_1152 = arith.addi %parallel_loop3A_1151, %parallel_loop3A_1134 : i32
        %parallel_loop3A_1153 = arith.constant 0 : i32
        %parallel_loop3A_1154 = arith.index_cast %parallel_loop3A_1153 : i32 to index
        %parallel_loop3A_1155 = arith.index_cast %parallel_loop3A_1152 : i32 to index
        %parallel_loop3A_1156 = tpu.vector_load %arg16[%parallel_loop3A_1154, %parallel_loop3A_1155] {strides = array<i32>} : memref<8x1024xf32, #tpu.memory_space<vmem>>, vector<16xf32>,
        tpu.vector_store %arg16[%parallel_loop3A_1154, %parallel_loop3A_1155], %parallel_loop3A_1142 {strides = array<i32>} : memref<8x1024xf32, #tpu.memory_space<vmem>>, vector<16xf32>,
        %parallel_loop3A_1157 = arith.constant 256 : i32
        %parallel_loop3A_1158 = arith.addi %parallel_loop3A_1157, %parallel_loop3A_1134 : i32
        %parallel_loop3A_1159 = arith.constant 0 : i32
        %parallel_loop3A_1160 = arith.index_cast %parallel_loop3A_1159 : i32 to index
        %parallel_loop3A_1161 = arith.index_cast %parallel_loop3A_1158 : i32 to index
        %parallel_loop3A_1162 = tpu.vector_load %arg16[%parallel_loop3A_1160, %parallel_loop3A_1161] {strides = array<i32>} : memref<8x1024xf32, #tpu.memory_space<vmem>>, vector<16xf32>,
        tpu.vector_store %arg16[%parallel_loop3A_1160, %parallel_loop3A_1161], %parallel_loop3A_1143 {strides = array<i32>} : memref<8x1024xf32, #tpu.memory_space<vmem>>, vector<16xf32>,
        %parallel_loop3A_1163 = arith.constant 384 : i32
        %parallel_loop3A_1164 = arith.addi %parallel_loop3A_1163, %parallel_loop3A_1134 : i32
        %parallel_loop3A_1165 = arith.constant 0 : i32
        %parallel_loop3A_1166 = arith.index_cast %parallel_loop3A_1165 : i32 to index
        %parallel_loop3A_1167 = arith.index_cast %parallel_loop3A_1164 : i32 to index
        %parallel_loop3A_1168 = tpu.vector_load %arg16[%parallel_loop3A_1166, %parallel_loop3A_1167] {strides = array<i32>} : memref<8x1024xf32, #tpu.memory_space<vmem>>, vector<16xf32>,
        tpu.vector_store %arg16[%parallel_loop3A_1166, %parallel_loop3A_1167], %parallel_loop3A_1144 {strides = array<i32>} : memref<8x1024xf32, #tpu.memory_space<vmem>>, vector<16xf32>,
        %parallel_loop3A_1169 = arith.constant 0 : i32
        %parallel_loop3A_1170 = arith.constant 1 : i32
        %parallel_loop3A_1171 = arith.index_cast %parallel_loop3A_1169 : i32 to index
        %parallel_loop3A_1172 = arith.index_cast %parallel_loop3A_1170 : i32 to index
        %parallel_loop3A_1173 = arith.index_cast %parallel_loop3A_1134 : i32 to index
        %parallel_loop3A_1174 = tpu.vector_load %arg14[%parallel_loop3A_1171, %parallel_loop3A_1172, %parallel_loop3A_1173] {strides = array<i32>} : memref<2x8x128xi32, #tpu.memory_space<vmem>>, vector<16xi32>,
        %parallel_loop3A_1175 = tpu.vector_load_idx %arg10[%parallel_loop3A_1174] : memref<16xf32, #tpu.memory_space<vmem>>[vector<16xi32>], vector<16xf32>,
        %parallel_loop3A_1176 = tpu.vector_load_idx %arg11[%parallel_loop3A_1174] : memref<16xf32, #tpu.memory_space<vmem>>[vector<16xi32>], vector<16xf32>,
        %parallel_loop3A_1177 = tpu.vector_load_idx %arg12[%parallel_loop3A_1174] : memref<16xf32, #tpu.memory_space<vmem>>[vector<16xi32>], vector<16xf32>,
        %parallel_loop3A_1178 = tpu.vector_load_idx %arg13[%parallel_loop3A_1174] : memref<16xf32, #tpu.memory_space<vmem>>[vector<16xi32>], vector<16xf32>,
        %parallel_loop3A_1179 = arith.constant 0 : i32
        %parallel_loop3A_1180 = arith.addi %parallel_loop3A_1179, %parallel_loop3A_1134 : i32
        %parallel_loop3A_1181 = arith.constant 1 : i32
        %parallel_loop3A_1182 = arith.index_cast %parallel_loop3A_1181 : i32 to index
        %parallel_loop3A_1183 = arith.index_cast %parallel_loop3A_1180 : i32 to index
        %parallel_loop3A_1184 = tpu.vector_load %arg16[%parallel_loop3A_1182, %parallel_loop3A_1183] {strides = array<i32>} : memref<8x1024xf32, #tpu.memory_space<vmem>>, vector<16xf32>,
        tpu.vector_store %arg16[%parallel_loop3A_1182, %parallel_loop3A_1183], %parallel_loop3A_1175 {strides = array<i32>} : memref<8x1024xf32, #tpu.memory_space<vmem>>, vector<16xf32>,
        %parallel_loop3A_1185 = arith.constant 128 : i32
        %parallel_loop3A_1186 = arith.addi %parallel_loop3A_1185, %parallel_loop3A_1134 : i32
        %parallel_loop3A_1187 = arith.constant 1 : i32
        %parallel_loop3A_1188 = arith.index_cast %parallel_loop3A_1187 : i32 to index
        %parallel_loop3A_1189 = arith.index_cast %parallel_loop3A_1186 : i32 to index
        %parallel_loop3A_1190 = tpu.vector_load %arg16[%parallel_loop3A_1188, %parallel_loop3A_1189] {strides = array<i32>} : memref<8x1024xf32, #tpu.memory_space<vmem>>, vector<16xf32>,
        tpu.vector_store %arg16[%parallel_loop3A_1188, %parallel_loop3A_1189], %parallel_loop3A_1176 {strides = array<i32>} : memref<8x1024xf32, #tpu.memory_space<vmem>>, vector<16xf32>,
        %parallel_loop3A_1191 = arith.constant 256 : i32
        %parallel_loop3A_1192 = arith.addi %parallel_loop3A_1191, %parallel_loop3A_1134 : i32
        %parallel_loop3A_1193 = arith.constant 1 : i32
        %parallel_loop3A_1194 = arith.index_cast %parallel_loop3A_1193 : i32 to index
        %parallel_loop3A_1195 = arith.index_cast %parallel_loop3A_1192 : i32 to index
        %parallel_loop3A_1196 = tpu.vector_load %arg16[%parallel_loop3A_1194, %parallel_loop3A_1195] {strides = array<i32>} : memref<8x1024xf32, #tpu.memory_space<vmem>>, vector<16xf32>,
        tpu.vector_store %arg16[%parallel_loop3A_1194, %parallel_loop3A_1195], %parallel_loop3A_1177 {strides = array<i32>} : memref<8x1024xf32, #tpu.memory_space<vmem>>, vector<16xf32>,
        %parallel_loop3A_1197 = arith.constant 384 : i32
        %parallel_loop3A_1198 = arith.addi %parallel_loop3A_1197, %parallel_loop3A_1134 : i32
        %parallel_loop3A_1199 = arith.constant 1 : i32
        %parallel_loop3A_1200 = arith.index_cast %parallel_loop3A_1199 : i32 to index
        %parallel_loop3A_1201 = arith.index_cast %parallel_loop3A_1198 : i32 to index
        %parallel_loop3A_1202 = tpu.vector_load %arg16[%parallel_loop3A_1200, %parallel_loop3A_1201] {strides = array<i32>} : memref<8x1024xf32, #tpu.memory_space<vmem>>, vector<16xf32>,
        tpu.vector_store %arg16[%parallel_loop3A_1200, %parallel_loop3A_1201], %parallel_loop3A_1178 {strides = array<i32>} : memref<8x1024xf32, #tpu.memory_space<vmem>>, vector<16xf32>,
        %parallel_loop3A_1203 = arith.constant 0 : i32
        %parallel_loop3A_1204 = arith.constant 2 : i32
        %parallel_loop3A_1205 = arith.index_cast %parallel_loop3A_1203 : i32 to index
        %parallel_loop3A_1206 = arith.index_cast %parallel_loop3A_1204 : i32 to index
        %parallel_loop3A_1207 = arith.index_cast %parallel_loop3A_1134 : i32 to index
        %parallel_loop3A_1208 = tpu.vector_load %arg14[%parallel_loop3A_1205, %parallel_loop3A_1206, %parallel_loop3A_1207] {strides = array<i32>} : memref<2x8x128xi32, #tpu.memory_space<vmem>>, vector<16xi32>,
        %parallel_loop3A_1209 = tpu.vector_load_idx %arg10[%parallel_loop3A_1208] : memref<16xf32, #tpu.memory_space<vmem>>[vector<16xi32>], vector<16xf32>,
        %parallel_loop3A_1210 = tpu.vector_load_idx %arg11[%parallel_loop3A_1208] : memref<16xf32, #tpu.memory_space<vmem>>[vector<16xi32>], vector<16xf32>,
        %parallel_loop3A_1211 = tpu.vector_load_idx %arg12[%parallel_loop3A_1208] : memref<16xf32, #tpu.memory_space<vmem>>[vector<16xi32>], vector<16xf32>,
        %parallel_loop3A_1212 = tpu.vector_load_idx %arg13[%parallel_loop3A_1208] : memref<16xf32, #tpu.memory_space<vmem>>[vector<16xi32>], vector<16xf32>,
        %parallel_loop3A_1213 = arith.constant 0 : i32
        %parallel_loop3A_1214 = arith.addi %parallel_loop3A_1213, %parallel_loop3A_1134 : i32
        %parallel_loop3A_1215 = arith.constant 2 : i32
        %parallel_loop3A_1216 = arith.index_cast %parallel_loop3A_1215 : i32 to index
        %parallel_loop3A_1217 = arith.index_cast %parallel_loop3A_1214 : i32 to index
        %parallel_loop3A_1218 = tpu.vector_load %arg16[%parallel_loop3A_1216, %parallel_loop3A_1217] {strides = array<i32>} : memref<8x1024xf32, #tpu.memory_space<vmem>>, vector<16xf32>,
        tpu.vector_store %arg16[%parallel_loop3A_1216, %parallel_loop3A_1217], %parallel_loop3A_1209 {strides = array<i32>} : memref<8x1024xf32, #tpu.memory_space<vmem>>, vector<16xf32>,
        %parallel_loop3A_1219 = arith.constant 128 : i32
        %parallel_loop3A_1220 = arith.addi %parallel_loop3A_1219, %parallel_loop3A_1134 : i32
        %parallel_loop3A_1221 = arith.constant 2 : i32
        %parallel_loop3A_1222 = arith.index_cast %parallel_loop3A_1221 : i32 to index
        %parallel_loop3A_1223 = arith.index_cast %parallel_loop3A_1220 : i32 to index
        %parallel_loop3A_1224 = tpu.vector_load %arg16[%parallel_loop3A_1222, %parallel_loop3A_1223] {strides = array<i32>} : memref<8x1024xf32, #tpu.memory_space<vmem>>, vector<16xf32>,
        tpu.vector_store %arg16[%parallel_loop3A_1222, %parallel_loop3A_1223], %parallel_loop3A_1210 {strides = array<i32>} : memref<8x1024xf32, #tpu.memory_space<vmem>>, vector<16xf32>,
        %parallel_loop3A_1225 = arith.constant 256 : i32
        %parallel_loop3A_1226 = arith.addi %parallel_loop3A_1225, %parallel_loop3A_1134 : i32
        %parallel_loop3A_1227 = arith.constant 2 : i32
        %parallel_loop3A_1228 = arith.index_cast %parallel_loop3A_1227 : i32 to index
        %parallel_loop3A_1229 = arith.index_cast %parallel_loop3A_1226 : i32 to index
        %parallel_loop3A_1230 = tpu.vector_load %arg16[%parallel_loop3A_1228, %parallel_loop3A_1229] {strides = array<i32>} : memref<8x1024xf32, #tpu.memory_space<vmem>>, vector<16xf32>,
        tpu.vector_store %arg16[%parallel_loop3A_1228, %parallel_loop3A_1229], %parallel_loop3A_1211 {strides = array<i32>} : memref<8x1024xf32, #tpu.memory_space<vmem>>, vector<16xf32>,
        %parallel_loop3A_1231 = arith.constant 384 : i32
        %parallel_loop3A_1232 = arith.addi %parallel_loop3A_1231, %parallel_loop3A_1134 : i32
        %parallel_loop3A_1233 = arith.constant 2 : i32
        %parallel_loop3A_1234 = arith.index_cast %parallel_loop3A_1233 : i32 to index
        %parallel_loop3A_1235 = arith.index_cast %parallel_loop3A_1232 : i32 to index
        %parallel_loop3A_1236 = tpu.vector_load %arg16[%parallel_loop3A_1234, %parallel_loop3A_1235] {strides = array<i32>} : memref<8x1024xf32, #tpu.memory_space<vmem>>, vector<16xf32>,
        tpu.vector_store %arg16[%parallel_loop3A_1234, %parallel_loop3A_1235], %parallel_loop3A_1212 {strides = array<i32>} : memref<8x1024xf32, #tpu.memory_space<vmem>>, vector<16xf32>,
        %parallel_loop3A_1237 = arith.constant 0 : i32
        %parallel_loop3A_1238 = arith.constant 3 : i32
        %parallel_loop3A_1239 = arith.index_cast %parallel_loop3A_1237 : i32 to index
        %parallel_loop3A_1240 = arith.index_cast %parallel_loop3A_1238 : i32 to index
        %parallel_loop3A_1241 = arith.index_cast %parallel_loop3A_1134 : i32 to index
        %parallel_loop3A_1242 = tpu.vector_load %arg14[%parallel_loop3A_1239, %parallel_loop3A_1240, %parallel_loop3A_1241] {strides = array<i32>} : memref<2x8x128xi32, #tpu.memory_space<vmem>>, vector<16xi32>,
        %parallel_loop3A_1243 = tpu.vector_load_idx %arg10[%parallel_loop3A_1242] : memref<16xf32, #tpu.memory_space<vmem>>[vector<16xi32>], vector<16xf32>,
        %parallel_loop3A_1244 = tpu.vector_load_idx %arg11[%parallel_loop3A_1242] : memref<16xf32, #tpu.memory_space<vmem>>[vector<16xi32>], vector<16xf32>,
        %parallel_loop3A_1245 = tpu.vector_load_idx %arg12[%parallel_loop3A_1242] : memref<16xf32, #tpu.memory_space<vmem>>[vector<16xi32>], vector<16xf32>,
        %parallel_loop3A_1246 = tpu.vector_load_idx %arg13[%parallel_loop3A_1242] : memref<16xf32, #tpu.memory_space<vmem>>[vector<16xi32>], vector<16xf32>,
        %parallel_loop3A_1247 = arith.constant 0 : i32
        %parallel_loop3A_1248 = arith.addi %parallel_loop3A_1247, %parallel_loop3A_1134 : i32
        %parallel_loop3A_1249 = arith.constant 3 : i32
        %parallel_loop3A_1250 = arith.index_cast %parallel_loop3A_1249 : i32 to index
        %parallel_loop3A_1251 = arith.index_cast %parallel_loop3A_1248 : i32 to index
        %parallel_loop3A_1252 = tpu.vector_load %arg16[%parallel_loop3A_1250, %parallel_loop3A_1251] {strides = array<i32>} : memref<8x1024xf32, #tpu.memory_space<vmem>>, vector<16xf32>,
        tpu.vector_store %arg16[%parallel_loop3A_1250, %parallel_loop3A_1251], %parallel_loop3A_1243 {strides = array<i32>} : memref<8x1024xf32, #tpu.memory_space<vmem>>, vector<16xf32>,
        %parallel_loop3A_1253 = arith.constant 128 : i32
        %parallel_loop3A_1254 = arith.addi %parallel_loop3A_1253, %parallel_loop3A_1134 : i32
        %parallel_loop3A_1255 = arith.constant 3 : i32
        %parallel_loop3A_1256 = arith.index_cast %parallel_loop3A_1255 : i32 to index
        %parallel_loop3A_1257 = arith.index_cast %parallel_loop3A_1254 : i32 to index
        %parallel_loop3A_1258 = tpu.vector_load %arg16[%parallel_loop3A_1256, %parallel_loop3A_1257] {strides = array<i32>} : memref<8x1024xf32, #tpu.memory_space<vmem>>, vector<16xf32>,
        tpu.vector_store %arg16[%parallel_loop3A_1256, %parallel_loop3A_1257], %parallel_loop3A_1244 {strides = array<i32>} : memref<8x1024xf32, #tpu.memory_space<vmem>>, vector<16xf32>,
        %parallel_loop3A_1259 = arith.constant 256 : i32
        %parallel_loop3A_1260 = arith.addi %parallel_loop3A_1259, %parallel_loop3A_1134 : i32
        %parallel_loop3A_1261 = arith.constant 3 : i32
        %parallel_loop3A_1262 = arith.index_cast %parallel_loop3A_1261 : i32 to index
        %parallel_loop3A_1263 = arith.index_cast %parallel_loop3A_1260 : i32 to index
        %parallel_loop3A_1264 = tpu.vector_load %arg16[%parallel_loop3A_1262, %parallel_loop3A_1263] {strides = array<i32>} : memref<8x1024xf32, #tpu.memory_space<vmem>>, vector<16xf32>,
        tpu.vector_store %arg16[%parallel_loop3A_1262, %parallel_loop3A_1263], %parallel_loop3A_1245 {strides = array<i32>} : memref<8x1024xf32, #tpu.memory_space<vmem>>, vector<16xf32>,
        %parallel_loop3A_1265 = arith.constant 384 : i32
        %parallel_loop3A_1266 = arith.addi %parallel_loop3A_1265, %parallel_loop3A_1134 : i32
        %parallel_loop3A_1267 = arith.constant 3 : i32
        %parallel_loop3A_1268 = arith.index_cast %parallel_loop3A_1267 : i32 to index
        %parallel_loop3A_1269 = arith.index_cast %parallel_loop3A_1266 : i32 to index
        %parallel_loop3A_1270 = tpu.vector_load %arg16[%parallel_loop3A_1268, %parallel_loop3A_1269] {strides = array<i32>} : memref<8x1024xf32, #tpu.memory_space<vmem>>, vector<16xf32>,
        tpu.vector_store %arg16[%parallel_loop3A_1268, %parallel_loop3A_1269], %parallel_loop3A_1246 {strides = array<i32>} : memref<8x1024xf32, #tpu.memory_space<vmem>>, vector<16xf32>,
        %parallel_loop3A_1271 = arith.constant 0 : i32
        %parallel_loop3A_1272 = arith.constant 4 : i32
        %parallel_loop3A_1273 = arith.index_cast %parallel_loop3A_1271 : i32 to index
        %parallel_loop3A_1274 = arith.index_cast %parallel_loop3A_1272 : i32 to index
        %parallel_loop3A_1275 = arith.index_cast %parallel_loop3A_1134 : i32 to index
        %parallel_loop3A_1276 = tpu.vector_load %arg14[%parallel_loop3A_1273, %parallel_loop3A_1274, %parallel_loop3A_1275] {strides = array<i32>} : memref<2x8x128xi32, #tpu.memory_space<vmem>>, vector<16xi32>,
        %parallel_loop3A_1277 = tpu.vector_load_idx %arg10[%parallel_loop3A_1276] : memref<16xf32, #tpu.memory_space<vmem>>[vector<16xi32>], vector<16xf32>,
        %parallel_loop3A_1278 = tpu.vector_load_idx %arg11[%parallel_loop3A_1276] : memref<16xf32, #tpu.memory_space<vmem>>[vector<16xi32>], vector<16xf32>,
        %parallel_loop3A_1279 = tpu.vector_load_idx %arg12[%parallel_loop3A_1276] : memref<16xf32, #tpu.memory_space<vmem>>[vector<16xi32>], vector<16xf32>,
        %parallel_loop3A_1280 = tpu.vector_load_idx %arg13[%parallel_loop3A_1276] : memref<16xf32, #tpu.memory_space<vmem>>[vector<16xi32>], vector<16xf32>,
        %parallel_loop3A_1281 = arith.constant 0 : i32
        %parallel_loop3A_1282 = arith.addi %parallel_loop3A_1281, %parallel_loop3A_1134 : i32
        %parallel_loop3A_1283 = arith.constant 4 : i32
        %parallel_loop3A_1284 = arith.index_cast %parallel_loop3A_1283 : i32 to index
        %parallel_loop3A_1285 = arith.index_cast %parallel_loop3A_1282 : i32 to index
        %parallel_loop3A_1286 = tpu.vector_load %arg16[%parallel_loop3A_1284, %parallel_loop3A_1285] {strides = array<i32>} : memref<8x1024xf32, #tpu.memory_space<vmem>>, vector<16xf32>,
        tpu.vector_store %arg16[%parallel_loop3A_1284, %parallel_loop3A_1285], %parallel_loop3A_1277 {strides = array<i32>} : memref<8x1024xf32, #tpu.memory_space<vmem>>, vector<16xf32>,
        %parallel_loop3A_1287 = arith.constant 128 : i32
        %parallel_loop3A_1288 = arith.addi %parallel_loop3A_1287, %parallel_loop3A_1134 : i32
        %parallel_loop3A_1289 = arith.constant 4 : i32
        %parallel_loop3A_1290 = arith.index_cast %parallel_loop3A_1289 : i32 to index
        %parallel_loop3A_1291 = arith.index_cast %parallel_loop3A_1288 : i32 to index
        %parallel_loop3A_1292 = tpu.vector_load %arg16[%parallel_loop3A_1290, %parallel_loop3A_1291] {strides = array<i32>} : memref<8x1024xf32, #tpu.memory_space<vmem>>, vector<16xf32>,
        tpu.vector_store %arg16[%parallel_loop3A_1290, %parallel_loop3A_1291], %parallel_loop3A_1278 {strides = array<i32>} : memref<8x1024xf32, #tpu.memory_space<vmem>>, vector<16xf32>,
        %parallel_loop3A_1293 = arith.constant 256 : i32
        %parallel_loop3A_1294 = arith.addi %parallel_loop3A_1293, %parallel_loop3A_1134 : i32
        %parallel_loop3A_1295 = arith.constant 4 : i32
        %parallel_loop3A_1296 = arith.index_cast %parallel_loop3A_1295 : i32 to index
        %parallel_loop3A_1297 = arith.index_cast %parallel_loop3A_1294 : i32 to index
        %parallel_loop3A_1298 = tpu.vector_load %arg16[%parallel_loop3A_1296, %parallel_loop3A_1297] {strides = array<i32>} : memref<8x1024xf32, #tpu.memory_space<vmem>>, vector<16xf32>,
        tpu.vector_store %arg16[%parallel_loop3A_1296, %parallel_loop3A_1297], %parallel_loop3A_1279 {strides = array<i32>} : memref<8x1024xf32, #tpu.memory_space<vmem>>, vector<16xf32>,
        %parallel_loop3A_1299 = arith.constant 384 : i32
        %parallel_loop3A_1300 = arith.addi %parallel_loop3A_1299, %parallel_loop3A_1134 : i32
        %parallel_loop3A_1301 = arith.constant 4 : i32
        %parallel_loop3A_1302 = arith.index_cast %parallel_loop3A_1301 : i32 to index
        %parallel_loop3A_1303 = arith.index_cast %parallel_loop3A_1300 : i32 to index
        %parallel_loop3A_1304 = tpu.vector_load %arg16[%parallel_loop3A_1302, %parallel_loop3A_1303] {strides = array<i32>} : memref<8x1024xf32, #tpu.memory_space<vmem>>, vector<16xf32>,
        tpu.vector_store %arg16[%parallel_loop3A_1302, %parallel_loop3A_1303], %parallel_loop3A_1280 {strides = array<i32>} : memref<8x1024xf32, #tpu.memory_space<vmem>>, vector<16xf32>,
        %parallel_loop3A_1305 = arith.constant 0 : i32
        %parallel_loop3A_1306 = arith.constant 5 : i32
        %parallel_loop3A_1307 = arith.index_cast %parallel_loop3A_1305 : i32 to index
        %parallel_loop3A_1308 = arith.index_cast %parallel_loop3A_1306 : i32 to index
        %parallel_loop3A_1309 = arith.index_cast %parallel_loop3A_1134 : i32 to index
        %parallel_loop3A_1310 = tpu.vector_load %arg14[%parallel_loop3A_1307, %parallel_loop3A_1308, %parallel_loop3A_1309] {strides = array<i32>} : memref<2x8x128xi32, #tpu.memory_space<vmem>>, vector<16xi32>,
        %parallel_loop3A_1311 = tpu.vector_load_idx %arg10[%parallel_loop3A_1310] : memref<16xf32, #tpu.memory_space<vmem>>[vector<16xi32>], vector<16xf32>,
        %parallel_loop3A_1312 = tpu.vector_load_idx %arg11[%parallel_loop3A_1310] : memref<16xf32, #tpu.memory_space<vmem>>[vector<16xi32>], vector<16xf32>,
        %parallel_loop3A_1313 = tpu.vector_load_idx %arg12[%parallel_loop3A_1310] : memref<16xf32, #tpu.memory_space<vmem>>[vector<16xi32>], vector<16xf32>,
        %parallel_loop3A_1314 = tpu.vector_load_idx %arg13[%parallel_loop3A_1310] : memref<16xf32, #tpu.memory_space<vmem>>[vector<16xi32>], vector<16xf32>,
        %parallel_loop3A_1315 = arith.constant 0 : i32
        %parallel_loop3A_1316 = arith.addi %parallel_loop3A_1315, %parallel_loop3A_1134 : i32
        %parallel_loop3A_1317 = arith.constant 5 : i32
        %parallel_loop3A_1318 = arith.index_cast %parallel_loop3A_1317 : i32 to index
        %parallel_loop3A_1319 = arith.index_cast %parallel_loop3A_1316 : i32 to index
        %parallel_loop3A_1320 = tpu.vector_load %arg16[%parallel_loop3A_1318, %parallel_loop3A_1319] {strides = array<i32>} : memref<8x1024xf32, #tpu.memory_space<vmem>>, vector<16xf32>,
        tpu.vector_store %arg16[%parallel_loop3A_1318, %parallel_loop3A_1319], %parallel_loop3A_1311 {strides = array<i32>} : memref<8x1024xf32, #tpu.memory_space<vmem>>, vector<16xf32>,
        %parallel_loop3A_1321 = arith.constant 128 : i32
        %parallel_loop3A_1322 = arith.addi %parallel_loop3A_1321, %parallel_loop3A_1134 : i32
        %parallel_loop3A_1323 = arith.constant 5 : i32
        %parallel_loop3A_1324 = arith.index_cast %parallel_loop3A_1323 : i32 to index
        %parallel_loop3A_1325 = arith.index_cast %parallel_loop3A_1322 : i32 to index
        %parallel_loop3A_1326 = tpu.vector_load %arg16[%parallel_loop3A_1324, %parallel_loop3A_1325] {strides = array<i32>} : memref<8x1024xf32, #tpu.memory_space<vmem>>, vector<16xf32>,
        tpu.vector_store %arg16[%parallel_loop3A_1324, %parallel_loop3A_1325], %parallel_loop3A_1312 {strides = array<i32>} : memref<8x1024xf32, #tpu.memory_space<vmem>>, vector<16xf32>,
        %parallel_loop3A_1327 = arith.constant 256 : i32
        %parallel_loop3A_1328 = arith.addi %parallel_loop3A_1327, %parallel_loop3A_1134 : i32
        %parallel_loop3A_1329 = arith.constant 5 : i32
        %parallel_loop3A_1330 = arith.index_cast %parallel_loop3A_1329 : i32 to index
        %parallel_loop3A_1331 = arith.index_cast %parallel_loop3A_1328 : i32 to index
        %parallel_loop3A_1332 = tpu.vector_load %arg16[%parallel_loop3A_1330, %parallel_loop3A_1331] {strides = array<i32>} : memref<8x1024xf32, #tpu.memory_space<vmem>>, vector<16xf32>,
        tpu.vector_store %arg16[%parallel_loop3A_1330, %parallel_loop3A_1331], %parallel_loop3A_1313 {strides = array<i32>} : memref<8x1024xf32, #tpu.memory_space<vmem>>, vector<16xf32>,
        %parallel_loop3A_1333 = arith.constant 384 : i32
        %parallel_loop3A_1334 = arith.addi %parallel_loop3A_1333, %parallel_loop3A_1134 : i32
        %parallel_loop3A_1335 = arith.constant 5 : i32
        %parallel_loop3A_1336 = arith.index_cast %parallel_loop3A_1335 : i32 to index
        %parallel_loop3A_1337 = arith.index_cast %parallel_loop3A_1334 : i32 to index
        %parallel_loop3A_1338 = tpu.vector_load %arg16[%parallel_loop3A_1336, %parallel_loop3A_1337] {strides = array<i32>} : memref<8x1024xf32, #tpu.memory_space<vmem>>, vector<16xf32>,
        tpu.vector_store %arg16[%parallel_loop3A_1336, %parallel_loop3A_1337], %parallel_loop3A_1314 {strides = array<i32>} : memref<8x1024xf32, #tpu.memory_space<vmem>>, vector<16xf32>,
        %parallel_loop3A_1339 = arith.constant 0 : i32
        %parallel_loop3A_1340 = arith.constant 6 : i32
        %parallel_loop3A_1341 = arith.index_cast %parallel_loop3A_1339 : i32 to index
        %parallel_loop3A_1342 = arith.index_cast %parallel_loop3A_1340 : i32 to index
        %parallel_loop3A_1343 = arith.index_cast %parallel_loop3A_1134 : i32 to index
        %parallel_loop3A_1344 = tpu.vector_load %arg14[%parallel_loop3A_1341, %parallel_loop3A_1342, %parallel_loop3A_1343] {strides = array<i32>} : memref<2x8x128xi32, #tpu.memory_space<vmem>>, vector<16xi32>,
        %parallel_loop3A_1345 = tpu.vector_load_idx %arg10[%parallel_loop3A_1344] : memref<16xf32, #tpu.memory_space<vmem>>[vector<16xi32>], vector<16xf32>,
        %parallel_loop3A_1346 = tpu.vector_load_idx %arg11[%parallel_loop3A_1344] : memref<16xf32, #tpu.memory_space<vmem>>[vector<16xi32>], vector<16xf32>,
        %parallel_loop3A_1347 = tpu.vector_load_idx %arg12[%parallel_loop3A_1344] : memref<16xf32, #tpu.memory_space<vmem>>[vector<16xi32>], vector<16xf32>,
        %parallel_loop3A_1348 = tpu.vector_load_idx %arg13[%parallel_loop3A_1344] : memref<16xf32, #tpu.memory_space<vmem>>[vector<16xi32>], vector<16xf32>,
        %parallel_loop3A_1349 = arith.constant 0 : i32
        %parallel_loop3A_1350 = arith.addi %parallel_loop3A_1349, %parallel_loop3A_1134 : i32
        %parallel_loop3A_1351 = arith.constant 6 : i32
        %parallel_loop3A_1352 = arith.index_cast %parallel_loop3A_1351 : i32 to index
        %parallel_loop3A_1353 = arith.index_cast %parallel_loop3A_1350 : i32 to index
        %parallel_loop3A_1354 = tpu.vector_load %arg16[%parallel_loop3A_1352, %parallel_loop3A_1353] {strides = array<i32>} : memref<8x1024xf32, #tpu.memory_space<vmem>>, vector<16xf32>,
        tpu.vector_store %arg16[%parallel_loop3A_1352, %parallel_loop3A_1353], %parallel_loop3A_1345 {strides = array<i32>} : memref<8x1024xf32, #tpu.memory_space<vmem>>, vector<16xf32>,
        %parallel_loop3A_1355 = arith.constant 128 : i32
        %parallel_loop3A_1356 = arith.addi %parallel_loop3A_1355, %parallel_loop3A_1134 : i32
        %parallel_loop3A_1357 = arith.constant 6 : i32
        %parallel_loop3A_1358 = arith.index_cast %parallel_loop3A_1357 : i32 to index
        %parallel_loop3A_1359 = arith.index_cast %parallel_loop3A_1356 : i32 to index
        %parallel_loop3A_1360 = tpu.vector_load %arg16[%parallel_loop3A_1358, %parallel_loop3A_1359] {strides = array<i32>} : memref<8x1024xf32, #tpu.memory_space<vmem>>, vector<16xf32>,
        tpu.vector_store %arg16[%parallel_loop3A_1358, %parallel_loop3A_1359], %parallel_loop3A_1346 {strides = array<i32>} : memref<8x1024xf32, #tpu.memory_space<vmem>>, vector<16xf32>,
        %parallel_loop3A_1361 = arith.constant 256 : i32
        %parallel_loop3A_1362 = arith.addi %parallel_loop3A_1361, %parallel_loop3A_1134 : i32
        %parallel_loop3A_1363 = arith.constant 6 : i32
        %parallel_loop3A_1364 = arith.index_cast %parallel_loop3A_1363 : i32 to index
        %parallel_loop3A_1365 = arith.index_cast %parallel_loop3A_1362 : i32 to index
        %parallel_loop3A_1366 = tpu.vector_load %arg16[%parallel_loop3A_1364, %parallel_loop3A_1365] {strides = array<i32>} : memref<8x1024xf32, #tpu.memory_space<vmem>>, vector<16xf32>,
        tpu.vector_store %arg16[%parallel_loop3A_1364, %parallel_loop3A_1365], %parallel_loop3A_1347 {strides = array<i32>} : memref<8x1024xf32, #tpu.memory_space<vmem>>, vector<16xf32>,
        %parallel_loop3A_1367 = arith.constant 384 : i32
        %parallel_loop3A_1368 = arith.addi %parallel_loop3A_1367, %parallel_loop3A_1134 : i32
        %parallel_loop3A_1369 = arith.constant 6 : i32
        %parallel_loop3A_1370 = arith.index_cast %parallel_loop3A_1369 : i32 to index
        %parallel_loop3A_1371 = arith.index_cast %parallel_loop3A_1368 : i32 to index
        %parallel_loop3A_1372 = tpu.vector_load %arg16[%parallel_loop3A_1370, %parallel_loop3A_1371] {strides = array<i32>} : memref<8x1024xf32, #tpu.memory_space<vmem>>, vector<16xf32>,
        tpu.vector_store %arg16[%parallel_loop3A_1370, %parallel_loop3A_1371], %parallel_loop3A_1348 {strides = array<i32>} : memref<8x1024xf32, #tpu.memory_space<vmem>>, vector<16xf32>,
        %parallel_loop3A_1373 = arith.constant 0 : i32
        %parallel_loop3A_1374 = arith.constant 7 : i32
        %parallel_loop3A_1375 = arith.index_cast %parallel_loop3A_1373 : i32 to index
        %parallel_loop3A_1376 = arith.index_cast %parallel_loop3A_1374 : i32 to index
        %parallel_loop3A_1377 = arith.index_cast %parallel_loop3A_1134 : i32 to index
        %parallel_loop3A_1378 = tpu.vector_load %arg14[%parallel_loop3A_1375, %parallel_loop3A_1376, %parallel_loop3A_1377] {strides = array<i32>} : memref<2x8x128xi32, #tpu.memory_space<vmem>>, vector<16xi32>,
        %parallel_loop3A_1379 = tpu.vector_load_idx %arg10[%parallel_loop3A_1378] : memref<16xf32, #tpu.memory_space<vmem>>[vector<16xi32>], vector<16xf32>,
        %parallel_loop3A_1380 = tpu.vector_load_idx %arg11[%parallel_loop3A_1378] : memref<16xf32, #tpu.memory_space<vmem>>[vector<16xi32>], vector<16xf32>,
        %parallel_loop3A_1381 = tpu.vector_load_idx %arg12[%parallel_loop3A_1378] : memref<16xf32, #tpu.memory_space<vmem>>[vector<16xi32>], vector<16xf32>,
        %parallel_loop3A_1382 = tpu.vector_load_idx %arg13[%parallel_loop3A_1378] : memref<16xf32, #tpu.memory_space<vmem>>[vector<16xi32>], vector<16xf32>,
        %parallel_loop3A_1383 = arith.constant 0 : i32
        %parallel_loop3A_1384 = arith.addi %parallel_loop3A_1383, %parallel_loop3A_1134 : i32
        %parallel_loop3A_1385 = arith.constant 7 : i32
        %parallel_loop3A_1386 = arith.index_cast %parallel_loop3A_1385 : i32 to index
        %parallel_loop3A_1387 = arith.index_cast %parallel_loop3A_1384 : i32 to index
        %parallel_loop3A_1388 = tpu.vector_load %arg16[%parallel_loop3A_1386, %parallel_loop3A_1387] {strides = array<i32>} : memref<8x1024xf32, #tpu.memory_space<vmem>>, vector<16xf32>,
        tpu.vector_store %arg16[%parallel_loop3A_1386, %parallel_loop3A_1387], %parallel_loop3A_1379 {strides = array<i32>} : memref<8x1024xf32, #tpu.memory_space<vmem>>, vector<16xf32>,
        %parallel_loop3A_1389 = arith.constant 128 : i32
        %parallel_loop3A_1390 = arith.addi %parallel_loop3A_1389, %parallel_loop3A_1134 : i32
        %parallel_loop3A_1391 = arith.constant 7 : i32
        %parallel_loop3A_1392 = arith.index_cast %parallel_loop3A_1391 : i32 to index
        %parallel_loop3A_1393 = arith.index_cast %parallel_loop3A_1390 : i32 to index
        %parallel_loop3A_1394 = tpu.vector_load %arg16[%parallel_loop3A_1392, %parallel_loop3A_1393] {strides = array<i32>} : memref<8x1024xf32, #tpu.memory_space<vmem>>, vector<16xf32>,
        tpu.vector_store %arg16[%parallel_loop3A_1392, %parallel_loop3A_1393], %parallel_loop3A_1380 {strides = array<i32>} : memref<8x1024xf32, #tpu.memory_space<vmem>>, vector<16xf32>,
        %parallel_loop3A_1395 = arith.constant 256 : i32
        %parallel_loop3A_1396 = arith.addi %parallel_loop3A_1395, %parallel_loop3A_1134 : i32
        %parallel_loop3A_1397 = arith.constant 7 : i32
        %parallel_loop3A_1398 = arith.index_cast %parallel_loop3A_1397 : i32 to index
        %parallel_loop3A_1399 = arith.index_cast %parallel_loop3A_1396 : i32 to index
        %parallel_loop3A_1400 = tpu.vector_load %arg16[%parallel_loop3A_1398, %parallel_loop3A_1399] {strides = array<i32>} : memref<8x1024xf32, #tpu.memory_space<vmem>>, vector<16xf32>,
        tpu.vector_store %arg16[%parallel_loop3A_1398, %parallel_loop3A_1399], %parallel_loop3A_1381 {strides = array<i32>} : memref<8x1024xf32, #tpu.memory_space<vmem>>, vector<16xf32>,
        %parallel_loop3A_1401 = arith.constant 384 : i32
        %parallel_loop3A_1402 = arith.addi %parallel_loop3A_1401, %parallel_loop3A_1134 : i32
        %parallel_loop3A_1403 = arith.constant 7 : i32
        %parallel_loop3A_1404 = arith.index_cast %parallel_loop3A_1403 : i32 to index
        %parallel_loop3A_1405 = arith.index_cast %parallel_loop3A_1402 : i32 to index
        %parallel_loop3A_1406 = tpu.vector_load %arg16[%parallel_loop3A_1404, %parallel_loop3A_1405] {strides = array<i32>} : memref<8x1024xf32, #tpu.memory_space<vmem>>, vector<16xf32>,
        tpu.vector_store %arg16[%parallel_loop3A_1404, %parallel_loop3A_1405], %parallel_loop3A_1382 {strides = array<i32>} : memref<8x1024xf32, #tpu.memory_space<vmem>>, vector<16xf32>,
        %parallel_loop3A_1407 = arith.constant 1 : i32
        %parallel_loop3A_1408 = arith.constant 0 : i32
        %parallel_loop3A_1409 = arith.index_cast %parallel_loop3A_1407 : i32 to index
        %parallel_loop3A_1410 = arith.index_cast %parallel_loop3A_1408 : i32 to index
        %parallel_loop3A_1411 = arith.index_cast %parallel_loop3A_1134 : i32 to index
        %parallel_loop3A_1412 = tpu.vector_load %arg14[%parallel_loop3A_1409, %parallel_loop3A_1410, %parallel_loop3A_1411] {strides = array<i32>} : memref<2x8x128xi32, #tpu.memory_space<vmem>>, vector<16xi32>,
        %parallel_loop3A_1413 = tpu.vector_load_idx %arg10[%parallel_loop3A_1412] : memref<16xf32, #tpu.memory_space<vmem>>[vector<16xi32>], vector<16xf32>,
        %parallel_loop3A_1414 = tpu.vector_load_idx %arg11[%parallel_loop3A_1412] : memref<16xf32, #tpu.memory_space<vmem>>[vector<16xi32>], vector<16xf32>,
        %parallel_loop3A_1415 = tpu.vector_load_idx %arg12[%parallel_loop3A_1412] : memref<16xf32, #tpu.memory_space<vmem>>[vector<16xi32>], vector<16xf32>,
        %parallel_loop3A_1416 = tpu.vector_load_idx %arg13[%parallel_loop3A_1412] : memref<16xf32, #tpu.memory_space<vmem>>[vector<16xi32>], vector<16xf32>,
        %parallel_loop3A_1417 = arith.constant 512 : i32
        %parallel_loop3A_1418 = arith.addi %parallel_loop3A_1417, %parallel_loop3A_1134 : i32
        %parallel_loop3A_1419 = arith.constant 0 : i32
        %parallel_loop3A_1420 = arith.index_cast %parallel_loop3A_1419 : i32 to index
        %parallel_loop3A_1421 = arith.index_cast %parallel_loop3A_1418 : i32 to index
        %parallel_loop3A_1422 = tpu.vector_load %arg16[%parallel_loop3A_1420, %parallel_loop3A_1421] {strides = array<i32>} : memref<8x1024xf32, #tpu.memory_space<vmem>>, vector<16xf32>,
        tpu.vector_store %arg16[%parallel_loop3A_1420, %parallel_loop3A_1421], %parallel_loop3A_1413 {strides = array<i32>} : memref<8x1024xf32, #tpu.memory_space<vmem>>, vector<16xf32>,
        %parallel_loop3A_1423 = arith.constant 640 : i32
        %parallel_loop3A_1424 = arith.addi %parallel_loop3A_1423, %parallel_loop3A_1134 : i32
        %parallel_loop3A_1425 = arith.constant 0 : i32
        %parallel_loop3A_1426 = arith.index_cast %parallel_loop3A_1425 : i32 to index
        %parallel_loop3A_1427 = arith.index_cast %parallel_loop3A_1424 : i32 to index
        %parallel_loop3A_1428 = tpu.vector_load %arg16[%parallel_loop3A_1426, %parallel_loop3A_1427] {strides = array<i32>} : memref<8x1024xf32, #tpu.memory_space<vmem>>, vector<16xf32>,
        tpu.vector_store %arg16[%parallel_loop3A_1426, %parallel_loop3A_1427], %parallel_loop3A_1414 {strides = array<i32>} : memref<8x1024xf32, #tpu.memory_space<vmem>>, vector<16xf32>,
        %parallel_loop3A_1429 = arith.constant 768 : i32
        %parallel_loop3A_1430 = arith.addi %parallel_loop3A_1429, %parallel_loop3A_1134 : i32
        %parallel_loop3A_1431 = arith.constant 0 : i32
        %parallel_loop3A_1432 = arith.index_cast %parallel_loop3A_1431 : i32 to index
        %parallel_loop3A_1433 = arith.index_cast %parallel_loop3A_1430 : i32 to index
        %parallel_loop3A_1434 = tpu.vector_load %arg16[%parallel_loop3A_1432, %parallel_loop3A_1433] {strides = array<i32>} : memref<8x1024xf32, #tpu.memory_space<vmem>>, vector<16xf32>,
        tpu.vector_store %arg16[%parallel_loop3A_1432, %parallel_loop3A_1433], %parallel_loop3A_1415 {strides = array<i32>} : memref<8x1024xf32, #tpu.memory_space<vmem>>, vector<16xf32>,
        %parallel_loop3A_1435 = arith.constant 896 : i32
        %parallel_loop3A_1436 = arith.addi %parallel_loop3A_1435, %parallel_loop3A_1134 : i32
        %parallel_loop3A_1437 = arith.constant 0 : i32
        %parallel_loop3A_1438 = arith.index_cast %parallel_loop3A_1437 : i32 to index
        %parallel_loop3A_1439 = arith.index_cast %parallel_loop3A_1436 : i32 to index
        %parallel_loop3A_1440 = tpu.vector_load %arg16[%parallel_loop3A_1438, %parallel_loop3A_1439] {strides = array<i32>} : memref<8x1024xf32, #tpu.memory_space<vmem>>, vector<16xf32>,
        tpu.vector_store %arg16[%parallel_loop3A_1438, %parallel_loop3A_1439], %parallel_loop3A_1416 {strides = array<i32>} : memref<8x1024xf32, #tpu.memory_space<vmem>>, vector<16xf32>,
        %parallel_loop3A_1441 = arith.constant 1 : i32
        %parallel_loop3A_1442 = arith.constant 1 : i32
        %parallel_loop3A_1443 = arith.index_cast %parallel_loop3A_1441 : i32 to index
        %parallel_loop3A_1444 = arith.index_cast %parallel_loop3A_1442 : i32 to index
        %parallel_loop3A_1445 = arith.index_cast %parallel_loop3A_1134 : i32 to index
        %parallel_loop3A_1446 = tpu.vector_load %arg14[%parallel_loop3A_1443, %parallel_loop3A_1444, %parallel_loop3A_1445] {strides = array<i32>} : memref<2x8x128xi32, #tpu.memory_space<vmem>>, vector<16xi32>,
        %parallel_loop3A_1447 = tpu.vector_load_idx %arg10[%parallel_loop3A_1446] : memref<16xf32, #tpu.memory_space<vmem>>[vector<16xi32>], vector<16xf32>,
        %parallel_loop3A_1448 = tpu.vector_load_idx %arg11[%parallel_loop3A_1446] : memref<16xf32, #tpu.memory_space<vmem>>[vector<16xi32>], vector<16xf32>,
        %parallel_loop3A_1449 = tpu.vector_load_idx %arg12[%parallel_loop3A_1446] : memref<16xf32, #tpu.memory_space<vmem>>[vector<16xi32>], vector<16xf32>,
        %parallel_loop3A_1450 = tpu.vector_load_idx %arg13[%parallel_loop3A_1446] : memref<16xf32, #tpu.memory_space<vmem>>[vector<16xi32>], vector<16xf32>,
        %parallel_loop3A_1451 = arith.constant 512 : i32
        %parallel_loop3A_1452 = arith.addi %parallel_loop3A_1451, %parallel_loop3A_1134 : i32
        %parallel_loop3A_1453 = arith.constant 1 : i32
        %parallel_loop3A_1454 = arith.index_cast %parallel_loop3A_1453 : i32 to index
        %parallel_loop3A_1455 = arith.index_cast %parallel_loop3A_1452 : i32 to index
        %parallel_loop3A_1456 = tpu.vector_load %arg16[%parallel_loop3A_1454, %parallel_loop3A_1455] {strides = array<i32>} : memref<8x1024xf32, #tpu.memory_space<vmem>>, vector<16xf32>,
        tpu.vector_store %arg16[%parallel_loop3A_1454, %parallel_loop3A_1455], %parallel_loop3A_1447 {strides = array<i32>} : memref<8x1024xf32, #tpu.memory_space<vmem>>, vector<16xf32>,
        %parallel_loop3A_1457 = arith.constant 640 : i32
        %parallel_loop3A_1458 = arith.addi %parallel_loop3A_1457, %parallel_loop3A_1134 : i32
        %parallel_loop3A_1459 = arith.constant 1 : i32
        %parallel_loop3A_1460 = arith.index_cast %parallel_loop3A_1459 : i32 to index
        %parallel_loop3A_1461 = arith.index_cast %parallel_loop3A_1458 : i32 to index
        %parallel_loop3A_1462 = tpu.vector_load %arg16[%parallel_loop3A_1460, %parallel_loop3A_1461] {strides = array<i32>} : memref<8x1024xf32, #tpu.memory_space<vmem>>, vector<16xf32>,
        tpu.vector_store %arg16[%parallel_loop3A_1460, %parallel_loop3A_1461], %parallel_loop3A_1448 {strides = array<i32>} : memref<8x1024xf32, #tpu.memory_space<vmem>>, vector<16xf32>,
        %parallel_loop3A_1463 = arith.constant 768 : i32
        %parallel_loop3A_1464 = arith.addi %parallel_loop3A_1463, %parallel_loop3A_1134 : i32
        %parallel_loop3A_1465 = arith.constant 1 : i32
        %parallel_loop3A_1466 = arith.index_cast %parallel_loop3A_1465 : i32 to index
        %parallel_loop3A_1467 = arith.index_cast %parallel_loop3A_1464 : i32 to index
        %parallel_loop3A_1468 = tpu.vector_load %arg16[%parallel_loop3A_1466, %parallel_loop3A_1467] {strides = array<i32>} : memref<8x1024xf32, #tpu.memory_space<vmem>>, vector<16xf32>,
        tpu.vector_store %arg16[%parallel_loop3A_1466, %parallel_loop3A_1467], %parallel_loop3A_1449 {strides = array<i32>} : memref<8x1024xf32, #tpu.memory_space<vmem>>, vector<16xf32>,
        %parallel_loop3A_1469 = arith.constant 896 : i32
        %parallel_loop3A_1470 = arith.addi %parallel_loop3A_1469, %parallel_loop3A_1134 : i32
        %parallel_loop3A_1471 = arith.constant 1 : i32
        %parallel_loop3A_1472 = arith.index_cast %parallel_loop3A_1471 : i32 to index
        %parallel_loop3A_1473 = arith.index_cast %parallel_loop3A_1470 : i32 to index
        %parallel_loop3A_1474 = tpu.vector_load %arg16[%parallel_loop3A_1472, %parallel_loop3A_1473] {strides = array<i32>} : memref<8x1024xf32, #tpu.memory_space<vmem>>, vector<16xf32>,
        tpu.vector_store %arg16[%parallel_loop3A_1472, %parallel_loop3A_1473], %parallel_loop3A_1450 {strides = array<i32>} : memref<8x1024xf32, #tpu.memory_space<vmem>>, vector<16xf32>,
        %parallel_loop3A_1475 = arith.constant 1 : i32
        %parallel_loop3A_1476 = arith.constant 2 : i32
        %parallel_loop3A_1477 = arith.index_cast %parallel_loop3A_1475 : i32 to index
        %parallel_loop3A_1478 = arith.index_cast %parallel_loop3A_1476 : i32 to index
        %parallel_loop3A_1479 = arith.index_cast %parallel_loop3A_1134 : i32 to index
        %parallel_loop3A_1480 = tpu.vector_load %arg14[%parallel_loop3A_1477, %parallel_loop3A_1478, %parallel_loop3A_1479] {strides = array<i32>} : memref<2x8x128xi32, #tpu.memory_space<vmem>>, vector<16xi32>,
        %parallel_loop3A_1481 = tpu.vector_load_idx %arg10[%parallel_loop3A_1480] : memref<16xf32, #tpu.memory_space<vmem>>[vector<16xi32>], vector<16xf32>,
        %parallel_loop3A_1482 = tpu.vector_load_idx %arg11[%parallel_loop3A_1480] : memref<16xf32, #tpu.memory_space<vmem>>[vector<16xi32>], vector<16xf32>,
        %parallel_loop3A_1483 = tpu.vector_load_idx %arg12[%parallel_loop3A_1480] : memref<16xf32, #tpu.memory_space<vmem>>[vector<16xi32>], vector<16xf32>,
        %parallel_loop3A_1484 = tpu.vector_load_idx %arg13[%parallel_loop3A_1480] : memref<16xf32, #tpu.memory_space<vmem>>[vector<16xi32>], vector<16xf32>,
        %parallel_loop3A_1485 = arith.constant 512 : i32
        %parallel_loop3A_1486 = arith.addi %parallel_loop3A_1485, %parallel_loop3A_1134 : i32
        %parallel_loop3A_1487 = arith.constant 2 : i32
        %parallel_loop3A_1488 = arith.index_cast %parallel_loop3A_1487 : i32 to index
        %parallel_loop3A_1489 = arith.index_cast %parallel_loop3A_1486 : i32 to index
        %parallel_loop3A_1490 = tpu.vector_load %arg16[%parallel_loop3A_1488, %parallel_loop3A_1489] {strides = array<i32>} : memref<8x1024xf32, #tpu.memory_space<vmem>>, vector<16xf32>,
        tpu.vector_store %arg16[%parallel_loop3A_1488, %parallel_loop3A_1489], %parallel_loop3A_1481 {strides = array<i32>} : memref<8x1024xf32, #tpu.memory_space<vmem>>, vector<16xf32>,
        %parallel_loop3A_1491 = arith.constant 640 : i32
        %parallel_loop3A_1492 = arith.addi %parallel_loop3A_1491, %parallel_loop3A_1134 : i32
        %parallel_loop3A_1493 = arith.constant 2 : i32
        %parallel_loop3A_1494 = arith.index_cast %parallel_loop3A_1493 : i32 to index
        %parallel_loop3A_1495 = arith.index_cast %parallel_loop3A_1492 : i32 to index
        %parallel_loop3A_1496 = tpu.vector_load %arg16[%parallel_loop3A_1494, %parallel_loop3A_1495] {strides = array<i32>} : memref<8x1024xf32, #tpu.memory_space<vmem>>, vector<16xf32>,
        tpu.vector_store %arg16[%parallel_loop3A_1494, %parallel_loop3A_1495], %parallel_loop3A_1482 {strides = array<i32>} : memref<8x1024xf32, #tpu.memory_space<vmem>>, vector<16xf32>,
        %parallel_loop3A_1497 = arith.constant 768 : i32
        %parallel_loop3A_1498 = arith.addi %parallel_loop3A_1497, %parallel_loop3A_1134 : i32
        %parallel_loop3A_1499 = arith.constant 2 : i32
        %parallel_loop3A_1500 = arith.index_cast %parallel_loop3A_1499 : i32 to index
        %parallel_loop3A_1501 = arith.index_cast %parallel_loop3A_1498 : i32 to index
        %parallel_loop3A_1502 = tpu.vector_load %arg16[%parallel_loop3A_1500, %parallel_loop3A_1501] {strides = array<i32>} : memref<8x1024xf32, #tpu.memory_space<vmem>>, vector<16xf32>,
        tpu.vector_store %arg16[%parallel_loop3A_1500, %parallel_loop3A_1501], %parallel_loop3A_1483 {strides = array<i32>} : memref<8x1024xf32, #tpu.memory_space<vmem>>, vector<16xf32>,
        %parallel_loop3A_1503 = arith.constant 896 : i32
        %parallel_loop3A_1504 = arith.addi %parallel_loop3A_1503, %parallel_loop3A_1134 : i32
        %parallel_loop3A_1505 = arith.constant 2 : i32
        %parallel_loop3A_1506 = arith.index_cast %parallel_loop3A_1505 : i32 to index
        %parallel_loop3A_1507 = arith.index_cast %parallel_loop3A_1504 : i32 to index
        %parallel_loop3A_1508 = tpu.vector_load %arg16[%parallel_loop3A_1506, %parallel_loop3A_1507] {strides = array<i32>} : memref<8x1024xf32, #tpu.memory_space<vmem>>, vector<16xf32>,
        tpu.vector_store %arg16[%parallel_loop3A_1506, %parallel_loop3A_1507], %parallel_loop3A_1484 {strides = array<i32>} : memref<8x1024xf32, #tpu.memory_space<vmem>>, vector<16xf32>,
        %parallel_loop3A_1509 = arith.constant 1 : i32
        %parallel_loop3A_1510 = arith.constant 3 : i32
        %parallel_loop3A_1511 = arith.index_cast %parallel_loop3A_1509 : i32 to index
        %parallel_loop3A_1512 = arith.index_cast %parallel_loop3A_1510 : i32 to index
        %parallel_loop3A_1513 = arith.index_cast %parallel_loop3A_1134 : i32 to index
        %parallel_loop3A_1514 = tpu.vector_load %arg14[%parallel_loop3A_1511, %parallel_loop3A_1512, %parallel_loop3A_1513] {strides = array<i32>} : memref<2x8x128xi32, #tpu.memory_space<vmem>>, vector<16xi32>,
        %parallel_loop3A_1515 = tpu.vector_load_idx %arg10[%parallel_loop3A_1514] : memref<16xf32, #tpu.memory_space<vmem>>[vector<16xi32>], vector<16xf32>,
        %parallel_loop3A_1516 = tpu.vector_load_idx %arg11[%parallel_loop3A_1514] : memref<16xf32, #tpu.memory_space<vmem>>[vector<16xi32>], vector<16xf32>,
        %parallel_loop3A_1517 = tpu.vector_load_idx %arg12[%parallel_loop3A_1514] : memref<16xf32, #tpu.memory_space<vmem>>[vector<16xi32>], vector<16xf32>,
        %parallel_loop3A_1518 = tpu.vector_load_idx %arg13[%parallel_loop3A_1514] : memref<16xf32, #tpu.memory_space<vmem>>[vector<16xi32>], vector<16xf32>,
        %parallel_loop3A_1519 = arith.constant 512 : i32
        %parallel_loop3A_1520 = arith.addi %parallel_loop3A_1519, %parallel_loop3A_1134 : i32
        %parallel_loop3A_1521 = arith.constant 3 : i32
        %parallel_loop3A_1522 = arith.index_cast %parallel_loop3A_1521 : i32 to index
        %parallel_loop3A_1523 = arith.index_cast %parallel_loop3A_1520 : i32 to index
        %parallel_loop3A_1524 = tpu.vector_load %arg16[%parallel_loop3A_1522, %parallel_loop3A_1523] {strides = array<i32>} : memref<8x1024xf32, #tpu.memory_space<vmem>>, vector<16xf32>,
        tpu.vector_store %arg16[%parallel_loop3A_1522, %parallel_loop3A_1523], %parallel_loop3A_1515 {strides = array<i32>} : memref<8x1024xf32, #tpu.memory_space<vmem>>, vector<16xf32>,
        %parallel_loop3A_1525 = arith.constant 640 : i32
        %parallel_loop3A_1526 = arith.addi %parallel_loop3A_1525, %parallel_loop3A_1134 : i32
        %parallel_loop3A_1527 = arith.constant 3 : i32
        %parallel_loop3A_1528 = arith.index_cast %parallel_loop3A_1527 : i32 to index
        %parallel_loop3A_1529 = arith.index_cast %parallel_loop3A_1526 : i32 to index
        %parallel_loop3A_1530 = tpu.vector_load %arg16[%parallel_loop3A_1528, %parallel_loop3A_1529] {strides = array<i32>} : memref<8x1024xf32, #tpu.memory_space<vmem>>, vector<16xf32>,
        tpu.vector_store %arg16[%parallel_loop3A_1528, %parallel_loop3A_1529], %parallel_loop3A_1516 {strides = array<i32>} : memref<8x1024xf32, #tpu.memory_space<vmem>>, vector<16xf32>,
        %parallel_loop3A_1531 = arith.constant 768 : i32
        %parallel_loop3A_1532 = arith.addi %parallel_loop3A_1531, %parallel_loop3A_1134 : i32
        %parallel_loop3A_1533 = arith.constant 3 : i32
        %parallel_loop3A_1534 = arith.index_cast %parallel_loop3A_1533 : i32 to index
        %parallel_loop3A_1535 = arith.index_cast %parallel_loop3A_1532 : i32 to index
        %parallel_loop3A_1536 = tpu.vector_load %arg16[%parallel_loop3A_1534, %parallel_loop3A_1535] {strides = array<i32>} : memref<8x1024xf32, #tpu.memory_space<vmem>>, vector<16xf32>,
        tpu.vector_store %arg16[%parallel_loop3A_1534, %parallel_loop3A_1535], %parallel_loop3A_1517 {strides = array<i32>} : memref<8x1024xf32, #tpu.memory_space<vmem>>, vector<16xf32>,
        %parallel_loop3A_1537 = arith.constant 896 : i32
        %parallel_loop3A_1538 = arith.addi %parallel_loop3A_1537, %parallel_loop3A_1134 : i32
        %parallel_loop3A_1539 = arith.constant 3 : i32
        %parallel_loop3A_1540 = arith.index_cast %parallel_loop3A_1539 : i32 to index
        %parallel_loop3A_1541 = arith.index_cast %parallel_loop3A_1538 : i32 to index
        %parallel_loop3A_1542 = tpu.vector_load %arg16[%parallel_loop3A_1540, %parallel_loop3A_1541] {strides = array<i32>} : memref<8x1024xf32, #tpu.memory_space<vmem>>, vector<16xf32>,
        tpu.vector_store %arg16[%parallel_loop3A_1540, %parallel_loop3A_1541], %parallel_loop3A_1518 {strides = array<i32>} : memref<8x1024xf32, #tpu.memory_space<vmem>>, vector<16xf32>,
        %parallel_loop3A_1543 = arith.constant 1 : i32
        %parallel_loop3A_1544 = arith.constant 4 : i32
        %parallel_loop3A_1545 = arith.index_cast %parallel_loop3A_1543 : i32 to index
        %parallel_loop3A_1546 = arith.index_cast %parallel_loop3A_1544 : i32 to index
        %parallel_loop3A_1547 = arith.index_cast %parallel_loop3A_1134 : i32 to index
        %parallel_loop3A_1548 = tpu.vector_load %arg14[%parallel_loop3A_1545, %parallel_loop3A_1546, %parallel_loop3A_1547] {strides = array<i32>} : memref<2x8x128xi32, #tpu.memory_space<vmem>>, vector<16xi32>,
        %parallel_loop3A_1549 = tpu.vector_load_idx %arg10[%parallel_loop3A_1548] : memref<16xf32, #tpu.memory_space<vmem>>[vector<16xi32>], vector<16xf32>,
        %parallel_loop3A_1550 = tpu.vector_load_idx %arg11[%parallel_loop3A_1548] : memref<16xf32, #tpu.memory_space<vmem>>[vector<16xi32>], vector<16xf32>,
        %parallel_loop3A_1551 = tpu.vector_load_idx %arg12[%parallel_loop3A_1548] : memref<16xf32, #tpu.memory_space<vmem>>[vector<16xi32>], vector<16xf32>,
        %parallel_loop3A_1552 = tpu.vector_load_idx %arg13[%parallel_loop3A_1548] : memref<16xf32, #tpu.memory_space<vmem>>[vector<16xi32>], vector<16xf32>,
        %parallel_loop3A_1553 = arith.constant 512 : i32
        %parallel_loop3A_1554 = arith.addi %parallel_loop3A_1553, %parallel_loop3A_1134 : i32
        %parallel_loop3A_1555 = arith.constant 4 : i32
        %parallel_loop3A_1556 = arith.index_cast %parallel_loop3A_1555 : i32 to index
        %parallel_loop3A_1557 = arith.index_cast %parallel_loop3A_1554 : i32 to index
        %parallel_loop3A_1558 = tpu.vector_load %arg16[%parallel_loop3A_1556, %parallel_loop3A_1557] {strides = array<i32>} : memref<8x1024xf32, #tpu.memory_space<vmem>>, vector<16xf32>,
        tpu.vector_store %arg16[%parallel_loop3A_1556, %parallel_loop3A_1557], %parallel_loop3A_1549 {strides = array<i32>} : memref<8x1024xf32, #tpu.memory_space<vmem>>, vector<16xf32>,
        %parallel_loop3A_1559 = arith.constant 640 : i32
        %parallel_loop3A_1560 = arith.addi %parallel_loop3A_1559, %parallel_loop3A_1134 : i32
        %parallel_loop3A_1561 = arith.constant 4 : i32
        %parallel_loop3A_1562 = arith.index_cast %parallel_loop3A_1561 : i32 to index
        %parallel_loop3A_1563 = arith.index_cast %parallel_loop3A_1560 : i32 to index
        %parallel_loop3A_1564 = tpu.vector_load %arg16[%parallel_loop3A_1562, %parallel_loop3A_1563] {strides = array<i32>} : memref<8x1024xf32, #tpu.memory_space<vmem>>, vector<16xf32>,
        tpu.vector_store %arg16[%parallel_loop3A_1562, %parallel_loop3A_1563], %parallel_loop3A_1550 {strides = array<i32>} : memref<8x1024xf32, #tpu.memory_space<vmem>>, vector<16xf32>,
        %parallel_loop3A_1565 = arith.constant 768 : i32
        %parallel_loop3A_1566 = arith.addi %parallel_loop3A_1565, %parallel_loop3A_1134 : i32
        %parallel_loop3A_1567 = arith.constant 4 : i32
        %parallel_loop3A_1568 = arith.index_cast %parallel_loop3A_1567 : i32 to index
        %parallel_loop3A_1569 = arith.index_cast %parallel_loop3A_1566 : i32 to index
        %parallel_loop3A_1570 = tpu.vector_load %arg16[%parallel_loop3A_1568, %parallel_loop3A_1569] {strides = array<i32>} : memref<8x1024xf32, #tpu.memory_space<vmem>>, vector<16xf32>,
        tpu.vector_store %arg16[%parallel_loop3A_1568, %parallel_loop3A_1569], %parallel_loop3A_1551 {strides = array<i32>} : memref<8x1024xf32, #tpu.memory_space<vmem>>, vector<16xf32>,
        %parallel_loop3A_1571 = arith.constant 896 : i32
        %parallel_loop3A_1572 = arith.addi %parallel_loop3A_1571, %parallel_loop3A_1134 : i32
        %parallel_loop3A_1573 = arith.constant 4 : i32
        %parallel_loop3A_1574 = arith.index_cast %parallel_loop3A_1573 : i32 to index
        %parallel_loop3A_1575 = arith.index_cast %parallel_loop3A_1572 : i32 to index
        %parallel_loop3A_1576 = tpu.vector_load %arg16[%parallel_loop3A_1574, %parallel_loop3A_1575] {strides = array<i32>} : memref<8x1024xf32, #tpu.memory_space<vmem>>, vector<16xf32>,
        tpu.vector_store %arg16[%parallel_loop3A_1574, %parallel_loop3A_1575], %parallel_loop3A_1552 {strides = array<i32>} : memref<8x1024xf32, #tpu.memory_space<vmem>>, vector<16xf32>,
        %parallel_loop3A_1577 = arith.constant 1 : i32
        %parallel_loop3A_1578 = arith.constant 5 : i32
        %parallel_loop3A_1579 = arith.index_cast %parallel_loop3A_1577 : i32 to index
        %parallel_loop3A_1580 = arith.index_cast %parallel_loop3A_1578 : i32 to index
        %parallel_loop3A_1581 = arith.index_cast %parallel_loop3A_1134 : i32 to index
        %parallel_loop3A_1582 = tpu.vector_load %arg14[%parallel_loop3A_1579, %parallel_loop3A_1580, %parallel_loop3A_1581] {strides = array<i32>} : memref<2x8x128xi32, #tpu.memory_space<vmem>>, vector<16xi32>,
        %parallel_loop3A_1583 = tpu.vector_load_idx %arg10[%parallel_loop3A_1582] : memref<16xf32, #tpu.memory_space<vmem>>[vector<16xi32>], vector<16xf32>,
        %parallel_loop3A_1584 = tpu.vector_load_idx %arg11[%parallel_loop3A_1582] : memref<16xf32, #tpu.memory_space<vmem>>[vector<16xi32>], vector<16xf32>,
        %parallel_loop3A_1585 = tpu.vector_load_idx %arg12[%parallel_loop3A_1582] : memref<16xf32, #tpu.memory_space<vmem>>[vector<16xi32>], vector<16xf32>,
        %parallel_loop3A_1586 = tpu.vector_load_idx %arg13[%parallel_loop3A_1582] : memref<16xf32, #tpu.memory_space<vmem>>[vector<16xi32>], vector<16xf32>,
        %parallel_loop3A_1587 = arith.constant 512 : i32
        %parallel_loop3A_1588 = arith.addi %parallel_loop3A_1587, %parallel_loop3A_1134 : i32
        %parallel_loop3A_1589 = arith.constant 5 : i32
        %parallel_loop3A_1590 = arith.index_cast %parallel_loop3A_1589 : i32 to index
        %parallel_loop3A_1591 = arith.index_cast %parallel_loop3A_1588 : i32 to index
        %parallel_loop3A_1592 = tpu.vector_load %arg16[%parallel_loop3A_1590, %parallel_loop3A_1591] {strides = array<i32>} : memref<8x1024xf32, #tpu.memory_space<vmem>>, vector<16xf32>,
        tpu.vector_store %arg16[%parallel_loop3A_1590, %parallel_loop3A_1591], %parallel_loop3A_1583 {strides = array<i32>} : memref<8x1024xf32, #tpu.memory_space<vmem>>, vector<16xf32>,
        %parallel_loop3A_1593 = arith.constant 640 : i32
        %parallel_loop3A_1594 = arith.addi %parallel_loop3A_1593, %parallel_loop3A_1134 : i32
        %parallel_loop3A_1595 = arith.constant 5 : i32
        %parallel_loop3A_1596 = arith.index_cast %parallel_loop3A_1595 : i32 to index
        %parallel_loop3A_1597 = arith.index_cast %parallel_loop3A_1594 : i32 to index
        %parallel_loop3A_1598 = tpu.vector_load %arg16[%parallel_loop3A_1596, %parallel_loop3A_1597] {strides = array<i32>} : memref<8x1024xf32, #tpu.memory_space<vmem>>, vector<16xf32>,
        tpu.vector_store %arg16[%parallel_loop3A_1596, %parallel_loop3A_1597], %parallel_loop3A_1584 {strides = array<i32>} : memref<8x1024xf32, #tpu.memory_space<vmem>>, vector<16xf32>,
        %parallel_loop3A_1599 = arith.constant 768 : i32
        %parallel_loop3A_1600 = arith.addi %parallel_loop3A_1599, %parallel_loop3A_1134 : i32
        %parallel_loop3A_1601 = arith.constant 5 : i32
        %parallel_loop3A_1602 = arith.index_cast %parallel_loop3A_1601 : i32 to index
        %parallel_loop3A_1603 = arith.index_cast %parallel_loop3A_1600 : i32 to index
        %parallel_loop3A_1604 = tpu.vector_load %arg16[%parallel_loop3A_1602, %parallel_loop3A_1603] {strides = array<i32>} : memref<8x1024xf32, #tpu.memory_space<vmem>>, vector<16xf32>,
        tpu.vector_store %arg16[%parallel_loop3A_1602, %parallel_loop3A_1603], %parallel_loop3A_1585 {strides = array<i32>} : memref<8x1024xf32, #tpu.memory_space<vmem>>, vector<16xf32>,
        %parallel_loop3A_1605 = arith.constant 896 : i32
        %parallel_loop3A_1606 = arith.addi %parallel_loop3A_1605, %parallel_loop3A_1134 : i32
        %parallel_loop3A_1607 = arith.constant 5 : i32
        %parallel_loop3A_1608 = arith.index_cast %parallel_loop3A_1607 : i32 to index
        %parallel_loop3A_1609 = arith.index_cast %parallel_loop3A_1606 : i32 to index
        %parallel_loop3A_1610 = tpu.vector_load %arg16[%parallel_loop3A_1608, %parallel_loop3A_1609] {strides = array<i32>} : memref<8x1024xf32, #tpu.memory_space<vmem>>, vector<16xf32>,
        tpu.vector_store %arg16[%parallel_loop3A_1608, %parallel_loop3A_1609], %parallel_loop3A_1586 {strides = array<i32>} : memref<8x1024xf32, #tpu.memory_space<vmem>>, vector<16xf32>,
        %parallel_loop3A_1611 = arith.constant 1 : i32
        %parallel_loop3A_1612 = arith.constant 6 : i32
        %parallel_loop3A_1613 = arith.index_cast %parallel_loop3A_1611 : i32 to index
        %parallel_loop3A_1614 = arith.index_cast %parallel_loop3A_1612 : i32 to index
        %parallel_loop3A_1615 = arith.index_cast %parallel_loop3A_1134 : i32 to index
        %parallel_loop3A_1616 = tpu.vector_load %arg14[%parallel_loop3A_1613, %parallel_loop3A_1614, %parallel_loop3A_1615] {strides = array<i32>} : memref<2x8x128xi32, #tpu.memory_space<vmem>>, vector<16xi32>,
        %parallel_loop3A_1617 = tpu.vector_load_idx %arg10[%parallel_loop3A_1616] : memref<16xf32, #tpu.memory_space<vmem>>[vector<16xi32>], vector<16xf32>,
        %parallel_loop3A_1618 = tpu.vector_load_idx %arg11[%parallel_loop3A_1616] : memref<16xf32, #tpu.memory_space<vmem>>[vector<16xi32>], vector<16xf32>,
        %parallel_loop3A_1619 = tpu.vector_load_idx %arg12[%parallel_loop3A_1616] : memref<16xf32, #tpu.memory_space<vmem>>[vector<16xi32>], vector<16xf32>,
        %parallel_loop3A_1620 = tpu.vector_load_idx %arg13[%parallel_loop3A_1616] : memref<16xf32, #tpu.memory_space<vmem>>[vector<16xi32>], vector<16xf32>,
        %parallel_loop3A_1621 = arith.constant 512 : i32
        %parallel_loop3A_1622 = arith.addi %parallel_loop3A_1621, %parallel_loop3A_1134 : i32
        %parallel_loop3A_1623 = arith.constant 6 : i32
        %parallel_loop3A_1624 = arith.index_cast %parallel_loop3A_1623 : i32 to index
        %parallel_loop3A_1625 = arith.index_cast %parallel_loop3A_1622 : i32 to index
        %parallel_loop3A_1626 = tpu.vector_load %arg16[%parallel_loop3A_1624, %parallel_loop3A_1625] {strides = array<i32>} : memref<8x1024xf32, #tpu.memory_space<vmem>>, vector<16xf32>,
        tpu.vector_store %arg16[%parallel_loop3A_1624, %parallel_loop3A_1625], %parallel_loop3A_1617 {strides = array<i32>} : memref<8x1024xf32, #tpu.memory_space<vmem>>, vector<16xf32>,
        %parallel_loop3A_1627 = arith.constant 640 : i32
        %parallel_loop3A_1628 = arith.addi %parallel_loop3A_1627, %parallel_loop3A_1134 : i32
        %parallel_loop3A_1629 = arith.constant 6 : i32
        %parallel_loop3A_1630 = arith.index_cast %parallel_loop3A_1629 : i32 to index
        %parallel_loop3A_1631 = arith.index_cast %parallel_loop3A_1628 : i32 to index
        %parallel_loop3A_1632 = tpu.vector_load %arg16[%parallel_loop3A_1630, %parallel_loop3A_1631] {strides = array<i32>} : memref<8x1024xf32, #tpu.memory_space<vmem>>, vector<16xf32>,
        tpu.vector_store %arg16[%parallel_loop3A_1630, %parallel_loop3A_1631], %parallel_loop3A_1618 {strides = array<i32>} : memref<8x1024xf32, #tpu.memory_space<vmem>>, vector<16xf32>,
        %parallel_loop3A_1633 = arith.constant 768 : i32
        %parallel_loop3A_1634 = arith.addi %parallel_loop3A_1633, %parallel_loop3A_1134 : i32
        %parallel_loop3A_1635 = arith.constant 6 : i32
        %parallel_loop3A_1636 = arith.index_cast %parallel_loop3A_1635 : i32 to index
        %parallel_loop3A_1637 = arith.index_cast %parallel_loop3A_1634 : i32 to index
        %parallel_loop3A_1638 = tpu.vector_load %arg16[%parallel_loop3A_1636, %parallel_loop3A_1637] {strides = array<i32>} : memref<8x1024xf32, #tpu.memory_space<vmem>>, vector<16xf32>,
        tpu.vector_store %arg16[%parallel_loop3A_1636, %parallel_loop3A_1637], %parallel_loop3A_1619 {strides = array<i32>} : memref<8x1024xf32, #tpu.memory_space<vmem>>, vector<16xf32>,
        %parallel_loop3A_1639 = arith.constant 896 : i32
        %parallel_loop3A_1640 = arith.addi %parallel_loop3A_1639, %parallel_loop3A_1134 : i32
        %parallel_loop3A_1641 = arith.constant 6 : i32
        %parallel_loop3A_1642 = arith.index_cast %parallel_loop3A_1641 : i32 to index
        %parallel_loop3A_1643 = arith.index_cast %parallel_loop3A_1640 : i32 to index
        %parallel_loop3A_1644 = tpu.vector_load %arg16[%parallel_loop3A_1642, %parallel_loop3A_1643] {strides = array<i32>} : memref<8x1024xf32, #tpu.memory_space<vmem>>, vector<16xf32>,
        tpu.vector_store %arg16[%parallel_loop3A_1642, %parallel_loop3A_1643], %parallel_loop3A_1620 {strides = array<i32>} : memref<8x1024xf32, #tpu.memory_space<vmem>>, vector<16xf32>,
        %parallel_loop3A_1645 = arith.constant 1 : i32
        %parallel_loop3A_1646 = arith.constant 7 : i32
        %parallel_loop3A_1647 = arith.index_cast %parallel_loop3A_1645 : i32 to index
        %parallel_loop3A_1648 = arith.index_cast %parallel_loop3A_1646 : i32 to index
        %parallel_loop3A_1649 = arith.index_cast %parallel_loop3A_1134 : i32 to index
        %parallel_loop3A_1650 = tpu.vector_load %arg14[%parallel_loop3A_1647, %parallel_loop3A_1648, %parallel_loop3A_1649] {strides = array<i32>} : memref<2x8x128xi32, #tpu.memory_space<vmem>>, vector<16xi32>,
        %parallel_loop3A_1651 = tpu.vector_load_idx %arg10[%parallel_loop3A_1650] : memref<16xf32, #tpu.memory_space<vmem>>[vector<16xi32>], vector<16xf32>,
        %parallel_loop3A_1652 = tpu.vector_load_idx %arg11[%parallel_loop3A_1650] : memref<16xf32, #tpu.memory_space<vmem>>[vector<16xi32>], vector<16xf32>,
        %parallel_loop3A_1653 = tpu.vector_load_idx %arg12[%parallel_loop3A_1650] : memref<16xf32, #tpu.memory_space<vmem>>[vector<16xi32>], vector<16xf32>,
        %parallel_loop3A_1654 = tpu.vector_load_idx %arg13[%parallel_loop3A_1650] : memref<16xf32, #tpu.memory_space<vmem>>[vector<16xi32>], vector<16xf32>,
        %parallel_loop3A_1655 = arith.constant 512 : i32
        %parallel_loop3A_1656 = arith.addi %parallel_loop3A_1655, %parallel_loop3A_1134 : i32
        %parallel_loop3A_1657 = arith.constant 7 : i32
        %parallel_loop3A_1658 = arith.index_cast %parallel_loop3A_1657 : i32 to index
        %parallel_loop3A_1659 = arith.index_cast %parallel_loop3A_1656 : i32 to index
        %parallel_loop3A_1660 = tpu.vector_load %arg16[%parallel_loop3A_1658, %parallel_loop3A_1659] {strides = array<i32>} : memref<8x1024xf32, #tpu.memory_space<vmem>>, vector<16xf32>,
        tpu.vector_store %arg16[%parallel_loop3A_1658, %parallel_loop3A_1659], %parallel_loop3A_1651 {strides = array<i32>} : memref<8x1024xf32, #tpu.memory_space<vmem>>, vector<16xf32>,
        %parallel_loop3A_1661 = arith.constant 640 : i32
        %parallel_loop3A_1662 = arith.addi %parallel_loop3A_1661, %parallel_loop3A_1134 : i32
        %parallel_loop3A_1663 = arith.constant 7 : i32
        %parallel_loop3A_1664 = arith.index_cast %parallel_loop3A_1663 : i32 to index
        %parallel_loop3A_1665 = arith.index_cast %parallel_loop3A_1662 : i32 to index
        %parallel_loop3A_1666 = tpu.vector_load %arg16[%parallel_loop3A_1664, %parallel_loop3A_1665] {strides = array<i32>} : memref<8x1024xf32, #tpu.memory_space<vmem>>, vector<16xf32>,
        tpu.vector_store %arg16[%parallel_loop3A_1664, %parallel_loop3A_1665], %parallel_loop3A_1652 {strides = array<i32>} : memref<8x1024xf32, #tpu.memory_space<vmem>>, vector<16xf32>,
        %parallel_loop3A_1667 = arith.constant 768 : i32
        %parallel_loop3A_1668 = arith.addi %parallel_loop3A_1667, %parallel_loop3A_1134 : i32
        %parallel_loop3A_1669 = arith.constant 7 : i32
        %parallel_loop3A_1670 = arith.index_cast %parallel_loop3A_1669 : i32 to index
        %parallel_loop3A_1671 = arith.index_cast %parallel_loop3A_1668 : i32 to index
        %parallel_loop3A_1672 = tpu.vector_load %arg16[%parallel_loop3A_1670, %parallel_loop3A_1671] {strides = array<i32>} : memref<8x1024xf32, #tpu.memory_space<vmem>>, vector<16xf32>,
        tpu.vector_store %arg16[%parallel_loop3A_1670, %parallel_loop3A_1671], %parallel_loop3A_1653 {strides = array<i32>} : memref<8x1024xf32, #tpu.memory_space<vmem>>, vector<16xf32>,
        %parallel_loop3A_1673 = arith.constant 896 : i32
        %parallel_loop3A_1674 = arith.addi %parallel_loop3A_1673, %parallel_loop3A_1134 : i32
        %parallel_loop3A_1675 = arith.constant 7 : i32
        %parallel_loop3A_1676 = arith.index_cast %parallel_loop3A_1675 : i32 to index
        %parallel_loop3A_1677 = arith.index_cast %parallel_loop3A_1674 : i32 to index
        %parallel_loop3A_1678 = tpu.vector_load %arg16[%parallel_loop3A_1676, %parallel_loop3A_1677] {strides = array<i32>} : memref<8x1024xf32, #tpu.memory_space<vmem>>, vector<16xf32>,
        tpu.vector_store %arg16[%parallel_loop3A_1676, %parallel_loop3A_1677], %parallel_loop3A_1654 {strides = array<i32>} : memref<8x1024xf32, #tpu.memory_space<vmem>>, vector<16xf32>,
      } {sc.loop_unroll_factor = 4 : i64, sc.parallel_access}
      %shift_right_logical3A_698 = arith.constant 6 : i32
      %shift_right_logical3A_699 = arith.shrui %add3A_672, %shift_right_logical3A_698 : i32
      %and3A_700 = arith.constant 63 : i32
      %and3A_701 = arith.andi %add3A_672, %and3A_700 : i32
      %shift_left3A_702 = arith.constant 1 : i32
      %shift_left3A_703 = arith.shli %and3A_701, %shift_left3A_702 : i32
      %mul3A_704 = arith.constant 8 : i32
      %mul3A_705 = arith.muli %shift_right_logical3A_699, %mul3A_704 : i32
      %add3A_706 = arith.constant 0 : i32
      %add3A_707 = arith.addi %mul3A_705, %add3A_706 : i32
      %mul3A_708 = arith.constant 65536 : i32
      %mul3A_709 = arith.muli %add3A_707, %mul3A_708 : i32
      %mul3A_710 = arith.constant 512 : i32
      %mul3A_711 = arith.muli %shift_left3A_703, %mul3A_710 : i32
      %add3A_712 = arith.addi %mul3A_709, %mul3A_711 : i32
      %multiple_of3A_713 = tpu.assume_multiple %add3A_712, 1024 : i32
      %dma_start3A_714 = arith.constant 0 : i32
      %dma_start3A_715 = arith.constant 0 : i32
      %dma_start3A_716 = tpu.memref_slice %arg16[%dma_start3A_714, %dma_start3A_715] : memref<8x1024xf32, #tpu.memory_space<vmem>> -> memref<1x1024xf32, #tpu.memory_space<vmem>>
      %dma_start3A_717 = tpu.memref_squeeze %dma_start3A_716 : memref<1x1024xf32, #tpu.memory_space<vmem>> -> memref<1024xf32, #tpu.memory_space<vmem>>
      %dma_start3A_718 = tpu.memref_slice %arg6[%multiple_of3A_713] : memref<13107200xf32, #tpu.memory_space<hbm>> -> memref<1024xf32, #tpu.memory_space<hbm>>
      %dma_start3A_719 = tpu.memref_slice %arg6[%multiple_of3A_713] : memref<13107200xf32, #tpu.memory_space<hbm>> -> memref<1024xf32, #tpu.memory_space<hbm>>
      %dma_start3A_720 = arith.constant 0 : i32
      %dma_start3A_721 = tpu.memref_slice %arg16[%dma_start3A_714, %dma_start3A_720] : memref<8x1024xf32, #tpu.memory_space<vmem>> -> memref<1x1024xf32, #tpu.memory_space<vmem>>
      %dma_start3A_722 = tpu.memref_squeeze %dma_start3A_721 : memref<1x1024xf32, #tpu.memory_space<vmem>> -> memref<1024xf32, #tpu.memory_space<vmem>>
      tpu.enqueue_dma source(%dma_start3A_722 : memref<1024xf32, #tpu.memory_space<vmem>>) target(%dma_start3A_719 : memref<1024xf32, #tpu.memory_space<hbm>>) target_semaphore(%arg20 : memref<!tpu.dma_semaphore, #tpu.memory_space<semaphore_mem>>)
      %shift_right_logical3A_723 = arith.constant 6 : i32
      %shift_right_logical3A_724 = arith.shrui %add3A_672, %shift_right_logical3A_723 : i32
      %and3A_725 = arith.constant 63 : i32
      %and3A_726 = arith.andi %add3A_672, %and3A_725 : i32
      %shift_left3A_727 = arith.constant 1 : i32
      %shift_left3A_728 = arith.shli %and3A_726, %shift_left3A_727 : i32
      %mul3A_729 = arith.constant 8 : i32
      %mul3A_730 = arith.muli %shift_right_logical3A_724, %mul3A_729 : i32
      %add3A_731 = arith.constant 1 : i32
      %add3A_732 = arith.addi %mul3A_730, %add3A_731 : i32
      %mul3A_733 = arith.constant 65536 : i32
      %mul3A_734 = arith.muli %add3A_732, %mul3A_733 : i32
      %mul3A_735 = arith.constant 512 : i32
      %mul3A_736 = arith.muli %shift_left3A_728, %mul3A_735 : i32
      %add3A_737 = arith.addi %mul3A_734, %mul3A_736 : i32
      %multiple_of3A_738 = tpu.assume_multiple %add3A_737, 1024 : i32
      %dma_start3A_739 = arith.constant 1 : i32
      %dma_start3A_740 = arith.constant 0 : i32
      %dma_start3A_741 = tpu.memref_slice %arg16[%dma_start3A_739, %dma_start3A_740] : memref<8x1024xf32, #tpu.memory_space<vmem>> -> memref<1x1024xf32, #tpu.memory_space<vmem>>
      %dma_start3A_742 = tpu.memref_squeeze %dma_start3A_741 : memref<1x1024xf32, #tpu.memory_space<vmem>> -> memref<1024xf32, #tpu.memory_space<vmem>>
      %dma_start3A_743 = tpu.memref_slice %arg6[%multiple_of3A_738] : memref<13107200xf32, #tpu.memory_space<hbm>> -> memref<1024xf32, #tpu.memory_space<hbm>>
      %dma_start3A_744 = tpu.memref_slice %arg6[%multiple_of3A_738] : memref<13107200xf32, #tpu.memory_space<hbm>> -> memref<1024xf32, #tpu.memory_space<hbm>>
      %dma_start3A_745 = arith.constant 0 : i32
      %dma_start3A_746 = tpu.memref_slice %arg16[%dma_start3A_739, %dma_start3A_745] : memref<8x1024xf32, #tpu.memory_space<vmem>> -> memref<1x1024xf32, #tpu.memory_space<vmem>>
      %dma_start3A_747 = tpu.memref_squeeze %dma_start3A_746 : memref<1x1024xf32, #tpu.memory_space<vmem>> -> memref<1024xf32, #tpu.memory_space<vmem>>
      tpu.enqueue_dma source(%dma_start3A_747 : memref<1024xf32, #tpu.memory_space<vmem>>) target(%dma_start3A_744 : memref<1024xf32, #tpu.memory_space<hbm>>) target_semaphore(%arg20 : memref<!tpu.dma_semaphore, #tpu.memory_space<semaphore_mem>>)
      %shift_right_logical3A_748 = arith.constant 6 : i32
      %shift_right_logical3A_749 = arith.shrui %add3A_672, %shift_right_logical3A_748 : i32
      %and3A_750 = arith.constant 63 : i32
      %and3A_751 = arith.andi %add3A_672, %and3A_750 : i32
      %shift_left3A_752 = arith.constant 1 : i32
      %shift_left3A_753 = arith.shli %and3A_751, %shift_left3A_752 : i32
      %mul3A_754 = arith.constant 8 : i32
      %mul3A_755 = arith.muli %shift_right_logical3A_749, %mul3A_754 : i32
      %add3A_756 = arith.constant 2 : i32
      %add3A_757 = arith.addi %mul3A_755, %add3A_756 : i32
      %mul3A_758 = arith.constant 65536 : i32
      %mul3A_759 = arith.muli %add3A_757, %mul3A_758 : i32
      %mul3A_760 = arith.constant 512 : i32
      %mul3A_761 = arith.muli %shift_left3A_753, %mul3A_760 : i32
      %add3A_762 = arith.addi %mul3A_759, %mul3A_761 : i32
      %multiple_of3A_763 = tpu.assume_multiple %add3A_762, 1024 : i32
      %dma_start3A_764 = arith.constant 2 : i32
      %dma_start3A_765 = arith.constant 0 : i32
      %dma_start3A_766 = tpu.memref_slice %arg16[%dma_start3A_764, %dma_start3A_765] : memref<8x1024xf32, #tpu.memory_space<vmem>> -> memref<1x1024xf32, #tpu.memory_space<vmem>>
      %dma_start3A_767 = tpu.memref_squeeze %dma_start3A_766 : memref<1x1024xf32, #tpu.memory_space<vmem>> -> memref<1024xf32, #tpu.memory_space<vmem>>
      %dma_start3A_768 = tpu.memref_slice %arg6[%multiple_of3A_763] : memref<13107200xf32, #tpu.memory_space<hbm>> -> memref<1024xf32, #tpu.memory_space<hbm>>
      %dma_start3A_769 = tpu.memref_slice %arg6[%multiple_of3A_763] : memref<13107200xf32, #tpu.memory_space<hbm>> -> memref<1024xf32, #tpu.memory_space<hbm>>
      %dma_start3A_770 = arith.constant 0 : i32
      %dma_start3A_771 = tpu.memref_slice %arg16[%dma_start3A_764, %dma_start3A_770] : memref<8x1024xf32, #tpu.memory_space<vmem>> -> memref<1x1024xf32, #tpu.memory_space<vmem>>
      %dma_start3A_772 = tpu.memref_squeeze %dma_start3A_771 : memref<1x1024xf32, #tpu.memory_space<vmem>> -> memref<1024xf32, #tpu.memory_space<vmem>>
      tpu.enqueue_dma source(%dma_start3A_772 : memref<1024xf32, #tpu.memory_space<vmem>>) target(%dma_start3A_769 : memref<1024xf32, #tpu.memory_space<hbm>>) target_semaphore(%arg20 : memref<!tpu.dma_semaphore, #tpu.memory_space<semaphore_mem>>)
      %shift_right_logical3A_773 = arith.constant 6 : i32
      %shift_right_logical3A_774 = arith.shrui %add3A_672, %shift_right_logical3A_773 : i32
      %and3A_775 = arith.constant 63 : i32
      %and3A_776 = arith.andi %add3A_672, %and3A_775 : i32
      %shift_left3A_777 = arith.constant 1 : i32
      %shift_left3A_778 = arith.shli %and3A_776, %shift_left3A_777 : i32
      %mul3A_779 = arith.constant 8 : i32
      %mul3A_780 = arith.muli %shift_right_logical3A_774, %mul3A_779 : i32
      %add3A_781 = arith.constant 3 : i32
      %add3A_782 = arith.addi %mul3A_780, %add3A_781 : i32
      %mul3A_783 = arith.constant 65536 : i32
      %mul3A_784 = arith.muli %add3A_782, %mul3A_783 : i32
      %mul3A_785 = arith.constant 512 : i32
      %mul3A_786 = arith.muli %shift_left3A_778, %mul3A_785 : i32
      %add3A_787 = arith.addi %mul3A_784, %mul3A_786 : i32
      %multiple_of3A_788 = tpu.assume_multiple %add3A_787, 1024 : i32
      %dma_start3A_789 = arith.constant 3 : i32
      %dma_start3A_790 = arith.constant 0 : i32
      %dma_start3A_791 = tpu.memref_slice %arg16[%dma_start3A_789, %dma_start3A_790] : memref<8x1024xf32, #tpu.memory_space<vmem>> -> memref<1x1024xf32, #tpu.memory_space<vmem>>
      %dma_start3A_792 = tpu.memref_squeeze %dma_start3A_791 : memref<1x1024xf32, #tpu.memory_space<vmem>> -> memref<1024xf32, #tpu.memory_space<vmem>>
      %dma_start3A_793 = tpu.memref_slice %arg6[%multiple_of3A_788] : memref<13107200xf32, #tpu.memory_space<hbm>> -> memref<1024xf32, #tpu.memory_space<hbm>>
      %dma_start3A_794 = tpu.memref_slice %arg6[%multiple_of3A_788] : memref<13107200xf32, #tpu.memory_space<hbm>> -> memref<1024xf32, #tpu.memory_space<hbm>>
      %dma_start3A_795 = arith.constant 0 : i32
      %dma_start3A_796 = tpu.memref_slice %arg16[%dma_start3A_789, %dma_start3A_795] : memref<8x1024xf32, #tpu.memory_space<vmem>> -> memref<1x1024xf32, #tpu.memory_space<vmem>>
      %dma_start3A_797 = tpu.memref_squeeze %dma_start3A_796 : memref<1x1024xf32, #tpu.memory_space<vmem>> -> memref<1024xf32, #tpu.memory_space<vmem>>
      tpu.enqueue_dma source(%dma_start3A_797 : memref<1024xf32, #tpu.memory_space<vmem>>) target(%dma_start3A_794 : memref<1024xf32, #tpu.memory_space<hbm>>) target_semaphore(%arg20 : memref<!tpu.dma_semaphore, #tpu.memory_space<semaphore_mem>>)
      %shift_right_logical3A_798 = arith.constant 6 : i32
      %shift_right_logical3A_799 = arith.shrui %add3A_672, %shift_right_logical3A_798 : i32
      %and3A_800 = arith.constant 63 : i32
      %and3A_801 = arith.andi %add3A_672, %and3A_800 : i32
      %shift_left3A_802 = arith.constant 1 : i32
      %shift_left3A_803 = arith.shli %and3A_801, %shift_left3A_802 : i32
      %mul3A_804 = arith.constant 8 : i32
      %mul3A_805 = arith.muli %shift_right_logical3A_799, %mul3A_804 : i32
      %add3A_806 = arith.constant 4 : i32
      %add3A_807 = arith.addi %mul3A_805, %add3A_806 : i32
      %mul3A_808 = arith.constant 65536 : i32
      %mul3A_809 = arith.muli %add3A_807, %mul3A_808 : i32
      %mul3A_810 = arith.constant 512 : i32
      %mul3A_811 = arith.muli %shift_left3A_803, %mul3A_810 : i32
      %add3A_812 = arith.addi %mul3A_809, %mul3A_811 : i32
      %multiple_of3A_813 = tpu.assume_multiple %add3A_812, 1024 : i32
      %dma_start3A_814 = arith.constant 4 : i32
      %dma_start3A_815 = arith.constant 0 : i32
      %dma_start3A_816 = tpu.memref_slice %arg16[%dma_start3A_814, %dma_start3A_815] : memref<8x1024xf32, #tpu.memory_space<vmem>> -> memref<1x1024xf32, #tpu.memory_space<vmem>>
      %dma_start3A_817 = tpu.memref_squeeze %dma_start3A_816 : memref<1x1024xf32, #tpu.memory_space<vmem>> -> memref<1024xf32, #tpu.memory_space<vmem>>
      %dma_start3A_818 = tpu.memref_slice %arg6[%multiple_of3A_813] : memref<13107200xf32, #tpu.memory_space<hbm>> -> memref<1024xf32, #tpu.memory_space<hbm>>
      %dma_start3A_819 = tpu.memref_slice %arg6[%multiple_of3A_813] : memref<13107200xf32, #tpu.memory_space<hbm>> -> memref<1024xf32, #tpu.memory_space<hbm>>
      %dma_start3A_820 = arith.constant 0 : i32
      %dma_start3A_821 = tpu.memref_slice %arg16[%dma_start3A_814, %dma_start3A_820] : memref<8x1024xf32, #tpu.memory_space<vmem>> -> memref<1x1024xf32, #tpu.memory_space<vmem>>
      %dma_start3A_822 = tpu.memref_squeeze %dma_start3A_821 : memref<1x1024xf32, #tpu.memory_space<vmem>> -> memref<1024xf32, #tpu.memory_space<vmem>>
      tpu.enqueue_dma source(%dma_start3A_822 : memref<1024xf32, #tpu.memory_space<vmem>>) target(%dma_start3A_819 : memref<1024xf32, #tpu.memory_space<hbm>>) target_semaphore(%arg20 : memref<!tpu.dma_semaphore, #tpu.memory_space<semaphore_mem>>)
      %shift_right_logical3A_823 = arith.constant 6 : i32
      %shift_right_logical3A_824 = arith.shrui %add3A_672, %shift_right_logical3A_823 : i32
      %and3A_825 = arith.constant 63 : i32
      %and3A_826 = arith.andi %add3A_672, %and3A_825 : i32
      %shift_left3A_827 = arith.constant 1 : i32
      %shift_left3A_828 = arith.shli %and3A_826, %shift_left3A_827 : i32
      %mul3A_829 = arith.constant 8 : i32
      %mul3A_830 = arith.muli %shift_right_logical3A_824, %mul3A_829 : i32
      %add3A_831 = arith.constant 5 : i32
      %add3A_832 = arith.addi %mul3A_830, %add3A_831 : i32
      %mul3A_833 = arith.constant 65536 : i32
      %mul3A_834 = arith.muli %add3A_832, %mul3A_833 : i32
      %mul3A_835 = arith.constant 512 : i32
      %mul3A_836 = arith.muli %shift_left3A_828, %mul3A_835 : i32
      %add3A_837 = arith.addi %mul3A_834, %mul3A_836 : i32
      %multiple_of3A_838 = tpu.assume_multiple %add3A_837, 1024 : i32
      %dma_start3A_839 = arith.constant 5 : i32
      %dma_start3A_840 = arith.constant 0 : i32
      %dma_start3A_841 = tpu.memref_slice %arg16[%dma_start3A_839, %dma_start3A_840] : memref<8x1024xf32, #tpu.memory_space<vmem>> -> memref<1x1024xf32, #tpu.memory_space<vmem>>
      %dma_start3A_842 = tpu.memref_squeeze %dma_start3A_841 : memref<1x1024xf32, #tpu.memory_space<vmem>> -> memref<1024xf32, #tpu.memory_space<vmem>>
      %dma_start3A_843 = tpu.memref_slice %arg6[%multiple_of3A_838] : memref<13107200xf32, #tpu.memory_space<hbm>> -> memref<1024xf32, #tpu.memory_space<hbm>>
      %dma_start3A_844 = tpu.memref_slice %arg6[%multiple_of3A_838] : memref<13107200xf32, #tpu.memory_space<hbm>> -> memref<1024xf32, #tpu.memory_space<hbm>>
      %dma_start3A_845 = arith.constant 0 : i32
      %dma_start3A_846 = tpu.memref_slice %arg16[%dma_start3A_839, %dma_start3A_845] : memref<8x1024xf32, #tpu.memory_space<vmem>> -> memref<1x1024xf32, #tpu.memory_space<vmem>>
      %dma_start3A_847 = tpu.memref_squeeze %dma_start3A_846 : memref<1x1024xf32, #tpu.memory_space<vmem>> -> memref<1024xf32, #tpu.memory_space<vmem>>
      tpu.enqueue_dma source(%dma_start3A_847 : memref<1024xf32, #tpu.memory_space<vmem>>) target(%dma_start3A_844 : memref<1024xf32, #tpu.memory_space<hbm>>) target_semaphore(%arg20 : memref<!tpu.dma_semaphore, #tpu.memory_space<semaphore_mem>>)
      %shift_right_logical3A_848 = arith.constant 6 : i32
      %shift_right_logical3A_849 = arith.shrui %add3A_672, %shift_right_logical3A_848 : i32
      %and3A_850 = arith.constant 63 : i32
      %and3A_851 = arith.andi %add3A_672, %and3A_850 : i32
      %shift_left3A_852 = arith.constant 1 : i32
      %shift_left3A_853 = arith.shli %and3A_851, %shift_left3A_852 : i32
      %mul3A_854 = arith.constant 8 : i32
      %mul3A_855 = arith.muli %shift_right_logical3A_849, %mul3A_854 : i32
      %add3A_856 = arith.constant 6 : i32
      %add3A_857 = arith.addi %mul3A_855, %add3A_856 : i32
      %mul3A_858 = arith.constant 65536 : i32
      %mul3A_859 = arith.muli %add3A_857, %mul3A_858 : i32
      %mul3A_860 = arith.constant 512 : i32
      %mul3A_861 = arith.muli %shift_left3A_853, %mul3A_860 : i32
      %add3A_862 = arith.addi %mul3A_859, %mul3A_861 : i32
      %multiple_of3A_863 = tpu.assume_multiple %add3A_862, 1024 : i32
      %dma_start3A_864 = arith.constant 6 : i32
      %dma_start3A_865 = arith.constant 0 : i32
      %dma_start3A_866 = tpu.memref_slice %arg16[%dma_start3A_864, %dma_start3A_865] : memref<8x1024xf32, #tpu.memory_space<vmem>> -> memref<1x1024xf32, #tpu.memory_space<vmem>>
      %dma_start3A_867 = tpu.memref_squeeze %dma_start3A_866 : memref<1x1024xf32, #tpu.memory_space<vmem>> -> memref<1024xf32, #tpu.memory_space<vmem>>
      %dma_start3A_868 = tpu.memref_slice %arg6[%multiple_of3A_863] : memref<13107200xf32, #tpu.memory_space<hbm>> -> memref<1024xf32, #tpu.memory_space<hbm>>
      %dma_start3A_869 = tpu.memref_slice %arg6[%multiple_of3A_863] : memref<13107200xf32, #tpu.memory_space<hbm>> -> memref<1024xf32, #tpu.memory_space<hbm>>
      %dma_start3A_870 = arith.constant 0 : i32
      %dma_start3A_871 = tpu.memref_slice %arg16[%dma_start3A_864, %dma_start3A_870] : memref<8x1024xf32, #tpu.memory_space<vmem>> -> memref<1x1024xf32, #tpu.memory_space<vmem>>
      %dma_start3A_872 = tpu.memref_squeeze %dma_start3A_871 : memref<1x1024xf32, #tpu.memory_space<vmem>> -> memref<1024xf32, #tpu.memory_space<vmem>>
      tpu.enqueue_dma source(%dma_start3A_872 : memref<1024xf32, #tpu.memory_space<vmem>>) target(%dma_start3A_869 : memref<1024xf32, #tpu.memory_space<hbm>>) target_semaphore(%arg20 : memref<!tpu.dma_semaphore, #tpu.memory_space<semaphore_mem>>)
      %shift_right_logical3A_873 = arith.constant 6 : i32
      %shift_right_logical3A_874 = arith.shrui %add3A_672, %shift_right_logical3A_873 : i32
      %and3A_875 = arith.constant 63 : i32
      %and3A_876 = arith.andi %add3A_672, %and3A_875 : i32
      %shift_left3A_877 = arith.constant 1 : i32
      %shift_left3A_878 = arith.shli %and3A_876, %shift_left3A_877 : i32
      %mul3A_879 = arith.constant 8 : i32
      %mul3A_880 = arith.muli %shift_right_logical3A_874, %mul3A_879 : i32
      %add3A_881 = arith.constant 7 : i32
      %add3A_882 = arith.addi %mul3A_880, %add3A_881 : i32
      %mul3A_883 = arith.constant 65536 : i32
      %mul3A_884 = arith.muli %add3A_882, %mul3A_883 : i32
      %mul3A_885 = arith.constant 512 : i32
      %mul3A_886 = arith.muli %shift_left3A_878, %mul3A_885 : i32
      %add3A_887 = arith.addi %mul3A_884, %mul3A_886 : i32
      %multiple_of3A_888 = tpu.assume_multiple %add3A_887, 1024 : i32
      %dma_start3A_889 = arith.constant 7 : i32
      %dma_start3A_890 = arith.constant 0 : i32
      %dma_start3A_891 = tpu.memref_slice %arg16[%dma_start3A_889, %dma_start3A_890] : memref<8x1024xf32, #tpu.memory_space<vmem>> -> memref<1x1024xf32, #tpu.memory_space<vmem>>
      %dma_start3A_892 = tpu.memref_squeeze %dma_start3A_891 : memref<1x1024xf32, #tpu.memory_space<vmem>> -> memref<1024xf32, #tpu.memory_space<vmem>>
      %dma_start3A_893 = tpu.memref_slice %arg6[%multiple_of3A_888] : memref<13107200xf32, #tpu.memory_space<hbm>> -> memref<1024xf32, #tpu.memory_space<hbm>>
      %dma_start3A_894 = tpu.memref_slice %arg6[%multiple_of3A_888] : memref<13107200xf32, #tpu.memory_space<hbm>> -> memref<1024xf32, #tpu.memory_space<hbm>>
      %dma_start3A_895 = arith.constant 0 : i32
      %dma_start3A_896 = tpu.memref_slice %arg16[%dma_start3A_889, %dma_start3A_895] : memref<8x1024xf32, #tpu.memory_space<vmem>> -> memref<1x1024xf32, #tpu.memory_space<vmem>>
      %dma_start3A_897 = tpu.memref_squeeze %dma_start3A_896 : memref<1x1024xf32, #tpu.memory_space<vmem>> -> memref<1024xf32, #tpu.memory_space<vmem>>
      tpu.enqueue_dma source(%dma_start3A_897 : memref<1024xf32, #tpu.memory_space<vmem>>) target(%dma_start3A_894 : memref<1024xf32, #tpu.memory_space<hbm>>) target_semaphore(%arg20 : memref<!tpu.dma_semaphore, #tpu.memory_space<semaphore_mem>>)
      %add3A_898 = arith.constant 1 : i32
      %add3A_899 = arith.addi %mul3A_669, %add3A_898 : i32
      %add3A_900 = arith.addi %mul3A_2, %add3A_899 : i32
      %add3A_901 = arith.constant 1 : i32
      %add3A_902 = arith.addi %add3A_899, %add3A_901 : i32
      %lt3A_903 = arith.constant 50 : i32
      %lt3A_904 = arith.cmpi slt, %add3A_902, %lt3A_903 : i32
      %convert_element_type3A_905 = arith.extui %lt3A_904 : i1 to i32
      %cond3A_906 = arith.constant 0 : i32
      %cond3A_907 = arith.cmpi ne, %convert_element_type3A_905, %cond3A_906 : i32
      scf.if %cond3A_907 {
        %add3A_1131 = arith.constant 1 : i32
        %add3A_1132 = arith.addi %add3A_900, %add3A_1131 : i32
        %shift_right_logical3A_1133 = arith.constant 6 : i32
        %shift_right_logical3A_1134 = arith.shrui %add3A_1132, %shift_right_logical3A_1133 : i32
        %and3A_1135 = arith.constant 63 : i32
        %and3A_1136 = arith.andi %add3A_1132, %and3A_1135 : i32
        %shift_left3A_1137 = arith.constant 1 : i32
        %shift_left3A_1138 = arith.shli %and3A_1136, %shift_left3A_1137 : i32
        %multiple_of3A_1139 = tpu.assume_multiple %shift_left3A_1138, 2 : i32
        %dma_start3A_1140 = arith.constant 0 : i32
        %dma_start3A_1141 = arith.constant 0 : i32
        %dma_start3A_1142 = tpu.memref_slice %arg2[%shift_right_logical3A_1134, %multiple_of3A_1139, %dma_start3A_1140, %dma_start3A_1141] : memref<25x128x8x128xi32, #tpu.memory_space<hbm>> -> memref<1x2x8x128xi32, #tpu.memory_space<hbm>>
        %dma_start3A_1143 = tpu.memref_squeeze %dma_start3A_1142 : memref<1x2x8x128xi32, #tpu.memory_space<hbm>> -> memref<2x8x128xi32, #tpu.memory_space<hbm>>
        %dma_start3A_1144 = arith.constant 0 : i32
        %dma_start3A_1145 = arith.constant 0 : i32
        %dma_start3A_1146 = tpu.memref_slice %arg2[%shift_right_logical3A_1134, %multiple_of3A_1139, %dma_start3A_1144, %dma_start3A_1145] : memref<25x128x8x128xi32, #tpu.memory_space<hbm>> -> memref<1x2x8x128xi32, #tpu.memory_space<hbm>>
        %dma_start3A_1147 = tpu.memref_squeeze %dma_start3A_1146 : memref<1x2x8x128xi32, #tpu.memory_space<hbm>> -> memref<2x8x128xi32, #tpu.memory_space<hbm>>
        tpu.enqueue_dma source(%dma_start3A_1147 : memref<2x8x128xi32, #tpu.memory_space<hbm>>) target(%arg14 : memref<2x8x128xi32, #tpu.memory_space<vmem>>) target_semaphore(%arg18 : memref<!tpu.dma_semaphore, #tpu.memory_space<semaphore_mem>>)
      } else {
      }
      %shift_right_logical3A_908 = arith.constant 6 : i32
      %shift_right_logical3A_909 = arith.shrui %add3A_900, %shift_right_logical3A_908 : i32
      %and3A_910 = arith.constant 63 : i32
      %and3A_911 = arith.andi %add3A_900, %and3A_910 : i32
      %shift_left3A_912 = arith.constant 1 : i32
      %shift_left3A_913 = arith.shli %and3A_911, %shift_left3A_912 : i32
      %multiple_of3A_914 = tpu.assume_multiple %shift_left3A_913, 2 : i32
      %dma_wait3A_915 = arith.constant 0 : i32
      %dma_wait3A_916 = arith.constant 0 : i32
      %dma_wait3A_917 = tpu.memref_slice %arg2[%shift_right_logical3A_909, %multiple_of3A_914, %dma_wait3A_915, %dma_wait3A_916] : memref<25x128x8x128xi32, #tpu.memory_space<hbm>> -> memref<1x2x8x128xi32, #tpu.memory_space<hbm>>
      %dma_wait3A_918 = tpu.memref_squeeze %dma_wait3A_917 : memref<1x2x8x128xi32, #tpu.memory_space<hbm>> -> memref<2x8x128xi32, #tpu.memory_space<hbm>>
      %dma_wait3A_919 = arith.constant 0 : i32
      %dma_wait3A_920 = arith.constant 0 : i32
      %dma_wait3A_921 = tpu.memref_slice %arg2[%shift_right_logical3A_909, %multiple_of3A_914, %dma_wait3A_919, %dma_wait3A_920] : memref<25x128x8x128xi32, #tpu.memory_space<hbm>> -> memref<1x2x8x128xi32, #tpu.memory_space<hbm>>
      %dma_wait3A_922 = tpu.memref_squeeze %dma_wait3A_921 : memref<1x2x8x128xi32, #tpu.memory_space<hbm>> -> memref<2x8x128xi32, #tpu.memory_space<hbm>>
      tpu.wait_dma2 semaphore(%arg19 : memref<!tpu.dma_semaphore, #tpu.memory_space<semaphore_mem>>) src(%dma_wait3A_922 : memref<2x8x128xi32, #tpu.memory_space<hbm>>) dst(%arg15 : memref<2x8x128xi32, #tpu.memory_space<vmem>>)
      %ge3A_923 = arith.constant 2 : i32
      %ge3A_924 = arith.cmpi sge, %add3A_899, %ge3A_923 : i32
      %convert_element_type3A_925 = arith.extui %ge3A_924 : i1 to i32
      %cond3A_926 = arith.constant 0 : i32
      %cond3A_927 = arith.cmpi ne, %convert_element_type3A_925, %cond3A_926 : i32
      scf.if %cond3A_927 {
        %sub3A_1131 = arith.constant 2 : i32
        %sub3A_1132 = arith.subi %add3A_900, %sub3A_1131 : i32
        %shift_right_logical3A_1133 = arith.constant 6 : i32
        %shift_right_logical3A_1134 = arith.shrui %sub3A_1132, %shift_right_logical3A_1133 : i32
        %and3A_1135 = arith.constant 63 : i32
        %and3A_1136 = arith.andi %sub3A_1132, %and3A_1135 : i32
        %shift_left3A_1137 = arith.constant 1 : i32
        %shift_left3A_1138 = arith.shli %and3A_1136, %shift_left3A_1137 : i32
        %mul3A_1139 = arith.constant 8 : i32
        %mul3A_1140 = arith.muli %shift_right_logical3A_1134, %mul3A_1139 : i32
        %add3A_1141 = arith.constant 0 : i32
        %add3A_1142 = arith.addi %mul3A_1140, %add3A_1141 : i32
        %mul3A_1143 = arith.constant 65536 : i32
        %mul3A_1144 = arith.muli %add3A_1142, %mul3A_1143 : i32
        %mul3A_1145 = arith.constant 512 : i32
        %mul3A_1146 = arith.muli %shift_left3A_1138, %mul3A_1145 : i32
        %add3A_1147 = arith.addi %mul3A_1144, %mul3A_1146 : i32
        %multiple_of3A_1148 = tpu.assume_multiple %add3A_1147, 1024 : i32
        %dma_wait3A_1149 = arith.constant 0 : i32
        %dma_wait3A_1150 = arith.constant 0 : i32
        %dma_wait3A_1151 = tpu.memref_slice %arg17[%dma_wait3A_1149, %dma_wait3A_1150] : memref<8x1024xf32, #tpu.memory_space<vmem>> -> memref<1x1024xf32, #tpu.memory_space<vmem>>
        %dma_wait3A_1152 = tpu.memref_squeeze %dma_wait3A_1151 : memref<1x1024xf32, #tpu.memory_space<vmem>> -> memref<1024xf32, #tpu.memory_space<vmem>>
        %dma_wait3A_1153 = tpu.memref_slice %arg6[%multiple_of3A_1148] : memref<13107200xf32, #tpu.memory_space<hbm>> -> memref<1024xf32, #tpu.memory_space<hbm>>
        %dma_wait3A_1154 = tpu.memref_slice %arg6[%multiple_of3A_1148] : memref<13107200xf32, #tpu.memory_space<hbm>> -> memref<1024xf32, #tpu.memory_space<hbm>>
        %dma_wait3A_1155 = arith.constant 0 : i32
        %dma_wait3A_1156 = tpu.memref_slice %arg17[%dma_wait3A_1149, %dma_wait3A_1155] : memref<8x1024xf32, #tpu.memory_space<vmem>> -> memref<1x1024xf32, #tpu.memory_space<vmem>>
        %dma_wait3A_1157 = tpu.memref_squeeze %dma_wait3A_1156 : memref<1x1024xf32, #tpu.memory_space<vmem>> -> memref<1024xf32, #tpu.memory_space<vmem>>
        tpu.wait_dma2 semaphore(%arg21 : memref<!tpu.dma_semaphore, #tpu.memory_space<semaphore_mem>>) src(%dma_wait3A_1157 : memref<1024xf32, #tpu.memory_space<vmem>>) dst(%dma_wait3A_1154 : memref<1024xf32, #tpu.memory_space<hbm>>)
        %sub3A_1158 = arith.constant 2 : i32
        %sub3A_1159 = arith.subi %add3A_900, %sub3A_1158 : i32
        %shift_right_logical3A_1160 = arith.constant 6 : i32
        %shift_right_logical3A_1161 = arith.shrui %sub3A_1159, %shift_right_logical3A_1160 : i32
        %and3A_1162 = arith.constant 63 : i32
        %and3A_1163 = arith.andi %sub3A_1159, %and3A_1162 : i32
        %shift_left3A_1164 = arith.constant 1 : i32
        %shift_left3A_1165 = arith.shli %and3A_1163, %shift_left3A_1164 : i32
        %mul3A_1166 = arith.constant 8 : i32
        %mul3A_1167 = arith.muli %shift_right_logical3A_1161, %mul3A_1166 : i32
        %add3A_1168 = arith.constant 1 : i32
        %add3A_1169 = arith.addi %mul3A_1167, %add3A_1168 : i32
        %mul3A_1170 = arith.constant 65536 : i32
        %mul3A_1171 = arith.muli %add3A_1169, %mul3A_1170 : i32
        %mul3A_1172 = arith.constant 512 : i32
        %mul3A_1173 = arith.muli %shift_left3A_1165, %mul3A_1172 : i32
        %add3A_1174 = arith.addi %mul3A_1171, %mul3A_1173 : i32
        %multiple_of3A_1175 = tpu.assume_multiple %add3A_1174, 1024 : i32
        %dma_wait3A_1176 = arith.constant 1 : i32
        %dma_wait3A_1177 = arith.constant 0 : i32
        %dma_wait3A_1178 = tpu.memref_slice %arg17[%dma_wait3A_1176, %dma_wait3A_1177] : memref<8x1024xf32, #tpu.memory_space<vmem>> -> memref<1x1024xf32, #tpu.memory_space<vmem>>
        %dma_wait3A_1179 = tpu.memref_squeeze %dma_wait3A_1178 : memref<1x1024xf32, #tpu.memory_space<vmem>> -> memref<1024xf32, #tpu.memory_space<vmem>>
        %dma_wait3A_1180 = tpu.memref_slice %arg6[%multiple_of3A_1175] : memref<13107200xf32, #tpu.memory_space<hbm>> -> memref<1024xf32, #tpu.memory_space<hbm>>
        %dma_wait3A_1181 = tpu.memref_slice %arg6[%multiple_of3A_1175] : memref<13107200xf32, #tpu.memory_space<hbm>> -> memref<1024xf32, #tpu.memory_space<hbm>>
        %dma_wait3A_1182 = arith.constant 0 : i32
        %dma_wait3A_1183 = tpu.memref_slice %arg17[%dma_wait3A_1176, %dma_wait3A_1182] : memref<8x1024xf32, #tpu.memory_space<vmem>> -> memref<1x1024xf32, #tpu.memory_space<vmem>>
        %dma_wait3A_1184 = tpu.memref_squeeze %dma_wait3A_1183 : memref<1x1024xf32, #tpu.memory_space<vmem>> -> memref<1024xf32, #tpu.memory_space<vmem>>
        tpu.wait_dma2 semaphore(%arg21 : memref<!tpu.dma_semaphore, #tpu.memory_space<semaphore_mem>>) src(%dma_wait3A_1184 : memref<1024xf32, #tpu.memory_space<vmem>>) dst(%dma_wait3A_1181 : memref<1024xf32, #tpu.memory_space<hbm>>)
        %sub3A_1185 = arith.constant 2 : i32
        %sub3A_1186 = arith.subi %add3A_900, %sub3A_1185 : i32
        %shift_right_logical3A_1187 = arith.constant 6 : i32
        %shift_right_logical3A_1188 = arith.shrui %sub3A_1186, %shift_right_logical3A_1187 : i32
        %and3A_1189 = arith.constant 63 : i32
        %and3A_1190 = arith.andi %sub3A_1186, %and3A_1189 : i32
        %shift_left3A_1191 = arith.constant 1 : i32
        %shift_left3A_1192 = arith.shli %and3A_1190, %shift_left3A_1191 : i32
        %mul3A_1193 = arith.constant 8 : i32
        %mul3A_1194 = arith.muli %shift_right_logical3A_1188, %mul3A_1193 : i32
        %add3A_1195 = arith.constant 2 : i32
        %add3A_1196 = arith.addi %mul3A_1194, %add3A_1195 : i32
        %mul3A_1197 = arith.constant 65536 : i32
        %mul3A_1198 = arith.muli %add3A_1196, %mul3A_1197 : i32
        %mul3A_1199 = arith.constant 512 : i32
        %mul3A_1200 = arith.muli %shift_left3A_1192, %mul3A_1199 : i32
        %add3A_1201 = arith.addi %mul3A_1198, %mul3A_1200 : i32
        %multiple_of3A_1202 = tpu.assume_multiple %add3A_1201, 1024 : i32
        %dma_wait3A_1203 = arith.constant 2 : i32
        %dma_wait3A_1204 = arith.constant 0 : i32
        %dma_wait3A_1205 = tpu.memref_slice %arg17[%dma_wait3A_1203, %dma_wait3A_1204] : memref<8x1024xf32, #tpu.memory_space<vmem>> -> memref<1x1024xf32, #tpu.memory_space<vmem>>
        %dma_wait3A_1206 = tpu.memref_squeeze %dma_wait3A_1205 : memref<1x1024xf32, #tpu.memory_space<vmem>> -> memref<1024xf32, #tpu.memory_space<vmem>>
        %dma_wait3A_1207 = tpu.memref_slice %arg6[%multiple_of3A_1202] : memref<13107200xf32, #tpu.memory_space<hbm>> -> memref<1024xf32, #tpu.memory_space<hbm>>
        %dma_wait3A_1208 = tpu.memref_slice %arg6[%multiple_of3A_1202] : memref<13107200xf32, #tpu.memory_space<hbm>> -> memref<1024xf32, #tpu.memory_space<hbm>>
        %dma_wait3A_1209 = arith.constant 0 : i32
        %dma_wait3A_1210 = tpu.memref_slice %arg17[%dma_wait3A_1203, %dma_wait3A_1209] : memref<8x1024xf32, #tpu.memory_space<vmem>> -> memref<1x1024xf32, #tpu.memory_space<vmem>>
        %dma_wait3A_1211 = tpu.memref_squeeze %dma_wait3A_1210 : memref<1x1024xf32, #tpu.memory_space<vmem>> -> memref<1024xf32, #tpu.memory_space<vmem>>
        tpu.wait_dma2 semaphore(%arg21 : memref<!tpu.dma_semaphore, #tpu.memory_space<semaphore_mem>>) src(%dma_wait3A_1211 : memref<1024xf32, #tpu.memory_space<vmem>>) dst(%dma_wait3A_1208 : memref<1024xf32, #tpu.memory_space<hbm>>)
        %sub3A_1212 = arith.constant 2 : i32
        %sub3A_1213 = arith.subi %add3A_900, %sub3A_1212 : i32
        %shift_right_logical3A_1214 = arith.constant 6 : i32
        %shift_right_logical3A_1215 = arith.shrui %sub3A_1213, %shift_right_logical3A_1214 : i32
        %and3A_1216 = arith.constant 63 : i32
        %and3A_1217 = arith.andi %sub3A_1213, %and3A_1216 : i32
        %shift_left3A_1218 = arith.constant 1 : i32
        %shift_left3A_1219 = arith.shli %and3A_1217, %shift_left3A_1218 : i32
        %mul3A_1220 = arith.constant 8 : i32
        %mul3A_1221 = arith.muli %shift_right_logical3A_1215, %mul3A_1220 : i32
        %add3A_1222 = arith.constant 3 : i32
        %add3A_1223 = arith.addi %mul3A_1221, %add3A_1222 : i32
        %mul3A_1224 = arith.constant 65536 : i32
        %mul3A_1225 = arith.muli %add3A_1223, %mul3A_1224 : i32
        %mul3A_1226 = arith.constant 512 : i32
        %mul3A_1227 = arith.muli %shift_left3A_1219, %mul3A_1226 : i32
        %add3A_1228 = arith.addi %mul3A_1225, %mul3A_1227 : i32
        %multiple_of3A_1229 = tpu.assume_multiple %add3A_1228, 1024 : i32
        %dma_wait3A_1230 = arith.constant 3 : i32
        %dma_wait3A_1231 = arith.constant 0 : i32
        %dma_wait3A_1232 = tpu.memref_slice %arg17[%dma_wait3A_1230, %dma_wait3A_1231] : memref<8x1024xf32, #tpu.memory_space<vmem>> -> memref<1x1024xf32, #tpu.memory_space<vmem>>
        %dma_wait3A_1233 = tpu.memref_squeeze %dma_wait3A_1232 : memref<1x1024xf32, #tpu.memory_space<vmem>> -> memref<1024xf32, #tpu.memory_space<vmem>>
        %dma_wait3A_1234 = tpu.memref_slice %arg6[%multiple_of3A_1229] : memref<13107200xf32, #tpu.memory_space<hbm>> -> memref<1024xf32, #tpu.memory_space<hbm>>
        %dma_wait3A_1235 = tpu.memref_slice %arg6[%multiple_of3A_1229] : memref<13107200xf32, #tpu.memory_space<hbm>> -> memref<1024xf32, #tpu.memory_space<hbm>>
        %dma_wait3A_1236 = arith.constant 0 : i32
        %dma_wait3A_1237 = tpu.memref_slice %arg17[%dma_wait3A_1230, %dma_wait3A_1236] : memref<8x1024xf32, #tpu.memory_space<vmem>> -> memref<1x1024xf32, #tpu.memory_space<vmem>>
        %dma_wait3A_1238 = tpu.memref_squeeze %dma_wait3A_1237 : memref<1x1024xf32, #tpu.memory_space<vmem>> -> memref<1024xf32, #tpu.memory_space<vmem>>
        tpu.wait_dma2 semaphore(%arg21 : memref<!tpu.dma_semaphore, #tpu.memory_space<semaphore_mem>>) src(%dma_wait3A_1238 : memref<1024xf32, #tpu.memory_space<vmem>>) dst(%dma_wait3A_1235 : memref<1024xf32, #tpu.memory_space<hbm>>)
        %sub3A_1239 = arith.constant 2 : i32
        %sub3A_1240 = arith.subi %add3A_900, %sub3A_1239 : i32
        %shift_right_logical3A_1241 = arith.constant 6 : i32
        %shift_right_logical3A_1242 = arith.shrui %sub3A_1240, %shift_right_logical3A_1241 : i32
        %and3A_1243 = arith.constant 63 : i32
        %and3A_1244 = arith.andi %sub3A_1240, %and3A_1243 : i32
        %shift_left3A_1245 = arith.constant 1 : i32
        %shift_left3A_1246 = arith.shli %and3A_1244, %shift_left3A_1245 : i32
        %mul3A_1247 = arith.constant 8 : i32
        %mul3A_1248 = arith.muli %shift_right_logical3A_1242, %mul3A_1247 : i32
        %add3A_1249 = arith.constant 4 : i32
        %add3A_1250 = arith.addi %mul3A_1248, %add3A_1249 : i32
        %mul3A_1251 = arith.constant 65536 : i32
        %mul3A_1252 = arith.muli %add3A_1250, %mul3A_1251 : i32
        %mul3A_1253 = arith.constant 512 : i32
        %mul3A_1254 = arith.muli %shift_left3A_1246, %mul3A_1253 : i32
        %add3A_1255 = arith.addi %mul3A_1252, %mul3A_1254 : i32
        %multiple_of3A_1256 = tpu.assume_multiple %add3A_1255, 1024 : i32
        %dma_wait3A_1257 = arith.constant 4 : i32
        %dma_wait3A_1258 = arith.constant 0 : i32
        %dma_wait3A_1259 = tpu.memref_slice %arg17[%dma_wait3A_1257, %dma_wait3A_1258] : memref<8x1024xf32, #tpu.memory_space<vmem>> -> memref<1x1024xf32, #tpu.memory_space<vmem>>
        %dma_wait3A_1260 = tpu.memref_squeeze %dma_wait3A_1259 : memref<1x1024xf32, #tpu.memory_space<vmem>> -> memref<1024xf32, #tpu.memory_space<vmem>>
        %dma_wait3A_1261 = tpu.memref_slice %arg6[%multiple_of3A_1256] : memref<13107200xf32, #tpu.memory_space<hbm>> -> memref<1024xf32, #tpu.memory_space<hbm>>
        %dma_wait3A_1262 = tpu.memref_slice %arg6[%multiple_of3A_1256] : memref<13107200xf32, #tpu.memory_space<hbm>> -> memref<1024xf32, #tpu.memory_space<hbm>>
        %dma_wait3A_1263 = arith.constant 0 : i32
        %dma_wait3A_1264 = tpu.memref_slice %arg17[%dma_wait3A_1257, %dma_wait3A_1263] : memref<8x1024xf32, #tpu.memory_space<vmem>> -> memref<1x1024xf32, #tpu.memory_space<vmem>>
        %dma_wait3A_1265 = tpu.memref_squeeze %dma_wait3A_1264 : memref<1x1024xf32, #tpu.memory_space<vmem>> -> memref<1024xf32, #tpu.memory_space<vmem>>
        tpu.wait_dma2 semaphore(%arg21 : memref<!tpu.dma_semaphore, #tpu.memory_space<semaphore_mem>>) src(%dma_wait3A_1265 : memref<1024xf32, #tpu.memory_space<vmem>>) dst(%dma_wait3A_1262 : memref<1024xf32, #tpu.memory_space<hbm>>)
        %sub3A_1266 = arith.constant 2 : i32
        %sub3A_1267 = arith.subi %add3A_900, %sub3A_1266 : i32
        %shift_right_logical3A_1268 = arith.constant 6 : i32
        %shift_right_logical3A_1269 = arith.shrui %sub3A_1267, %shift_right_logical3A_1268 : i32
        %and3A_1270 = arith.constant 63 : i32
        %and3A_1271 = arith.andi %sub3A_1267, %and3A_1270 : i32
        %shift_left3A_1272 = arith.constant 1 : i32
        %shift_left3A_1273 = arith.shli %and3A_1271, %shift_left3A_1272 : i32
        %mul3A_1274 = arith.constant 8 : i32
        %mul3A_1275 = arith.muli %shift_right_logical3A_1269, %mul3A_1274 : i32
        %add3A_1276 = arith.constant 5 : i32
        %add3A_1277 = arith.addi %mul3A_1275, %add3A_1276 : i32
        %mul3A_1278 = arith.constant 65536 : i32
        %mul3A_1279 = arith.muli %add3A_1277, %mul3A_1278 : i32
        %mul3A_1280 = arith.constant 512 : i32
        %mul3A_1281 = arith.muli %shift_left3A_1273, %mul3A_1280 : i32
        %add3A_1282 = arith.addi %mul3A_1279, %mul3A_1281 : i32
        %multiple_of3A_1283 = tpu.assume_multiple %add3A_1282, 1024 : i32
        %dma_wait3A_1284 = arith.constant 5 : i32
        %dma_wait3A_1285 = arith.constant 0 : i32
        %dma_wait3A_1286 = tpu.memref_slice %arg17[%dma_wait3A_1284, %dma_wait3A_1285] : memref<8x1024xf32, #tpu.memory_space<vmem>> -> memref<1x1024xf32, #tpu.memory_space<vmem>>
        %dma_wait3A_1287 = tpu.memref_squeeze %dma_wait3A_1286 : memref<1x1024xf32, #tpu.memory_space<vmem>> -> memref<1024xf32, #tpu.memory_space<vmem>>
        %dma_wait3A_1288 = tpu.memref_slice %arg6[%multiple_of3A_1283] : memref<13107200xf32, #tpu.memory_space<hbm>> -> memref<1024xf32, #tpu.memory_space<hbm>>
        %dma_wait3A_1289 = tpu.memref_slice %arg6[%multiple_of3A_1283] : memref<13107200xf32, #tpu.memory_space<hbm>> -> memref<1024xf32, #tpu.memory_space<hbm>>
        %dma_wait3A_1290 = arith.constant 0 : i32
        %dma_wait3A_1291 = tpu.memref_slice %arg17[%dma_wait3A_1284, %dma_wait3A_1290] : memref<8x1024xf32, #tpu.memory_space<vmem>> -> memref<1x1024xf32, #tpu.memory_space<vmem>>
        %dma_wait3A_1292 = tpu.memref_squeeze %dma_wait3A_1291 : memref<1x1024xf32, #tpu.memory_space<vmem>> -> memref<1024xf32, #tpu.memory_space<vmem>>
        tpu.wait_dma2 semaphore(%arg21 : memref<!tpu.dma_semaphore, #tpu.memory_space<semaphore_mem>>) src(%dma_wait3A_1292 : memref<1024xf32, #tpu.memory_space<vmem>>) dst(%dma_wait3A_1289 : memref<1024xf32, #tpu.memory_space<hbm>>)
        %sub3A_1293 = arith.constant 2 : i32
        %sub3A_1294 = arith.subi %add3A_900, %sub3A_1293 : i32
        %shift_right_logical3A_1295 = arith.constant 6 : i32
        %shift_right_logical3A_1296 = arith.shrui %sub3A_1294, %shift_right_logical3A_1295 : i32
        %and3A_1297 = arith.constant 63 : i32
        %and3A_1298 = arith.andi %sub3A_1294, %and3A_1297 : i32
        %shift_left3A_1299 = arith.constant 1 : i32
        %shift_left3A_1300 = arith.shli %and3A_1298, %shift_left3A_1299 : i32
        %mul3A_1301 = arith.constant 8 : i32
        %mul3A_1302 = arith.muli %shift_right_logical3A_1296, %mul3A_1301 : i32
        %add3A_1303 = arith.constant 6 : i32
        %add3A_1304 = arith.addi %mul3A_1302, %add3A_1303 : i32
        %mul3A_1305 = arith.constant 65536 : i32
        %mul3A_1306 = arith.muli %add3A_1304, %mul3A_1305 : i32
        %mul3A_1307 = arith.constant 512 : i32
        %mul3A_1308 = arith.muli %shift_left3A_1300, %mul3A_1307 : i32
        %add3A_1309 = arith.addi %mul3A_1306, %mul3A_1308 : i32
        %multiple_of3A_1310 = tpu.assume_multiple %add3A_1309, 1024 : i32
        %dma_wait3A_1311 = arith.constant 6 : i32
        %dma_wait3A_1312 = arith.constant 0 : i32
        %dma_wait3A_1313 = tpu.memref_slice %arg17[%dma_wait3A_1311, %dma_wait3A_1312] : memref<8x1024xf32, #tpu.memory_space<vmem>> -> memref<1x1024xf32, #tpu.memory_space<vmem>>
        %dma_wait3A_1314 = tpu.memref_squeeze %dma_wait3A_1313 : memref<1x1024xf32, #tpu.memory_space<vmem>> -> memref<1024xf32, #tpu.memory_space<vmem>>
        %dma_wait3A_1315 = tpu.memref_slice %arg6[%multiple_of3A_1310] : memref<13107200xf32, #tpu.memory_space<hbm>> -> memref<1024xf32, #tpu.memory_space<hbm>>
        %dma_wait3A_1316 = tpu.memref_slice %arg6[%multiple_of3A_1310] : memref<13107200xf32, #tpu.memory_space<hbm>> -> memref<1024xf32, #tpu.memory_space<hbm>>
        %dma_wait3A_1317 = arith.constant 0 : i32
        %dma_wait3A_1318 = tpu.memref_slice %arg17[%dma_wait3A_1311, %dma_wait3A_1317] : memref<8x1024xf32, #tpu.memory_space<vmem>> -> memref<1x1024xf32, #tpu.memory_space<vmem>>
        %dma_wait3A_1319 = tpu.memref_squeeze %dma_wait3A_1318 : memref<1x1024xf32, #tpu.memory_space<vmem>> -> memref<1024xf32, #tpu.memory_space<vmem>>
        tpu.wait_dma2 semaphore(%arg21 : memref<!tpu.dma_semaphore, #tpu.memory_space<semaphore_mem>>) src(%dma_wait3A_1319 : memref<1024xf32, #tpu.memory_space<vmem>>) dst(%dma_wait3A_1316 : memref<1024xf32, #tpu.memory_space<hbm>>)
        %sub3A_1320 = arith.constant 2 : i32
        %sub3A_1321 = arith.subi %add3A_900, %sub3A_1320 : i32
        %shift_right_logical3A_1322 = arith.constant 6 : i32
        %shift_right_logical3A_1323 = arith.shrui %sub3A_1321, %shift_right_logical3A_1322 : i32
        %and3A_1324 = arith.constant 63 : i32
        %and3A_1325 = arith.andi %sub3A_1321, %and3A_1324 : i32
        %shift_left3A_1326 = arith.constant 1 : i32
        %shift_left3A_1327 = arith.shli %and3A_1325, %shift_left3A_1326 : i32
        %mul3A_1328 = arith.constant 8 : i32
        %mul3A_1329 = arith.muli %shift_right_logical3A_1323, %mul3A_1328 : i32
        %add3A_1330 = arith.constant 7 : i32
        %add3A_1331 = arith.addi %mul3A_1329, %add3A_1330 : i32
        %mul3A_1332 = arith.constant 65536 : i32
        %mul3A_1333 = arith.muli %add3A_1331, %mul3A_1332 : i32
        %mul3A_1334 = arith.constant 512 : i32
        %mul3A_1335 = arith.muli %shift_left3A_1327, %mul3A_1334 : i32
        %add3A_1336 = arith.addi %mul3A_1333, %mul3A_1335 : i32
        %multiple_of3A_1337 = tpu.assume_multiple %add3A_1336, 1024 : i32
        %dma_wait3A_1338 = arith.constant 7 : i32
        %dma_wait3A_1339 = arith.constant 0 : i32
        %dma_wait3A_1340 = tpu.memref_slice %arg17[%dma_wait3A_1338, %dma_wait3A_1339] : memref<8x1024xf32, #tpu.memory_space<vmem>> -> memref<1x1024xf32, #tpu.memory_space<vmem>>
        %dma_wait3A_1341 = tpu.memref_squeeze %dma_wait3A_1340 : memref<1x1024xf32, #tpu.memory_space<vmem>> -> memref<1024xf32, #tpu.memory_space<vmem>>
        %dma_wait3A_1342 = tpu.memref_slice %arg6[%multiple_of3A_1337] : memref<13107200xf32, #tpu.memory_space<hbm>> -> memref<1024xf32, #tpu.memory_space<hbm>>
        %dma_wait3A_1343 = tpu.memref_slice %arg6[%multiple_of3A_1337] : memref<13107200xf32, #tpu.memory_space<hbm>> -> memref<1024xf32, #tpu.memory_space<hbm>>
        %dma_wait3A_1344 = arith.constant 0 : i32
        %dma_wait3A_1345 = tpu.memref_slice %arg17[%dma_wait3A_1338, %dma_wait3A_1344] : memref<8x1024xf32, #tpu.memory_space<vmem>> -> memref<1x1024xf32, #tpu.memory_space<vmem>>
        %dma_wait3A_1346 = tpu.memref_squeeze %dma_wait3A_1345 : memref<1x1024xf32, #tpu.memory_space<vmem>> -> memref<1024xf32, #tpu.memory_space<vmem>>
        tpu.wait_dma2 semaphore(%arg21 : memref<!tpu.dma_semaphore, #tpu.memory_space<semaphore_mem>>) src(%dma_wait3A_1346 : memref<1024xf32, #tpu.memory_space<vmem>>) dst(%dma_wait3A_1343 : memref<1024xf32, #tpu.memory_space<hbm>>)
      } else {
      }
      %parallel_loop3A_928 = arith.constant 0 : i32
      %parallel_loop3A_929 = arith.constant 8 : i32
      %parallel_loop3A_930 = arith.constant 1 : i32
      scf.for %parallel_loop3A_1131 = %parallel_loop3A_928 to %parallel_loop3A_929 step %parallel_loop3A_930  : i32 {
        %parallel_loop3A_1132 = arith.constant 16 : i32
        %parallel_loop3A_1133 = arith.muli %parallel_loop3A_1131, %parallel_loop3A_1132 : i32
        %parallel_loop3A_1134 = tpu.assume_multiple %parallel_loop3A_1133, 16 : i32
        %parallel_loop3A_1135 = arith.constant 0 : i32
        %parallel_loop3A_1136 = arith.constant 0 : i32
        %parallel_loop3A_1137 = arith.index_cast %parallel_loop3A_1135 : i32 to index
        %parallel_loop3A_1138 = arith.index_cast %parallel_loop3A_1136 : i32 to index
        %parallel_loop3A_1139 = arith.index_cast %parallel_loop3A_1134 : i32 to index
        %parallel_loop3A_1140 = tpu.vector_load %arg15[%parallel_loop3A_1137, %parallel_loop3A_1138, %parallel_loop3A_1139] {strides = array<i32>} : memref<2x8x128xi32, #tpu.memory_space<vmem>>, vector<16xi32>,
        %parallel_loop3A_1141 = tpu.vector_load_idx %arg10[%parallel_loop3A_1140] : memref<16xf32, #tpu.memory_space<vmem>>[vector<16xi32>], vector<16xf32>,
        %parallel_loop3A_1142 = tpu.vector_load_idx %arg11[%parallel_loop3A_1140] : memref<16xf32, #tpu.memory_space<vmem>>[vector<16xi32>], vector<16xf32>,
        %parallel_loop3A_1143 = tpu.vector_load_idx %arg12[%parallel_loop3A_1140] : memref<16xf32, #tpu.memory_space<vmem>>[vector<16xi32>], vector<16xf32>,
        %parallel_loop3A_1144 = tpu.vector_load_idx %arg13[%parallel_loop3A_1140] : memref<16xf32, #tpu.memory_space<vmem>>[vector<16xi32>], vector<16xf32>,
        %parallel_loop3A_1145 = arith.constant 0 : i32
        %parallel_loop3A_1146 = arith.addi %parallel_loop3A_1145, %parallel_loop3A_1134 : i32
        %parallel_loop3A_1147 = arith.constant 0 : i32
        %parallel_loop3A_1148 = arith.index_cast %parallel_loop3A_1147 : i32 to index
        %parallel_loop3A_1149 = arith.index_cast %parallel_loop3A_1146 : i32 to index
        %parallel_loop3A_1150 = tpu.vector_load %arg17[%parallel_loop3A_1148, %parallel_loop3A_1149] {strides = array<i32>} : memref<8x1024xf32, #tpu.memory_space<vmem>>, vector<16xf32>,
        tpu.vector_store %arg17[%parallel_loop3A_1148, %parallel_loop3A_1149], %parallel_loop3A_1141 {strides = array<i32>} : memref<8x1024xf32, #tpu.memory_space<vmem>>, vector<16xf32>,
        %parallel_loop3A_1151 = arith.constant 128 : i32
        %parallel_loop3A_1152 = arith.addi %parallel_loop3A_1151, %parallel_loop3A_1134 : i32
        %parallel_loop3A_1153 = arith.constant 0 : i32
        %parallel_loop3A_1154 = arith.index_cast %parallel_loop3A_1153 : i32 to index
        %parallel_loop3A_1155 = arith.index_cast %parallel_loop3A_1152 : i32 to index
        %parallel_loop3A_1156 = tpu.vector_load %arg17[%parallel_loop3A_1154, %parallel_loop3A_1155] {strides = array<i32>} : memref<8x1024xf32, #tpu.memory_space<vmem>>, vector<16xf32>,
        tpu.vector_store %arg17[%parallel_loop3A_1154, %parallel_loop3A_1155], %parallel_loop3A_1142 {strides = array<i32>} : memref<8x1024xf32, #tpu.memory_space<vmem>>, vector<16xf32>,
        %parallel_loop3A_1157 = arith.constant 256 : i32
        %parallel_loop3A_1158 = arith.addi %parallel_loop3A_1157, %parallel_loop3A_1134 : i32
        %parallel_loop3A_1159 = arith.constant 0 : i32
        %parallel_loop3A_1160 = arith.index_cast %parallel_loop3A_1159 : i32 to index
        %parallel_loop3A_1161 = arith.index_cast %parallel_loop3A_1158 : i32 to index
        %parallel_loop3A_1162 = tpu.vector_load %arg17[%parallel_loop3A_1160, %parallel_loop3A_1161] {strides = array<i32>} : memref<8x1024xf32, #tpu.memory_space<vmem>>, vector<16xf32>,
        tpu.vector_store %arg17[%parallel_loop3A_1160, %parallel_loop3A_1161], %parallel_loop3A_1143 {strides = array<i32>} : memref<8x1024xf32, #tpu.memory_space<vmem>>, vector<16xf32>,
        %parallel_loop3A_1163 = arith.constant 384 : i32
        %parallel_loop3A_1164 = arith.addi %parallel_loop3A_1163, %parallel_loop3A_1134 : i32
        %parallel_loop3A_1165 = arith.constant 0 : i32
        %parallel_loop3A_1166 = arith.index_cast %parallel_loop3A_1165 : i32 to index
        %parallel_loop3A_1167 = arith.index_cast %parallel_loop3A_1164 : i32 to index
        %parallel_loop3A_1168 = tpu.vector_load %arg17[%parallel_loop3A_1166, %parallel_loop3A_1167] {strides = array<i32>} : memref<8x1024xf32, #tpu.memory_space<vmem>>, vector<16xf32>,
        tpu.vector_store %arg17[%parallel_loop3A_1166, %parallel_loop3A_1167], %parallel_loop3A_1144 {strides = array<i32>} : memref<8x1024xf32, #tpu.memory_space<vmem>>, vector<16xf32>,
        %parallel_loop3A_1169 = arith.constant 0 : i32
        %parallel_loop3A_1170 = arith.constant 1 : i32
        %parallel_loop3A_1171 = arith.index_cast %parallel_loop3A_1169 : i32 to index
        %parallel_loop3A_1172 = arith.index_cast %parallel_loop3A_1170 : i32 to index
        %parallel_loop3A_1173 = arith.index_cast %parallel_loop3A_1134 : i32 to index
        %parallel_loop3A_1174 = tpu.vector_load %arg15[%parallel_loop3A_1171, %parallel_loop3A_1172, %parallel_loop3A_1173] {strides = array<i32>} : memref<2x8x128xi32, #tpu.memory_space<vmem>>, vector<16xi32>,
        %parallel_loop3A_1175 = tpu.vector_load_idx %arg10[%parallel_loop3A_1174] : memref<16xf32, #tpu.memory_space<vmem>>[vector<16xi32>], vector<16xf32>,
        %parallel_loop3A_1176 = tpu.vector_load_idx %arg11[%parallel_loop3A_1174] : memref<16xf32, #tpu.memory_space<vmem>>[vector<16xi32>], vector<16xf32>,
        %parallel_loop3A_1177 = tpu.vector_load_idx %arg12[%parallel_loop3A_1174] : memref<16xf32, #tpu.memory_space<vmem>>[vector<16xi32>], vector<16xf32>,
        %parallel_loop3A_1178 = tpu.vector_load_idx %arg13[%parallel_loop3A_1174] : memref<16xf32, #tpu.memory_space<vmem>>[vector<16xi32>], vector<16xf32>,
        %parallel_loop3A_1179 = arith.constant 0 : i32
        %parallel_loop3A_1180 = arith.addi %parallel_loop3A_1179, %parallel_loop3A_1134 : i32
        %parallel_loop3A_1181 = arith.constant 1 : i32
        %parallel_loop3A_1182 = arith.index_cast %parallel_loop3A_1181 : i32 to index
        %parallel_loop3A_1183 = arith.index_cast %parallel_loop3A_1180 : i32 to index
        %parallel_loop3A_1184 = tpu.vector_load %arg17[%parallel_loop3A_1182, %parallel_loop3A_1183] {strides = array<i32>} : memref<8x1024xf32, #tpu.memory_space<vmem>>, vector<16xf32>,
        tpu.vector_store %arg17[%parallel_loop3A_1182, %parallel_loop3A_1183], %parallel_loop3A_1175 {strides = array<i32>} : memref<8x1024xf32, #tpu.memory_space<vmem>>, vector<16xf32>,
        %parallel_loop3A_1185 = arith.constant 128 : i32
        %parallel_loop3A_1186 = arith.addi %parallel_loop3A_1185, %parallel_loop3A_1134 : i32
        %parallel_loop3A_1187 = arith.constant 1 : i32
        %parallel_loop3A_1188 = arith.index_cast %parallel_loop3A_1187 : i32 to index
        %parallel_loop3A_1189 = arith.index_cast %parallel_loop3A_1186 : i32 to index
        %parallel_loop3A_1190 = tpu.vector_load %arg17[%parallel_loop3A_1188, %parallel_loop3A_1189] {strides = array<i32>} : memref<8x1024xf32, #tpu.memory_space<vmem>>, vector<16xf32>,
        tpu.vector_store %arg17[%parallel_loop3A_1188, %parallel_loop3A_1189], %parallel_loop3A_1176 {strides = array<i32>} : memref<8x1024xf32, #tpu.memory_space<vmem>>, vector<16xf32>,
        %parallel_loop3A_1191 = arith.constant 256 : i32
        %parallel_loop3A_1192 = arith.addi %parallel_loop3A_1191, %parallel_loop3A_1134 : i32
        %parallel_loop3A_1193 = arith.constant 1 : i32
        %parallel_loop3A_1194 = arith.index_cast %parallel_loop3A_1193 : i32 to index
        %parallel_loop3A_1195 = arith.index_cast %parallel_loop3A_1192 : i32 to index
        %parallel_loop3A_1196 = tpu.vector_load %arg17[%parallel_loop3A_1194, %parallel_loop3A_1195] {strides = array<i32>} : memref<8x1024xf32, #tpu.memory_space<vmem>>, vector<16xf32>,
        tpu.vector_store %arg17[%parallel_loop3A_1194, %parallel_loop3A_1195], %parallel_loop3A_1177 {strides = array<i32>} : memref<8x1024xf32, #tpu.memory_space<vmem>>, vector<16xf32>,
        %parallel_loop3A_1197 = arith.constant 384 : i32
        %parallel_loop3A_1198 = arith.addi %parallel_loop3A_1197, %parallel_loop3A_1134 : i32
        %parallel_loop3A_1199 = arith.constant 1 : i32
        %parallel_loop3A_1200 = arith.index_cast %parallel_loop3A_1199 : i32 to index
        %parallel_loop3A_1201 = arith.index_cast %parallel_loop3A_1198 : i32 to index
        %parallel_loop3A_1202 = tpu.vector_load %arg17[%parallel_loop3A_1200, %parallel_loop3A_1201] {strides = array<i32>} : memref<8x1024xf32, #tpu.memory_space<vmem>>, vector<16xf32>,
        tpu.vector_store %arg17[%parallel_loop3A_1200, %parallel_loop3A_1201], %parallel_loop3A_1178 {strides = array<i32>} : memref<8x1024xf32, #tpu.memory_space<vmem>>, vector<16xf32>,
        %parallel_loop3A_1203 = arith.constant 0 : i32
        %parallel_loop3A_1204 = arith.constant 2 : i32
        %parallel_loop3A_1205 = arith.index_cast %parallel_loop3A_1203 : i32 to index
        %parallel_loop3A_1206 = arith.index_cast %parallel_loop3A_1204 : i32 to index
        %parallel_loop3A_1207 = arith.index_cast %parallel_loop3A_1134 : i32 to index
        %parallel_loop3A_1208 = tpu.vector_load %arg15[%parallel_loop3A_1205, %parallel_loop3A_1206, %parallel_loop3A_1207] {strides = array<i32>} : memref<2x8x128xi32, #tpu.memory_space<vmem>>, vector<16xi32>,
        %parallel_loop3A_1209 = tpu.vector_load_idx %arg10[%parallel_loop3A_1208] : memref<16xf32, #tpu.memory_space<vmem>>[vector<16xi32>], vector<16xf32>,
        %parallel_loop3A_1210 = tpu.vector_load_idx %arg11[%parallel_loop3A_1208] : memref<16xf32, #tpu.memory_space<vmem>>[vector<16xi32>], vector<16xf32>,
        %parallel_loop3A_1211 = tpu.vector_load_idx %arg12[%parallel_loop3A_1208] : memref<16xf32, #tpu.memory_space<vmem>>[vector<16xi32>], vector<16xf32>,
        %parallel_loop3A_1212 = tpu.vector_load_idx %arg13[%parallel_loop3A_1208] : memref<16xf32, #tpu.memory_space<vmem>>[vector<16xi32>], vector<16xf32>,
        %parallel_loop3A_1213 = arith.constant 0 : i32
        %parallel_loop3A_1214 = arith.addi %parallel_loop3A_1213, %parallel_loop3A_1134 : i32
        %parallel_loop3A_1215 = arith.constant 2 : i32
        %parallel_loop3A_1216 = arith.index_cast %parallel_loop3A_1215 : i32 to index
        %parallel_loop3A_1217 = arith.index_cast %parallel_loop3A_1214 : i32 to index
        %parallel_loop3A_1218 = tpu.vector_load %arg17[%parallel_loop3A_1216, %parallel_loop3A_1217] {strides = array<i32>} : memref<8x1024xf32, #tpu.memory_space<vmem>>, vector<16xf32>,
        tpu.vector_store %arg17[%parallel_loop3A_1216, %parallel_loop3A_1217], %parallel_loop3A_1209 {strides = array<i32>} : memref<8x1024xf32, #tpu.memory_space<vmem>>, vector<16xf32>,
        %parallel_loop3A_1219 = arith.constant 128 : i32
        %parallel_loop3A_1220 = arith.addi %parallel_loop3A_1219, %parallel_loop3A_1134 : i32
        %parallel_loop3A_1221 = arith.constant 2 : i32
        %parallel_loop3A_1222 = arith.index_cast %parallel_loop3A_1221 : i32 to index
        %parallel_loop3A_1223 = arith.index_cast %parallel_loop3A_1220 : i32 to index
        %parallel_loop3A_1224 = tpu.vector_load %arg17[%parallel_loop3A_1222, %parallel_loop3A_1223] {strides = array<i32>} : memref<8x1024xf32, #tpu.memory_space<vmem>>, vector<16xf32>,
        tpu.vector_store %arg17[%parallel_loop3A_1222, %parallel_loop3A_1223], %parallel_loop3A_1210 {strides = array<i32>} : memref<8x1024xf32, #tpu.memory_space<vmem>>, vector<16xf32>,
        %parallel_loop3A_1225 = arith.constant 256 : i32
        %parallel_loop3A_1226 = arith.addi %parallel_loop3A_1225, %parallel_loop3A_1134 : i32
        %parallel_loop3A_1227 = arith.constant 2 : i32
        %parallel_loop3A_1228 = arith.index_cast %parallel_loop3A_1227 : i32 to index
        %parallel_loop3A_1229 = arith.index_cast %parallel_loop3A_1226 : i32 to index
        %parallel_loop3A_1230 = tpu.vector_load %arg17[%parallel_loop3A_1228, %parallel_loop3A_1229] {strides = array<i32>} : memref<8x1024xf32, #tpu.memory_space<vmem>>, vector<16xf32>,
        tpu.vector_store %arg17[%parallel_loop3A_1228, %parallel_loop3A_1229], %parallel_loop3A_1211 {strides = array<i32>} : memref<8x1024xf32, #tpu.memory_space<vmem>>, vector<16xf32>,
        %parallel_loop3A_1231 = arith.constant 384 : i32
        %parallel_loop3A_1232 = arith.addi %parallel_loop3A_1231, %parallel_loop3A_1134 : i32
        %parallel_loop3A_1233 = arith.constant 2 : i32
        %parallel_loop3A_1234 = arith.index_cast %parallel_loop3A_1233 : i32 to index
        %parallel_loop3A_1235 = arith.index_cast %parallel_loop3A_1232 : i32 to index
        %parallel_loop3A_1236 = tpu.vector_load %arg17[%parallel_loop3A_1234, %parallel_loop3A_1235] {strides = array<i32>} : memref<8x1024xf32, #tpu.memory_space<vmem>>, vector<16xf32>,
        tpu.vector_store %arg17[%parallel_loop3A_1234, %parallel_loop3A_1235], %parallel_loop3A_1212 {strides = array<i32>} : memref<8x1024xf32, #tpu.memory_space<vmem>>, vector<16xf32>,
        %parallel_loop3A_1237 = arith.constant 0 : i32
        %parallel_loop3A_1238 = arith.constant 3 : i32
        %parallel_loop3A_1239 = arith.index_cast %parallel_loop3A_1237 : i32 to index
        %parallel_loop3A_1240 = arith.index_cast %parallel_loop3A_1238 : i32 to index
        %parallel_loop3A_1241 = arith.index_cast %parallel_loop3A_1134 : i32 to index
        %parallel_loop3A_1242 = tpu.vector_load %arg15[%parallel_loop3A_1239, %parallel_loop3A_1240, %parallel_loop3A_1241] {strides = array<i32>} : memref<2x8x128xi32, #tpu.memory_space<vmem>>, vector<16xi32>,
        %parallel_loop3A_1243 = tpu.vector_load_idx %arg10[%parallel_loop3A_1242] : memref<16xf32, #tpu.memory_space<vmem>>[vector<16xi32>], vector<16xf32>,
        %parallel_loop3A_1244 = tpu.vector_load_idx %arg11[%parallel_loop3A_1242] : memref<16xf32, #tpu.memory_space<vmem>>[vector<16xi32>], vector<16xf32>,
        %parallel_loop3A_1245 = tpu.vector_load_idx %arg12[%parallel_loop3A_1242] : memref<16xf32, #tpu.memory_space<vmem>>[vector<16xi32>], vector<16xf32>,
        %parallel_loop3A_1246 = tpu.vector_load_idx %arg13[%parallel_loop3A_1242] : memref<16xf32, #tpu.memory_space<vmem>>[vector<16xi32>], vector<16xf32>,
        %parallel_loop3A_1247 = arith.constant 0 : i32
        %parallel_loop3A_1248 = arith.addi %parallel_loop3A_1247, %parallel_loop3A_1134 : i32
        %parallel_loop3A_1249 = arith.constant 3 : i32
        %parallel_loop3A_1250 = arith.index_cast %parallel_loop3A_1249 : i32 to index
        %parallel_loop3A_1251 = arith.index_cast %parallel_loop3A_1248 : i32 to index
        %parallel_loop3A_1252 = tpu.vector_load %arg17[%parallel_loop3A_1250, %parallel_loop3A_1251] {strides = array<i32>} : memref<8x1024xf32, #tpu.memory_space<vmem>>, vector<16xf32>,
        tpu.vector_store %arg17[%parallel_loop3A_1250, %parallel_loop3A_1251], %parallel_loop3A_1243 {strides = array<i32>} : memref<8x1024xf32, #tpu.memory_space<vmem>>, vector<16xf32>,
        %parallel_loop3A_1253 = arith.constant 128 : i32
        %parallel_loop3A_1254 = arith.addi %parallel_loop3A_1253, %parallel_loop3A_1134 : i32
        %parallel_loop3A_1255 = arith.constant 3 : i32
        %parallel_loop3A_1256 = arith.index_cast %parallel_loop3A_1255 : i32 to index
        %parallel_loop3A_1257 = arith.index_cast %parallel_loop3A_1254 : i32 to index
        %parallel_loop3A_1258 = tpu.vector_load %arg17[%parallel_loop3A_1256, %parallel_loop3A_1257] {strides = array<i32>} : memref<8x1024xf32, #tpu.memory_space<vmem>>, vector<16xf32>,
        tpu.vector_store %arg17[%parallel_loop3A_1256, %parallel_loop3A_1257], %parallel_loop3A_1244 {strides = array<i32>} : memref<8x1024xf32, #tpu.memory_space<vmem>>, vector<16xf32>,
        %parallel_loop3A_1259 = arith.constant 256 : i32
        %parallel_loop3A_1260 = arith.addi %parallel_loop3A_1259, %parallel_loop3A_1134 : i32
        %parallel_loop3A_1261 = arith.constant 3 : i32
        %parallel_loop3A_1262 = arith.index_cast %parallel_loop3A_1261 : i32 to index
        %parallel_loop3A_1263 = arith.index_cast %parallel_loop3A_1260 : i32 to index
        %parallel_loop3A_1264 = tpu.vector_load %arg17[%parallel_loop3A_1262, %parallel_loop3A_1263] {strides = array<i32>} : memref<8x1024xf32, #tpu.memory_space<vmem>>, vector<16xf32>,
        tpu.vector_store %arg17[%parallel_loop3A_1262, %parallel_loop3A_1263], %parallel_loop3A_1245 {strides = array<i32>} : memref<8x1024xf32, #tpu.memory_space<vmem>>, vector<16xf32>,
        %parallel_loop3A_1265 = arith.constant 384 : i32
        %parallel_loop3A_1266 = arith.addi %parallel_loop3A_1265, %parallel_loop3A_1134 : i32
        %parallel_loop3A_1267 = arith.constant 3 : i32
        %parallel_loop3A_1268 = arith.index_cast %parallel_loop3A_1267 : i32 to index
        %parallel_loop3A_1269 = arith.index_cast %parallel_loop3A_1266 : i32 to index
        %parallel_loop3A_1270 = tpu.vector_load %arg17[%parallel_loop3A_1268, %parallel_loop3A_1269] {strides = array<i32>} : memref<8x1024xf32, #tpu.memory_space<vmem>>, vector<16xf32>,
        tpu.vector_store %arg17[%parallel_loop3A_1268, %parallel_loop3A_1269], %parallel_loop3A_1246 {strides = array<i32>} : memref<8x1024xf32, #tpu.memory_space<vmem>>, vector<16xf32>,
        %parallel_loop3A_1271 = arith.constant 0 : i32
        %parallel_loop3A_1272 = arith.constant 4 : i32
        %parallel_loop3A_1273 = arith.index_cast %parallel_loop3A_1271 : i32 to index
        %parallel_loop3A_1274 = arith.index_cast %parallel_loop3A_1272 : i32 to index
        %parallel_loop3A_1275 = arith.index_cast %parallel_loop3A_1134 : i32 to index
        %parallel_loop3A_1276 = tpu.vector_load %arg15[%parallel_loop3A_1273, %parallel_loop3A_1274, %parallel_loop3A_1275] {strides = array<i32>} : memref<2x8x128xi32, #tpu.memory_space<vmem>>, vector<16xi32>,
        %parallel_loop3A_1277 = tpu.vector_load_idx %arg10[%parallel_loop3A_1276] : memref<16xf32, #tpu.memory_space<vmem>>[vector<16xi32>], vector<16xf32>,
        %parallel_loop3A_1278 = tpu.vector_load_idx %arg11[%parallel_loop3A_1276] : memref<16xf32, #tpu.memory_space<vmem>>[vector<16xi32>], vector<16xf32>,
        %parallel_loop3A_1279 = tpu.vector_load_idx %arg12[%parallel_loop3A_1276] : memref<16xf32, #tpu.memory_space<vmem>>[vector<16xi32>], vector<16xf32>,
        %parallel_loop3A_1280 = tpu.vector_load_idx %arg13[%parallel_loop3A_1276] : memref<16xf32, #tpu.memory_space<vmem>>[vector<16xi32>], vector<16xf32>,
        %parallel_loop3A_1281 = arith.constant 0 : i32
        %parallel_loop3A_1282 = arith.addi %parallel_loop3A_1281, %parallel_loop3A_1134 : i32
        %parallel_loop3A_1283 = arith.constant 4 : i32
        %parallel_loop3A_1284 = arith.index_cast %parallel_loop3A_1283 : i32 to index
        %parallel_loop3A_1285 = arith.index_cast %parallel_loop3A_1282 : i32 to index
        %parallel_loop3A_1286 = tpu.vector_load %arg17[%parallel_loop3A_1284, %parallel_loop3A_1285] {strides = array<i32>} : memref<8x1024xf32, #tpu.memory_space<vmem>>, vector<16xf32>,
        tpu.vector_store %arg17[%parallel_loop3A_1284, %parallel_loop3A_1285], %parallel_loop3A_1277 {strides = array<i32>} : memref<8x1024xf32, #tpu.memory_space<vmem>>, vector<16xf32>,
        %parallel_loop3A_1287 = arith.constant 128 : i32
        %parallel_loop3A_1288 = arith.addi %parallel_loop3A_1287, %parallel_loop3A_1134 : i32
        %parallel_loop3A_1289 = arith.constant 4 : i32
        %parallel_loop3A_1290 = arith.index_cast %parallel_loop3A_1289 : i32 to index
        %parallel_loop3A_1291 = arith.index_cast %parallel_loop3A_1288 : i32 to index
        %parallel_loop3A_1292 = tpu.vector_load %arg17[%parallel_loop3A_1290, %parallel_loop3A_1291] {strides = array<i32>} : memref<8x1024xf32, #tpu.memory_space<vmem>>, vector<16xf32>,
        tpu.vector_store %arg17[%parallel_loop3A_1290, %parallel_loop3A_1291], %parallel_loop3A_1278 {strides = array<i32>} : memref<8x1024xf32, #tpu.memory_space<vmem>>, vector<16xf32>,
        %parallel_loop3A_1293 = arith.constant 256 : i32
        %parallel_loop3A_1294 = arith.addi %parallel_loop3A_1293, %parallel_loop3A_1134 : i32
        %parallel_loop3A_1295 = arith.constant 4 : i32
        %parallel_loop3A_1296 = arith.index_cast %parallel_loop3A_1295 : i32 to index
        %parallel_loop3A_1297 = arith.index_cast %parallel_loop3A_1294 : i32 to index
        %parallel_loop3A_1298 = tpu.vector_load %arg17[%parallel_loop3A_1296, %parallel_loop3A_1297] {strides = array<i32>} : memref<8x1024xf32, #tpu.memory_space<vmem>>, vector<16xf32>,
        tpu.vector_store %arg17[%parallel_loop3A_1296, %parallel_loop3A_1297], %parallel_loop3A_1279 {strides = array<i32>} : memref<8x1024xf32, #tpu.memory_space<vmem>>, vector<16xf32>,
        %parallel_loop3A_1299 = arith.constant 384 : i32
        %parallel_loop3A_1300 = arith.addi %parallel_loop3A_1299, %parallel_loop3A_1134 : i32
        %parallel_loop3A_1301 = arith.constant 4 : i32
        %parallel_loop3A_1302 = arith.index_cast %parallel_loop3A_1301 : i32 to index
        %parallel_loop3A_1303 = arith.index_cast %parallel_loop3A_1300 : i32 to index
        %parallel_loop3A_1304 = tpu.vector_load %arg17[%parallel_loop3A_1302, %parallel_loop3A_1303] {strides = array<i32>} : memref<8x1024xf32, #tpu.memory_space<vmem>>, vector<16xf32>,
        tpu.vector_store %arg17[%parallel_loop3A_1302, %parallel_loop3A_1303], %parallel_loop3A_1280 {strides = array<i32>} : memref<8x1024xf32, #tpu.memory_space<vmem>>, vector<16xf32>,
        %parallel_loop3A_1305 = arith.constant 0 : i32
        %parallel_loop3A_1306 = arith.constant 5 : i32
        %parallel_loop3A_1307 = arith.index_cast %parallel_loop3A_1305 : i32 to index
        %parallel_loop3A_1308 = arith.index_cast %parallel_loop3A_1306 : i32 to index
        %parallel_loop3A_1309 = arith.index_cast %parallel_loop3A_1134 : i32 to index
        %parallel_loop3A_1310 = tpu.vector_load %arg15[%parallel_loop3A_1307, %parallel_loop3A_1308, %parallel_loop3A_1309] {strides = array<i32>} : memref<2x8x128xi32, #tpu.memory_space<vmem>>, vector<16xi32>,
        %parallel_loop3A_1311 = tpu.vector_load_idx %arg10[%parallel_loop3A_1310] : memref<16xf32, #tpu.memory_space<vmem>>[vector<16xi32>], vector<16xf32>,
        %parallel_loop3A_1312 = tpu.vector_load_idx %arg11[%parallel_loop3A_1310] : memref<16xf32, #tpu.memory_space<vmem>>[vector<16xi32>], vector<16xf32>,
        %parallel_loop3A_1313 = tpu.vector_load_idx %arg12[%parallel_loop3A_1310] : memref<16xf32, #tpu.memory_space<vmem>>[vector<16xi32>], vector<16xf32>,
        %parallel_loop3A_1314 = tpu.vector_load_idx %arg13[%parallel_loop3A_1310] : memref<16xf32, #tpu.memory_space<vmem>>[vector<16xi32>], vector<16xf32>,
        %parallel_loop3A_1315 = arith.constant 0 : i32
        %parallel_loop3A_1316 = arith.addi %parallel_loop3A_1315, %parallel_loop3A_1134 : i32
        %parallel_loop3A_1317 = arith.constant 5 : i32
        %parallel_loop3A_1318 = arith.index_cast %parallel_loop3A_1317 : i32 to index
        %parallel_loop3A_1319 = arith.index_cast %parallel_loop3A_1316 : i32 to index
        %parallel_loop3A_1320 = tpu.vector_load %arg17[%parallel_loop3A_1318, %parallel_loop3A_1319] {strides = array<i32>} : memref<8x1024xf32, #tpu.memory_space<vmem>>, vector<16xf32>,
        tpu.vector_store %arg17[%parallel_loop3A_1318, %parallel_loop3A_1319], %parallel_loop3A_1311 {strides = array<i32>} : memref<8x1024xf32, #tpu.memory_space<vmem>>, vector<16xf32>,
        %parallel_loop3A_1321 = arith.constant 128 : i32
        %parallel_loop3A_1322 = arith.addi %parallel_loop3A_1321, %parallel_loop3A_1134 : i32
        %parallel_loop3A_1323 = arith.constant 5 : i32
        %parallel_loop3A_1324 = arith.index_cast %parallel_loop3A_1323 : i32 to index
        %parallel_loop3A_1325 = arith.index_cast %parallel_loop3A_1322 : i32 to index
        %parallel_loop3A_1326 = tpu.vector_load %arg17[%parallel_loop3A_1324, %parallel_loop3A_1325] {strides = array<i32>} : memref<8x1024xf32, #tpu.memory_space<vmem>>, vector<16xf32>,
        tpu.vector_store %arg17[%parallel_loop3A_1324, %parallel_loop3A_1325], %parallel_loop3A_1312 {strides = array<i32>} : memref<8x1024xf32, #tpu.memory_space<vmem>>, vector<16xf32>,
        %parallel_loop3A_1327 = arith.constant 256 : i32
        %parallel_loop3A_1328 = arith.addi %parallel_loop3A_1327, %parallel_loop3A_1134 : i32
        %parallel_loop3A_1329 = arith.constant 5 : i32
        %parallel_loop3A_1330 = arith.index_cast %parallel_loop3A_1329 : i32 to index
        %parallel_loop3A_1331 = arith.index_cast %parallel_loop3A_1328 : i32 to index
        %parallel_loop3A_1332 = tpu.vector_load %arg17[%parallel_loop3A_1330, %parallel_loop3A_1331] {strides = array<i32>} : memref<8x1024xf32, #tpu.memory_space<vmem>>, vector<16xf32>,
        tpu.vector_store %arg17[%parallel_loop3A_1330, %parallel_loop3A_1331], %parallel_loop3A_1313 {strides = array<i32>} : memref<8x1024xf32, #tpu.memory_space<vmem>>, vector<16xf32>,
        %parallel_loop3A_1333 = arith.constant 384 : i32
        %parallel_loop3A_1334 = arith.addi %parallel_loop3A_1333, %parallel_loop3A_1134 : i32
        %parallel_loop3A_1335 = arith.constant 5 : i32
        %parallel_loop3A_1336 = arith.index_cast %parallel_loop3A_1335 : i32 to index
        %parallel_loop3A_1337 = arith.index_cast %parallel_loop3A_1334 : i32 to index
        %parallel_loop3A_1338 = tpu.vector_load %arg17[%parallel_loop3A_1336, %parallel_loop3A_1337] {strides = array<i32>} : memref<8x1024xf32, #tpu.memory_space<vmem>>, vector<16xf32>,
        tpu.vector_store %arg17[%parallel_loop3A_1336, %parallel_loop3A_1337], %parallel_loop3A_1314 {strides = array<i32>} : memref<8x1024xf32, #tpu.memory_space<vmem>>, vector<16xf32>,
        %parallel_loop3A_1339 = arith.constant 0 : i32
        %parallel_loop3A_1340 = arith.constant 6 : i32
        %parallel_loop3A_1341 = arith.index_cast %parallel_loop3A_1339 : i32 to index
        %parallel_loop3A_1342 = arith.index_cast %parallel_loop3A_1340 : i32 to index
        %parallel_loop3A_1343 = arith.index_cast %parallel_loop3A_1134 : i32 to index
        %parallel_loop3A_1344 = tpu.vector_load %arg15[%parallel_loop3A_1341, %parallel_loop3A_1342, %parallel_loop3A_1343] {strides = array<i32>} : memref<2x8x128xi32, #tpu.memory_space<vmem>>, vector<16xi32>,
        %parallel_loop3A_1345 = tpu.vector_load_idx %arg10[%parallel_loop3A_1344] : memref<16xf32, #tpu.memory_space<vmem>>[vector<16xi32>], vector<16xf32>,
        %parallel_loop3A_1346 = tpu.vector_load_idx %arg11[%parallel_loop3A_1344] : memref<16xf32, #tpu.memory_space<vmem>>[vector<16xi32>], vector<16xf32>,
        %parallel_loop3A_1347 = tpu.vector_load_idx %arg12[%parallel_loop3A_1344] : memref<16xf32, #tpu.memory_space<vmem>>[vector<16xi32>], vector<16xf32>,
        %parallel_loop3A_1348 = tpu.vector_load_idx %arg13[%parallel_loop3A_1344] : memref<16xf32, #tpu.memory_space<vmem>>[vector<16xi32>], vector<16xf32>,
        %parallel_loop3A_1349 = arith.constant 0 : i32
        %parallel_loop3A_1350 = arith.addi %parallel_loop3A_1349, %parallel_loop3A_1134 : i32
        %parallel_loop3A_1351 = arith.constant 6 : i32
        %parallel_loop3A_1352 = arith.index_cast %parallel_loop3A_1351 : i32 to index
        %parallel_loop3A_1353 = arith.index_cast %parallel_loop3A_1350 : i32 to index
        %parallel_loop3A_1354 = tpu.vector_load %arg17[%parallel_loop3A_1352, %parallel_loop3A_1353] {strides = array<i32>} : memref<8x1024xf32, #tpu.memory_space<vmem>>, vector<16xf32>,
        tpu.vector_store %arg17[%parallel_loop3A_1352, %parallel_loop3A_1353], %parallel_loop3A_1345 {strides = array<i32>} : memref<8x1024xf32, #tpu.memory_space<vmem>>, vector<16xf32>,
        %parallel_loop3A_1355 = arith.constant 128 : i32
        %parallel_loop3A_1356 = arith.addi %parallel_loop3A_1355, %parallel_loop3A_1134 : i32
        %parallel_loop3A_1357 = arith.constant 6 : i32
        %parallel_loop3A_1358 = arith.index_cast %parallel_loop3A_1357 : i32 to index
        %parallel_loop3A_1359 = arith.index_cast %parallel_loop3A_1356 : i32 to index
        %parallel_loop3A_1360 = tpu.vector_load %arg17[%parallel_loop3A_1358, %parallel_loop3A_1359] {strides = array<i32>} : memref<8x1024xf32, #tpu.memory_space<vmem>>, vector<16xf32>,
        tpu.vector_store %arg17[%parallel_loop3A_1358, %parallel_loop3A_1359], %parallel_loop3A_1346 {strides = array<i32>} : memref<8x1024xf32, #tpu.memory_space<vmem>>, vector<16xf32>,
        %parallel_loop3A_1361 = arith.constant 256 : i32
        %parallel_loop3A_1362 = arith.addi %parallel_loop3A_1361, %parallel_loop3A_1134 : i32
        %parallel_loop3A_1363 = arith.constant 6 : i32
        %parallel_loop3A_1364 = arith.index_cast %parallel_loop3A_1363 : i32 to index
        %parallel_loop3A_1365 = arith.index_cast %parallel_loop3A_1362 : i32 to index
        %parallel_loop3A_1366 = tpu.vector_load %arg17[%parallel_loop3A_1364, %parallel_loop3A_1365] {strides = array<i32>} : memref<8x1024xf32, #tpu.memory_space<vmem>>, vector<16xf32>,
        tpu.vector_store %arg17[%parallel_loop3A_1364, %parallel_loop3A_1365], %parallel_loop3A_1347 {strides = array<i32>} : memref<8x1024xf32, #tpu.memory_space<vmem>>, vector<16xf32>,
        %parallel_loop3A_1367 = arith.constant 384 : i32
        %parallel_loop3A_1368 = arith.addi %parallel_loop3A_1367, %parallel_loop3A_1134 : i32
        %parallel_loop3A_1369 = arith.constant 6 : i32
        %parallel_loop3A_1370 = arith.index_cast %parallel_loop3A_1369 : i32 to index
        %parallel_loop3A_1371 = arith.index_cast %parallel_loop3A_1368 : i32 to index
        %parallel_loop3A_1372 = tpu.vector_load %arg17[%parallel_loop3A_1370, %parallel_loop3A_1371] {strides = array<i32>} : memref<8x1024xf32, #tpu.memory_space<vmem>>, vector<16xf32>,
        tpu.vector_store %arg17[%parallel_loop3A_1370, %parallel_loop3A_1371], %parallel_loop3A_1348 {strides = array<i32>} : memref<8x1024xf32, #tpu.memory_space<vmem>>, vector<16xf32>,
        %parallel_loop3A_1373 = arith.constant 0 : i32
        %parallel_loop3A_1374 = arith.constant 7 : i32
        %parallel_loop3A_1375 = arith.index_cast %parallel_loop3A_1373 : i32 to index
        %parallel_loop3A_1376 = arith.index_cast %parallel_loop3A_1374 : i32 to index
        %parallel_loop3A_1377 = arith.index_cast %parallel_loop3A_1134 : i32 to index
        %parallel_loop3A_1378 = tpu.vector_load %arg15[%parallel_loop3A_1375, %parallel_loop3A_1376, %parallel_loop3A_1377] {strides = array<i32>} : memref<2x8x128xi32, #tpu.memory_space<vmem>>, vector<16xi32>,
        %parallel_loop3A_1379 = tpu.vector_load_idx %arg10[%parallel_loop3A_1378] : memref<16xf32, #tpu.memory_space<vmem>>[vector<16xi32>], vector<16xf32>,
        %parallel_loop3A_1380 = tpu.vector_load_idx %arg11[%parallel_loop3A_1378] : memref<16xf32, #tpu.memory_space<vmem>>[vector<16xi32>], vector<16xf32>,
        %parallel_loop3A_1381 = tpu.vector_load_idx %arg12[%parallel_loop3A_1378] : memref<16xf32, #tpu.memory_space<vmem>>[vector<16xi32>], vector<16xf32>,
        %parallel_loop3A_1382 = tpu.vector_load_idx %arg13[%parallel_loop3A_1378] : memref<16xf32, #tpu.memory_space<vmem>>[vector<16xi32>], vector<16xf32>,
        %parallel_loop3A_1383 = arith.constant 0 : i32
        %parallel_loop3A_1384 = arith.addi %parallel_loop3A_1383, %parallel_loop3A_1134 : i32
        %parallel_loop3A_1385 = arith.constant 7 : i32
        %parallel_loop3A_1386 = arith.index_cast %parallel_loop3A_1385 : i32 to index
        %parallel_loop3A_1387 = arith.index_cast %parallel_loop3A_1384 : i32 to index
        %parallel_loop3A_1388 = tpu.vector_load %arg17[%parallel_loop3A_1386, %parallel_loop3A_1387] {strides = array<i32>} : memref<8x1024xf32, #tpu.memory_space<vmem>>, vector<16xf32>,
        tpu.vector_store %arg17[%parallel_loop3A_1386, %parallel_loop3A_1387], %parallel_loop3A_1379 {strides = array<i32>} : memref<8x1024xf32, #tpu.memory_space<vmem>>, vector<16xf32>,
        %parallel_loop3A_1389 = arith.constant 128 : i32
        %parallel_loop3A_1390 = arith.addi %parallel_loop3A_1389, %parallel_loop3A_1134 : i32
        %parallel_loop3A_1391 = arith.constant 7 : i32
        %parallel_loop3A_1392 = arith.index_cast %parallel_loop3A_1391 : i32 to index
        %parallel_loop3A_1393 = arith.index_cast %parallel_loop3A_1390 : i32 to index
        %parallel_loop3A_1394 = tpu.vector_load %arg17[%parallel_loop3A_1392, %parallel_loop3A_1393] {strides = array<i32>} : memref<8x1024xf32, #tpu.memory_space<vmem>>, vector<16xf32>,
        tpu.vector_store %arg17[%parallel_loop3A_1392, %parallel_loop3A_1393], %parallel_loop3A_1380 {strides = array<i32>} : memref<8x1024xf32, #tpu.memory_space<vmem>>, vector<16xf32>,
        %parallel_loop3A_1395 = arith.constant 256 : i32
        %parallel_loop3A_1396 = arith.addi %parallel_loop3A_1395, %parallel_loop3A_1134 : i32
        %parallel_loop3A_1397 = arith.constant 7 : i32
        %parallel_loop3A_1398 = arith.index_cast %parallel_loop3A_1397 : i32 to index
        %parallel_loop3A_1399 = arith.index_cast %parallel_loop3A_1396 : i32 to index
        %parallel_loop3A_1400 = tpu.vector_load %arg17[%parallel_loop3A_1398, %parallel_loop3A_1399] {strides = array<i32>} : memref<8x1024xf32, #tpu.memory_space<vmem>>, vector<16xf32>,
        tpu.vector_store %arg17[%parallel_loop3A_1398, %parallel_loop3A_1399], %parallel_loop3A_1381 {strides = array<i32>} : memref<8x1024xf32, #tpu.memory_space<vmem>>, vector<16xf32>,
        %parallel_loop3A_1401 = arith.constant 384 : i32
        %parallel_loop3A_1402 = arith.addi %parallel_loop3A_1401, %parallel_loop3A_1134 : i32
        %parallel_loop3A_1403 = arith.constant 7 : i32
        %parallel_loop3A_1404 = arith.index_cast %parallel_loop3A_1403 : i32 to index
        %parallel_loop3A_1405 = arith.index_cast %parallel_loop3A_1402 : i32 to index
        %parallel_loop3A_1406 = tpu.vector_load %arg17[%parallel_loop3A_1404, %parallel_loop3A_1405] {strides = array<i32>} : memref<8x1024xf32, #tpu.memory_space<vmem>>, vector<16xf32>,
        tpu.vector_store %arg17[%parallel_loop3A_1404, %parallel_loop3A_1405], %parallel_loop3A_1382 {strides = array<i32>} : memref<8x1024xf32, #tpu.memory_space<vmem>>, vector<16xf32>,
        %parallel_loop3A_1407 = arith.constant 1 : i32
        %parallel_loop3A_1408 = arith.constant 0 : i32
        %parallel_loop3A_1409 = arith.index_cast %parallel_loop3A_1407 : i32 to index
        %parallel_loop3A_1410 = arith.index_cast %parallel_loop3A_1408 : i32 to index
        %parallel_loop3A_1411 = arith.index_cast %parallel_loop3A_1134 : i32 to index
        %parallel_loop3A_1412 = tpu.vector_load %arg15[%parallel_loop3A_1409, %parallel_loop3A_1410, %parallel_loop3A_1411] {strides = array<i32>} : memref<2x8x128xi32, #tpu.memory_space<vmem>>, vector<16xi32>,
        %parallel_loop3A_1413 = tpu.vector_load_idx %arg10[%parallel_loop3A_1412] : memref<16xf32, #tpu.memory_space<vmem>>[vector<16xi32>], vector<16xf32>,
        %parallel_loop3A_1414 = tpu.vector_load_idx %arg11[%parallel_loop3A_1412] : memref<16xf32, #tpu.memory_space<vmem>>[vector<16xi32>], vector<16xf32>,
        %parallel_loop3A_1415 = tpu.vector_load_idx %arg12[%parallel_loop3A_1412] : memref<16xf32, #tpu.memory_space<vmem>>[vector<16xi32>], vector<16xf32>,
        %parallel_loop3A_1416 = tpu.vector_load_idx %arg13[%parallel_loop3A_1412] : memref<16xf32, #tpu.memory_space<vmem>>[vector<16xi32>], vector<16xf32>,
        %parallel_loop3A_1417 = arith.constant 512 : i32
        %parallel_loop3A_1418 = arith.addi %parallel_loop3A_1417, %parallel_loop3A_1134 : i32
        %parallel_loop3A_1419 = arith.constant 0 : i32
        %parallel_loop3A_1420 = arith.index_cast %parallel_loop3A_1419 : i32 to index
        %parallel_loop3A_1421 = arith.index_cast %parallel_loop3A_1418 : i32 to index
        %parallel_loop3A_1422 = tpu.vector_load %arg17[%parallel_loop3A_1420, %parallel_loop3A_1421] {strides = array<i32>} : memref<8x1024xf32, #tpu.memory_space<vmem>>, vector<16xf32>,
        tpu.vector_store %arg17[%parallel_loop3A_1420, %parallel_loop3A_1421], %parallel_loop3A_1413 {strides = array<i32>} : memref<8x1024xf32, #tpu.memory_space<vmem>>, vector<16xf32>,
        %parallel_loop3A_1423 = arith.constant 640 : i32
        %parallel_loop3A_1424 = arith.addi %parallel_loop3A_1423, %parallel_loop3A_1134 : i32
        %parallel_loop3A_1425 = arith.constant 0 : i32
        %parallel_loop3A_1426 = arith.index_cast %parallel_loop3A_1425 : i32 to index
        %parallel_loop3A_1427 = arith.index_cast %parallel_loop3A_1424 : i32 to index
        %parallel_loop3A_1428 = tpu.vector_load %arg17[%parallel_loop3A_1426, %parallel_loop3A_1427] {strides = array<i32>} : memref<8x1024xf32, #tpu.memory_space<vmem>>, vector<16xf32>,
        tpu.vector_store %arg17[%parallel_loop3A_1426, %parallel_loop3A_1427], %parallel_loop3A_1414 {strides = array<i32>} : memref<8x1024xf32, #tpu.memory_space<vmem>>, vector<16xf32>,
        %parallel_loop3A_1429 = arith.constant 768 : i32
        %parallel_loop3A_1430 = arith.addi %parallel_loop3A_1429, %parallel_loop3A_1134 : i32
        %parallel_loop3A_1431 = arith.constant 0 : i32
        %parallel_loop3A_1432 = arith.index_cast %parallel_loop3A_1431 : i32 to index
        %parallel_loop3A_1433 = arith.index_cast %parallel_loop3A_1430 : i32 to index
        %parallel_loop3A_1434 = tpu.vector_load %arg17[%parallel_loop3A_1432, %parallel_loop3A_1433] {strides = array<i32>} : memref<8x1024xf32, #tpu.memory_space<vmem>>, vector<16xf32>,
        tpu.vector_store %arg17[%parallel_loop3A_1432, %parallel_loop3A_1433], %parallel_loop3A_1415 {strides = array<i32>} : memref<8x1024xf32, #tpu.memory_space<vmem>>, vector<16xf32>,
        %parallel_loop3A_1435 = arith.constant 896 : i32
        %parallel_loop3A_1436 = arith.addi %parallel_loop3A_1435, %parallel_loop3A_1134 : i32
        %parallel_loop3A_1437 = arith.constant 0 : i32
        %parallel_loop3A_1438 = arith.index_cast %parallel_loop3A_1437 : i32 to index
        %parallel_loop3A_1439 = arith.index_cast %parallel_loop3A_1436 : i32 to index
        %parallel_loop3A_1440 = tpu.vector_load %arg17[%parallel_loop3A_1438, %parallel_loop3A_1439] {strides = array<i32>} : memref<8x1024xf32, #tpu.memory_space<vmem>>, vector<16xf32>,
        tpu.vector_store %arg17[%parallel_loop3A_1438, %parallel_loop3A_1439], %parallel_loop3A_1416 {strides = array<i32>} : memref<8x1024xf32, #tpu.memory_space<vmem>>, vector<16xf32>,
        %parallel_loop3A_1441 = arith.constant 1 : i32
        %parallel_loop3A_1442 = arith.constant 1 : i32
        %parallel_loop3A_1443 = arith.index_cast %parallel_loop3A_1441 : i32 to index
        %parallel_loop3A_1444 = arith.index_cast %parallel_loop3A_1442 : i32 to index
        %parallel_loop3A_1445 = arith.index_cast %parallel_loop3A_1134 : i32 to index
        %parallel_loop3A_1446 = tpu.vector_load %arg15[%parallel_loop3A_1443, %parallel_loop3A_1444, %parallel_loop3A_1445] {strides = array<i32>} : memref<2x8x128xi32, #tpu.memory_space<vmem>>, vector<16xi32>,
        %parallel_loop3A_1447 = tpu.vector_load_idx %arg10[%parallel_loop3A_1446] : memref<16xf32, #tpu.memory_space<vmem>>[vector<16xi32>], vector<16xf32>,
        %parallel_loop3A_1448 = tpu.vector_load_idx %arg11[%parallel_loop3A_1446] : memref<16xf32, #tpu.memory_space<vmem>>[vector<16xi32>], vector<16xf32>,
        %parallel_loop3A_1449 = tpu.vector_load_idx %arg12[%parallel_loop3A_1446] : memref<16xf32, #tpu.memory_space<vmem>>[vector<16xi32>], vector<16xf32>,
        %parallel_loop3A_1450 = tpu.vector_load_idx %arg13[%parallel_loop3A_1446] : memref<16xf32, #tpu.memory_space<vmem>>[vector<16xi32>], vector<16xf32>,
        %parallel_loop3A_1451 = arith.constant 512 : i32
        %parallel_loop3A_1452 = arith.addi %parallel_loop3A_1451, %parallel_loop3A_1134 : i32
        %parallel_loop3A_1453 = arith.constant 1 : i32
        %parallel_loop3A_1454 = arith.index_cast %parallel_loop3A_1453 : i32 to index
        %parallel_loop3A_1455 = arith.index_cast %parallel_loop3A_1452 : i32 to index
        %parallel_loop3A_1456 = tpu.vector_load %arg17[%parallel_loop3A_1454, %parallel_loop3A_1455] {strides = array<i32>} : memref<8x1024xf32, #tpu.memory_space<vmem>>, vector<16xf32>,
        tpu.vector_store %arg17[%parallel_loop3A_1454, %parallel_loop3A_1455], %parallel_loop3A_1447 {strides = array<i32>} : memref<8x1024xf32, #tpu.memory_space<vmem>>, vector<16xf32>,
        %parallel_loop3A_1457 = arith.constant 640 : i32
        %parallel_loop3A_1458 = arith.addi %parallel_loop3A_1457, %parallel_loop3A_1134 : i32
        %parallel_loop3A_1459 = arith.constant 1 : i32
        %parallel_loop3A_1460 = arith.index_cast %parallel_loop3A_1459 : i32 to index
        %parallel_loop3A_1461 = arith.index_cast %parallel_loop3A_1458 : i32 to index
        %parallel_loop3A_1462 = tpu.vector_load %arg17[%parallel_loop3A_1460, %parallel_loop3A_1461] {strides = array<i32>} : memref<8x1024xf32, #tpu.memory_space<vmem>>, vector<16xf32>,
        tpu.vector_store %arg17[%parallel_loop3A_1460, %parallel_loop3A_1461], %parallel_loop3A_1448 {strides = array<i32>} : memref<8x1024xf32, #tpu.memory_space<vmem>>, vector<16xf32>,
        %parallel_loop3A_1463 = arith.constant 768 : i32
        %parallel_loop3A_1464 = arith.addi %parallel_loop3A_1463, %parallel_loop3A_1134 : i32
        %parallel_loop3A_1465 = arith.constant 1 : i32
        %parallel_loop3A_1466 = arith.index_cast %parallel_loop3A_1465 : i32 to index
        %parallel_loop3A_1467 = arith.index_cast %parallel_loop3A_1464 : i32 to index
        %parallel_loop3A_1468 = tpu.vector_load %arg17[%parallel_loop3A_1466, %parallel_loop3A_1467] {strides = array<i32>} : memref<8x1024xf32, #tpu.memory_space<vmem>>, vector<16xf32>,
        tpu.vector_store %arg17[%parallel_loop3A_1466, %parallel_loop3A_1467], %parallel_loop3A_1449 {strides = array<i32>} : memref<8x1024xf32, #tpu.memory_space<vmem>>, vector<16xf32>,
        %parallel_loop3A_1469 = arith.constant 896 : i32
        %parallel_loop3A_1470 = arith.addi %parallel_loop3A_1469, %parallel_loop3A_1134 : i32
        %parallel_loop3A_1471 = arith.constant 1 : i32
        %parallel_loop3A_1472 = arith.index_cast %parallel_loop3A_1471 : i32 to index
        %parallel_loop3A_1473 = arith.index_cast %parallel_loop3A_1470 : i32 to index
        %parallel_loop3A_1474 = tpu.vector_load %arg17[%parallel_loop3A_1472, %parallel_loop3A_1473] {strides = array<i32>} : memref<8x1024xf32, #tpu.memory_space<vmem>>, vector<16xf32>,
        tpu.vector_store %arg17[%parallel_loop3A_1472, %parallel_loop3A_1473], %parallel_loop3A_1450 {strides = array<i32>} : memref<8x1024xf32, #tpu.memory_space<vmem>>, vector<16xf32>,
        %parallel_loop3A_1475 = arith.constant 1 : i32
        %parallel_loop3A_1476 = arith.constant 2 : i32
        %parallel_loop3A_1477 = arith.index_cast %parallel_loop3A_1475 : i32 to index
        %parallel_loop3A_1478 = arith.index_cast %parallel_loop3A_1476 : i32 to index
        %parallel_loop3A_1479 = arith.index_cast %parallel_loop3A_1134 : i32 to index
        %parallel_loop3A_1480 = tpu.vector_load %arg15[%parallel_loop3A_1477, %parallel_loop3A_1478, %parallel_loop3A_1479] {strides = array<i32>} : memref<2x8x128xi32, #tpu.memory_space<vmem>>, vector<16xi32>,
        %parallel_loop3A_1481 = tpu.vector_load_idx %arg10[%parallel_loop3A_1480] : memref<16xf32, #tpu.memory_space<vmem>>[vector<16xi32>], vector<16xf32>,
        %parallel_loop3A_1482 = tpu.vector_load_idx %arg11[%parallel_loop3A_1480] : memref<16xf32, #tpu.memory_space<vmem>>[vector<16xi32>], vector<16xf32>,
        %parallel_loop3A_1483 = tpu.vector_load_idx %arg12[%parallel_loop3A_1480] : memref<16xf32, #tpu.memory_space<vmem>>[vector<16xi32>], vector<16xf32>,
        %parallel_loop3A_1484 = tpu.vector_load_idx %arg13[%parallel_loop3A_1480] : memref<16xf32, #tpu.memory_space<vmem>>[vector<16xi32>], vector<16xf32>,
        %parallel_loop3A_1485 = arith.constant 512 : i32
        %parallel_loop3A_1486 = arith.addi %parallel_loop3A_1485, %parallel_loop3A_1134 : i32
        %parallel_loop3A_1487 = arith.constant 2 : i32
        %parallel_loop3A_1488 = arith.index_cast %parallel_loop3A_1487 : i32 to index
        %parallel_loop3A_1489 = arith.index_cast %parallel_loop3A_1486 : i32 to index
        %parallel_loop3A_1490 = tpu.vector_load %arg17[%parallel_loop3A_1488, %parallel_loop3A_1489] {strides = array<i32>} : memref<8x1024xf32, #tpu.memory_space<vmem>>, vector<16xf32>,
        tpu.vector_store %arg17[%parallel_loop3A_1488, %parallel_loop3A_1489], %parallel_loop3A_1481 {strides = array<i32>} : memref<8x1024xf32, #tpu.memory_space<vmem>>, vector<16xf32>,
        %parallel_loop3A_1491 = arith.constant 640 : i32
        %parallel_loop3A_1492 = arith.addi %parallel_loop3A_1491, %parallel_loop3A_1134 : i32
        %parallel_loop3A_1493 = arith.constant 2 : i32
        %parallel_loop3A_1494 = arith.index_cast %parallel_loop3A_1493 : i32 to index
        %parallel_loop3A_1495 = arith.index_cast %parallel_loop3A_1492 : i32 to index
        %parallel_loop3A_1496 = tpu.vector_load %arg17[%parallel_loop3A_1494, %parallel_loop3A_1495] {strides = array<i32>} : memref<8x1024xf32, #tpu.memory_space<vmem>>, vector<16xf32>,
        tpu.vector_store %arg17[%parallel_loop3A_1494, %parallel_loop3A_1495], %parallel_loop3A_1482 {strides = array<i32>} : memref<8x1024xf32, #tpu.memory_space<vmem>>, vector<16xf32>,
        %parallel_loop3A_1497 = arith.constant 768 : i32
        %parallel_loop3A_1498 = arith.addi %parallel_loop3A_1497, %parallel_loop3A_1134 : i32
        %parallel_loop3A_1499 = arith.constant 2 : i32
        %parallel_loop3A_1500 = arith.index_cast %parallel_loop3A_1499 : i32 to index
        %parallel_loop3A_1501 = arith.index_cast %parallel_loop3A_1498 : i32 to index
        %parallel_loop3A_1502 = tpu.vector_load %arg17[%parallel_loop3A_1500, %parallel_loop3A_1501] {strides = array<i32>} : memref<8x1024xf32, #tpu.memory_space<vmem>>, vector<16xf32>,
        tpu.vector_store %arg17[%parallel_loop3A_1500, %parallel_loop3A_1501], %parallel_loop3A_1483 {strides = array<i32>} : memref<8x1024xf32, #tpu.memory_space<vmem>>, vector<16xf32>,
        %parallel_loop3A_1503 = arith.constant 896 : i32
        %parallel_loop3A_1504 = arith.addi %parallel_loop3A_1503, %parallel_loop3A_1134 : i32
        %parallel_loop3A_1505 = arith.constant 2 : i32
        %parallel_loop3A_1506 = arith.index_cast %parallel_loop3A_1505 : i32 to index
        %parallel_loop3A_1507 = arith.index_cast %parallel_loop3A_1504 : i32 to index
        %parallel_loop3A_1508 = tpu.vector_load %arg17[%parallel_loop3A_1506, %parallel_loop3A_1507] {strides = array<i32>} : memref<8x1024xf32, #tpu.memory_space<vmem>>, vector<16xf32>,
        tpu.vector_store %arg17[%parallel_loop3A_1506, %parallel_loop3A_1507], %parallel_loop3A_1484 {strides = array<i32>} : memref<8x1024xf32, #tpu.memory_space<vmem>>, vector<16xf32>,
        %parallel_loop3A_1509 = arith.constant 1 : i32
        %parallel_loop3A_1510 = arith.constant 3 : i32
        %parallel_loop3A_1511 = arith.index_cast %parallel_loop3A_1509 : i32 to index
        %parallel_loop3A_1512 = arith.index_cast %parallel_loop3A_1510 : i32 to index
        %parallel_loop3A_1513 = arith.index_cast %parallel_loop3A_1134 : i32 to index
        %parallel_loop3A_1514 = tpu.vector_load %arg15[%parallel_loop3A_1511, %parallel_loop3A_1512, %parallel_loop3A_1513] {strides = array<i32>} : memref<2x8x128xi32, #tpu.memory_space<vmem>>, vector<16xi32>,
        %parallel_loop3A_1515 = tpu.vector_load_idx %arg10[%parallel_loop3A_1514] : memref<16xf32, #tpu.memory_space<vmem>>[vector<16xi32>], vector<16xf32>,
        %parallel_loop3A_1516 = tpu.vector_load_idx %arg11[%parallel_loop3A_1514] : memref<16xf32, #tpu.memory_space<vmem>>[vector<16xi32>], vector<16xf32>,
        %parallel_loop3A_1517 = tpu.vector_load_idx %arg12[%parallel_loop3A_1514] : memref<16xf32, #tpu.memory_space<vmem>>[vector<16xi32>], vector<16xf32>,
        %parallel_loop3A_1518 = tpu.vector_load_idx %arg13[%parallel_loop3A_1514] : memref<16xf32, #tpu.memory_space<vmem>>[vector<16xi32>], vector<16xf32>,
        %parallel_loop3A_1519 = arith.constant 512 : i32
        %parallel_loop3A_1520 = arith.addi %parallel_loop3A_1519, %parallel_loop3A_1134 : i32
        %parallel_loop3A_1521 = arith.constant 3 : i32
        %parallel_loop3A_1522 = arith.index_cast %parallel_loop3A_1521 : i32 to index
        %parallel_loop3A_1523 = arith.index_cast %parallel_loop3A_1520 : i32 to index
        %parallel_loop3A_1524 = tpu.vector_load %arg17[%parallel_loop3A_1522, %parallel_loop3A_1523] {strides = array<i32>} : memref<8x1024xf32, #tpu.memory_space<vmem>>, vector<16xf32>,
        tpu.vector_store %arg17[%parallel_loop3A_1522, %parallel_loop3A_1523], %parallel_loop3A_1515 {strides = array<i32>} : memref<8x1024xf32, #tpu.memory_space<vmem>>, vector<16xf32>,
        %parallel_loop3A_1525 = arith.constant 640 : i32
        %parallel_loop3A_1526 = arith.addi %parallel_loop3A_1525, %parallel_loop3A_1134 : i32
        %parallel_loop3A_1527 = arith.constant 3 : i32
        %parallel_loop3A_1528 = arith.index_cast %parallel_loop3A_1527 : i32 to index
        %parallel_loop3A_1529 = arith.index_cast %parallel_loop3A_1526 : i32 to index
        %parallel_loop3A_1530 = tpu.vector_load %arg17[%parallel_loop3A_1528, %parallel_loop3A_1529] {strides = array<i32>} : memref<8x1024xf32, #tpu.memory_space<vmem>>, vector<16xf32>,
        tpu.vector_store %arg17[%parallel_loop3A_1528, %parallel_loop3A_1529], %parallel_loop3A_1516 {strides = array<i32>} : memref<8x1024xf32, #tpu.memory_space<vmem>>, vector<16xf32>,
        %parallel_loop3A_1531 = arith.constant 768 : i32
        %parallel_loop3A_1532 = arith.addi %parallel_loop3A_1531, %parallel_loop3A_1134 : i32
        %parallel_loop3A_1533 = arith.constant 3 : i32
        %parallel_loop3A_1534 = arith.index_cast %parallel_loop3A_1533 : i32 to index
        %parallel_loop3A_1535 = arith.index_cast %parallel_loop3A_1532 : i32 to index
        %parallel_loop3A_1536 = tpu.vector_load %arg17[%parallel_loop3A_1534, %parallel_loop3A_1535] {strides = array<i32>} : memref<8x1024xf32, #tpu.memory_space<vmem>>, vector<16xf32>,
        tpu.vector_store %arg17[%parallel_loop3A_1534, %parallel_loop3A_1535], %parallel_loop3A_1517 {strides = array<i32>} : memref<8x1024xf32, #tpu.memory_space<vmem>>, vector<16xf32>,
        %parallel_loop3A_1537 = arith.constant 896 : i32
        %parallel_loop3A_1538 = arith.addi %parallel_loop3A_1537, %parallel_loop3A_1134 : i32
        %parallel_loop3A_1539 = arith.constant 3 : i32
        %parallel_loop3A_1540 = arith.index_cast %parallel_loop3A_1539 : i32 to index
        %parallel_loop3A_1541 = arith.index_cast %parallel_loop3A_1538 : i32 to index
        %parallel_loop3A_1542 = tpu.vector_load %arg17[%parallel_loop3A_1540, %parallel_loop3A_1541] {strides = array<i32>} : memref<8x1024xf32, #tpu.memory_space<vmem>>, vector<16xf32>,
        tpu.vector_store %arg17[%parallel_loop3A_1540, %parallel_loop3A_1541], %parallel_loop3A_1518 {strides = array<i32>} : memref<8x1024xf32, #tpu.memory_space<vmem>>, vector<16xf32>,
        %parallel_loop3A_1543 = arith.constant 1 : i32
        %parallel_loop3A_1544 = arith.constant 4 : i32
        %parallel_loop3A_1545 = arith.index_cast %parallel_loop3A_1543 : i32 to index
        %parallel_loop3A_1546 = arith.index_cast %parallel_loop3A_1544 : i32 to index
        %parallel_loop3A_1547 = arith.index_cast %parallel_loop3A_1134 : i32 to index
        %parallel_loop3A_1548 = tpu.vector_load %arg15[%parallel_loop3A_1545, %parallel_loop3A_1546, %parallel_loop3A_1547] {strides = array<i32>} : memref<2x8x128xi32, #tpu.memory_space<vmem>>, vector<16xi32>,
        %parallel_loop3A_1549 = tpu.vector_load_idx %arg10[%parallel_loop3A_1548] : memref<16xf32, #tpu.memory_space<vmem>>[vector<16xi32>], vector<16xf32>,
        %parallel_loop3A_1550 = tpu.vector_load_idx %arg11[%parallel_loop3A_1548] : memref<16xf32, #tpu.memory_space<vmem>>[vector<16xi32>], vector<16xf32>,
        %parallel_loop3A_1551 = tpu.vector_load_idx %arg12[%parallel_loop3A_1548] : memref<16xf32, #tpu.memory_space<vmem>>[vector<16xi32>], vector<16xf32>,
        %parallel_loop3A_1552 = tpu.vector_load_idx %arg13[%parallel_loop3A_1548] : memref<16xf32, #tpu.memory_space<vmem>>[vector<16xi32>], vector<16xf32>,
        %parallel_loop3A_1553 = arith.constant 512 : i32
        %parallel_loop3A_1554 = arith.addi %parallel_loop3A_1553, %parallel_loop3A_1134 : i32
        %parallel_loop3A_1555 = arith.constant 4 : i32
        %parallel_loop3A_1556 = arith.index_cast %parallel_loop3A_1555 : i32 to index
        %parallel_loop3A_1557 = arith.index_cast %parallel_loop3A_1554 : i32 to index
        %parallel_loop3A_1558 = tpu.vector_load %arg17[%parallel_loop3A_1556, %parallel_loop3A_1557] {strides = array<i32>} : memref<8x1024xf32, #tpu.memory_space<vmem>>, vector<16xf32>,
        tpu.vector_store %arg17[%parallel_loop3A_1556, %parallel_loop3A_1557], %parallel_loop3A_1549 {strides = array<i32>} : memref<8x1024xf32, #tpu.memory_space<vmem>>, vector<16xf32>,
        %parallel_loop3A_1559 = arith.constant 640 : i32
        %parallel_loop3A_1560 = arith.addi %parallel_loop3A_1559, %parallel_loop3A_1134 : i32
        %parallel_loop3A_1561 = arith.constant 4 : i32
        %parallel_loop3A_1562 = arith.index_cast %parallel_loop3A_1561 : i32 to index
        %parallel_loop3A_1563 = arith.index_cast %parallel_loop3A_1560 : i32 to index
        %parallel_loop3A_1564 = tpu.vector_load %arg17[%parallel_loop3A_1562, %parallel_loop3A_1563] {strides = array<i32>} : memref<8x1024xf32, #tpu.memory_space<vmem>>, vector<16xf32>,
        tpu.vector_store %arg17[%parallel_loop3A_1562, %parallel_loop3A_1563], %parallel_loop3A_1550 {strides = array<i32>} : memref<8x1024xf32, #tpu.memory_space<vmem>>, vector<16xf32>,
        %parallel_loop3A_1565 = arith.constant 768 : i32
        %parallel_loop3A_1566 = arith.addi %parallel_loop3A_1565, %parallel_loop3A_1134 : i32
        %parallel_loop3A_1567 = arith.constant 4 : i32
        %parallel_loop3A_1568 = arith.index_cast %parallel_loop3A_1567 : i32 to index
        %parallel_loop3A_1569 = arith.index_cast %parallel_loop3A_1566 : i32 to index
        %parallel_loop3A_1570 = tpu.vector_load %arg17[%parallel_loop3A_1568, %parallel_loop3A_1569] {strides = array<i32>} : memref<8x1024xf32, #tpu.memory_space<vmem>>, vector<16xf32>,
        tpu.vector_store %arg17[%parallel_loop3A_1568, %parallel_loop3A_1569], %parallel_loop3A_1551 {strides = array<i32>} : memref<8x1024xf32, #tpu.memory_space<vmem>>, vector<16xf32>,
        %parallel_loop3A_1571 = arith.constant 896 : i32
        %parallel_loop3A_1572 = arith.addi %parallel_loop3A_1571, %parallel_loop3A_1134 : i32
        %parallel_loop3A_1573 = arith.constant 4 : i32
        %parallel_loop3A_1574 = arith.index_cast %parallel_loop3A_1573 : i32 to index
        %parallel_loop3A_1575 = arith.index_cast %parallel_loop3A_1572 : i32 to index
        %parallel_loop3A_1576 = tpu.vector_load %arg17[%parallel_loop3A_1574, %parallel_loop3A_1575] {strides = array<i32>} : memref<8x1024xf32, #tpu.memory_space<vmem>>, vector<16xf32>,
        tpu.vector_store %arg17[%parallel_loop3A_1574, %parallel_loop3A_1575], %parallel_loop3A_1552 {strides = array<i32>} : memref<8x1024xf32, #tpu.memory_space<vmem>>, vector<16xf32>,
        %parallel_loop3A_1577 = arith.constant 1 : i32
        %parallel_loop3A_1578 = arith.constant 5 : i32
        %parallel_loop3A_1579 = arith.index_cast %parallel_loop3A_1577 : i32 to index
        %parallel_loop3A_1580 = arith.index_cast %parallel_loop3A_1578 : i32 to index
        %parallel_loop3A_1581 = arith.index_cast %parallel_loop3A_1134 : i32 to index
        %parallel_loop3A_1582 = tpu.vector_load %arg15[%parallel_loop3A_1579, %parallel_loop3A_1580, %parallel_loop3A_1581] {strides = array<i32>} : memref<2x8x128xi32, #tpu.memory_space<vmem>>, vector<16xi32>,
        %parallel_loop3A_1583 = tpu.vector_load_idx %arg10[%parallel_loop3A_1582] : memref<16xf32, #tpu.memory_space<vmem>>[vector<16xi32>], vector<16xf32>,
        %parallel_loop3A_1584 = tpu.vector_load_idx %arg11[%parallel_loop3A_1582] : memref<16xf32, #tpu.memory_space<vmem>>[vector<16xi32>], vector<16xf32>,
        %parallel_loop3A_1585 = tpu.vector_load_idx %arg12[%parallel_loop3A_1582] : memref<16xf32, #tpu.memory_space<vmem>>[vector<16xi32>], vector<16xf32>,
        %parallel_loop3A_1586 = tpu.vector_load_idx %arg13[%parallel_loop3A_1582] : memref<16xf32, #tpu.memory_space<vmem>>[vector<16xi32>], vector<16xf32>,
        %parallel_loop3A_1587 = arith.constant 512 : i32
        %parallel_loop3A_1588 = arith.addi %parallel_loop3A_1587, %parallel_loop3A_1134 : i32
        %parallel_loop3A_1589 = arith.constant 5 : i32
        %parallel_loop3A_1590 = arith.index_cast %parallel_loop3A_1589 : i32 to index
        %parallel_loop3A_1591 = arith.index_cast %parallel_loop3A_1588 : i32 to index
        %parallel_loop3A_1592 = tpu.vector_load %arg17[%parallel_loop3A_1590, %parallel_loop3A_1591] {strides = array<i32>} : memref<8x1024xf32, #tpu.memory_space<vmem>>, vector<16xf32>,
        tpu.vector_store %arg17[%parallel_loop3A_1590, %parallel_loop3A_1591], %parallel_loop3A_1583 {strides = array<i32>} : memref<8x1024xf32, #tpu.memory_space<vmem>>, vector<16xf32>,
        %parallel_loop3A_1593 = arith.constant 640 : i32
        %parallel_loop3A_1594 = arith.addi %parallel_loop3A_1593, %parallel_loop3A_1134 : i32
        %parallel_loop3A_1595 = arith.constant 5 : i32
        %parallel_loop3A_1596 = arith.index_cast %parallel_loop3A_1595 : i32 to index
        %parallel_loop3A_1597 = arith.index_cast %parallel_loop3A_1594 : i32 to index
        %parallel_loop3A_1598 = tpu.vector_load %arg17[%parallel_loop3A_1596, %parallel_loop3A_1597] {strides = array<i32>} : memref<8x1024xf32, #tpu.memory_space<vmem>>, vector<16xf32>,
        tpu.vector_store %arg17[%parallel_loop3A_1596, %parallel_loop3A_1597], %parallel_loop3A_1584 {strides = array<i32>} : memref<8x1024xf32, #tpu.memory_space<vmem>>, vector<16xf32>,
        %parallel_loop3A_1599 = arith.constant 768 : i32
        %parallel_loop3A_1600 = arith.addi %parallel_loop3A_1599, %parallel_loop3A_1134 : i32
        %parallel_loop3A_1601 = arith.constant 5 : i32
        %parallel_loop3A_1602 = arith.index_cast %parallel_loop3A_1601 : i32 to index
        %parallel_loop3A_1603 = arith.index_cast %parallel_loop3A_1600 : i32 to index
        %parallel_loop3A_1604 = tpu.vector_load %arg17[%parallel_loop3A_1602, %parallel_loop3A_1603] {strides = array<i32>} : memref<8x1024xf32, #tpu.memory_space<vmem>>, vector<16xf32>,
        tpu.vector_store %arg17[%parallel_loop3A_1602, %parallel_loop3A_1603], %parallel_loop3A_1585 {strides = array<i32>} : memref<8x1024xf32, #tpu.memory_space<vmem>>, vector<16xf32>,
        %parallel_loop3A_1605 = arith.constant 896 : i32
        %parallel_loop3A_1606 = arith.addi %parallel_loop3A_1605, %parallel_loop3A_1134 : i32
        %parallel_loop3A_1607 = arith.constant 5 : i32
        %parallel_loop3A_1608 = arith.index_cast %parallel_loop3A_1607 : i32 to index
        %parallel_loop3A_1609 = arith.index_cast %parallel_loop3A_1606 : i32 to index
        %parallel_loop3A_1610 = tpu.vector_load %arg17[%parallel_loop3A_1608, %parallel_loop3A_1609] {strides = array<i32>} : memref<8x1024xf32, #tpu.memory_space<vmem>>, vector<16xf32>,
        tpu.vector_store %arg17[%parallel_loop3A_1608, %parallel_loop3A_1609], %parallel_loop3A_1586 {strides = array<i32>} : memref<8x1024xf32, #tpu.memory_space<vmem>>, vector<16xf32>,
        %parallel_loop3A_1611 = arith.constant 1 : i32
        %parallel_loop3A_1612 = arith.constant 6 : i32
        %parallel_loop3A_1613 = arith.index_cast %parallel_loop3A_1611 : i32 to index
        %parallel_loop3A_1614 = arith.index_cast %parallel_loop3A_1612 : i32 to index
        %parallel_loop3A_1615 = arith.index_cast %parallel_loop3A_1134 : i32 to index
        %parallel_loop3A_1616 = tpu.vector_load %arg15[%parallel_loop3A_1613, %parallel_loop3A_1614, %parallel_loop3A_1615] {strides = array<i32>} : memref<2x8x128xi32, #tpu.memory_space<vmem>>, vector<16xi32>,
        %parallel_loop3A_1617 = tpu.vector_load_idx %arg10[%parallel_loop3A_1616] : memref<16xf32, #tpu.memory_space<vmem>>[vector<16xi32>], vector<16xf32>,
        %parallel_loop3A_1618 = tpu.vector_load_idx %arg11[%parallel_loop3A_1616] : memref<16xf32, #tpu.memory_space<vmem>>[vector<16xi32>], vector<16xf32>,
        %parallel_loop3A_1619 = tpu.vector_load_idx %arg12[%parallel_loop3A_1616] : memref<16xf32, #tpu.memory_space<vmem>>[vector<16xi32>], vector<16xf32>,
        %parallel_loop3A_1620 = tpu.vector_load_idx %arg13[%parallel_loop3A_1616] : memref<16xf32, #tpu.memory_space<vmem>>[vector<16xi32>], vector<16xf32>,
        %parallel_loop3A_1621 = arith.constant 512 : i32
        %parallel_loop3A_1622 = arith.addi %parallel_loop3A_1621, %parallel_loop3A_1134 : i32
        %parallel_loop3A_1623 = arith.constant 6 : i32
        %parallel_loop3A_1624 = arith.index_cast %parallel_loop3A_1623 : i32 to index
        %parallel_loop3A_1625 = arith.index_cast %parallel_loop3A_1622 : i32 to index
        %parallel_loop3A_1626 = tpu.vector_load %arg17[%parallel_loop3A_1624, %parallel_loop3A_1625] {strides = array<i32>} : memref<8x1024xf32, #tpu.memory_space<vmem>>, vector<16xf32>,
        tpu.vector_store %arg17[%parallel_loop3A_1624, %parallel_loop3A_1625], %parallel_loop3A_1617 {strides = array<i32>} : memref<8x1024xf32, #tpu.memory_space<vmem>>, vector<16xf32>,
        %parallel_loop3A_1627 = arith.constant 640 : i32
        %parallel_loop3A_1628 = arith.addi %parallel_loop3A_1627, %parallel_loop3A_1134 : i32
        %parallel_loop3A_1629 = arith.constant 6 : i32
        %parallel_loop3A_1630 = arith.index_cast %parallel_loop3A_1629 : i32 to index
        %parallel_loop3A_1631 = arith.index_cast %parallel_loop3A_1628 : i32 to index
        %parallel_loop3A_1632 = tpu.vector_load %arg17[%parallel_loop3A_1630, %parallel_loop3A_1631] {strides = array<i32>} : memref<8x1024xf32, #tpu.memory_space<vmem>>, vector<16xf32>,
        tpu.vector_store %arg17[%parallel_loop3A_1630, %parallel_loop3A_1631], %parallel_loop3A_1618 {strides = array<i32>} : memref<8x1024xf32, #tpu.memory_space<vmem>>, vector<16xf32>,
        %parallel_loop3A_1633 = arith.constant 768 : i32
        %parallel_loop3A_1634 = arith.addi %parallel_loop3A_1633, %parallel_loop3A_1134 : i32
        %parallel_loop3A_1635 = arith.constant 6 : i32
        %parallel_loop3A_1636 = arith.index_cast %parallel_loop3A_1635 : i32 to index
        %parallel_loop3A_1637 = arith.index_cast %parallel_loop3A_1634 : i32 to index
        %parallel_loop3A_1638 = tpu.vector_load %arg17[%parallel_loop3A_1636, %parallel_loop3A_1637] {strides = array<i32>} : memref<8x1024xf32, #tpu.memory_space<vmem>>, vector<16xf32>,
        tpu.vector_store %arg17[%parallel_loop3A_1636, %parallel_loop3A_1637], %parallel_loop3A_1619 {strides = array<i32>} : memref<8x1024xf32, #tpu.memory_space<vmem>>, vector<16xf32>,
        %parallel_loop3A_1639 = arith.constant 896 : i32
        %parallel_loop3A_1640 = arith.addi %parallel_loop3A_1639, %parallel_loop3A_1134 : i32
        %parallel_loop3A_1641 = arith.constant 6 : i32
        %parallel_loop3A_1642 = arith.index_cast %parallel_loop3A_1641 : i32 to index
        %parallel_loop3A_1643 = arith.index_cast %parallel_loop3A_1640 : i32 to index
        %parallel_loop3A_1644 = tpu.vector_load %arg17[%parallel_loop3A_1642, %parallel_loop3A_1643] {strides = array<i32>} : memref<8x1024xf32, #tpu.memory_space<vmem>>, vector<16xf32>,
        tpu.vector_store %arg17[%parallel_loop3A_1642, %parallel_loop3A_1643], %parallel_loop3A_1620 {strides = array<i32>} : memref<8x1024xf32, #tpu.memory_space<vmem>>, vector<16xf32>,
        %parallel_loop3A_1645 = arith.constant 1 : i32
        %parallel_loop3A_1646 = arith.constant 7 : i32
        %parallel_loop3A_1647 = arith.index_cast %parallel_loop3A_1645 : i32 to index
        %parallel_loop3A_1648 = arith.index_cast %parallel_loop3A_1646 : i32 to index
        %parallel_loop3A_1649 = arith.index_cast %parallel_loop3A_1134 : i32 to index
        %parallel_loop3A_1650 = tpu.vector_load %arg15[%parallel_loop3A_1647, %parallel_loop3A_1648, %parallel_loop3A_1649] {strides = array<i32>} : memref<2x8x128xi32, #tpu.memory_space<vmem>>, vector<16xi32>,
        %parallel_loop3A_1651 = tpu.vector_load_idx %arg10[%parallel_loop3A_1650] : memref<16xf32, #tpu.memory_space<vmem>>[vector<16xi32>], vector<16xf32>,
        %parallel_loop3A_1652 = tpu.vector_load_idx %arg11[%parallel_loop3A_1650] : memref<16xf32, #tpu.memory_space<vmem>>[vector<16xi32>], vector<16xf32>,
        %parallel_loop3A_1653 = tpu.vector_load_idx %arg12[%parallel_loop3A_1650] : memref<16xf32, #tpu.memory_space<vmem>>[vector<16xi32>], vector<16xf32>,
        %parallel_loop3A_1654 = tpu.vector_load_idx %arg13[%parallel_loop3A_1650] : memref<16xf32, #tpu.memory_space<vmem>>[vector<16xi32>], vector<16xf32>,
        %parallel_loop3A_1655 = arith.constant 512 : i32
        %parallel_loop3A_1656 = arith.addi %parallel_loop3A_1655, %parallel_loop3A_1134 : i32
        %parallel_loop3A_1657 = arith.constant 7 : i32
        %parallel_loop3A_1658 = arith.index_cast %parallel_loop3A_1657 : i32 to index
        %parallel_loop3A_1659 = arith.index_cast %parallel_loop3A_1656 : i32 to index
        %parallel_loop3A_1660 = tpu.vector_load %arg17[%parallel_loop3A_1658, %parallel_loop3A_1659] {strides = array<i32>} : memref<8x1024xf32, #tpu.memory_space<vmem>>, vector<16xf32>,
        tpu.vector_store %arg17[%parallel_loop3A_1658, %parallel_loop3A_1659], %parallel_loop3A_1651 {strides = array<i32>} : memref<8x1024xf32, #tpu.memory_space<vmem>>, vector<16xf32>,
        %parallel_loop3A_1661 = arith.constant 640 : i32
        %parallel_loop3A_1662 = arith.addi %parallel_loop3A_1661, %parallel_loop3A_1134 : i32
        %parallel_loop3A_1663 = arith.constant 7 : i32
        %parallel_loop3A_1664 = arith.index_cast %parallel_loop3A_1663 : i32 to index
        %parallel_loop3A_1665 = arith.index_cast %parallel_loop3A_1662 : i32 to index
        %parallel_loop3A_1666 = tpu.vector_load %arg17[%parallel_loop3A_1664, %parallel_loop3A_1665] {strides = array<i32>} : memref<8x1024xf32, #tpu.memory_space<vmem>>, vector<16xf32>,
        tpu.vector_store %arg17[%parallel_loop3A_1664, %parallel_loop3A_1665], %parallel_loop3A_1652 {strides = array<i32>} : memref<8x1024xf32, #tpu.memory_space<vmem>>, vector<16xf32>,
        %parallel_loop3A_1667 = arith.constant 768 : i32
        %parallel_loop3A_1668 = arith.addi %parallel_loop3A_1667, %parallel_loop3A_1134 : i32
        %parallel_loop3A_1669 = arith.constant 7 : i32
        %parallel_loop3A_1670 = arith.index_cast %parallel_loop3A_1669 : i32 to index
        %parallel_loop3A_1671 = arith.index_cast %parallel_loop3A_1668 : i32 to index
        %parallel_loop3A_1672 = tpu.vector_load %arg17[%parallel_loop3A_1670, %parallel_loop3A_1671] {strides = array<i32>} : memref<8x1024xf32, #tpu.memory_space<vmem>>, vector<16xf32>,
        tpu.vector_store %arg17[%parallel_loop3A_1670, %parallel_loop3A_1671], %parallel_loop3A_1653 {strides = array<i32>} : memref<8x1024xf32, #tpu.memory_space<vmem>>, vector<16xf32>,
        %parallel_loop3A_1673 = arith.constant 896 : i32
        %parallel_loop3A_1674 = arith.addi %parallel_loop3A_1673, %parallel_loop3A_1134 : i32
        %parallel_loop3A_1675 = arith.constant 7 : i32
        %parallel_loop3A_1676 = arith.index_cast %parallel_loop3A_1675 : i32 to index
        %parallel_loop3A_1677 = arith.index_cast %parallel_loop3A_1674 : i32 to index
        %parallel_loop3A_1678 = tpu.vector_load %arg17[%parallel_loop3A_1676, %parallel_loop3A_1677] {strides = array<i32>} : memref<8x1024xf32, #tpu.memory_space<vmem>>, vector<16xf32>,
        tpu.vector_store %arg17[%parallel_loop3A_1676, %parallel_loop3A_1677], %parallel_loop3A_1654 {strides = array<i32>} : memref<8x1024xf32, #tpu.memory_space<vmem>>, vector<16xf32>,
      } {sc.loop_unroll_factor = 4 : i64, sc.parallel_access}
      %shift_right_logical3A_931 = arith.constant 6 : i32
      %shift_right_logical3A_932 = arith.shrui %add3A_900, %shift_right_logical3A_931 : i32
      %and3A_933 = arith.constant 63 : i32
      %and3A_934 = arith.andi %add3A_900, %and3A_933 : i32
      %shift_left3A_935 = arith.constant 1 : i32
      %shift_left3A_936 = arith.shli %and3A_934, %shift_left3A_935 : i32
      %mul3A_937 = arith.constant 8 : i32
      %mul3A_938 = arith.muli %shift_right_logical3A_932, %mul3A_937 : i32
      %add3A_939 = arith.constant 0 : i32
      %add3A_940 = arith.addi %mul3A_938, %add3A_939 : i32
      %mul3A_941 = arith.constant 65536 : i32
      %mul3A_942 = arith.muli %add3A_940, %mul3A_941 : i32
      %mul3A_943 = arith.constant 512 : i32
      %mul3A_944 = arith.muli %shift_left3A_936, %mul3A_943 : i32
      %add3A_945 = arith.addi %mul3A_942, %mul3A_944 : i32
      %multiple_of3A_946 = tpu.assume_multiple %add3A_945, 1024 : i32
      %dma_start3A_947 = arith.constant 0 : i32
      %dma_start3A_948 = arith.constant 0 : i32
      %dma_start3A_949 = tpu.memref_slice %arg17[%dma_start3A_947, %dma_start3A_948] : memref<8x1024xf32, #tpu.memory_space<vmem>> -> memref<1x1024xf32, #tpu.memory_space<vmem>>
      %dma_start3A_950 = tpu.memref_squeeze %dma_start3A_949 : memref<1x1024xf32, #tpu.memory_space<vmem>> -> memref<1024xf32, #tpu.memory_space<vmem>>
      %dma_start3A_951 = tpu.memref_slice %arg6[%multiple_of3A_946] : memref<13107200xf32, #tpu.memory_space<hbm>> -> memref<1024xf32, #tpu.memory_space<hbm>>
      %dma_start3A_952 = tpu.memref_slice %arg6[%multiple_of3A_946] : memref<13107200xf32, #tpu.memory_space<hbm>> -> memref<1024xf32, #tpu.memory_space<hbm>>
      %dma_start3A_953 = arith.constant 0 : i32
      %dma_start3A_954 = tpu.memref_slice %arg17[%dma_start3A_947, %dma_start3A_953] : memref<8x1024xf32, #tpu.memory_space<vmem>> -> memref<1x1024xf32, #tpu.memory_space<vmem>>
      %dma_start3A_955 = tpu.memref_squeeze %dma_start3A_954 : memref<1x1024xf32, #tpu.memory_space<vmem>> -> memref<1024xf32, #tpu.memory_space<vmem>>
      tpu.enqueue_dma source(%dma_start3A_955 : memref<1024xf32, #tpu.memory_space<vmem>>) target(%dma_start3A_952 : memref<1024xf32, #tpu.memory_space<hbm>>) target_semaphore(%arg21 : memref<!tpu.dma_semaphore, #tpu.memory_space<semaphore_mem>>)
      %shift_right_logical3A_956 = arith.constant 6 : i32
      %shift_right_logical3A_957 = arith.shrui %add3A_900, %shift_right_logical3A_956 : i32
      %and3A_958 = arith.constant 63 : i32
      %and3A_959 = arith.andi %add3A_900, %and3A_958 : i32
      %shift_left3A_960 = arith.constant 1 : i32
      %shift_left3A_961 = arith.shli %and3A_959, %shift_left3A_960 : i32
      %mul3A_962 = arith.constant 8 : i32
      %mul3A_963 = arith.muli %shift_right_logical3A_957, %mul3A_962 : i32
      %add3A_964 = arith.constant 1 : i32
      %add3A_965 = arith.addi %mul3A_963, %add3A_964 : i32
      %mul3A_966 = arith.constant 65536 : i32
      %mul3A_967 = arith.muli %add3A_965, %mul3A_966 : i32
      %mul3A_968 = arith.constant 512 : i32
      %mul3A_969 = arith.muli %shift_left3A_961, %mul3A_968 : i32
      %add3A_970 = arith.addi %mul3A_967, %mul3A_969 : i32
      %multiple_of3A_971 = tpu.assume_multiple %add3A_970, 1024 : i32
      %dma_start3A_972 = arith.constant 1 : i32
      %dma_start3A_973 = arith.constant 0 : i32
      %dma_start3A_974 = tpu.memref_slice %arg17[%dma_start3A_972, %dma_start3A_973] : memref<8x1024xf32, #tpu.memory_space<vmem>> -> memref<1x1024xf32, #tpu.memory_space<vmem>>
      %dma_start3A_975 = tpu.memref_squeeze %dma_start3A_974 : memref<1x1024xf32, #tpu.memory_space<vmem>> -> memref<1024xf32, #tpu.memory_space<vmem>>
      %dma_start3A_976 = tpu.memref_slice %arg6[%multiple_of3A_971] : memref<13107200xf32, #tpu.memory_space<hbm>> -> memref<1024xf32, #tpu.memory_space<hbm>>
      %dma_start3A_977 = tpu.memref_slice %arg6[%multiple_of3A_971] : memref<13107200xf32, #tpu.memory_space<hbm>> -> memref<1024xf32, #tpu.memory_space<hbm>>
      %dma_start3A_978 = arith.constant 0 : i32
      %dma_start3A_979 = tpu.memref_slice %arg17[%dma_start3A_972, %dma_start3A_978] : memref<8x1024xf32, #tpu.memory_space<vmem>> -> memref<1x1024xf32, #tpu.memory_space<vmem>>
      %dma_start3A_980 = tpu.memref_squeeze %dma_start3A_979 : memref<1x1024xf32, #tpu.memory_space<vmem>> -> memref<1024xf32, #tpu.memory_space<vmem>>
      tpu.enqueue_dma source(%dma_start3A_980 : memref<1024xf32, #tpu.memory_space<vmem>>) target(%dma_start3A_977 : memref<1024xf32, #tpu.memory_space<hbm>>) target_semaphore(%arg21 : memref<!tpu.dma_semaphore, #tpu.memory_space<semaphore_mem>>)
      %shift_right_logical3A_981 = arith.constant 6 : i32
      %shift_right_logical3A_982 = arith.shrui %add3A_900, %shift_right_logical3A_981 : i32
      %and3A_983 = arith.constant 63 : i32
      %and3A_984 = arith.andi %add3A_900, %and3A_983 : i32
      %shift_left3A_985 = arith.constant 1 : i32
      %shift_left3A_986 = arith.shli %and3A_984, %shift_left3A_985 : i32
      %mul3A_987 = arith.constant 8 : i32
      %mul3A_988 = arith.muli %shift_right_logical3A_982, %mul3A_987 : i32
      %add3A_989 = arith.constant 2 : i32
      %add3A_990 = arith.addi %mul3A_988, %add3A_989 : i32
      %mul3A_991 = arith.constant 65536 : i32
      %mul3A_992 = arith.muli %add3A_990, %mul3A_991 : i32
      %mul3A_993 = arith.constant 512 : i32
      %mul3A_994 = arith.muli %shift_left3A_986, %mul3A_993 : i32
      %add3A_995 = arith.addi %mul3A_992, %mul3A_994 : i32
      %multiple_of3A_996 = tpu.assume_multiple %add3A_995, 1024 : i32
      %dma_start3A_997 = arith.constant 2 : i32
      %dma_start3A_998 = arith.constant 0 : i32
      %dma_start3A_999 = tpu.memref_slice %arg17[%dma_start3A_997, %dma_start3A_998] : memref<8x1024xf32, #tpu.memory_space<vmem>> -> memref<1x1024xf32, #tpu.memory_space<vmem>>
      %dma_start3A_1000 = tpu.memref_squeeze %dma_start3A_999 : memref<1x1024xf32, #tpu.memory_space<vmem>> -> memref<1024xf32, #tpu.memory_space<vmem>>
      %dma_start3A_1001 = tpu.memref_slice %arg6[%multiple_of3A_996] : memref<13107200xf32, #tpu.memory_space<hbm>> -> memref<1024xf32, #tpu.memory_space<hbm>>
      %dma_start3A_1002 = tpu.memref_slice %arg6[%multiple_of3A_996] : memref<13107200xf32, #tpu.memory_space<hbm>> -> memref<1024xf32, #tpu.memory_space<hbm>>
      %dma_start3A_1003 = arith.constant 0 : i32
      %dma_start3A_1004 = tpu.memref_slice %arg17[%dma_start3A_997, %dma_start3A_1003] : memref<8x1024xf32, #tpu.memory_space<vmem>> -> memref<1x1024xf32, #tpu.memory_space<vmem>>
      %dma_start3A_1005 = tpu.memref_squeeze %dma_start3A_1004 : memref<1x1024xf32, #tpu.memory_space<vmem>> -> memref<1024xf32, #tpu.memory_space<vmem>>
      tpu.enqueue_dma source(%dma_start3A_1005 : memref<1024xf32, #tpu.memory_space<vmem>>) target(%dma_start3A_1002 : memref<1024xf32, #tpu.memory_space<hbm>>) target_semaphore(%arg21 : memref<!tpu.dma_semaphore, #tpu.memory_space<semaphore_mem>>)
      %shift_right_logical3A_1006 = arith.constant 6 : i32
      %shift_right_logical3A_1007 = arith.shrui %add3A_900, %shift_right_logical3A_1006 : i32
      %and3A_1008 = arith.constant 63 : i32
      %and3A_1009 = arith.andi %add3A_900, %and3A_1008 : i32
      %shift_left3A_1010 = arith.constant 1 : i32
      %shift_left3A_1011 = arith.shli %and3A_1009, %shift_left3A_1010 : i32
      %mul3A_1012 = arith.constant 8 : i32
      %mul3A_1013 = arith.muli %shift_right_logical3A_1007, %mul3A_1012 : i32
      %add3A_1014 = arith.constant 3 : i32
      %add3A_1015 = arith.addi %mul3A_1013, %add3A_1014 : i32
      %mul3A_1016 = arith.constant 65536 : i32
      %mul3A_1017 = arith.muli %add3A_1015, %mul3A_1016 : i32
      %mul3A_1018 = arith.constant 512 : i32
      %mul3A_1019 = arith.muli %shift_left3A_1011, %mul3A_1018 : i32
      %add3A_1020 = arith.addi %mul3A_1017, %mul3A_1019 : i32
      %multiple_of3A_1021 = tpu.assume_multiple %add3A_1020, 1024 : i32
      %dma_start3A_1022 = arith.constant 3 : i32
      %dma_start3A_1023 = arith.constant 0 : i32
      %dma_start3A_1024 = tpu.memref_slice %arg17[%dma_start3A_1022, %dma_start3A_1023] : memref<8x1024xf32, #tpu.memory_space<vmem>> -> memref<1x1024xf32, #tpu.memory_space<vmem>>
      %dma_start3A_1025 = tpu.memref_squeeze %dma_start3A_1024 : memref<1x1024xf32, #tpu.memory_space<vmem>> -> memref<1024xf32, #tpu.memory_space<vmem>>
      %dma_start3A_1026 = tpu.memref_slice %arg6[%multiple_of3A_1021] : memref<13107200xf32, #tpu.memory_space<hbm>> -> memref<1024xf32, #tpu.memory_space<hbm>>
      %dma_start3A_1027 = tpu.memref_slice %arg6[%multiple_of3A_1021] : memref<13107200xf32, #tpu.memory_space<hbm>> -> memref<1024xf32, #tpu.memory_space<hbm>>
      %dma_start3A_1028 = arith.constant 0 : i32
      %dma_start3A_1029 = tpu.memref_slice %arg17[%dma_start3A_1022, %dma_start3A_1028] : memref<8x1024xf32, #tpu.memory_space<vmem>> -> memref<1x1024xf32, #tpu.memory_space<vmem>>
      %dma_start3A_1030 = tpu.memref_squeeze %dma_start3A_1029 : memref<1x1024xf32, #tpu.memory_space<vmem>> -> memref<1024xf32, #tpu.memory_space<vmem>>
      tpu.enqueue_dma source(%dma_start3A_1030 : memref<1024xf32, #tpu.memory_space<vmem>>) target(%dma_start3A_1027 : memref<1024xf32, #tpu.memory_space<hbm>>) target_semaphore(%arg21 : memref<!tpu.dma_semaphore, #tpu.memory_space<semaphore_mem>>)
      %shift_right_logical3A_1031 = arith.constant 6 : i32
      %shift_right_logical3A_1032 = arith.shrui %add3A_900, %shift_right_logical3A_1031 : i32
      %and3A_1033 = arith.constant 63 : i32
      %and3A_1034 = arith.andi %add3A_900, %and3A_1033 : i32
      %shift_left3A_1035 = arith.constant 1 : i32
      %shift_left3A_1036 = arith.shli %and3A_1034, %shift_left3A_1035 : i32
      %mul3A_1037 = arith.constant 8 : i32
      %mul3A_1038 = arith.muli %shift_right_logical3A_1032, %mul3A_1037 : i32
      %add3A_1039 = arith.constant 4 : i32
      %add3A_1040 = arith.addi %mul3A_1038, %add3A_1039 : i32
      %mul3A_1041 = arith.constant 65536 : i32
      %mul3A_1042 = arith.muli %add3A_1040, %mul3A_1041 : i32
      %mul3A_1043 = arith.constant 512 : i32
      %mul3A_1044 = arith.muli %shift_left3A_1036, %mul3A_1043 : i32
      %add3A_1045 = arith.addi %mul3A_1042, %mul3A_1044 : i32
      %multiple_of3A_1046 = tpu.assume_multiple %add3A_1045, 1024 : i32
      %dma_start3A_1047 = arith.constant 4 : i32
      %dma_start3A_1048 = arith.constant 0 : i32
      %dma_start3A_1049 = tpu.memref_slice %arg17[%dma_start3A_1047, %dma_start3A_1048] : memref<8x1024xf32, #tpu.memory_space<vmem>> -> memref<1x1024xf32, #tpu.memory_space<vmem>>
      %dma_start3A_1050 = tpu.memref_squeeze %dma_start3A_1049 : memref<1x1024xf32, #tpu.memory_space<vmem>> -> memref<1024xf32, #tpu.memory_space<vmem>>
      %dma_start3A_1051 = tpu.memref_slice %arg6[%multiple_of3A_1046] : memref<13107200xf32, #tpu.memory_space<hbm>> -> memref<1024xf32, #tpu.memory_space<hbm>>
      %dma_start3A_1052 = tpu.memref_slice %arg6[%multiple_of3A_1046] : memref<13107200xf32, #tpu.memory_space<hbm>> -> memref<1024xf32, #tpu.memory_space<hbm>>
      %dma_start3A_1053 = arith.constant 0 : i32
      %dma_start3A_1054 = tpu.memref_slice %arg17[%dma_start3A_1047, %dma_start3A_1053] : memref<8x1024xf32, #tpu.memory_space<vmem>> -> memref<1x1024xf32, #tpu.memory_space<vmem>>
      %dma_start3A_1055 = tpu.memref_squeeze %dma_start3A_1054 : memref<1x1024xf32, #tpu.memory_space<vmem>> -> memref<1024xf32, #tpu.memory_space<vmem>>
      tpu.enqueue_dma source(%dma_start3A_1055 : memref<1024xf32, #tpu.memory_space<vmem>>) target(%dma_start3A_1052 : memref<1024xf32, #tpu.memory_space<hbm>>) target_semaphore(%arg21 : memref<!tpu.dma_semaphore, #tpu.memory_space<semaphore_mem>>)
      %shift_right_logical3A_1056 = arith.constant 6 : i32
      %shift_right_logical3A_1057 = arith.shrui %add3A_900, %shift_right_logical3A_1056 : i32
      %and3A_1058 = arith.constant 63 : i32
      %and3A_1059 = arith.andi %add3A_900, %and3A_1058 : i32
      %shift_left3A_1060 = arith.constant 1 : i32
      %shift_left3A_1061 = arith.shli %and3A_1059, %shift_left3A_1060 : i32
      %mul3A_1062 = arith.constant 8 : i32
      %mul3A_1063 = arith.muli %shift_right_logical3A_1057, %mul3A_1062 : i32
      %add3A_1064 = arith.constant 5 : i32
      %add3A_1065 = arith.addi %mul3A_1063, %add3A_1064 : i32
      %mul3A_1066 = arith.constant 65536 : i32
      %mul3A_1067 = arith.muli %add3A_1065, %mul3A_1066 : i32
      %mul3A_1068 = arith.constant 512 : i32
      %mul3A_1069 = arith.muli %shift_left3A_1061, %mul3A_1068 : i32
      %add3A_1070 = arith.addi %mul3A_1067, %mul3A_1069 : i32
      %multiple_of3A_1071 = tpu.assume_multiple %add3A_1070, 1024 : i32
      %dma_start3A_1072 = arith.constant 5 : i32
      %dma_start3A_1073 = arith.constant 0 : i32
      %dma_start3A_1074 = tpu.memref_slice %arg17[%dma_start3A_1072, %dma_start3A_1073] : memref<8x1024xf32, #tpu.memory_space<vmem>> -> memref<1x1024xf32, #tpu.memory_space<vmem>>
      %dma_start3A_1075 = tpu.memref_squeeze %dma_start3A_1074 : memref<1x1024xf32, #tpu.memory_space<vmem>> -> memref<1024xf32, #tpu.memory_space<vmem>>
      %dma_start3A_1076 = tpu.memref_slice %arg6[%multiple_of3A_1071] : memref<13107200xf32, #tpu.memory_space<hbm>> -> memref<1024xf32, #tpu.memory_space<hbm>>
      %dma_start3A_1077 = tpu.memref_slice %arg6[%multiple_of3A_1071] : memref<13107200xf32, #tpu.memory_space<hbm>> -> memref<1024xf32, #tpu.memory_space<hbm>>
      %dma_start3A_1078 = arith.constant 0 : i32
      %dma_start3A_1079 = tpu.memref_slice %arg17[%dma_start3A_1072, %dma_start3A_1078] : memref<8x1024xf32, #tpu.memory_space<vmem>> -> memref<1x1024xf32, #tpu.memory_space<vmem>>
      %dma_start3A_1080 = tpu.memref_squeeze %dma_start3A_1079 : memref<1x1024xf32, #tpu.memory_space<vmem>> -> memref<1024xf32, #tpu.memory_space<vmem>>
      tpu.enqueue_dma source(%dma_start3A_1080 : memref<1024xf32, #tpu.memory_space<vmem>>) target(%dma_start3A_1077 : memref<1024xf32, #tpu.memory_space<hbm>>) target_semaphore(%arg21 : memref<!tpu.dma_semaphore, #tpu.memory_space<semaphore_mem>>)
      %shift_right_logical3A_1081 = arith.constant 6 : i32
      %shift_right_logical3A_1082 = arith.shrui %add3A_900, %shift_right_logical3A_1081 : i32
      %and3A_1083 = arith.constant 63 : i32
      %and3A_1084 = arith.andi %add3A_900, %and3A_1083 : i32
      %shift_left3A_1085 = arith.constant 1 : i32
      %shift_left3A_1086 = arith.shli %and3A_1084, %shift_left3A_1085 : i32
      %mul3A_1087 = arith.constant 8 : i32
      %mul3A_1088 = arith.muli %shift_right_logical3A_1082, %mul3A_1087 : i32
      %add3A_1089 = arith.constant 6 : i32
      %add3A_1090 = arith.addi %mul3A_1088, %add3A_1089 : i32
      %mul3A_1091 = arith.constant 65536 : i32
      %mul3A_1092 = arith.muli %add3A_1090, %mul3A_1091 : i32
      %mul3A_1093 = arith.constant 512 : i32
      %mul3A_1094 = arith.muli %shift_left3A_1086, %mul3A_1093 : i32
      %add3A_1095 = arith.addi %mul3A_1092, %mul3A_1094 : i32
      %multiple_of3A_1096 = tpu.assume_multiple %add3A_1095, 1024 : i32
      %dma_start3A_1097 = arith.constant 6 : i32
      %dma_start3A_1098 = arith.constant 0 : i32
      %dma_start3A_1099 = tpu.memref_slice %arg17[%dma_start3A_1097, %dma_start3A_1098] : memref<8x1024xf32, #tpu.memory_space<vmem>> -> memref<1x1024xf32, #tpu.memory_space<vmem>>
      %dma_start3A_1100 = tpu.memref_squeeze %dma_start3A_1099 : memref<1x1024xf32, #tpu.memory_space<vmem>> -> memref<1024xf32, #tpu.memory_space<vmem>>
      %dma_start3A_1101 = tpu.memref_slice %arg6[%multiple_of3A_1096] : memref<13107200xf32, #tpu.memory_space<hbm>> -> memref<1024xf32, #tpu.memory_space<hbm>>
      %dma_start3A_1102 = tpu.memref_slice %arg6[%multiple_of3A_1096] : memref<13107200xf32, #tpu.memory_space<hbm>> -> memref<1024xf32, #tpu.memory_space<hbm>>
      %dma_start3A_1103 = arith.constant 0 : i32
      %dma_start3A_1104 = tpu.memref_slice %arg17[%dma_start3A_1097, %dma_start3A_1103] : memref<8x1024xf32, #tpu.memory_space<vmem>> -> memref<1x1024xf32, #tpu.memory_space<vmem>>
      %dma_start3A_1105 = tpu.memref_squeeze %dma_start3A_1104 : memref<1x1024xf32, #tpu.memory_space<vmem>> -> memref<1024xf32, #tpu.memory_space<vmem>>
      tpu.enqueue_dma source(%dma_start3A_1105 : memref<1024xf32, #tpu.memory_space<vmem>>) target(%dma_start3A_1102 : memref<1024xf32, #tpu.memory_space<hbm>>) target_semaphore(%arg21 : memref<!tpu.dma_semaphore, #tpu.memory_space<semaphore_mem>>)
      %shift_right_logical3A_1106 = arith.constant 6 : i32
      %shift_right_logical3A_1107 = arith.shrui %add3A_900, %shift_right_logical3A_1106 : i32
      %and3A_1108 = arith.constant 63 : i32
      %and3A_1109 = arith.andi %add3A_900, %and3A_1108 : i32
      %shift_left3A_1110 = arith.constant 1 : i32
      %shift_left3A_1111 = arith.shli %and3A_1109, %shift_left3A_1110 : i32
      %mul3A_1112 = arith.constant 8 : i32
      %mul3A_1113 = arith.muli %shift_right_logical3A_1107, %mul3A_1112 : i32
      %add3A_1114 = arith.constant 7 : i32
      %add3A_1115 = arith.addi %mul3A_1113, %add3A_1114 : i32
      %mul3A_1116 = arith.constant 65536 : i32
      %mul3A_1117 = arith.muli %add3A_1115, %mul3A_1116 : i32
      %mul3A_1118 = arith.constant 512 : i32
      %mul3A_1119 = arith.muli %shift_left3A_1111, %mul3A_1118 : i32
      %add3A_1120 = arith.addi %mul3A_1117, %mul3A_1119 : i32
      %multiple_of3A_1121 = tpu.assume_multiple %add3A_1120, 1024 : i32
      %dma_start3A_1122 = arith.constant 7 : i32
      %dma_start3A_1123 = arith.constant 0 : i32
      %dma_start3A_1124 = tpu.memref_slice %arg17[%dma_start3A_1122, %dma_start3A_1123] : memref<8x1024xf32, #tpu.memory_space<vmem>> -> memref<1x1024xf32, #tpu.memory_space<vmem>>
      %dma_start3A_1125 = tpu.memref_squeeze %dma_start3A_1124 : memref<1x1024xf32, #tpu.memory_space<vmem>> -> memref<1024xf32, #tpu.memory_space<vmem>>
      %dma_start3A_1126 = tpu.memref_slice %arg6[%multiple_of3A_1121] : memref<13107200xf32, #tpu.memory_space<hbm>> -> memref<1024xf32, #tpu.memory_space<hbm>>
      %dma_start3A_1127 = tpu.memref_slice %arg6[%multiple_of3A_1121] : memref<13107200xf32, #tpu.memory_space<hbm>> -> memref<1024xf32, #tpu.memory_space<hbm>>
      %dma_start3A_1128 = arith.constant 0 : i32
      %dma_start3A_1129 = tpu.memref_slice %arg17[%dma_start3A_1122, %dma_start3A_1128] : memref<8x1024xf32, #tpu.memory_space<vmem>> -> memref<1x1024xf32, #tpu.memory_space<vmem>>
      %dma_start3A_1130 = tpu.memref_squeeze %dma_start3A_1129 : memref<1x1024xf32, #tpu.memory_space<vmem>> -> memref<1024xf32, #tpu.memory_space<vmem>>
      tpu.enqueue_dma source(%dma_start3A_1130 : memref<1024xf32, #tpu.memory_space<vmem>>) target(%dma_start3A_1127 : memref<1024xf32, #tpu.memory_space<hbm>>) target_semaphore(%arg21 : memref<!tpu.dma_semaphore, #tpu.memory_space<semaphore_mem>>)
    }
    %scan3A_204 = arith.constant 25 : i32
    %add3A_205 = arith.constant 50 : i32
    %add3A_206 = arith.addi %mul3A_2, %add3A_205 : i32
    %sub3A = arith.constant 2 : i32
    %sub3A_207 = arith.subi %add3A_206, %sub3A : i32
    %shift_right_logical3A_208 = arith.constant 6 : i32
    %shift_right_logical3A_209 = arith.shrui %sub3A_207, %shift_right_logical3A_208 : i32
    %and3A_210 = arith.constant 63 : i32
    %and3A_211 = arith.andi %sub3A_207, %and3A_210 : i32
    %shift_left3A_212 = arith.constant 1 : i32
    %shift_left3A_213 = arith.shli %and3A_211, %shift_left3A_212 : i32
    %mul3A_214 = arith.constant 8 : i32
    %mul3A_215 = arith.muli %shift_right_logical3A_209, %mul3A_214 : i32
    %add3A_216 = arith.constant 0 : i32
    %add3A_217 = arith.addi %mul3A_215, %add3A_216 : i32
    %mul3A_218 = arith.constant 65536 : i32
    %mul3A_219 = arith.muli %add3A_217, %mul3A_218 : i32
    %mul3A_220 = arith.constant 512 : i32
    %mul3A_221 = arith.muli %shift_left3A_213, %mul3A_220 : i32
    %add3A_222 = arith.addi %mul3A_219, %mul3A_221 : i32
    %multiple_of3A_223 = tpu.assume_multiple %add3A_222, 1024 : i32
    %dma_wait3A = arith.constant 0 : i32
    %dma_wait3A_224 = arith.constant 0 : i32
    %dma_wait3A_225 = tpu.memref_slice %arg16[%dma_wait3A, %dma_wait3A_224] : memref<8x1024xf32, #tpu.memory_space<vmem>> -> memref<1x1024xf32, #tpu.memory_space<vmem>>
    %dma_wait3A_226 = tpu.memref_squeeze %dma_wait3A_225 : memref<1x1024xf32, #tpu.memory_space<vmem>> -> memref<1024xf32, #tpu.memory_space<vmem>>
    %dma_wait3A_227 = tpu.memref_slice %arg6[%multiple_of3A_223] : memref<13107200xf32, #tpu.memory_space<hbm>> -> memref<1024xf32, #tpu.memory_space<hbm>>
    %dma_wait3A_228 = tpu.memref_slice %arg6[%multiple_of3A_223] : memref<13107200xf32, #tpu.memory_space<hbm>> -> memref<1024xf32, #tpu.memory_space<hbm>>
    %dma_wait3A_229 = arith.constant 0 : i32
    %dma_wait3A_230 = tpu.memref_slice %arg16[%dma_wait3A, %dma_wait3A_229] : memref<8x1024xf32, #tpu.memory_space<vmem>> -> memref<1x1024xf32, #tpu.memory_space<vmem>>
    %dma_wait3A_231 = tpu.memref_squeeze %dma_wait3A_230 : memref<1x1024xf32, #tpu.memory_space<vmem>> -> memref<1024xf32, #tpu.memory_space<vmem>>
    tpu.wait_dma2 semaphore(%arg20 : memref<!tpu.dma_semaphore, #tpu.memory_space<semaphore_mem>>) src(%dma_wait3A_231 : memref<1024xf32, #tpu.memory_space<vmem>>) dst(%dma_wait3A_228 : memref<1024xf32, #tpu.memory_space<hbm>>)
    %add3A_232 = arith.constant 50 : i32
    %add3A_233 = arith.addi %mul3A_2, %add3A_232 : i32
    %sub3A_234 = arith.constant 1 : i32
    %sub3A_235 = arith.subi %add3A_233, %sub3A_234 : i32
    %shift_right_logical3A_236 = arith.constant 6 : i32
    %shift_right_logical3A_237 = arith.shrui %sub3A_235, %shift_right_logical3A_236 : i32
    %and3A_238 = arith.constant 63 : i32
    %and3A_239 = arith.andi %sub3A_235, %and3A_238 : i32
    %shift_left3A_240 = arith.constant 1 : i32
    %shift_left3A_241 = arith.shli %and3A_239, %shift_left3A_240 : i32
    %mul3A_242 = arith.constant 8 : i32
    %mul3A_243 = arith.muli %shift_right_logical3A_237, %mul3A_242 : i32
    %add3A_244 = arith.constant 0 : i32
    %add3A_245 = arith.addi %mul3A_243, %add3A_244 : i32
    %mul3A_246 = arith.constant 65536 : i32
    %mul3A_247 = arith.muli %add3A_245, %mul3A_246 : i32
    %mul3A_248 = arith.constant 512 : i32
    %mul3A_249 = arith.muli %shift_left3A_241, %mul3A_248 : i32
    %add3A_250 = arith.addi %mul3A_247, %mul3A_249 : i32
    %multiple_of3A_251 = tpu.assume_multiple %add3A_250, 1024 : i32
    %dma_wait3A_252 = arith.constant 0 : i32
    %dma_wait3A_253 = arith.constant 0 : i32
    %dma_wait3A_254 = tpu.memref_slice %arg17[%dma_wait3A_252, %dma_wait3A_253] : memref<8x1024xf32, #tpu.memory_space<vmem>> -> memref<1x1024xf32, #tpu.memory_space<vmem>>
    %dma_wait3A_255 = tpu.memref_squeeze %dma_wait3A_254 : memref<1x1024xf32, #tpu.memory_space<vmem>> -> memref<1024xf32, #tpu.memory_space<vmem>>
    %dma_wait3A_256 = tpu.memref_slice %arg6[%multiple_of3A_251] : memref<13107200xf32, #tpu.memory_space<hbm>> -> memref<1024xf32, #tpu.memory_space<hbm>>
    %dma_wait3A_257 = tpu.memref_slice %arg6[%multiple_of3A_251] : memref<13107200xf32, #tpu.memory_space<hbm>> -> memref<1024xf32, #tpu.memory_space<hbm>>
    %dma_wait3A_258 = arith.constant 0 : i32
    %dma_wait3A_259 = tpu.memref_slice %arg17[%dma_wait3A_252, %dma_wait3A_258] : memref<8x1024xf32, #tpu.memory_space<vmem>> -> memref<1x1024xf32, #tpu.memory_space<vmem>>
    %dma_wait3A_260 = tpu.memref_squeeze %dma_wait3A_259 : memref<1x1024xf32, #tpu.memory_space<vmem>> -> memref<1024xf32, #tpu.memory_space<vmem>>
    tpu.wait_dma2 semaphore(%arg21 : memref<!tpu.dma_semaphore, #tpu.memory_space<semaphore_mem>>) src(%dma_wait3A_260 : memref<1024xf32, #tpu.memory_space<vmem>>) dst(%dma_wait3A_257 : memref<1024xf32, #tpu.memory_space<hbm>>)
    %add3A_261 = arith.constant 50 : i32
    %add3A_262 = arith.addi %mul3A_2, %add3A_261 : i32
    %sub3A_263 = arith.constant 2 : i32
    %sub3A_264 = arith.subi %add3A_262, %sub3A_263 : i32
    %shift_right_logical3A_265 = arith.constant 6 : i32
    %shift_right_logical3A_266 = arith.shrui %sub3A_264, %shift_right_logical3A_265 : i32
    %and3A_267 = arith.constant 63 : i32
    %and3A_268 = arith.andi %sub3A_264, %and3A_267 : i32
    %shift_left3A_269 = arith.constant 1 : i32
    %shift_left3A_270 = arith.shli %and3A_268, %shift_left3A_269 : i32
    %mul3A_271 = arith.constant 8 : i32
    %mul3A_272 = arith.muli %shift_right_logical3A_266, %mul3A_271 : i32
    %add3A_273 = arith.constant 1 : i32
    %add3A_274 = arith.addi %mul3A_272, %add3A_273 : i32
    %mul3A_275 = arith.constant 65536 : i32
    %mul3A_276 = arith.muli %add3A_274, %mul3A_275 : i32
    %mul3A_277 = arith.constant 512 : i32
    %mul3A_278 = arith.muli %shift_left3A_270, %mul3A_277 : i32
    %add3A_279 = arith.addi %mul3A_276, %mul3A_278 : i32
    %multiple_of3A_280 = tpu.assume_multiple %add3A_279, 1024 : i32
    %dma_wait3A_281 = arith.constant 1 : i32
    %dma_wait3A_282 = arith.constant 0 : i32
    %dma_wait3A_283 = tpu.memref_slice %arg16[%dma_wait3A_281, %dma_wait3A_282] : memref<8x1024xf32, #tpu.memory_space<vmem>> -> memref<1x1024xf32, #tpu.memory_space<vmem>>
    %dma_wait3A_284 = tpu.memref_squeeze %dma_wait3A_283 : memref<1x1024xf32, #tpu.memory_space<vmem>> -> memref<1024xf32, #tpu.memory_space<vmem>>
    %dma_wait3A_285 = tpu.memref_slice %arg6[%multiple_of3A_280] : memref<13107200xf32, #tpu.memory_space<hbm>> -> memref<1024xf32, #tpu.memory_space<hbm>>
    %dma_wait3A_286 = tpu.memref_slice %arg6[%multiple_of3A_280] : memref<13107200xf32, #tpu.memory_space<hbm>> -> memref<1024xf32, #tpu.memory_space<hbm>>
    %dma_wait3A_287 = arith.constant 0 : i32
    %dma_wait3A_288 = tpu.memref_slice %arg16[%dma_wait3A_281, %dma_wait3A_287] : memref<8x1024xf32, #tpu.memory_space<vmem>> -> memref<1x1024xf32, #tpu.memory_space<vmem>>
    %dma_wait3A_289 = tpu.memref_squeeze %dma_wait3A_288 : memref<1x1024xf32, #tpu.memory_space<vmem>> -> memref<1024xf32, #tpu.memory_space<vmem>>
    tpu.wait_dma2 semaphore(%arg20 : memref<!tpu.dma_semaphore, #tpu.memory_space<semaphore_mem>>) src(%dma_wait3A_289 : memref<1024xf32, #tpu.memory_space<vmem>>) dst(%dma_wait3A_286 : memref<1024xf32, #tpu.memory_space<hbm>>)
    %add3A_290 = arith.constant 50 : i32
    %add3A_291 = arith.addi %mul3A_2, %add3A_290 : i32
    %sub3A_292 = arith.constant 1 : i32
    %sub3A_293 = arith.subi %add3A_291, %sub3A_292 : i32
    %shift_right_logical3A_294 = arith.constant 6 : i32
    %shift_right_logical3A_295 = arith.shrui %sub3A_293, %shift_right_logical3A_294 : i32
    %and3A_296 = arith.constant 63 : i32
    %and3A_297 = arith.andi %sub3A_293, %and3A_296 : i32
    %shift_left3A_298 = arith.constant 1 : i32
    %shift_left3A_299 = arith.shli %and3A_297, %shift_left3A_298 : i32
    %mul3A_300 = arith.constant 8 : i32
    %mul3A_301 = arith.muli %shift_right_logical3A_295, %mul3A_300 : i32
    %add3A_302 = arith.constant 1 : i32
    %add3A_303 = arith.addi %mul3A_301, %add3A_302 : i32
    %mul3A_304 = arith.constant 65536 : i32
    %mul3A_305 = arith.muli %add3A_303, %mul3A_304 : i32
    %mul3A_306 = arith.constant 512 : i32
    %mul3A_307 = arith.muli %shift_left3A_299, %mul3A_306 : i32
    %add3A_308 = arith.addi %mul3A_305, %mul3A_307 : i32
    %multiple_of3A_309 = tpu.assume_multiple %add3A_308, 1024 : i32
    %dma_wait3A_310 = arith.constant 1 : i32
    %dma_wait3A_311 = arith.constant 0 : i32
    %dma_wait3A_312 = tpu.memref_slice %arg17[%dma_wait3A_310, %dma_wait3A_311] : memref<8x1024xf32, #tpu.memory_space<vmem>> -> memref<1x1024xf32, #tpu.memory_space<vmem>>
    %dma_wait3A_313 = tpu.memref_squeeze %dma_wait3A_312 : memref<1x1024xf32, #tpu.memory_space<vmem>> -> memref<1024xf32, #tpu.memory_space<vmem>>
    %dma_wait3A_314 = tpu.memref_slice %arg6[%multiple_of3A_309] : memref<13107200xf32, #tpu.memory_space<hbm>> -> memref<1024xf32, #tpu.memory_space<hbm>>
    %dma_wait3A_315 = tpu.memref_slice %arg6[%multiple_of3A_309] : memref<13107200xf32, #tpu.memory_space<hbm>> -> memref<1024xf32, #tpu.memory_space<hbm>>
    %dma_wait3A_316 = arith.constant 0 : i32
    %dma_wait3A_317 = tpu.memref_slice %arg17[%dma_wait3A_310, %dma_wait3A_316] : memref<8x1024xf32, #tpu.memory_space<vmem>> -> memref<1x1024xf32, #tpu.memory_space<vmem>>
    %dma_wait3A_318 = tpu.memref_squeeze %dma_wait3A_317 : memref<1x1024xf32, #tpu.memory_space<vmem>> -> memref<1024xf32, #tpu.memory_space<vmem>>
    tpu.wait_dma2 semaphore(%arg21 : memref<!tpu.dma_semaphore, #tpu.memory_space<semaphore_mem>>) src(%dma_wait3A_318 : memref<1024xf32, #tpu.memory_space<vmem>>) dst(%dma_wait3A_315 : memref<1024xf32, #tpu.memory_space<hbm>>)
    %add3A_319 = arith.constant 50 : i32
    %add3A_320 = arith.addi %mul3A_2, %add3A_319 : i32
    %sub3A_321 = arith.constant 2 : i32
    %sub3A_322 = arith.subi %add3A_320, %sub3A_321 : i32
    %shift_right_logical3A_323 = arith.constant 6 : i32
    %shift_right_logical3A_324 = arith.shrui %sub3A_322, %shift_right_logical3A_323 : i32
    %and3A_325 = arith.constant 63 : i32
    %and3A_326 = arith.andi %sub3A_322, %and3A_325 : i32
    %shift_left3A_327 = arith.constant 1 : i32
    %shift_left3A_328 = arith.shli %and3A_326, %shift_left3A_327 : i32
    %mul3A_329 = arith.constant 8 : i32
    %mul3A_330 = arith.muli %shift_right_logical3A_324, %mul3A_329 : i32
    %add3A_331 = arith.constant 2 : i32
    %add3A_332 = arith.addi %mul3A_330, %add3A_331 : i32
    %mul3A_333 = arith.constant 65536 : i32
    %mul3A_334 = arith.muli %add3A_332, %mul3A_333 : i32
    %mul3A_335 = arith.constant 512 : i32
    %mul3A_336 = arith.muli %shift_left3A_328, %mul3A_335 : i32
    %add3A_337 = arith.addi %mul3A_334, %mul3A_336 : i32
    %multiple_of3A_338 = tpu.assume_multiple %add3A_337, 1024 : i32
    %dma_wait3A_339 = arith.constant 2 : i32
    %dma_wait3A_340 = arith.constant 0 : i32
    %dma_wait3A_341 = tpu.memref_slice %arg16[%dma_wait3A_339, %dma_wait3A_340] : memref<8x1024xf32, #tpu.memory_space<vmem>> -> memref<1x1024xf32, #tpu.memory_space<vmem>>
    %dma_wait3A_342 = tpu.memref_squeeze %dma_wait3A_341 : memref<1x1024xf32, #tpu.memory_space<vmem>> -> memref<1024xf32, #tpu.memory_space<vmem>>
    %dma_wait3A_343 = tpu.memref_slice %arg6[%multiple_of3A_338] : memref<13107200xf32, #tpu.memory_space<hbm>> -> memref<1024xf32, #tpu.memory_space<hbm>>
    %dma_wait3A_344 = tpu.memref_slice %arg6[%multiple_of3A_338] : memref<13107200xf32, #tpu.memory_space<hbm>> -> memref<1024xf32, #tpu.memory_space<hbm>>
    %dma_wait3A_345 = arith.constant 0 : i32
    %dma_wait3A_346 = tpu.memref_slice %arg16[%dma_wait3A_339, %dma_wait3A_345] : memref<8x1024xf32, #tpu.memory_space<vmem>> -> memref<1x1024xf32, #tpu.memory_space<vmem>>
    %dma_wait3A_347 = tpu.memref_squeeze %dma_wait3A_346 : memref<1x1024xf32, #tpu.memory_space<vmem>> -> memref<1024xf32, #tpu.memory_space<vmem>>
    tpu.wait_dma2 semaphore(%arg20 : memref<!tpu.dma_semaphore, #tpu.memory_space<semaphore_mem>>) src(%dma_wait3A_347 : memref<1024xf32, #tpu.memory_space<vmem>>) dst(%dma_wait3A_344 : memref<1024xf32, #tpu.memory_space<hbm>>)
    %add3A_348 = arith.constant 50 : i32
    %add3A_349 = arith.addi %mul3A_2, %add3A_348 : i32
    %sub3A_350 = arith.constant 1 : i32
    %sub3A_351 = arith.subi %add3A_349, %sub3A_350 : i32
    %shift_right_logical3A_352 = arith.constant 6 : i32
    %shift_right_logical3A_353 = arith.shrui %sub3A_351, %shift_right_logical3A_352 : i32
    %and3A_354 = arith.constant 63 : i32
    %and3A_355 = arith.andi %sub3A_351, %and3A_354 : i32
    %shift_left3A_356 = arith.constant 1 : i32
    %shift_left3A_357 = arith.shli %and3A_355, %shift_left3A_356 : i32
    %mul3A_358 = arith.constant 8 : i32
    %mul3A_359 = arith.muli %shift_right_logical3A_353, %mul3A_358 : i32
    %add3A_360 = arith.constant 2 : i32
    %add3A_361 = arith.addi %mul3A_359, %add3A_360 : i32
    %mul3A_362 = arith.constant 65536 : i32
    %mul3A_363 = arith.muli %add3A_361, %mul3A_362 : i32
    %mul3A_364 = arith.constant 512 : i32
    %mul3A_365 = arith.muli %shift_left3A_357, %mul3A_364 : i32
    %add3A_366 = arith.addi %mul3A_363, %mul3A_365 : i32
    %multiple_of3A_367 = tpu.assume_multiple %add3A_366, 1024 : i32
    %dma_wait3A_368 = arith.constant 2 : i32
    %dma_wait3A_369 = arith.constant 0 : i32
    %dma_wait3A_370 = tpu.memref_slice %arg17[%dma_wait3A_368, %dma_wait3A_369] : memref<8x1024xf32, #tpu.memory_space<vmem>> -> memref<1x1024xf32, #tpu.memory_space<vmem>>
    %dma_wait3A_371 = tpu.memref_squeeze %dma_wait3A_370 : memref<1x1024xf32, #tpu.memory_space<vmem>> -> memref<1024xf32, #tpu.memory_space<vmem>>
    %dma_wait3A_372 = tpu.memref_slice %arg6[%multiple_of3A_367] : memref<13107200xf32, #tpu.memory_space<hbm>> -> memref<1024xf32, #tpu.memory_space<hbm>>
    %dma_wait3A_373 = tpu.memref_slice %arg6[%multiple_of3A_367] : memref<13107200xf32, #tpu.memory_space<hbm>> -> memref<1024xf32, #tpu.memory_space<hbm>>
    %dma_wait3A_374 = arith.constant 0 : i32
    %dma_wait3A_375 = tpu.memref_slice %arg17[%dma_wait3A_368, %dma_wait3A_374] : memref<8x1024xf32, #tpu.memory_space<vmem>> -> memref<1x1024xf32, #tpu.memory_space<vmem>>
    %dma_wait3A_376 = tpu.memref_squeeze %dma_wait3A_375 : memref<1x1024xf32, #tpu.memory_space<vmem>> -> memref<1024xf32, #tpu.memory_space<vmem>>
    tpu.wait_dma2 semaphore(%arg21 : memref<!tpu.dma_semaphore, #tpu.memory_space<semaphore_mem>>) src(%dma_wait3A_376 : memref<1024xf32, #tpu.memory_space<vmem>>) dst(%dma_wait3A_373 : memref<1024xf32, #tpu.memory_space<hbm>>)
    %add3A_377 = arith.constant 50 : i32
    %add3A_378 = arith.addi %mul3A_2, %add3A_377 : i32
    %sub3A_379 = arith.constant 2 : i32
    %sub3A_380 = arith.subi %add3A_378, %sub3A_379 : i32
    %shift_right_logical3A_381 = arith.constant 6 : i32
    %shift_right_logical3A_382 = arith.shrui %sub3A_380, %shift_right_logical3A_381 : i32
    %and3A_383 = arith.constant 63 : i32
    %and3A_384 = arith.andi %sub3A_380, %and3A_383 : i32
    %shift_left3A_385 = arith.constant 1 : i32
    %shift_left3A_386 = arith.shli %and3A_384, %shift_left3A_385 : i32
    %mul3A_387 = arith.constant 8 : i32
    %mul3A_388 = arith.muli %shift_right_logical3A_382, %mul3A_387 : i32
    %add3A_389 = arith.constant 3 : i32
    %add3A_390 = arith.addi %mul3A_388, %add3A_389 : i32
    %mul3A_391 = arith.constant 65536 : i32
    %mul3A_392 = arith.muli %add3A_390, %mul3A_391 : i32
    %mul3A_393 = arith.constant 512 : i32
    %mul3A_394 = arith.muli %shift_left3A_386, %mul3A_393 : i32
    %add3A_395 = arith.addi %mul3A_392, %mul3A_394 : i32
    %multiple_of3A_396 = tpu.assume_multiple %add3A_395, 1024 : i32
    %dma_wait3A_397 = arith.constant 3 : i32
    %dma_wait3A_398 = arith.constant 0 : i32
    %dma_wait3A_399 = tpu.memref_slice %arg16[%dma_wait3A_397, %dma_wait3A_398] : memref<8x1024xf32, #tpu.memory_space<vmem>> -> memref<1x1024xf32, #tpu.memory_space<vmem>>
    %dma_wait3A_400 = tpu.memref_squeeze %dma_wait3A_399 : memref<1x1024xf32, #tpu.memory_space<vmem>> -> memref<1024xf32, #tpu.memory_space<vmem>>
    %dma_wait3A_401 = tpu.memref_slice %arg6[%multiple_of3A_396] : memref<13107200xf32, #tpu.memory_space<hbm>> -> memref<1024xf32, #tpu.memory_space<hbm>>
    %dma_wait3A_402 = tpu.memref_slice %arg6[%multiple_of3A_396] : memref<13107200xf32, #tpu.memory_space<hbm>> -> memref<1024xf32, #tpu.memory_space<hbm>>
    %dma_wait3A_403 = arith.constant 0 : i32
    %dma_wait3A_404 = tpu.memref_slice %arg16[%dma_wait3A_397, %dma_wait3A_403] : memref<8x1024xf32, #tpu.memory_space<vmem>> -> memref<1x1024xf32, #tpu.memory_space<vmem>>
    %dma_wait3A_405 = tpu.memref_squeeze %dma_wait3A_404 : memref<1x1024xf32, #tpu.memory_space<vmem>> -> memref<1024xf32, #tpu.memory_space<vmem>>
    tpu.wait_dma2 semaphore(%arg20 : memref<!tpu.dma_semaphore, #tpu.memory_space<semaphore_mem>>) src(%dma_wait3A_405 : memref<1024xf32, #tpu.memory_space<vmem>>) dst(%dma_wait3A_402 : memref<1024xf32, #tpu.memory_space<hbm>>)
    %add3A_406 = arith.constant 50 : i32
    %add3A_407 = arith.addi %mul3A_2, %add3A_406 : i32
    %sub3A_408 = arith.constant 1 : i32
    %sub3A_409 = arith.subi %add3A_407, %sub3A_408 : i32
    %shift_right_logical3A_410 = arith.constant 6 : i32
    %shift_right_logical3A_411 = arith.shrui %sub3A_409, %shift_right_logical3A_410 : i32
    %and3A_412 = arith.constant 63 : i32
    %and3A_413 = arith.andi %sub3A_409, %and3A_412 : i32
    %shift_left3A_414 = arith.constant 1 : i32
    %shift_left3A_415 = arith.shli %and3A_413, %shift_left3A_414 : i32
    %mul3A_416 = arith.constant 8 : i32
    %mul3A_417 = arith.muli %shift_right_logical3A_411, %mul3A_416 : i32
    %add3A_418 = arith.constant 3 : i32
    %add3A_419 = arith.addi %mul3A_417, %add3A_418 : i32
    %mul3A_420 = arith.constant 65536 : i32
    %mul3A_421 = arith.muli %add3A_419, %mul3A_420 : i32
    %mul3A_422 = arith.constant 512 : i32
    %mul3A_423 = arith.muli %shift_left3A_415, %mul3A_422 : i32
    %add3A_424 = arith.addi %mul3A_421, %mul3A_423 : i32
    %multiple_of3A_425 = tpu.assume_multiple %add3A_424, 1024 : i32
    %dma_wait3A_426 = arith.constant 3 : i32
    %dma_wait3A_427 = arith.constant 0 : i32
    %dma_wait3A_428 = tpu.memref_slice %arg17[%dma_wait3A_426, %dma_wait3A_427] : memref<8x1024xf32, #tpu.memory_space<vmem>> -> memref<1x1024xf32, #tpu.memory_space<vmem>>
    %dma_wait3A_429 = tpu.memref_squeeze %dma_wait3A_428 : memref<1x1024xf32, #tpu.memory_space<vmem>> -> memref<1024xf32, #tpu.memory_space<vmem>>
    %dma_wait3A_430 = tpu.memref_slice %arg6[%multiple_of3A_425] : memref<13107200xf32, #tpu.memory_space<hbm>> -> memref<1024xf32, #tpu.memory_space<hbm>>
    %dma_wait3A_431 = tpu.memref_slice %arg6[%multiple_of3A_425] : memref<13107200xf32, #tpu.memory_space<hbm>> -> memref<1024xf32, #tpu.memory_space<hbm>>
    %dma_wait3A_432 = arith.constant 0 : i32
    %dma_wait3A_433 = tpu.memref_slice %arg17[%dma_wait3A_426, %dma_wait3A_432] : memref<8x1024xf32, #tpu.memory_space<vmem>> -> memref<1x1024xf32, #tpu.memory_space<vmem>>
    %dma_wait3A_434 = tpu.memref_squeeze %dma_wait3A_433 : memref<1x1024xf32, #tpu.memory_space<vmem>> -> memref<1024xf32, #tpu.memory_space<vmem>>
    tpu.wait_dma2 semaphore(%arg21 : memref<!tpu.dma_semaphore, #tpu.memory_space<semaphore_mem>>) src(%dma_wait3A_434 : memref<1024xf32, #tpu.memory_space<vmem>>) dst(%dma_wait3A_431 : memref<1024xf32, #tpu.memory_space<hbm>>)
    %add3A_435 = arith.constant 50 : i32
    %add3A_436 = arith.addi %mul3A_2, %add3A_435 : i32
    %sub3A_437 = arith.constant 2 : i32
    %sub3A_438 = arith.subi %add3A_436, %sub3A_437 : i32
    %shift_right_logical3A_439 = arith.constant 6 : i32
    %shift_right_logical3A_440 = arith.shrui %sub3A_438, %shift_right_logical3A_439 : i32
    %and3A_441 = arith.constant 63 : i32
    %and3A_442 = arith.andi %sub3A_438, %and3A_441 : i32
    %shift_left3A_443 = arith.constant 1 : i32
    %shift_left3A_444 = arith.shli %and3A_442, %shift_left3A_443 : i32
    %mul3A_445 = arith.constant 8 : i32
    %mul3A_446 = arith.muli %shift_right_logical3A_440, %mul3A_445 : i32
    %add3A_447 = arith.constant 4 : i32
    %add3A_448 = arith.addi %mul3A_446, %add3A_447 : i32
    %mul3A_449 = arith.constant 65536 : i32
    %mul3A_450 = arith.muli %add3A_448, %mul3A_449 : i32
    %mul3A_451 = arith.constant 512 : i32
    %mul3A_452 = arith.muli %shift_left3A_444, %mul3A_451 : i32
    %add3A_453 = arith.addi %mul3A_450, %mul3A_452 : i32
    %multiple_of3A_454 = tpu.assume_multiple %add3A_453, 1024 : i32
    %dma_wait3A_455 = arith.constant 4 : i32
    %dma_wait3A_456 = arith.constant 0 : i32
    %dma_wait3A_457 = tpu.memref_slice %arg16[%dma_wait3A_455, %dma_wait3A_456] : memref<8x1024xf32, #tpu.memory_space<vmem>> -> memref<1x1024xf32, #tpu.memory_space<vmem>>
    %dma_wait3A_458 = tpu.memref_squeeze %dma_wait3A_457 : memref<1x1024xf32, #tpu.memory_space<vmem>> -> memref<1024xf32, #tpu.memory_space<vmem>>
    %dma_wait3A_459 = tpu.memref_slice %arg6[%multiple_of3A_454] : memref<13107200xf32, #tpu.memory_space<hbm>> -> memref<1024xf32, #tpu.memory_space<hbm>>
    %dma_wait3A_460 = tpu.memref_slice %arg6[%multiple_of3A_454] : memref<13107200xf32, #tpu.memory_space<hbm>> -> memref<1024xf32, #tpu.memory_space<hbm>>
    %dma_wait3A_461 = arith.constant 0 : i32
    %dma_wait3A_462 = tpu.memref_slice %arg16[%dma_wait3A_455, %dma_wait3A_461] : memref<8x1024xf32, #tpu.memory_space<vmem>> -> memref<1x1024xf32, #tpu.memory_space<vmem>>
    %dma_wait3A_463 = tpu.memref_squeeze %dma_wait3A_462 : memref<1x1024xf32, #tpu.memory_space<vmem>> -> memref<1024xf32, #tpu.memory_space<vmem>>
    tpu.wait_dma2 semaphore(%arg20 : memref<!tpu.dma_semaphore, #tpu.memory_space<semaphore_mem>>) src(%dma_wait3A_463 : memref<1024xf32, #tpu.memory_space<vmem>>) dst(%dma_wait3A_460 : memref<1024xf32, #tpu.memory_space<hbm>>)
    %add3A_464 = arith.constant 50 : i32
    %add3A_465 = arith.addi %mul3A_2, %add3A_464 : i32
    %sub3A_466 = arith.constant 1 : i32
    %sub3A_467 = arith.subi %add3A_465, %sub3A_466 : i32
    %shift_right_logical3A_468 = arith.constant 6 : i32
    %shift_right_logical3A_469 = arith.shrui %sub3A_467, %shift_right_logical3A_468 : i32
    %and3A_470 = arith.constant 63 : i32
    %and3A_471 = arith.andi %sub3A_467, %and3A_470 : i32
    %shift_left3A_472 = arith.constant 1 : i32
    %shift_left3A_473 = arith.shli %and3A_471, %shift_left3A_472 : i32
    %mul3A_474 = arith.constant 8 : i32
    %mul3A_475 = arith.muli %shift_right_logical3A_469, %mul3A_474 : i32
    %add3A_476 = arith.constant 4 : i32
    %add3A_477 = arith.addi %mul3A_475, %add3A_476 : i32
    %mul3A_478 = arith.constant 65536 : i32
    %mul3A_479 = arith.muli %add3A_477, %mul3A_478 : i32
    %mul3A_480 = arith.constant 512 : i32
    %mul3A_481 = arith.muli %shift_left3A_473, %mul3A_480 : i32
    %add3A_482 = arith.addi %mul3A_479, %mul3A_481 : i32
    %multiple_of3A_483 = tpu.assume_multiple %add3A_482, 1024 : i32
    %dma_wait3A_484 = arith.constant 4 : i32
    %dma_wait3A_485 = arith.constant 0 : i32
    %dma_wait3A_486 = tpu.memref_slice %arg17[%dma_wait3A_484, %dma_wait3A_485] : memref<8x1024xf32, #tpu.memory_space<vmem>> -> memref<1x1024xf32, #tpu.memory_space<vmem>>
    %dma_wait3A_487 = tpu.memref_squeeze %dma_wait3A_486 : memref<1x1024xf32, #tpu.memory_space<vmem>> -> memref<1024xf32, #tpu.memory_space<vmem>>
    %dma_wait3A_488 = tpu.memref_slice %arg6[%multiple_of3A_483] : memref<13107200xf32, #tpu.memory_space<hbm>> -> memref<1024xf32, #tpu.memory_space<hbm>>
    %dma_wait3A_489 = tpu.memref_slice %arg6[%multiple_of3A_483] : memref<13107200xf32, #tpu.memory_space<hbm>> -> memref<1024xf32, #tpu.memory_space<hbm>>
    %dma_wait3A_490 = arith.constant 0 : i32
    %dma_wait3A_491 = tpu.memref_slice %arg17[%dma_wait3A_484, %dma_wait3A_490] : memref<8x1024xf32, #tpu.memory_space<vmem>> -> memref<1x1024xf32, #tpu.memory_space<vmem>>
    %dma_wait3A_492 = tpu.memref_squeeze %dma_wait3A_491 : memref<1x1024xf32, #tpu.memory_space<vmem>> -> memref<1024xf32, #tpu.memory_space<vmem>>
    tpu.wait_dma2 semaphore(%arg21 : memref<!tpu.dma_semaphore, #tpu.memory_space<semaphore_mem>>) src(%dma_wait3A_492 : memref<1024xf32, #tpu.memory_space<vmem>>) dst(%dma_wait3A_489 : memref<1024xf32, #tpu.memory_space<hbm>>)
    %add3A_493 = arith.constant 50 : i32
    %add3A_494 = arith.addi %mul3A_2, %add3A_493 : i32
    %sub3A_495 = arith.constant 2 : i32
    %sub3A_496 = arith.subi %add3A_494, %sub3A_495 : i32
    %shift_right_logical3A_497 = arith.constant 6 : i32
    %shift_right_logical3A_498 = arith.shrui %sub3A_496, %shift_right_logical3A_497 : i32
    %and3A_499 = arith.constant 63 : i32
    %and3A_500 = arith.andi %sub3A_496, %and3A_499 : i32
    %shift_left3A_501 = arith.constant 1 : i32
    %shift_left3A_502 = arith.shli %and3A_500, %shift_left3A_501 : i32
    %mul3A_503 = arith.constant 8 : i32
    %mul3A_504 = arith.muli %shift_right_logical3A_498, %mul3A_503 : i32
    %add3A_505 = arith.constant 5 : i32
    %add3A_506 = arith.addi %mul3A_504, %add3A_505 : i32
    %mul3A_507 = arith.constant 65536 : i32
    %mul3A_508 = arith.muli %add3A_506, %mul3A_507 : i32
    %mul3A_509 = arith.constant 512 : i32
    %mul3A_510 = arith.muli %shift_left3A_502, %mul3A_509 : i32
    %add3A_511 = arith.addi %mul3A_508, %mul3A_510 : i32
    %multiple_of3A_512 = tpu.assume_multiple %add3A_511, 1024 : i32
    %dma_wait3A_513 = arith.constant 5 : i32
    %dma_wait3A_514 = arith.constant 0 : i32
    %dma_wait3A_515 = tpu.memref_slice %arg16[%dma_wait3A_513, %dma_wait3A_514] : memref<8x1024xf32, #tpu.memory_space<vmem>> -> memref<1x1024xf32, #tpu.memory_space<vmem>>
    %dma_wait3A_516 = tpu.memref_squeeze %dma_wait3A_515 : memref<1x1024xf32, #tpu.memory_space<vmem>> -> memref<1024xf32, #tpu.memory_space<vmem>>
    %dma_wait3A_517 = tpu.memref_slice %arg6[%multiple_of3A_512] : memref<13107200xf32, #tpu.memory_space<hbm>> -> memref<1024xf32, #tpu.memory_space<hbm>>
    %dma_wait3A_518 = tpu.memref_slice %arg6[%multiple_of3A_512] : memref<13107200xf32, #tpu.memory_space<hbm>> -> memref<1024xf32, #tpu.memory_space<hbm>>
    %dma_wait3A_519 = arith.constant 0 : i32
    %dma_wait3A_520 = tpu.memref_slice %arg16[%dma_wait3A_513, %dma_wait3A_519] : memref<8x1024xf32, #tpu.memory_space<vmem>> -> memref<1x1024xf32, #tpu.memory_space<vmem>>
    %dma_wait3A_521 = tpu.memref_squeeze %dma_wait3A_520 : memref<1x1024xf32, #tpu.memory_space<vmem>> -> memref<1024xf32, #tpu.memory_space<vmem>>
    tpu.wait_dma2 semaphore(%arg20 : memref<!tpu.dma_semaphore, #tpu.memory_space<semaphore_mem>>) src(%dma_wait3A_521 : memref<1024xf32, #tpu.memory_space<vmem>>) dst(%dma_wait3A_518 : memref<1024xf32, #tpu.memory_space<hbm>>)
    %add3A_522 = arith.constant 50 : i32
    %add3A_523 = arith.addi %mul3A_2, %add3A_522 : i32
    %sub3A_524 = arith.constant 1 : i32
    %sub3A_525 = arith.subi %add3A_523, %sub3A_524 : i32
    %shift_right_logical3A_526 = arith.constant 6 : i32
    %shift_right_logical3A_527 = arith.shrui %sub3A_525, %shift_right_logical3A_526 : i32
    %and3A_528 = arith.constant 63 : i32
    %and3A_529 = arith.andi %sub3A_525, %and3A_528 : i32
    %shift_left3A_530 = arith.constant 1 : i32
    %shift_left3A_531 = arith.shli %and3A_529, %shift_left3A_530 : i32
    %mul3A_532 = arith.constant 8 : i32
    %mul3A_533 = arith.muli %shift_right_logical3A_527, %mul3A_532 : i32
    %add3A_534 = arith.constant 5 : i32
    %add3A_535 = arith.addi %mul3A_533, %add3A_534 : i32
    %mul3A_536 = arith.constant 65536 : i32
    %mul3A_537 = arith.muli %add3A_535, %mul3A_536 : i32
    %mul3A_538 = arith.constant 512 : i32
    %mul3A_539 = arith.muli %shift_left3A_531, %mul3A_538 : i32
    %add3A_540 = arith.addi %mul3A_537, %mul3A_539 : i32
    %multiple_of3A_541 = tpu.assume_multiple %add3A_540, 1024 : i32
    %dma_wait3A_542 = arith.constant 5 : i32
    %dma_wait3A_543 = arith.constant 0 : i32
    %dma_wait3A_544 = tpu.memref_slice %arg17[%dma_wait3A_542, %dma_wait3A_543] : memref<8x1024xf32, #tpu.memory_space<vmem>> -> memref<1x1024xf32, #tpu.memory_space<vmem>>
    %dma_wait3A_545 = tpu.memref_squeeze %dma_wait3A_544 : memref<1x1024xf32, #tpu.memory_space<vmem>> -> memref<1024xf32, #tpu.memory_space<vmem>>
    %dma_wait3A_546 = tpu.memref_slice %arg6[%multiple_of3A_541] : memref<13107200xf32, #tpu.memory_space<hbm>> -> memref<1024xf32, #tpu.memory_space<hbm>>
    %dma_wait3A_547 = tpu.memref_slice %arg6[%multiple_of3A_541] : memref<13107200xf32, #tpu.memory_space<hbm>> -> memref<1024xf32, #tpu.memory_space<hbm>>
    %dma_wait3A_548 = arith.constant 0 : i32
    %dma_wait3A_549 = tpu.memref_slice %arg17[%dma_wait3A_542, %dma_wait3A_548] : memref<8x1024xf32, #tpu.memory_space<vmem>> -> memref<1x1024xf32, #tpu.memory_space<vmem>>
    %dma_wait3A_550 = tpu.memref_squeeze %dma_wait3A_549 : memref<1x1024xf32, #tpu.memory_space<vmem>> -> memref<1024xf32, #tpu.memory_space<vmem>>
    tpu.wait_dma2 semaphore(%arg21 : memref<!tpu.dma_semaphore, #tpu.memory_space<semaphore_mem>>) src(%dma_wait3A_550 : memref<1024xf32, #tpu.memory_space<vmem>>) dst(%dma_wait3A_547 : memref<1024xf32, #tpu.memory_space<hbm>>)
    %add3A_551 = arith.constant 50 : i32
    %add3A_552 = arith.addi %mul3A_2, %add3A_551 : i32
    %sub3A_553 = arith.constant 2 : i32
    %sub3A_554 = arith.subi %add3A_552, %sub3A_553 : i32
    %shift_right_logical3A_555 = arith.constant 6 : i32
    %shift_right_logical3A_556 = arith.shrui %sub3A_554, %shift_right_logical3A_555 : i32
    %and3A_557 = arith.constant 63 : i32
    %and3A_558 = arith.andi %sub3A_554, %and3A_557 : i32
    %shift_left3A_559 = arith.constant 1 : i32
    %shift_left3A_560 = arith.shli %and3A_558, %shift_left3A_559 : i32
    %mul3A_561 = arith.constant 8 : i32
    %mul3A_562 = arith.muli %shift_right_logical3A_556, %mul3A_561 : i32
    %add3A_563 = arith.constant 6 : i32
    %add3A_564 = arith.addi %mul3A_562, %add3A_563 : i32
    %mul3A_565 = arith.constant 65536 : i32
    %mul3A_566 = arith.muli %add3A_564, %mul3A_565 : i32
    %mul3A_567 = arith.constant 512 : i32
    %mul3A_568 = arith.muli %shift_left3A_560, %mul3A_567 : i32
    %add3A_569 = arith.addi %mul3A_566, %mul3A_568 : i32
    %multiple_of3A_570 = tpu.assume_multiple %add3A_569, 1024 : i32
    %dma_wait3A_571 = arith.constant 6 : i32
    %dma_wait3A_572 = arith.constant 0 : i32
    %dma_wait3A_573 = tpu.memref_slice %arg16[%dma_wait3A_571, %dma_wait3A_572] : memref<8x1024xf32, #tpu.memory_space<vmem>> -> memref<1x1024xf32, #tpu.memory_space<vmem>>
    %dma_wait3A_574 = tpu.memref_squeeze %dma_wait3A_573 : memref<1x1024xf32, #tpu.memory_space<vmem>> -> memref<1024xf32, #tpu.memory_space<vmem>>
    %dma_wait3A_575 = tpu.memref_slice %arg6[%multiple_of3A_570] : memref<13107200xf32, #tpu.memory_space<hbm>> -> memref<1024xf32, #tpu.memory_space<hbm>>
    %dma_wait3A_576 = tpu.memref_slice %arg6[%multiple_of3A_570] : memref<13107200xf32, #tpu.memory_space<hbm>> -> memref<1024xf32, #tpu.memory_space<hbm>>
    %dma_wait3A_577 = arith.constant 0 : i32
    %dma_wait3A_578 = tpu.memref_slice %arg16[%dma_wait3A_571, %dma_wait3A_577] : memref<8x1024xf32, #tpu.memory_space<vmem>> -> memref<1x1024xf32, #tpu.memory_space<vmem>>
    %dma_wait3A_579 = tpu.memref_squeeze %dma_wait3A_578 : memref<1x1024xf32, #tpu.memory_space<vmem>> -> memref<1024xf32, #tpu.memory_space<vmem>>
    tpu.wait_dma2 semaphore(%arg20 : memref<!tpu.dma_semaphore, #tpu.memory_space<semaphore_mem>>) src(%dma_wait3A_579 : memref<1024xf32, #tpu.memory_space<vmem>>) dst(%dma_wait3A_576 : memref<1024xf32, #tpu.memory_space<hbm>>)
    %add3A_580 = arith.constant 50 : i32
    %add3A_581 = arith.addi %mul3A_2, %add3A_580 : i32
    %sub3A_582 = arith.constant 1 : i32
    %sub3A_583 = arith.subi %add3A_581, %sub3A_582 : i32
    %shift_right_logical3A_584 = arith.constant 6 : i32
    %shift_right_logical3A_585 = arith.shrui %sub3A_583, %shift_right_logical3A_584 : i32
    %and3A_586 = arith.constant 63 : i32
    %and3A_587 = arith.andi %sub3A_583, %and3A_586 : i32
    %shift_left3A_588 = arith.constant 1 : i32
    %shift_left3A_589 = arith.shli %and3A_587, %shift_left3A_588 : i32
    %mul3A_590 = arith.constant 8 : i32
    %mul3A_591 = arith.muli %shift_right_logical3A_585, %mul3A_590 : i32
    %add3A_592 = arith.constant 6 : i32
    %add3A_593 = arith.addi %mul3A_591, %add3A_592 : i32
    %mul3A_594 = arith.constant 65536 : i32
    %mul3A_595 = arith.muli %add3A_593, %mul3A_594 : i32
    %mul3A_596 = arith.constant 512 : i32
    %mul3A_597 = arith.muli %shift_left3A_589, %mul3A_596 : i32
    %add3A_598 = arith.addi %mul3A_595, %mul3A_597 : i32
    %multiple_of3A_599 = tpu.assume_multiple %add3A_598, 1024 : i32
    %dma_wait3A_600 = arith.constant 6 : i32
    %dma_wait3A_601 = arith.constant 0 : i32
    %dma_wait3A_602 = tpu.memref_slice %arg17[%dma_wait3A_600, %dma_wait3A_601] : memref<8x1024xf32, #tpu.memory_space<vmem>> -> memref<1x1024xf32, #tpu.memory_space<vmem>>
    %dma_wait3A_603 = tpu.memref_squeeze %dma_wait3A_602 : memref<1x1024xf32, #tpu.memory_space<vmem>> -> memref<1024xf32, #tpu.memory_space<vmem>>
    %dma_wait3A_604 = tpu.memref_slice %arg6[%multiple_of3A_599] : memref<13107200xf32, #tpu.memory_space<hbm>> -> memref<1024xf32, #tpu.memory_space<hbm>>
    %dma_wait3A_605 = tpu.memref_slice %arg6[%multiple_of3A_599] : memref<13107200xf32, #tpu.memory_space<hbm>> -> memref<1024xf32, #tpu.memory_space<hbm>>
    %dma_wait3A_606 = arith.constant 0 : i32
    %dma_wait3A_607 = tpu.memref_slice %arg17[%dma_wait3A_600, %dma_wait3A_606] : memref<8x1024xf32, #tpu.memory_space<vmem>> -> memref<1x1024xf32, #tpu.memory_space<vmem>>
    %dma_wait3A_608 = tpu.memref_squeeze %dma_wait3A_607 : memref<1x1024xf32, #tpu.memory_space<vmem>> -> memref<1024xf32, #tpu.memory_space<vmem>>
    tpu.wait_dma2 semaphore(%arg21 : memref<!tpu.dma_semaphore, #tpu.memory_space<semaphore_mem>>) src(%dma_wait3A_608 : memref<1024xf32, #tpu.memory_space<vmem>>) dst(%dma_wait3A_605 : memref<1024xf32, #tpu.memory_space<hbm>>)
    %add3A_609 = arith.constant 50 : i32
    %add3A_610 = arith.addi %mul3A_2, %add3A_609 : i32
    %sub3A_611 = arith.constant 2 : i32
    %sub3A_612 = arith.subi %add3A_610, %sub3A_611 : i32
    %shift_right_logical3A_613 = arith.constant 6 : i32
    %shift_right_logical3A_614 = arith.shrui %sub3A_612, %shift_right_logical3A_613 : i32
    %and3A_615 = arith.constant 63 : i32
    %and3A_616 = arith.andi %sub3A_612, %and3A_615 : i32
    %shift_left3A_617 = arith.constant 1 : i32
    %shift_left3A_618 = arith.shli %and3A_616, %shift_left3A_617 : i32
    %mul3A_619 = arith.constant 8 : i32
    %mul3A_620 = arith.muli %shift_right_logical3A_614, %mul3A_619 : i32
    %add3A_621 = arith.constant 7 : i32
    %add3A_622 = arith.addi %mul3A_620, %add3A_621 : i32
    %mul3A_623 = arith.constant 65536 : i32
    %mul3A_624 = arith.muli %add3A_622, %mul3A_623 : i32
    %mul3A_625 = arith.constant 512 : i32
    %mul3A_626 = arith.muli %shift_left3A_618, %mul3A_625 : i32
    %add3A_627 = arith.addi %mul3A_624, %mul3A_626 : i32
    %multiple_of3A_628 = tpu.assume_multiple %add3A_627, 1024 : i32
    %dma_wait3A_629 = arith.constant 7 : i32
    %dma_wait3A_630 = arith.constant 0 : i32
    %dma_wait3A_631 = tpu.memref_slice %arg16[%dma_wait3A_629, %dma_wait3A_630] : memref<8x1024xf32, #tpu.memory_space<vmem>> -> memref<1x1024xf32, #tpu.memory_space<vmem>>
    %dma_wait3A_632 = tpu.memref_squeeze %dma_wait3A_631 : memref<1x1024xf32, #tpu.memory_space<vmem>> -> memref<1024xf32, #tpu.memory_space<vmem>>
    %dma_wait3A_633 = tpu.memref_slice %arg6[%multiple_of3A_628] : memref<13107200xf32, #tpu.memory_space<hbm>> -> memref<1024xf32, #tpu.memory_space<hbm>>
    %dma_wait3A_634 = tpu.memref_slice %arg6[%multiple_of3A_628] : memref<13107200xf32, #tpu.memory_space<hbm>> -> memref<1024xf32, #tpu.memory_space<hbm>>
    %dma_wait3A_635 = arith.constant 0 : i32
    %dma_wait3A_636 = tpu.memref_slice %arg16[%dma_wait3A_629, %dma_wait3A_635] : memref<8x1024xf32, #tpu.memory_space<vmem>> -> memref<1x1024xf32, #tpu.memory_space<vmem>>
    %dma_wait3A_637 = tpu.memref_squeeze %dma_wait3A_636 : memref<1x1024xf32, #tpu.memory_space<vmem>> -> memref<1024xf32, #tpu.memory_space<vmem>>
    tpu.wait_dma2 semaphore(%arg20 : memref<!tpu.dma_semaphore, #tpu.memory_space<semaphore_mem>>) src(%dma_wait3A_637 : memref<1024xf32, #tpu.memory_space<vmem>>) dst(%dma_wait3A_634 : memref<1024xf32, #tpu.memory_space<hbm>>)
    %add3A_638 = arith.constant 50 : i32
    %add3A_639 = arith.addi %mul3A_2, %add3A_638 : i32
    %sub3A_640 = arith.constant 1 : i32
    %sub3A_641 = arith.subi %add3A_639, %sub3A_640 : i32
    %shift_right_logical3A_642 = arith.constant 6 : i32
    %shift_right_logical3A_643 = arith.shrui %sub3A_641, %shift_right_logical3A_642 : i32
    %and3A_644 = arith.constant 63 : i32
    %and3A_645 = arith.andi %sub3A_641, %and3A_644 : i32
    %shift_left3A_646 = arith.constant 1 : i32
    %shift_left3A_647 = arith.shli %and3A_645, %shift_left3A_646 : i32
    %mul3A_648 = arith.constant 8 : i32
    %mul3A_649 = arith.muli %shift_right_logical3A_643, %mul3A_648 : i32
    %add3A_650 = arith.constant 7 : i32
    %add3A_651 = arith.addi %mul3A_649, %add3A_650 : i32
    %mul3A_652 = arith.constant 65536 : i32
    %mul3A_653 = arith.muli %add3A_651, %mul3A_652 : i32
    %mul3A_654 = arith.constant 512 : i32
    %mul3A_655 = arith.muli %shift_left3A_647, %mul3A_654 : i32
    %add3A_656 = arith.addi %mul3A_653, %mul3A_655 : i32
    %multiple_of3A_657 = tpu.assume_multiple %add3A_656, 1024 : i32
    %dma_wait3A_658 = arith.constant 7 : i32
    %dma_wait3A_659 = arith.constant 0 : i32
    %dma_wait3A_660 = tpu.memref_slice %arg17[%dma_wait3A_658, %dma_wait3A_659] : memref<8x1024xf32, #tpu.memory_space<vmem>> -> memref<1x1024xf32, #tpu.memory_space<vmem>>
    %dma_wait3A_661 = tpu.memref_squeeze %dma_wait3A_660 : memref<1x1024xf32, #tpu.memory_space<vmem>> -> memref<1024xf32, #tpu.memory_space<vmem>>
    %dma_wait3A_662 = tpu.memref_slice %arg6[%multiple_of3A_657] : memref<13107200xf32, #tpu.memory_space<hbm>> -> memref<1024xf32, #tpu.memory_space<hbm>>
    %dma_wait3A_663 = tpu.memref_slice %arg6[%multiple_of3A_657] : memref<13107200xf32, #tpu.memory_space<hbm>> -> memref<1024xf32, #tpu.memory_space<hbm>>
    %dma_wait3A_664 = arith.constant 0 : i32
    %dma_wait3A_665 = tpu.memref_slice %arg17[%dma_wait3A_658, %dma_wait3A_664] : memref<8x1024xf32, #tpu.memory_space<vmem>> -> memref<1x1024xf32, #tpu.memory_space<vmem>>
    %dma_wait3A_666 = tpu.memref_squeeze %dma_wait3A_665 : memref<1x1024xf32, #tpu.memory_space<vmem>> -> memref<1024xf32, #tpu.memory_space<vmem>>
    tpu.wait_dma2 semaphore(%arg21 : memref<!tpu.dma_semaphore, #tpu.memory_space<semaphore_mem>>) src(%dma_wait3A_666 : memref<1024xf32, #tpu.memory_space<vmem>>) dst(%dma_wait3A_663 : memref<1024xf32, #tpu.memory_space<hbm>>)
    return
  }
}

</mosaic_0001>

<sc_bundles>
// kernel: _run.3.cloned.1.call-start
scs
__scs_entry_jumppad:
0x0: {  	(pc) =	sbr.rel $0x88, $3  }
0x1: {  	(tag) =	ssettag $0x0;
	lr =	simm.s32 $0x1  }
0x2: {  	[smem:$0x3F9D] =	sst lr;
	_ =	strace $0xD0000000  }
0x3: {  	_ = 	snop  }
0x4: {  	_ = 	snop  }
0x5: {  	_ = 	snop  }
0x6: {  	_ = 	snop  }
0x7: {  	_ = 	snop  }
__scs_overlays_trampoline_lowered:
0x8: {  	[smem:$0x3FAC] =	sst s0  }
0x9: {  	[smem:$0x3FAD] =	sst s1  }
0xa: {  	[smem:$0x3FAE] =	sst s2  }
0xb: {  	[smem:$0x3FAF] =	sst s3  }
0xc: {  	[smem:$0x3FB0] =	sst s4  }
0xd: {  	[smem:$0x3FB1] =	sst s5  }
0xe: {  	[smem:$0x3FB2] =	sst s6  }
0xf: {  	[smem:$0x3FB3] =	sst s7  }
0x10: {  	[smem:$0x3FB4] =	sst s8  }
0x11: {  	[smem:$0x3FB5] =	sst s9;
	s0 =	simm.s32 @!p0 $0x0  }
0x12: {  	s1 =	sld [smem:$0x3F9B];
	s0 =	simm.s32 @p0 $0x1  }
0x13: {  	[smem:$0x3FB6] =	sst s0;
	s0 =	simm.s32 @!p1 $0x0  }
0x14: {  	s2 =	sld [smem:$0x3F9A];
	s0 =	simm.s32 @p1 $0x1  }
0x15: {  	[smem:$0x3FB7] =	sst s0;
	s0 =	simm.s32 @!p2 $0x0  }
0x16: {  	s3 =	sld [smem:$0x3FDB];
	s0 =	simm.s32 @p2 $0x1  }
0x17: {  	s4 =	simm.s32 $0x1BF5;
	[smem:$0x3FB9] =	sst s0  }
0x18: {  	s0 =	sld [smem:$0x3F9C];
	_ =	swait.ge [sflag:s4], $0x0  }
0x19: {  	s7 =	sld [smem:$0x3F9D]  }
0x1a: {  	s8 =	sadd.s32 $0xFFFFE003, lr  }
0x1b: {  	s9 =	sadd.s32 $0xFFFFFEF7, lr;
	s5 =	simm.s32 $0xFFFFFFFF;
	p2 =	slt.u32 s8, $0xFFFFF086  }
0x1c: {  	p1 =	slt.u32 s9, $0xF7A;
	s5 =	simm.s32 @!p2 $0x0  }
0x1d: {  	s5 =	simm.s32 @p1 $0x1;
	p0 =	seq.s32 s7, s2  }
0x1e: {  	s7 =	smul.u32 @!p0 $0xF7A, s2;
	p2 =	seq.s32 @!p0 s5, $0x0  }
0x1f: {  	s9 =	smul.u32 $0xF7A, s1;
	s8 =	simm.s32 @!p0 $0x1BF5;
	p2 =	por !p2, p0  }
0x20: {  	[sflag:s8] =	ssyncset.s32 @!p0 $0xFFFFF086;
	s6 =	sadd.s32 @!p0 s3, s7;
	s7 =	simm.s32 @!p0 $0x108  }
0x21: {  	s3 =	sadd.s32 s3, s9;
	s6 =	sadd.s32 @!p0 $0x88, s6;
	s7 =	simm.s32 @p2 $0x1082  }
0x22: {  	[simem:s7], [sflag:s8] =	dma.local @!p0 [hbm:s6], $0xF7A  }
0x23: {  	s9 =	sor.u32 $0xD0000000, s2;
	s6 =	simm.s32 $0x108;
	_ =	swait.ge @!p0 [sflag:s8], $0x0  }
0x24: {  	s3 =	sadd.s32 $0x88, s3;
	s6 =	simm.s32 @!p1 $0x1082;
	[sflag:s4] =	ssyncset.s32 $0xFFFFF086  }
0x25: {  	[simem:s6], [sflag:s4] =	dma.local [hbm:s3], $0xF7A  }
0x26: {  	[smem:$0x3F9D] =	sst s1;
	(tag) =	ssettag s2;
	_ =	strace s9  }
0x27: {  	s1 =	sld [smem:$0x3FAD]  }
0x28: {  	s2 =	sld [smem:$0x3FAE]  }
0x29: {  	s4 =	sld [smem:$0x3FB0]  }
0x2a: {  	p0 =	seq.s32 s5, $0x0;
	s5 =	sld [smem:$0x3FB1]  }
0x2b: {  	s6 =	sld [smem:$0x3FB2]  }
0x2c: {  	s7 =	sld [smem:$0x3FB3]  }
0x2d: {  	s3 =	simm.s32 $0x108;
	s8 =	sld [smem:$0x3FB4]  }
0x2e: {  	s3 =	simm.s32 @!p0 $0x1082;
	s9 =	sld [smem:$0x3FB5]  }
0x2f: {  	lr =	sadd.s32 s0, s3;
	s0 =	sld [smem:$0x3FAC]  }
0x30: {  	s3 =	sld [smem:$0x3FAF]  }
0x31: {  	[smem:$0x3FB8] =	sst s10  }
0x32: {  	s10 =	sld [smem:$0x3FB6];
	_ =	sdelay $0x3  }
0x33: {  	p0 =	seq.s32 s10, $0x1;
	s10 =	sld [smem:$0x3FB8];
	_ =	sdelay $0x3  }
0x34: {  	[smem:$0x3FB8] =	sst s10  }
0x35: {  	s10 =	sld [smem:$0x3FB7];
	_ =	sdelay $0x3  }
0x36: {  	p1 =	seq.s32 s10, $0x1;
	s10 =	sld [smem:$0x3FB8];
	_ =	sdelay $0x3  }
0x37: {  	[smem:$0x3FB8] =	sst s10  }
0x38: {  	s10 =	sld [smem:$0x3FB9]  }
0x39: {  	_ = 	snop;
	(pc) =	sbr.ind lr, $3  }
0x3a: {  	_ = 	snop  }
0x3b: {  	_ = 	snop  }
0x3c: {  	p2 =	seq.s32 s10, $0x1;
	s10 =	sld [smem:$0x3FB8]  }
0x3d: {  	_ =	shalt  }
0x3e: {  	_ =	shalt  }
0x3f: {  	_ =	shalt  }
0x40: {  	_ =	shalt  }
0x41: {  	_ =	shalt  }
0x42: {  	_ =	shalt  }
0x43: {  	_ =	shalt  }
0x44: {  	_ =	shalt  }
0x45: {  	_ =	shalt  }
0x46: {  	_ =	shalt  }
0x47: {  	_ =	shalt  }
0x48: {  	_ =	shalt  }
0x49: {  	_ =	shalt  }
0x4a: {  	_ =	shalt  }
0x4b: {  	_ =	shalt  }
0x4c: {  	_ =	shalt  }
0x4d: {  	_ =	shalt  }
0x4e: {  	_ =	shalt  }
0x4f: {  	_ =	shalt  }
0x50: {  	_ =	shalt  }
0x51: {  	_ =	shalt  }
0x52: {  	_ =	shalt  }
0x53: {  	_ =	shalt  }
0x54: {  	_ =	shalt  }
0x55: {  	_ =	shalt  }
0x56: {  	_ =	shalt  }
0x57: {  	_ =	shalt  }
0x58: {  	_ =	shalt  }
0x59: {  	_ =	shalt  }
0x5a: {  	_ =	shalt  }
0x5b: {  	_ =	shalt  }
0x5c: {  	_ =	shalt  }
0x5d: {  	_ =	shalt  }
0x5e: {  	_ =	shalt  }
0x5f: {  	_ =	shalt  }
0x60: {  	_ =	shalt  }
0x61: {  	_ =	shalt  }
0x62: {  	_ =	shalt  }
0x63: {  	_ =	shalt  }
0x64: {  	_ =	shalt  }
0x65: {  	_ =	shalt  }
0x66: {  	_ =	shalt  }
0x67: {  	_ =	shalt  }
0x68: {  	_ =	shalt  }
0x69: {  	_ =	shalt  }
0x6a: {  	_ =	shalt  }
0x6b: {  	_ =	shalt  }
0x6c: {  	_ =	shalt  }
0x6d: {  	_ =	shalt  }
0x6e: {  	_ =	shalt  }
0x6f: {  	_ =	shalt  }
0x70: {  	_ =	shalt  }
0x71: {  	_ =	shalt  }
0x72: {  	_ =	shalt  }
0x73: {  	_ =	shalt  }
0x74: {  	_ =	shalt  }
0x75: {  	_ =	shalt  }
0x76: {  	_ =	shalt  }
0x77: {  	_ =	shalt  }
0x78: {  	_ =	shalt  }
0x79: {  	_ =	shalt  }
0x7a: {  	_ =	shalt  }
0x7b: {  	_ =	shalt  }
0x7c: {  	_ =	shalt  }
0x7d: {  	_ =	shalt  }
0x7e: {  	_ =	shalt  }
0x7f: {  	_ =	shalt  }
0x80: {  	_ =	shalt  }
0x81: {  	_ =	shalt  }
0x82: {  	_ =	shalt  }
0x83: {  	_ =	shalt  }
0x84: {  	_ =	shalt  }
0x85: {  	_ =	shalt  }
0x86: {  	_ =	shalt  }
0x87: {  	_ =	shalt  }
.Lfunc_end0:
.L_simem_size_0:
called_computation_lowered:
.L_overlay_start_0:
0x88: {  	s2 =	sld [smem:$0x3FD9]  }
0x89: {  	s3 =	sld [smem:$0x3FFE];
	_ =	sdelay $0x1  }
0x8a: {  	s1 =	srdreg.scid  }
0x8b: {  	s0 =	sand.u32 $0x1, s1  }
0x8c: {  	s18 =	sshll.u32 s0, $0xA;
	s2 =	sadd.s32 s3, s2  }
0x8d: {  	s2 =	sadd.s32 s2, s18  }
0x8e: {  	[smem:$0x3FC4] =	sst s2  }
0x8f: {  	_ = 	snop  }
0x90: {  	s2 =	sld [smem:$0x3FC9]  }
0x91: {  	s19 =	sld [smem:$0x3FC8]  }
0x92: {  	s4 =	sld [smem:$0x3FC7]  }
0x93: {  	s5 =	sld [smem:$0x3FC6]  }
0x94: {  	s6 =	sld [smem:$0x3FD0];
	(tm) =	ssettm $0x1  }
0x95: {  	s7 =	sld [smem:$0x3FFB];
	_ =	sdelay $0x3  }
0x96: {  	_ =	strace s7  }
0x97: {  	s7 =	sld [smem:$0x3FFC];
	_ =	sdelay $0x3  }
0x98: {  	_ =	strace s7  }
0x99: {  	s7 =	sld [smem:$0x3FFD];
	_ =	sdelay $0x3  }
0x9a: {  	_ =	strace s7  }
0x9b: {  	_ =	strace $0x8FFFFFFF  }
0x9c: {  	s20 =	sld [smem:$0x3FDB];
	_ =	sdelay $0x1  }
0x9d: {  	s8 =	simm.s32 $_scs_section_size  }
0x9e: {  	s9 =	simm.s32 $_size__tile_overlayer_lowered;
	s10 =	simm.s32 $_tile_overlayer_lowered  }
0x9f: {  	s23 =	simm.s32 $0x1BFF;
	s22 =	sshll.u32 s10, $0x1;
	s7 =	sadd.s32 s8, s20  }
0xa0: {  	s11 =	simm.s32 $0x0;
	s21 =	sshll.u32 s9, $0x1;
	s9 =	sadd.s32 s22, s7  }
0xa1: {  	[timem:s11], [sflag:s23] =	dma.local [hbm:s9], s21  }
0xa2: {  	_ =	swait.ge [sflag:s23], s21  }
0xa3: {  	s8 =	ssub.s32 $0x0, s21;
	[sflag:s23] =	ssyncset.done $0x0  }
0xa4: {  	[sflag:s23] =	ssyncadd.s32 s8;
	_ =	sdelay $0x1  }
0xa5: {  	s24 =	simm.s32 $0x1B8B  }
0xa6: {  	_ =	swait.ge [sflag:s24], $0x1  }
0xa7: {  	[sflag:s24] =	ssyncset.done $0x0  }
0xa8: {  	s25 =	simm.s32 $0x1B8E;
	[sflag:s24] =	ssyncadd.s32 $0xFFFFFFFF  }
0xa9: {  	s26 =	simm.s32 $execute0_lowered;
	[smem:$0x3FD2] =	sst s25  }
0xaa: {  	s8 =	sshll.u32 s26, $0x1;
	_ =	strace $0x80000046;
	[dreg:$0x1] =	wrdreg $0xFFFFFFFF  }
0xab: {  	s28 =	simm.s32 $_size_execute0_lowered;
	s7 =	sadd.s32 s7, s8;
	[dreg:$0x0] =	wrdreg $0x0  }
0xac: {  	s8 =	sshll.u32 s28, $0x1;
	[dreg:$0x2] =	wrdreg s7  }
0xad: {  	[dreg:$0x3] =	wrdreg s8  }
0xae: {  	[dreg:$0x4] =	wrdreg $0xC0  }
0xaf: {  	_ =	task [dreg:s11], $0x5FFFF  }
0xb0: {  	[dreg:$0x1] =	wrdreg $0xFFFFFFFF  }
0xb1: {  	[dreg:$0x0] =	wrdreg $0x60  }
0xb2: {  	[dreg:$0x2] =	wrdreg s2  }
0xb3: {  	[dreg:$0x3] =	wrdreg s19  }
0xb4: {  	[dreg:$0x4] =	wrdreg s4  }
0xb5: {  	[dreg:$0x5] =	wrdreg s5  }
0xb6: {  	[dreg:$0x6] =	wrdreg s6  }
0xb7: {  	[dreg:$0x7] =	wrdreg $0x9  }
0xb8: {  	_ =	task.clear_ibuf [dreg:s11], $0x8FFFF;
	_ =	strace $0x90000046  }
0xb9: {  	s29 =	simm.s32 $0x9;
	_ =	strace $0x80000048  }
0xba: {  	_ =	swait.ge [sflag:s29], $0x1  }
0xbb: {  	[sflag:s29] =	ssyncadd.s32 $0xFFFFFFFF  }
0xbc: {  	_ =	strace $0x90000048  }
0xbd: {  	_ =	sfence  }
0xbe: {  	s30 =	sld [smem:$0x0];
	_ =	sdelay $0x2  }
0xbf: {  	s31 =	sshll.u32 s1, $0xD;
	s1 =	sshrl.u32 s1, $0x2  }
0xc0: {  	s3 =	sand.u32 $0x4000, s31;
	s1 =	sadd.s32 s1, s30  }
0xc1: {  	s0 =	sor.u32 s3, s0;
	s1 =	sshll.u32 s1, $0x11  }
0xc2: {  	s0 =	sor.u32 s1, s0  }
0xc3: {  	s0 =	sadd.s32 $0x8F2B, s0  }
0xc4: {  	[sflag:s0] =	ssyncadd.remote.s32 $0x1  }
0xc5: {  	_ =	sfence.sel $0xFFFF  }
0xc6: {  	[dreg:$0x0] =	wrdreg $0xFFFFFFFF;
	(pc) =	sbr.abs _section_cstart, $3  }
0xc7: {  	[dreg:$0x1] =	wrdreg $0xFFFFFFFF  }
0xc8: {  	_ =	task.clear_ibuf [dreg:s11], $0x2FFFF;
	_ =	strace $0x9FFFFFFF  }
0xc9: {  	(tm) =	ssettm $0x7FFFFFFF  }
tec
execute0_lowered:
.L_overlay_start_1:
0x0: {  	(tag) =	ssettag $0x1  }
0x1: {  	s0 =	rddreg [dreg:$0x0]  }
0x2: {  	s5 =	rddreg [dreg:$0x4];
	s1 =	srdreg.scid  }
0x3: {  	s2 =	stileid.u32;
	s6 =	simm.s32 $0x0;
	s23 =	simm.s32 $0x1  }
0x4: {  	s24 =	simm.s32 $0x180;
	s25 =	simm.s32 $0x200;
	s26 =	simm.s32 $0x280  }
0x5: {  	s28 =	simm.s32 $0x300;
	s21 =	simm.s32 $0x4300;
	s8 =	simm.s32 $0x4700  }
0x6: {  	s17 =	simm.s32 $0x4B00;
	s20 =	simm.s32 $0x4F00;
	s18 =	simm.s32 $0x5300  }
0x7: {  	s1 =	sand.u32 $0x1, s1;
	s2 =	sshll.u32 s2, $0x1;
	[smem:$0x7FF] =	sst s6  }
0x8: {  	s9 =	sadd.s32 $0x100, s0;
	s10 =	sadd.s32 $0x2000, s5;
	s11 =	sadd.s32 $0x4000, s5  }
0x9: {  	v0 =	vlaneseq.u32;
	v1 =	vimm.s32 $0x1;
	v3 =	vimm.s32 $0x2;
	s12 =	sadd.s32 $0x6000, s5;
	s13 =	sadd.s32 $0x8000, s5;
	s14 =	sadd.s32 $0xA000, s5  }
0xa: {  	v5 =	vimm.s32 $0x3;
	v7 =	vimm.s32 $0x4;
	v8 =	vimm.s32 $0x5;
	s15 =	sadd.s32 $0xC000, s5;
	s3 =	ssub.s32 $0x2, s1;
	s1 =	sor.u32 s1, s2  }
0xb: {  	v9 =	vimm.s32 $0x6;
	v10 =	vimm.s32 $0x7;
	v11 =	vimm.s32 $0x8;
	s16 =	sadd.s32 $0xE000, s5;
	_ =	strace $0x80000047;
	s4 =	smul.u32 $0x3200, s1  }
0xc: {  	v12 =	vimm.s32 $0x9;
	v13 =	vimm.s32 $0xA;
	v14 =	vimm.s32 $0xB;
	s29 =	sshrl.u32 s3, $0x1;
	s7 =	smul.u32 $0x32, s1;
	s1 =	simm.s32 $0x3700  }
0xd: {  	v15 =	vimm.s32 $0xC;
	v16 =	vimm.s32 $0xD;
	v0 =	vmul.u32 $0x4, v0;
	s2 =	ssub.s32 s3, s29;
	s3 =	simm.s32 $0x3B00;
	s30 =	sadd.s32 s0, s4  }
0xe: {  	v17 =	vimm.s32 $0xE;
	v18 =	vimm.s32 $0xF;
	v19 =	vimm.s32 $0x10;
	s31 =	smax.u32 s2, $0x1;
	s2 =	simm.s32 $0x2;
	[dreg:$0x6] =	wrdreg s30  }
0xf: {  	v2 =	vor.u32 $0x1, v0;
	v4 =	vor.u32 $0x2, v0;
	v6 =	vor.u32 $0x3, v0;
	s4 =	simm.s32 $0x3F00;
	s0 =	simm.s32 $0x0;
	[dreg:$0x7] =	wrdreg s31  }
.LBB2_1:
0x10: {  	[dreg:$0x8] =	wrdreg s0  }
0x11: {  	s19 =	rddreg [dreg:$0x1];
	s22 =	simm.s32 $0x5  }
0x12: {  	[tilespmem:s6], [sflag:$0x5] =	stream.linear.gather [hbm4b:s19+s6], $0x80, $0x38;
	[tilespmem:$0x5380] =	vst v63  }
0x13: {  	_ =	swait.ge [sflag:s22], $0x80  }
0x14: {  	[sflag:s22] =	ssyncset.done $0x0  }
0x15: {  	[sflag:s22] =	ssyncadd.s32 $0xFFFFFF80  }
0x16: {  	s29 =	simm.s32 $0x80;
	s31 =	rddreg [dreg:$0x2]  }
0x17: {  	[tilespmem:s29], [sflag:$0x5] =	stream.linear.gather [hbm4b:s31+s6], $0x80, $0x38;
	[tilespmem:$0x5380] =	vst v63  }
0x18: {  	_ =	swait.ge [sflag:s22], $0x80  }
0x19: {  	[sflag:s22] =	ssyncset.done $0x0  }
0x1a: {  	[sflag:s22] =	ssyncadd.s32 $0xFFFFFF80  }
0x1b: {  	s30 =	simm.s32 $0x100;
	s0 =	rddreg [dreg:$0x3]  }
0x1c: {  	[tilespmem:s30], [sflag:$0x5] =	stream.linear.gather [hbm4b:s0+s6], $0x80, $0x38;
	[tilespmem:$0x5380] =	vst v63  }
0x1d: {  	_ =	swait.ge [sflag:s22], $0x80  }
0x1e: {  	[sflag:s22] =	ssyncset.done $0x0  }
0x1f: {  	[sflag:s22] =	ssyncadd.s32 $0xFFFFFF80  }
0x20: {  	v20 =	vld.idx.msk [tilespmem:v1+s30+$0x0], $0xffff  }
0x21: {  	v21 =	vld.idx.msk [tilespmem:v0+s6+$0x0], $0xffff  }
0x22: {  	v22 =	vld.idx.msk [tilespmem:v1+s29+$0x0], $0xffff  }
0x23: {  	v23 =	vld.idx.msk [tilespmem:v2+s6+$0x0], $0xffff  }
0x24: {  	v24 =	vld.idx.msk [tilespmem:v3+s29+$0x0], $0xffff  }
0x25: {  	v25 =	vld.idx.msk [tilespmem:v4+s6+$0x0], $0xffff  }
0x26: {  	v26 =	vld.idx.msk [tilespmem:v5+s29+$0x0], $0xffff  }
0x27: {  	v63 =	vld.idx.msk [tilespmem:v6+s6+$0x0], $0xffff;
	v21 =	vmul.f32 v22, v21  }
0x28: {  	v27 =	vld.idx.msk [tilespmem:v7+s29+$0x0], $0xffff  }
0x29: {  	v28 =	vmul.f32 v24, v23;
	v20 =	vadd.f32 v21, v20;
	_ =	sdelay $0x1  }
0x2a: {  	v29 =	vmul.f32 v26, v25;
	v20 =	vadd.f32 v28, v20;
	_ =	sdelay $0x1  }
0x2b: {  	v30 =	vmul.f32 v27, v63;
	v20 =	vadd.f32 v29, v20;
	_ =	sdelay $0x1  }
0x2c: {  	v20 =	vadd.f32 v30, v20;
	_ =	sdelay $0x1  }
0x2d: {  	[tilespmem:$0x180] =	vst v20  }
0x2e: {  	v20 =	vld.idx.msk [tilespmem:v3+s30+$0x0], $0xffff  }
0x2f: {  	v31 =	vld.idx.msk [tilespmem:v0+s6+$0x0], $0xffff  }
0x30: {  	v32 =	vld.idx.msk [tilespmem:v8+s29+$0x0], $0xffff  }
0x31: {  	v33 =	vld.idx.msk [tilespmem:v2+s6+$0x0], $0xffff  }
0x32: {  	v34 =	vld.idx.msk [tilespmem:v9+s29+$0x0], $0xffff  }
0x33: {  	v35 =	vld.idx.msk [tilespmem:v4+s6+$0x0], $0xffff  }
0x34: {  	v36 =	vld.idx.msk [tilespmem:v10+s29+$0x0], $0xffff  }
0x35: {  	v37 =	vld.idx.msk [tilespmem:v6+s6+$0x0], $0xffff;
	v21 =	vmul.f32 v32, v31  }
0x36: {  	v38 =	vld.idx.msk [tilespmem:v11+s29+$0x0], $0xffff  }
0x37: {  	v39 =	vmul.f32 v34, v33;
	v20 =	vadd.f32 v21, v20;
	_ =	sdelay $0x1  }
0x38: {  	v40 =	vmul.f32 v36, v35;
	v20 =	vadd.f32 v39, v20;
	_ =	sdelay $0x1  }
0x39: {  	v41 =	vmul.f32 v38, v37;
	v20 =	vadd.f32 v40, v20;
	_ =	sdelay $0x1  }
0x3a: {  	v20 =	vadd.f32 v41, v20;
	_ =	sdelay $0x1  }
0x3b: {  	[tilespmem:$0x200] =	vst v20  }
0x3c: {  	v20 =	vld.idx.msk [tilespmem:v5+s30+$0x0], $0xffff  }
0x3d: {  	v42 =	vld.idx.msk [tilespmem:v0+s6+$0x0], $0xffff  }
0x3e: {  	v43 =	vld.idx.msk [tilespmem:v12+s29+$0x0], $0xffff  }
0x3f: {  	v44 =	vld.idx.msk [tilespmem:v2+s6+$0x0], $0xffff  }
0x40: {  	v45 =	vld.idx.msk [tilespmem:v13+s29+$0x0], $0xffff  }
0x41: {  	v46 =	vld.idx.msk [tilespmem:v4+s6+$0x0], $0xffff  }
0x42: {  	v47 =	vld.idx.msk [tilespmem:v14+s29+$0x0], $0xffff  }
0x43: {  	v48 =	vld.idx.msk [tilespmem:v6+s6+$0x0], $0xffff;
	v21 =	vmul.f32 v43, v42  }
0x44: {  	v49 =	vld.idx.msk [tilespmem:v15+s29+$0x0], $0xffff  }
0x45: {  	v50 =	vmul.f32 v45, v44;
	v20 =	vadd.f32 v21, v20;
	_ =	sdelay $0x1  }
0x46: {  	v51 =	vmul.f32 v47, v46;
	v20 =	vadd.f32 v50, v20;
	_ =	sdelay $0x1  }
0x47: {  	v52 =	vmul.f32 v49, v48;
	v20 =	vadd.f32 v51, v20;
	_ =	sdelay $0x1  }
0x48: {  	v20 =	vadd.f32 v52, v20;
	_ =	sdelay $0x1  }
0x49: {  	[tilespmem:$0x280] =	vst v20  }
0x4a: {  	v20 =	vld.idx.msk [tilespmem:v7+s30+$0x0], $0xffff  }
0x4b: {  	v53 =	vld.idx.msk [tilespmem:v0+s6+$0x0], $0xffff  }
0x4c: {  	v54 =	vld.idx.msk [tilespmem:v16+s29+$0x0], $0xffff  }
0x4d: {  	v55 =	vld.idx.msk [tilespmem:v2+s6+$0x0], $0xffff  }
0x4e: {  	v56 =	vld.idx.msk [tilespmem:v17+s29+$0x0], $0xffff  }
0x4f: {  	v57 =	vld.idx.msk [tilespmem:v4+s6+$0x0], $0xffff  }
0x50: {  	v58 =	vld.idx.msk [tilespmem:v18+s29+$0x0], $0xffff  }
0x51: {  	v59 =	vld.idx.msk [tilespmem:v6+s6+$0x0], $0xffff;
	v21 =	vmul.f32 v54, v53  }
0x52: {  	v60 =	vld.idx.msk [tilespmem:v19+s29+$0x0], $0xffff  }
0x53: {  	v61 =	vmul.f32 v56, v55;
	v20 =	vadd.f32 v21, v20;
	_ =	sdelay $0x1  }
0x54: {  	v62 =	vmul.f32 v58, v57;
	v20 =	vadd.f32 v61, v20;
	_ =	sdelay $0x1  }
0x55: {  	v63 =	vmul.f32 v60, v59;
	v20 =	vadd.f32 v62, v20;
	_ =	sdelay $0x1  }
0x56: {  	v20 =	vadd.f32 v63, v20;
	_ =	sdelay $0x1  }
0x57: {  	s19 =	simm.s32 $0x0;
	s31 =	simm.s32 $0x380;
	s30 =	rddreg [dreg:$0x6];
	[tilespmem:$0x300] =	vst v20  }
0x58: {  	[tilespmem:s31], [sflag:$0x1] =	stream.linear.gather [hbm4b:s30+s6], $0x800, $0x38;
	[tilespmem:$0x5380] =	vst v63  }
.LBB2_2:
0x59: {  	s22 =	sshll.u32 s19, $0x1  }
0x5a: {  	s29 =	sadd.s32 s7, s22  }
0x5b: {  	s22 =	sshll.u32 s29, $0x8  }
0x5c: {  	s30 =	simm.s32 $0xB80;
	s22 =	sadd.s32 s22, s9  }
0x5d: {  	[tilespmem:s30], [sflag:$0x2] =	stream.linear.gather [hbm4b:s22+s6], $0x800, $0x38;
	[tilespmem:$0x5380] =	vst v63  }
0x5e: {  	_ =	swait.ge [sflag:s23], $0x800  }
0x5f: {  	p0 =	seq.s32 s19, $0x0;
	[sflag:s23] =	ssyncset.done $0x0  }
0x60: {  	s31 =	simm.s32 @!p0 $0x3;
	[sflag:s23] =	ssyncadd.s32 $0xFFFFF800  }
0x61: {  	_ =	swait.ge @!p0 [sflag:s31], $0x400  }
0x62: {  	[sflag:s31] =	ssyncset.done @!p0 $0x0  }
0x63: {  	[sflag:s31] =	ssyncadd.s32 @!p0 $0xFFFFFC00  }
0x64: {  	_ =	swait.ge @!p0 [sflag:s31], $0x400  }
0x65: {  	[sflag:s31] =	ssyncset.done @!p0 $0x0  }
0x66: {  	[sflag:s31] =	ssyncadd.s32 @!p0 $0xFFFFFC00  }
0x67: {  	_ =	swait.ge @!p0 [sflag:s31], $0x400  }
0x68: {  	[sflag:s31] =	ssyncset.done @!p0 $0x0  }
0x69: {  	[sflag:s31] =	ssyncadd.s32 @!p0 $0xFFFFFC00  }
0x6a: {  	_ =	swait.ge @!p0 [sflag:s31], $0x400  }
0x6b: {  	[sflag:s31] =	ssyncset.done @!p0 $0x0  }
0x6c: {  	[sflag:s31] =	ssyncadd.s32 @!p0 $0xFFFFFC00  }
0x6d: {  	_ =	swait.ge @!p0 [sflag:s31], $0x400  }
0x6e: {  	[sflag:s31] =	ssyncset.done @!p0 $0x0  }
0x6f: {  	[sflag:s31] =	ssyncadd.s32 @!p0 $0xFFFFFC00  }
0x70: {  	_ =	swait.ge @!p0 [sflag:s31], $0x400  }
0x71: {  	[sflag:s31] =	ssyncset.done @!p0 $0x0  }
0x72: {  	[sflag:s31] =	ssyncadd.s32 @!p0 $0xFFFFFC00  }
0x73: {  	_ =	swait.ge @!p0 [sflag:s31], $0x400  }
0x74: {  	[sflag:s31] =	ssyncset.done @!p0 $0x0  }
0x75: {  	[sflag:s31] =	ssyncadd.s32 @!p0 $0xFFFFFC00  }
0x76: {  	p1 =	por $0x1, $0x1;
	_ =	swait.ge @!p0 [sflag:s31], $0x400  }
0x77: {  	s30 =	sshll.u32 s29, $0x7;
	s22 =	sshllo.u32 s19, $0x1;
	[sflag:s31] =	ssyncset.done @!p0 $0x0  }
0x78: {  	s30 =	sand.u32 $0x1F00, s30;
	[sflag:s31] =	ssyncadd.s32 @!p0 $0xFFFFFC00;
	s31 =	simm.s32 $0x0  }
.LBB2_3:
0x79: {  	v20 =	vld [tilespmem:s31+$0x380];
	_ =	sdelay $0x7  }
0x7a: {  	v21 =	vld.idx.msk [tilespmem:v20+s24+$0x0], $0xffff  }
0x7b: {  	v22 =	vld.idx.msk [tilespmem:v20+s25+$0x0], $0xffff  }
0x7c: {  	v23 =	vld.idx.msk [tilespmem:v20+s26+$0x0], $0xffff  }
0x7d: {  	v20 =	vld.idx.msk [tilespmem:v20+s28+$0x0], $0xffff;
	_ =	sdelay $0x4  }
0x7e: {  	[tilespmem:s31+$0x1F80] =	vst v20;
	v20 =	vld [tilespmem:s31+$0x400];
	_ =	sdelay $0x4  }
0x7f: {  	[tilespmem:s31+$0x1380] =	vst v21  }
0x80: {  	[tilespmem:s31+$0x1780] =	vst v22  }
0x81: {  	[tilespmem:s31+$0x1B80] =	vst v23  }
0x82: {  	v21 =	vld.idx.msk [tilespmem:v20+s24+$0x0], $0xffff  }
0x83: {  	v22 =	vld.idx.msk [tilespmem:v20+s25+$0x0], $0xffff  }
0x84: {  	v23 =	vld.idx.msk [tilespmem:v20+s26+$0x0], $0xffff  }
0x85: {  	v20 =	vld.idx.msk [tilespmem:v20+s28+$0x0], $0xffff;
	_ =	sdelay $0x4  }
0x86: {  	[tilespmem:s31+$0x2000] =	vst v20;
	v20 =	vld [tilespmem:s31+$0x480];
	_ =	sdelay $0x4  }
0x87: {  	[tilespmem:s31+$0x1400] =	vst v21  }
0x88: {  	[tilespmem:s31+$0x1800] =	vst v22  }
0x89: {  	[tilespmem:s31+$0x1C00] =	vst v23  }
0x8a: {  	v21 =	vld.idx.msk [tilespmem:v20+s24+$0x0], $0xffff  }
0x8b: {  	v22 =	vld.idx.msk [tilespmem:v20+s25+$0x0], $0xffff  }
0x8c: {  	v23 =	vld.idx.msk [tilespmem:v20+s26+$0x0], $0xffff  }
0x8d: {  	v20 =	vld.idx.msk [tilespmem:v20+s28+$0x0], $0xffff;
	_ =	sdelay $0x4  }
0x8e: {  	[tilespmem:s31+$0x2080] =	vst v20;
	v20 =	vld [tilespmem:s31+$0x500];
	_ =	sdelay $0x4  }
0x8f: {  	[tilespmem:s31+$0x1480] =	vst v21  }
0x90: {  	[tilespmem:s31+$0x1880] =	vst v22  }
0x91: {  	[tilespmem:s31+$0x1C80] =	vst v23  }
0x92: {  	v21 =	vld.idx.msk [tilespmem:v20+s24+$0x0], $0xffff  }
0x93: {  	v22 =	vld.idx.msk [tilespmem:v20+s25+$0x0], $0xffff  }
0x94: {  	v23 =	vld.idx.msk [tilespmem:v20+s26+$0x0], $0xffff  }
0x95: {  	v20 =	vld.idx.msk [tilespmem:v20+s28+$0x0], $0xffff;
	_ =	sdelay $0x4  }
0x96: {  	[tilespmem:s31+$0x2100] =	vst v20;
	v20 =	vld [tilespmem:s31+$0x580];
	_ =	sdelay $0x4  }
0x97: {  	[tilespmem:s31+$0x1500] =	vst v21  }
0x98: {  	[tilespmem:s31+$0x1900] =	vst v22  }
0x99: {  	[tilespmem:s31+$0x1D00] =	vst v23  }
0x9a: {  	v21 =	vld.idx.msk [tilespmem:v20+s24+$0x0], $0xffff  }
0x9b: {  	v22 =	vld.idx.msk [tilespmem:v20+s25+$0x0], $0xffff  }
0x9c: {  	v23 =	vld.idx.msk [tilespmem:v20+s26+$0x0], $0xffff  }
0x9d: {  	v20 =	vld.idx.msk [tilespmem:v20+s28+$0x0], $0xffff;
	_ =	sdelay $0x4  }
0x9e: {  	[tilespmem:s31+$0x2180] =	vst v20;
	v20 =	vld [tilespmem:s31+$0x600];
	_ =	sdelay $0x4  }
0x9f: {  	[tilespmem:s31+$0x1580] =	vst v21  }
0xa0: {  	[tilespmem:s31+$0x1980] =	vst v22  }
0xa1: {  	[tilespmem:s31+$0x1D80] =	vst v23  }
0xa2: {  	v21 =	vld.idx.msk [tilespmem:v20+s24+$0x0], $0xffff  }
0xa3: {  	v22 =	vld.idx.msk [tilespmem:v20+s25+$0x0], $0xffff  }
0xa4: {  	v23 =	vld.idx.msk [tilespmem:v20+s26+$0x0], $0xffff  }
0xa5: {  	v20 =	vld.idx.msk [tilespmem:v20+s28+$0x0], $0xffff;
	_ =	sdelay $0x4  }
0xa6: {  	[tilespmem:s31+$0x2200] =	vst v20;
	v20 =	vld [tilespmem:s31+$0x680];
	_ =	sdelay $0x4  }
0xa7: {  	[tilespmem:s31+$0x1600] =	vst v21  }
0xa8: {  	[tilespmem:s31+$0x1A00] =	vst v22  }
0xa9: {  	[tilespmem:s31+$0x1E00] =	vst v23  }
0xaa: {  	v21 =	vld.idx.msk [tilespmem:v20+s24+$0x0], $0xffff  }
0xab: {  	v22 =	vld.idx.msk [tilespmem:v20+s25+$0x0], $0xffff  }
0xac: {  	v23 =	vld.idx.msk [tilespmem:v20+s26+$0x0], $0xffff  }
0xad: {  	v20 =	vld.idx.msk [tilespmem:v20+s28+$0x0], $0xffff;
	_ =	sdelay $0x4  }
0xae: {  	[tilespmem:s31+$0x2280] =	vst v20;
	v20 =	vld [tilespmem:s31+$0x700];
	_ =	sdelay $0x4  }
0xaf: {  	[tilespmem:s31+$0x1680] =	vst v21  }
0xb0: {  	[tilespmem:s31+$0x1A80] =	vst v22  }
0xb1: {  	[tilespmem:s31+$0x1E80] =	vst v23  }
0xb2: {  	v21 =	vld.idx.msk [tilespmem:v20+s24+$0x0], $0xffff  }
0xb3: {  	v22 =	vld.idx.msk [tilespmem:v20+s25+$0x0], $0xffff  }
0xb4: {  	v23 =	vld.idx.msk [tilespmem:v20+s26+$0x0], $0xffff  }
0xb5: {  	v20 =	vld.idx.msk [tilespmem:v20+s28+$0x0], $0xffff;
	_ =	sdelay $0x4  }
0xb6: {  	[tilespmem:s31+$0x2300] =	vst v20;
	v20 =	vld [tilespmem:s31+$0x780];
	_ =	sdelay $0x4  }
0xb7: {  	[tilespmem:s31+$0x1700] =	vst v21  }
0xb8: {  	[tilespmem:s31+$0x1B00] =	vst v22  }
0xb9: {  	[tilespmem:s31+$0x1F00] =	vst v23  }
0xba: {  	v21 =	vld.idx.msk [tilespmem:v20+s24+$0x0], $0xffff  }
0xbb: {  	v22 =	vld.idx.msk [tilespmem:v20+s25+$0x0], $0xffff  }
0xbc: {  	v23 =	vld.idx.msk [tilespmem:v20+s26+$0x0], $0xffff  }
0xbd: {  	v20 =	vld.idx.msk [tilespmem:v20+s28+$0x0], $0xffff  }
0xbe: {  	v24 =	vld [tilespmem:s31+$0x390]  }
0xbf: {  	v31 =	vld [tilespmem:s31+$0x410]  }
0xc0: {  	v32 =	vld [tilespmem:s31+$0x490]  }
0xc1: {  	v33 =	vld [tilespmem:s31+$0x510]  }
0xc2: {  	v34 =	vld [tilespmem:s31+$0x590]  }
0xc3: {  	v35 =	vld [tilespmem:s31+$0x610]  }
0xc4: {  	v36 =	vld [tilespmem:s31+$0x690]  }
0xc5: {  	v37 =	vld [tilespmem:s31+$0x710]  }
0xc6: {  	v28 =	vld [tilespmem:s31+$0x3A0]  }
0xc7: {  	v38 =	vld [tilespmem:s31+$0x3B0]  }
0xc8: {  	v39 =	vld [tilespmem:s31+$0x790]  }
0xc9: {  	v47 =	vld [tilespmem:s31+$0x420]  }
0xca: {  	v49 =	vld [tilespmem:s31+$0x430]  }
0xcb: {  	v57 =	vld [tilespmem:s31+$0x4A0]  }
0xcc: {  	v60 =	vld [tilespmem:s31+$0x4B0]  }
0xcd: {  	v62 =	vld [tilespmem:s31+$0x810]  }
0xce: {  	v25 =	vld.idx.msk [tilespmem:v24+s24+$0x0], $0xffff  }
0xcf: {  	v26 =	vld.idx.msk [tilespmem:v24+s25+$0x0], $0xffff  }
0xd0: {  	v27 =	vld.idx.msk [tilespmem:v24+s26+$0x0], $0xffff  }
0xd1: {  	v24 =	vld.idx.msk [tilespmem:v24+s28+$0x0], $0xffff  }
0xd2: {  	v40 =	vld.idx.msk [tilespmem:v28+s24+$0x0], $0xffff  }
0xd3: {  	v41 =	vld.idx.msk [tilespmem:v28+s25+$0x0], $0xffff  }
0xd4: {  	v42 =	vld.idx.msk [tilespmem:v28+s26+$0x0], $0xffff  }
0xd5: {  	[tilespmem:s31+$0x2F80] =	vst v20;
	v20 =	vld.idx.msk [tilespmem:v38+s24+$0x0], $0xffff  }
0xd6: {  	v43 =	vld.idx.msk [tilespmem:v28+s28+$0x0], $0xffff;
	[tilespmem:s31+$0x1390] =	vst v25  }
0xd7: {  	v46 =	vld.idx.msk [tilespmem:v38+s28+$0x0], $0xffff;
	[tilespmem:s31+$0x1790] =	vst v26  }
0xd8: {  	v44 =	vld.idx.msk [tilespmem:v38+s25+$0x0], $0xffff;
	[tilespmem:s31+$0x1B90] =	vst v27  }
0xd9: {  	v45 =	vld.idx.msk [tilespmem:v38+s26+$0x0], $0xffff;
	[tilespmem:s31+$0x1F90] =	vst v24  }
0xda: {  	[tilespmem:s31+$0x13B0] =	vst v20;
	v20 =	vld [tilespmem:s31+$0x800]  }
0xdb: {  	[tilespmem:s31+$0x1FA0] =	vst v43;
	v43 =	vld [tilespmem:s31+$0x5A0]  }
0xdc: {  	[tilespmem:s31+$0x1FB0] =	vst v46;
	v46 =	vld [tilespmem:s31+$0x5B0]  }
0xdd: {  	v25 =	vld.idx.msk [tilespmem:v31+s24+$0x0], $0xffff  }
0xde: {  	[tilespmem:s31+$0x13A0] =	vst v40;
	v26 =	vld.idx.msk [tilespmem:v31+s25+$0x0], $0xffff  }
0xdf: {  	[tilespmem:s31+$0x17A0] =	vst v41;
	v27 =	vld.idx.msk [tilespmem:v31+s26+$0x0], $0xffff  }
0xe0: {  	[tilespmem:s31+$0x1BA0] =	vst v42;
	v24 =	vld.idx.msk [tilespmem:v31+s28+$0x0], $0xffff  }
0xe1: {  	[tilespmem:s31+$0x2780] =	vst v22;
	v52 =	vld.idx.msk [tilespmem:v47+s24+$0x0], $0xffff  }
0xe2: {  	[tilespmem:s31+$0x2B80] =	vst v23;
	v53 =	vld.idx.msk [tilespmem:v47+s25+$0x0], $0xffff  }
0xe3: {  	[tilespmem:s31+$0x17B0] =	vst v44;
	v29 =	vld.idx.msk [tilespmem:v47+s26+$0x0], $0xffff  }
0xe4: {  	[tilespmem:s31+$0x1BB0] =	vst v45;
	v23 =	vld.idx.msk [tilespmem:v47+s28+$0x0], $0xffff  }
0xe5: {  	v54 =	vld.idx.msk [tilespmem:v49+s24+$0x0], $0xffff;
	[tilespmem:s31+$0x1410] =	vst v25  }
0xe6: {  	v55 =	vld.idx.msk [tilespmem:v49+s25+$0x0], $0xffff;
	[tilespmem:s31+$0x1810] =	vst v26  }
0xe7: {  	v56 =	vld.idx.msk [tilespmem:v49+s26+$0x0], $0xffff;
	[tilespmem:s31+$0x1C10] =	vst v27  }
0xe8: {  	v22 =	vld.idx.msk [tilespmem:v49+s28+$0x0], $0xffff;
	[tilespmem:s31+$0x2010] =	vst v24  }
0xe9: {  	[tilespmem:s31+$0x2380] =	vst v21;
	v25 =	vld.idx.msk [tilespmem:v32+s24+$0x0], $0xffff  }
0xea: {  	[tilespmem:s31+$0x1420] =	vst v52;
	v26 =	vld.idx.msk [tilespmem:v32+s25+$0x0], $0xffff  }
0xeb: {  	[tilespmem:s31+$0x1820] =	vst v53;
	v27 =	vld.idx.msk [tilespmem:v32+s26+$0x0], $0xffff  }
0xec: {  	[tilespmem:s31+$0x1C20] =	vst v29;
	v24 =	vld.idx.msk [tilespmem:v32+s28+$0x0], $0xffff  }
0xed: {  	[tilespmem:s31+$0x1430] =	vst v54;
	v54 =	vld [tilespmem:s31+$0x620]  }
0xee: {  	v58 =	vld.idx.msk [tilespmem:v20+s24+$0x0], $0xffff;
	[tilespmem:s31+$0x1490] =	vst v25  }
0xef: {  	v59 =	vld.idx.msk [tilespmem:v20+s25+$0x0], $0xffff;
	[tilespmem:s31+$0x1890] =	vst v26  }
0xf0: {  	v61 =	vld.idx.msk [tilespmem:v20+s26+$0x0], $0xffff;
	[tilespmem:s31+$0x1C90] =	vst v27  }
0xf1: {  	v20 =	vld.idx.msk [tilespmem:v20+s28+$0x0], $0xffff;
	[tilespmem:s31+$0x2090] =	vst v24  }
0xf2: {  	[tilespmem:s31+$0x2020] =	vst v23;
	v25 =	vld.idx.msk [tilespmem:v33+s24+$0x0], $0xffff  }
0xf3: {  	[tilespmem:s31+$0x1830] =	vst v55;
	v26 =	vld.idx.msk [tilespmem:v33+s25+$0x0], $0xffff  }
0xf4: {  	[tilespmem:s31+$0x1C30] =	vst v56;
	v27 =	vld.idx.msk [tilespmem:v33+s26+$0x0], $0xffff  }
0xf5: {  	[tilespmem:s31+$0x2030] =	vst v22;
	v24 =	vld.idx.msk [tilespmem:v33+s28+$0x0], $0xffff  }
0xf6: {  	v56 =	vld [tilespmem:s31+$0x630];
	[tilespmem:s31+$0x3000] =	vst v20  }
0xf7: {  	v63 =	vld.idx.msk [tilespmem:v57+s24+$0x0], $0xffff;
	[tilespmem:s31+$0x1510] =	vst v25  }
0xf8: {  	v32 =	vld.idx.msk [tilespmem:v60+s25+$0x0], $0xffff;
	[tilespmem:s31+$0x1910] =	vst v26  }
0xf9: {  	v22 =	vld.idx.msk [tilespmem:v60+s28+$0x0], $0xffff;
	[tilespmem:s31+$0x1D10] =	vst v27  }
0xfa: {  	v20 =	vld.idx.msk [tilespmem:v60+s24+$0x0], $0xffff;
	[tilespmem:s31+$0x2110] =	vst v24  }
0xfb: {  	v25 =	vld.idx.msk [tilespmem:v34+s24+$0x0], $0xffff  }
0xfc: {  	v26 =	vld.idx.msk [tilespmem:v34+s25+$0x0], $0xffff  }
0xfd: {  	v27 =	vld.idx.msk [tilespmem:v34+s26+$0x0], $0xffff  }
0xfe: {  	v24 =	vld.idx.msk [tilespmem:v34+s28+$0x0], $0xffff  }
0xff: {  	v33 =	vld.idx.msk [tilespmem:v60+s26+$0x0], $0xffff;
	[tilespmem:s31+$0x14B0] =	vst v20  }
0x100: {  	v30 =	vld.idx.msk [tilespmem:v57+s25+$0x0], $0xffff;
	[tilespmem:s31+$0x1590] =	vst v25  }
0x101: {  	v31 =	vld.idx.msk [tilespmem:v57+s26+$0x0], $0xffff;
	[tilespmem:s31+$0x1990] =	vst v26  }
0x102: {  	v23 =	vld.idx.msk [tilespmem:v57+s28+$0x0], $0xffff;
	[tilespmem:s31+$0x1D90] =	vst v27  }
0x103: {  	v20 =	vld [tilespmem:s31+$0x880];
	[tilespmem:s31+$0x2190] =	vst v24  }
0x104: {  	[tilespmem:s31+$0x14A0] =	vst v63;
	v25 =	vld.idx.msk [tilespmem:v35+s24+$0x0], $0xffff  }
0x105: {  	[tilespmem:s31+$0x2400] =	vst v58;
	v26 =	vld.idx.msk [tilespmem:v35+s25+$0x0], $0xffff  }
0x106: {  	[tilespmem:s31+$0x2800] =	vst v59;
	v27 =	vld.idx.msk [tilespmem:v35+s26+$0x0], $0xffff  }
0x107: {  	[tilespmem:s31+$0x2C00] =	vst v61;
	v24 =	vld.idx.msk [tilespmem:v35+s28+$0x0], $0xffff  }
0x108: {  	v63 =	vld [tilespmem:s31+$0x6A0];
	[tilespmem:s31+$0x18B0] =	vst v32  }
0x109: {  	v32 =	vld [tilespmem:s31+$0x6B0];
	[tilespmem:s31+$0x1610] =	vst v25  }
0x10a: {  	v34 =	vld [tilespmem:s31+$0x520];
	[tilespmem:s31+$0x1A10] =	vst v26  }
0x10b: {  	v44 =	vld.idx.msk [tilespmem:v20+s24+$0x0], $0xffff;
	[tilespmem:s31+$0x1E10] =	vst v27  }
0x10c: {  	v45 =	vld.idx.msk [tilespmem:v20+s25+$0x0], $0xffff;
	[tilespmem:s31+$0x2210] =	vst v24  }
0x10d: {  	v25 =	vld.idx.msk [tilespmem:v36+s24+$0x0], $0xffff  }
0x10e: {  	v26 =	vld.idx.msk [tilespmem:v36+s25+$0x0], $0xffff  }
0x10f: {  	[tilespmem:s31+$0x18A0] =	vst v30;
	v27 =	vld.idx.msk [tilespmem:v36+s26+$0x0], $0xffff  }
0x110: {  	[tilespmem:s31+$0x1CA0] =	vst v31;
	v24 =	vld.idx.msk [tilespmem:v36+s28+$0x0], $0xffff  }
0x111: {  	[tilespmem:s31+$0x20A0] =	vst v23;
	v47 =	vld.idx.msk [tilespmem:v20+s26+$0x0], $0xffff  }
0x112: {  	v36 =	vld [tilespmem:s31+$0x530];
	[tilespmem:s31+$0x1690] =	vst v25  }
0x113: {  	v20 =	vld.idx.msk [tilespmem:v20+s28+$0x0], $0xffff;
	[tilespmem:s31+$0x1A90] =	vst v26  }
0x114: {  	v29 =	vld.idx.msk [tilespmem:v34+s26+$0x0], $0xffff;
	[tilespmem:s31+$0x1E90] =	vst v27  }
0x115: {  	v23 =	vld.idx.msk [tilespmem:v34+s28+$0x0], $0xffff;
	[tilespmem:s31+$0x2290] =	vst v24  }
0x116: {  	v25 =	vld.idx.msk [tilespmem:v37+s24+$0x0], $0xffff  }
0x117: {  	v26 =	vld.idx.msk [tilespmem:v37+s25+$0x0], $0xffff  }
0x118: {  	[tilespmem:s31+$0x20B0] =	vst v22;
	v27 =	vld.idx.msk [tilespmem:v37+s26+$0x0], $0xffff  }
0x119: {  	[tilespmem:s31+$0x1CB0] =	vst v33;
	v24 =	vld.idx.msk [tilespmem:v37+s28+$0x0], $0xffff  }
0x11a: {  	v40 =	vld.idx.msk [tilespmem:v36+s24+$0x0], $0xffff  }
0x11b: {  	v41 =	vld.idx.msk [tilespmem:v36+s25+$0x0], $0xffff;
	[tilespmem:s31+$0x1710] =	vst v25  }
0x11c: {  	v42 =	vld.idx.msk [tilespmem:v36+s26+$0x0], $0xffff;
	[tilespmem:s31+$0x1B10] =	vst v26  }
0x11d: {  	v22 =	vld.idx.msk [tilespmem:v36+s28+$0x0], $0xffff;
	[tilespmem:s31+$0x1F10] =	vst v27  }
0x11e: {  	[tilespmem:s31+$0x2310] =	vst v24;
	v27 =	vld.idx.msk [tilespmem:v34+s24+$0x0], $0xffff  }
0x11f: {  	v48 =	vld.idx.msk [tilespmem:v39+s24+$0x0], $0xffff  }
0x120: {  	v50 =	vld.idx.msk [tilespmem:v39+s25+$0x0], $0xffff  }
0x121: {  	v51 =	vld.idx.msk [tilespmem:v39+s26+$0x0], $0xffff  }
0x122: {  	v24 =	vld.idx.msk [tilespmem:v39+s28+$0x0], $0xffff  }
0x123: {  	v39 =	vld.idx.msk [tilespmem:v34+s25+$0x0], $0xffff;
	[tilespmem:s31+$0x1530] =	vst v40  }
0x124: {  	v34 =	vld [tilespmem:s31+$0x910];
	[tilespmem:s31+$0x1930] =	vst v41  }
0x125: {  	[tilespmem:s31+$0x1D30] =	vst v42;
	v40 =	vld [tilespmem:s31+$0x720]  }
0x126: {  	[tilespmem:s31+$0x2130] =	vst v22;
	v42 =	vld [tilespmem:s31+$0x730]  }
0x127: {  	[tilespmem:s31+$0x3080] =	vst v20;
	v20 =	vld.idx.msk [tilespmem:v46+s24+$0x0], $0xffff  }
0x128: {  	v52 =	vld.idx.msk [tilespmem:v46+s25+$0x0], $0xffff;
	[tilespmem:s31+$0x2390] =	vst v48  }
0x129: {  	v53 =	vld.idx.msk [tilespmem:v46+s26+$0x0], $0xffff;
	[tilespmem:s31+$0x2790] =	vst v50  }
0x12a: {  	v22 =	vld.idx.msk [tilespmem:v46+s28+$0x0], $0xffff;
	[tilespmem:s31+$0x2B90] =	vst v51  }
0x12b: {  	[tilespmem:s31+$0x2F90] =	vst v24;
	v48 =	vld [tilespmem:s31+$0x890]  }
0x12c: {  	[tilespmem:s31+$0x1D20] =	vst v29;
	v35 =	vld.idx.msk [tilespmem:v62+s24+$0x0], $0xffff  }
0x12d: {  	[tilespmem:s31+$0x2120] =	vst v23;
	v37 =	vld.idx.msk [tilespmem:v62+s25+$0x0], $0xffff  }
0x12e: {  	[tilespmem:s31+$0x1520] =	vst v27;
	v38 =	vld.idx.msk [tilespmem:v62+s26+$0x0], $0xffff  }
0x12f: {  	[tilespmem:s31+$0x1920] =	vst v39;
	v24 =	vld.idx.msk [tilespmem:v62+s28+$0x0], $0xffff  }
0x130: {  	v49 =	vld.idx.msk [tilespmem:v43+s24+$0x0], $0xffff  }
0x131: {  	v50 =	vld.idx.msk [tilespmem:v43+s25+$0x0], $0xffff  }
0x132: {  	v51 =	vld.idx.msk [tilespmem:v43+s26+$0x0], $0xffff;
	[tilespmem:s31+$0x15B0] =	vst v20  }
0x133: {  	v23 =	vld.idx.msk [tilespmem:v43+s28+$0x0], $0xffff;
	[tilespmem:s31+$0x19B0] =	vst v52  }
0x134: {  	v20 =	vld [tilespmem:s31+$0x900];
	[tilespmem:s31+$0x1DB0] =	vst v53  }
0x135: {  	[tilespmem:s31+$0x21B0] =	vst v22;
	v52 =	vld [tilespmem:s31+$0x7B0]  }
0x136: {  	v60 =	vld.idx.msk [tilespmem:v56+s24+$0x0], $0xffff  }
0x137: {  	v61 =	vld.idx.msk [tilespmem:v56+s25+$0x0], $0xffff;
	[tilespmem:s31+$0x15A0] =	vst v49  }
0x138: {  	v62 =	vld.idx.msk [tilespmem:v56+s26+$0x0], $0xffff;
	[tilespmem:s31+$0x19A0] =	vst v50  }
0x139: {  	v22 =	vld.idx.msk [tilespmem:v56+s28+$0x0], $0xffff;
	[tilespmem:s31+$0x1DA0] =	vst v51  }
0x13a: {  	[tilespmem:s31+$0x21A0] =	vst v23;
	v49 =	vld [tilespmem:s31+$0x7A0]  }
0x13b: {  	v27 =	vld.idx.msk [tilespmem:v54+s24+$0x0], $0xffff  }
0x13c: {  	[tilespmem:s31+$0x2410] =	vst v35;
	v59 =	vld.idx.msk [tilespmem:v54+s25+$0x0], $0xffff  }
0x13d: {  	[tilespmem:s31+$0x2810] =	vst v37;
	v29 =	vld.idx.msk [tilespmem:v54+s26+$0x0], $0xffff  }
0x13e: {  	[tilespmem:s31+$0x2C10] =	vst v38;
	v23 =	vld.idx.msk [tilespmem:v54+s28+$0x0], $0xffff  }
0x13f: {  	[tilespmem:s31+$0x3010] =	vst v24;
	v54 =	vld [tilespmem:s31+$0x990]  }
0x140: {  	v55 =	vld.idx.msk [tilespmem:v48+s24+$0x0], $0xffff  }
0x141: {  	v57 =	vld.idx.msk [tilespmem:v48+s25+$0x0], $0xffff  }
0x142: {  	v58 =	vld.idx.msk [tilespmem:v48+s26+$0x0], $0xffff;
	[tilespmem:s31+$0x1630] =	vst v60  }
0x143: {  	v24 =	vld.idx.msk [tilespmem:v48+s28+$0x0], $0xffff;
	[tilespmem:s31+$0x1A30] =	vst v61  }
0x144: {  	[tilespmem:s31+$0x1E30] =	vst v62;
	v60 =	vld [tilespmem:s31+$0x820]  }
0x145: {  	[tilespmem:s31+$0x2230] =	vst v22;
	v62 =	vld [tilespmem:s31+$0x830]  }
0x146: {  	[tilespmem:s31+$0x2480] =	vst v44;
	v38 =	vld.idx.msk [tilespmem:v32+s25+$0x0], $0xffff  }
0x147: {  	[tilespmem:s31+$0x2880] =	vst v45;
	v39 =	vld.idx.msk [tilespmem:v32+s26+$0x0], $0xffff  }
0x148: {  	[tilespmem:s31+$0x2C80] =	vst v47;
	v22 =	vld.idx.msk [tilespmem:v32+s28+$0x0], $0xffff  }
0x149: {  	v30 =	vld.idx.msk [tilespmem:v20+s24+$0x0], $0xffff;
	[tilespmem:s31+$0x1620] =	vst v27  }
0x14a: {  	v31 =	vld.idx.msk [tilespmem:v20+s25+$0x0], $0xffff;
	[tilespmem:s31+$0x1A20] =	vst v59  }
0x14b: {  	v33 =	vld.idx.msk [tilespmem:v20+s26+$0x0], $0xffff;
	[tilespmem:s31+$0x1E20] =	vst v29  }
0x14c: {  	v20 =	vld.idx.msk [tilespmem:v20+s28+$0x0], $0xffff;
	[tilespmem:s31+$0x2220] =	vst v23  }
0x14d: {  	[tilespmem:s31+$0x2490] =	vst v55;
	v35 =	vld.idx.msk [tilespmem:v63+s24+$0x0], $0xffff  }
0x14e: {  	[tilespmem:s31+$0x2890] =	vst v57;
	v36 =	vld.idx.msk [tilespmem:v63+s25+$0x0], $0xffff  }
0x14f: {  	[tilespmem:s31+$0x2C90] =	vst v58;
	v37 =	vld.idx.msk [tilespmem:v63+s26+$0x0], $0xffff  }
0x150: {  	[tilespmem:s31+$0x3090] =	vst v24;
	v23 =	vld.idx.msk [tilespmem:v63+s28+$0x0], $0xffff  }
0x151: {  	v41 =	vld.idx.msk [tilespmem:v34+s24+$0x0], $0xffff  }
0x152: {  	v43 =	vld.idx.msk [tilespmem:v34+s25+$0x0], $0xffff;
	[tilespmem:s31+$0x3100] =	vst v20  }
0x153: {  	v44 =	vld.idx.msk [tilespmem:v34+s26+$0x0], $0xffff;
	[tilespmem:s31+$0x16A0] =	vst v35  }
0x154: {  	v24 =	vld.idx.msk [tilespmem:v34+s28+$0x0], $0xffff;
	[tilespmem:s31+$0x1AA0] =	vst v36  }
0x155: {  	v20 =	vld.idx.msk [tilespmem:v32+s24+$0x0], $0xffff;
	[tilespmem:s31+$0x1EA0] =	vst v37  }
0x156: {  	[tilespmem:s31+$0x22A0] =	vst v23;
	v37 =	vld [tilespmem:s31+$0x8A0]  }
0x157: {  	v27 =	vld.idx.msk [tilespmem:v40+s24+$0x0], $0xffff  }
0x158: {  	v45 =	vld.idx.msk [tilespmem:v40+s25+$0x0], $0xffff;
	[tilespmem:s31+$0x2510] =	vst v41  }
0x159: {  	v29 =	vld.idx.msk [tilespmem:v40+s26+$0x0], $0xffff;
	[tilespmem:s31+$0x2910] =	vst v43  }
0x15a: {  	v23 =	vld.idx.msk [tilespmem:v40+s28+$0x0], $0xffff;
	[tilespmem:s31+$0x2D10] =	vst v44  }
0x15b: {  	[tilespmem:s31+$0x3110] =	vst v24;
	v40 =	vld [tilespmem:s31+$0x8B0]  }
0x15c: {  	[tilespmem:s31+$0x16B0] =	vst v20;
	v20 =	vld [tilespmem:s31+$0x980]  }
0x15d: {  	v61 =	vld.idx.msk [tilespmem:v54+s24+$0x0], $0xffff  }
0x15e: {  	[tilespmem:s31+$0x1AB0] =	vst v38;
	v63 =	vld.idx.msk [tilespmem:v54+s25+$0x0], $0xffff  }
0x15f: {  	[tilespmem:s31+$0x1EB0] =	vst v39;
	v32 =	vld.idx.msk [tilespmem:v54+s26+$0x0], $0xffff  }
0x160: {  	[tilespmem:s31+$0x22B0] =	vst v22;
	v24 =	vld.idx.msk [tilespmem:v54+s28+$0x0], $0xffff  }
0x161: {  	v46 =	vld.idx.msk [tilespmem:v42+s24+$0x0], $0xffff  }
0x162: {  	v47 =	vld.idx.msk [tilespmem:v42+s25+$0x0], $0xffff;
	[tilespmem:s31+$0x1720] =	vst v27  }
0x163: {  	v48 =	vld.idx.msk [tilespmem:v42+s26+$0x0], $0xffff;
	[tilespmem:s31+$0x1B20] =	vst v45  }
0x164: {  	v22 =	vld.idx.msk [tilespmem:v42+s28+$0x0], $0xffff;
	[tilespmem:s31+$0x1F20] =	vst v29  }
0x165: {  	v42 =	vld [tilespmem:s31+$0xA10];
	[tilespmem:s31+$0x2320] =	vst v23  }
0x166: {  	[tilespmem:s31+$0x2500] =	vst v30;
	v55 =	vld.idx.msk [tilespmem:v49+s24+$0x0], $0xffff  }
0x167: {  	v56 =	vld.idx.msk [tilespmem:v49+s25+$0x0], $0xffff;
	[tilespmem:s31+$0x1730] =	vst v46  }
0x168: {  	v57 =	vld.idx.msk [tilespmem:v49+s26+$0x0], $0xffff;
	[tilespmem:s31+$0x1B30] =	vst v47  }
0x169: {  	v23 =	vld.idx.msk [tilespmem:v49+s28+$0x0], $0xffff;
	[tilespmem:s31+$0x1F30] =	vst v48  }
0x16a: {  	[tilespmem:s31+$0x2330] =	vst v22;
	v48 =	vld [tilespmem:s31+$0x920]  }
0x16b: {  	[tilespmem:s31+$0x2900] =	vst v31;
	v58 =	vld.idx.msk [tilespmem:v52+s25+$0x0], $0xffff  }
0x16c: {  	[tilespmem:s31+$0x2D00] =	vst v33;
	v59 =	vld.idx.msk [tilespmem:v52+s26+$0x0], $0xffff  }
0x16d: {  	[tilespmem:s31+$0x2590] =	vst v61;
	v22 =	vld.idx.msk [tilespmem:v52+s28+$0x0], $0xffff  }
0x16e: {  	[tilespmem:s31+$0x2990] =	vst v63;
	v50 =	vld.idx.msk [tilespmem:v20+s24+$0x0], $0xffff  }
0x16f: {  	[tilespmem:s31+$0x2D90] =	vst v32;
	v51 =	vld.idx.msk [tilespmem:v20+s25+$0x0], $0xffff  }
0x170: {  	[tilespmem:s31+$0x3190] =	vst v24;
	v53 =	vld.idx.msk [tilespmem:v20+s26+$0x0], $0xffff  }
0x171: {  	v20 =	vld.idx.msk [tilespmem:v20+s28+$0x0], $0xffff;
	[tilespmem:s31+$0x23A0] =	vst v55  }
0x172: {  	v49 =	vld.idx.msk [tilespmem:v42+s24+$0x0], $0xffff;
	[tilespmem:s31+$0x27A0] =	vst v56  }
0x173: {  	v24 =	vld.idx.msk [tilespmem:v42+s28+$0x0], $0xffff;
	[tilespmem:s31+$0x2BA0] =	vst v57  }
0x174: {  	[tilespmem:s31+$0x2FA0] =	vst v23;
	v57 =	vld [tilespmem:s31+$0x9A0]  }
0x175: {  	v27 =	vld.idx.msk [tilespmem:v60+s24+$0x0], $0xffff  }
0x176: {  	v33 =	vld.idx.msk [tilespmem:v60+s25+$0x0], $0xffff  }
0x177: {  	v29 =	vld.idx.msk [tilespmem:v60+s26+$0x0], $0xffff;
	[tilespmem:s31+$0x2580] =	vst v50  }
0x178: {  	v23 =	vld.idx.msk [tilespmem:v60+s28+$0x0], $0xffff;
	[tilespmem:s31+$0x2980] =	vst v51  }
0x179: {  	v60 =	vld [tilespmem:s31+$0x9B0];
	[tilespmem:s31+$0x3180] =	vst v20  }
0x17a: {  	v20 =	vld.idx.msk [tilespmem:v52+s24+$0x0], $0xffff;
	[tilespmem:s31+$0x2420] =	vst v27  }
0x17b: {  	v50 =	vld [tilespmem:s31+$0x930];
	[tilespmem:s31+$0x2820] =	vst v33  }
0x17c: {  	v51 =	vld.idx.msk [tilespmem:v42+s25+$0x0], $0xffff;
	[tilespmem:s31+$0x2C20] =	vst v29  }
0x17d: {  	v52 =	vld.idx.msk [tilespmem:v42+s26+$0x0], $0xffff;
	[tilespmem:s31+$0x3020] =	vst v23  }
0x17e: {  	v43 =	vld.idx.msk [tilespmem:v37+s24+$0x0], $0xffff  }
0x17f: {  	[tilespmem:s31+$0x27B0] =	vst v58;
	v44 =	vld.idx.msk [tilespmem:v37+s25+$0x0], $0xffff  }
0x180: {  	[tilespmem:s31+$0x2BB0] =	vst v59;
	v45 =	vld.idx.msk [tilespmem:v37+s26+$0x0], $0xffff  }
0x181: {  	[tilespmem:s31+$0x2FB0] =	vst v22;
	v23 =	vld.idx.msk [tilespmem:v37+s28+$0x0], $0xffff  }
0x182: {  	[tilespmem:s31+$0x23B0] =	vst v20;
	v20 =	vld [tilespmem:s31+$0xA00]  }
0x183: {  	v34 =	vld.idx.msk [tilespmem:v62+s24+$0x0], $0xffff  }
0x184: {  	v35 =	vld.idx.msk [tilespmem:v62+s25+$0x0], $0xffff  }
0x185: {  	v36 =	vld.idx.msk [tilespmem:v62+s26+$0x0], $0xffff  }
0x186: {  	v22 =	vld.idx.msk [tilespmem:v62+s28+$0x0], $0xffff;
	[tilespmem:s31+$0x24A0] =	vst v43  }
0x187: {  	v62 =	vld [tilespmem:s31+$0xA90];
	[tilespmem:s31+$0x28A0] =	vst v44  }
0x188: {  	[tilespmem:s31+$0x2CA0] =	vst v45;
	v43 =	vld [tilespmem:s31+$0xAA0]  }
0x189: {  	[tilespmem:s31+$0x30A0] =	vst v23;
	v44 =	vld [tilespmem:s31+$0xAB0]  }
0x18a: {  	v27 =	vld.idx.msk [tilespmem:v48+s24+$0x0], $0xffff  }
0x18b: {  	[tilespmem:s31+$0x2D80] =	vst v53;
	v53 =	vld.idx.msk [tilespmem:v48+s25+$0x0], $0xffff  }
0x18c: {  	v29 =	vld.idx.msk [tilespmem:v48+s26+$0x0], $0xffff;
	[tilespmem:s31+$0x2430] =	vst v34  }
0x18d: {  	v23 =	vld.idx.msk [tilespmem:v48+s28+$0x0], $0xffff;
	[tilespmem:s31+$0x2830] =	vst v35  }
0x18e: {  	[tilespmem:s31+$0x2C30] =	vst v36;
	v34 =	vld [tilespmem:s31+$0xA20]  }
0x18f: {  	[tilespmem:s31+$0x3030] =	vst v22;
	v36 =	vld [tilespmem:s31+$0xA30]  }
0x190: {  	v46 =	vld.idx.msk [tilespmem:v40+s25+$0x0], $0xffff  }
0x191: {  	[tilespmem:s31+$0x2610] =	vst v49;
	v47 =	vld.idx.msk [tilespmem:v40+s26+$0x0], $0xffff  }
0x192: {  	[tilespmem:s31+$0x3210] =	vst v24;
	v22 =	vld.idx.msk [tilespmem:v40+s28+$0x0], $0xffff  }
0x193: {  	[tilespmem:s31+$0x2A10] =	vst v51;
	v38 =	vld.idx.msk [tilespmem:v20+s24+$0x0], $0xffff  }
0x194: {  	[tilespmem:s31+$0x2E10] =	vst v52;
	v39 =	vld.idx.msk [tilespmem:v20+s25+$0x0], $0xffff  }
0x195: {  	v41 =	vld.idx.msk [tilespmem:v20+s26+$0x0], $0xffff;
	[tilespmem:s31+$0x2520] =	vst v27  }
0x196: {  	v20 =	vld.idx.msk [tilespmem:v20+s28+$0x0], $0xffff;
	[tilespmem:s31+$0x2920] =	vst v53  }
0x197: {  	v35 =	vld.idx.msk [tilespmem:v62+s24+$0x0], $0xffff;
	[tilespmem:s31+$0x2D20] =	vst v29  }
0x198: {  	v37 =	vld.idx.msk [tilespmem:v62+s25+$0x0], $0xffff;
	[tilespmem:s31+$0x3120] =	vst v23  }
0x199: {  	v63 =	vld.idx.msk [tilespmem:v57+s24+$0x0], $0xffff  }
0x19a: {  	v30 =	vld.idx.msk [tilespmem:v57+s25+$0x0], $0xffff  }
0x19b: {  	v31 =	vld.idx.msk [tilespmem:v57+s26+$0x0], $0xffff;
	[tilespmem:s31+$0x2600] =	vst v38  }
0x19c: {  	v23 =	vld.idx.msk [tilespmem:v57+s28+$0x0], $0xffff;
	[tilespmem:s31+$0x3200] =	vst v20  }
0x19d: {  	v20 =	vld.idx.msk [tilespmem:v40+s24+$0x0], $0xffff;
	[tilespmem:s31+$0x28B0] =	vst v46  }
0x19e: {  	v24 =	vld.idx.msk [tilespmem:v62+s28+$0x0], $0xffff;
	[tilespmem:s31+$0x25A0] =	vst v63  }
0x19f: {  	v53 =	vld [tilespmem:s31+$0xB20];
	[tilespmem:s31+$0x29A0] =	vst v30  }
0x1a0: {  	v38 =	vld.idx.msk [tilespmem:v62+s26+$0x0], $0xffff;
	[tilespmem:s31+$0x2DA0] =	vst v31  }
0x1a1: {  	v46 =	vld [tilespmem:s31+$0xB10];
	[tilespmem:s31+$0x31A0] =	vst v23  }
0x1a2: {  	[tilespmem:s31+$0x24B0] =	vst v20;
	v20 =	vld [tilespmem:s31+$0xA80]  }
0x1a3: {  	[tilespmem:s31+$0x2A00] =	vst v39;
	v27 =	vld.idx.msk [tilespmem:v34+s24+$0x0], $0xffff  }
0x1a4: {  	[tilespmem:s31+$0x2CB0] =	vst v47;
	v39 =	vld.idx.msk [tilespmem:v34+s25+$0x0], $0xffff  }
0x1a5: {  	[tilespmem:s31+$0x30B0] =	vst v22;
	v29 =	vld.idx.msk [tilespmem:v34+s26+$0x0], $0xffff  }
0x1a6: {  	[tilespmem:s31+$0x2E00] =	vst v41;
	v54 =	vld.idx.msk [tilespmem:v50+s24+$0x0], $0xffff  }
0x1a7: {  	[tilespmem:s31+$0x2690] =	vst v35;
	v55 =	vld.idx.msk [tilespmem:v50+s25+$0x0], $0xffff  }
0x1a8: {  	[tilespmem:s31+$0x2A90] =	vst v37;
	v56 =	vld.idx.msk [tilespmem:v50+s26+$0x0], $0xffff  }
0x1a9: {  	[tilespmem:s31+$0x3290] =	vst v24;
	v22 =	vld.idx.msk [tilespmem:v50+s28+$0x0], $0xffff  }
0x1aa: {  	[tilespmem:s31+$0x2E90] =	vst v38;
	v58 =	vld.idx.msk [tilespmem:v20+s24+$0x0], $0xffff  }
0x1ab: {  	[tilespmem:s31+$0x2530] =	vst v54;
	v59 =	vld.idx.msk [tilespmem:v20+s25+$0x0], $0xffff  }
0x1ac: {  	[tilespmem:s31+$0x2930] =	vst v55;
	v61 =	vld.idx.msk [tilespmem:v20+s26+$0x0], $0xffff  }
0x1ad: {  	[tilespmem:s31+$0x2D30] =	vst v56;
	v20 =	vld.idx.msk [tilespmem:v20+s28+$0x0], $0xffff  }
0x1ae: {  	v23 =	vld.idx.msk [tilespmem:v34+s28+$0x0], $0xffff;
	[tilespmem:s31+$0x3130] =	vst v22  }
0x1af: {  	[tilespmem:s31+$0x2620] =	vst v27;
	v32 =	vld.idx.msk [tilespmem:v60+s25+$0x0], $0xffff  }
0x1b0: {  	[tilespmem:s31+$0x2A20] =	vst v39;
	v33 =	vld.idx.msk [tilespmem:v60+s26+$0x0], $0xffff  }
0x1b1: {  	[tilespmem:s31+$0x2E20] =	vst v29;
	v22 =	vld.idx.msk [tilespmem:v60+s28+$0x0], $0xffff  }
0x1b2: {  	[tilespmem:s31+$0x3280] =	vst v20;
	v20 =	vld.idx.msk [tilespmem:v60+s24+$0x0], $0xffff  }
0x1b3: {  	v57 =	vld.idx.msk [tilespmem:v46+s25+$0x0], $0xffff;
	[tilespmem:s31+$0x3220] =	vst v23  }
0x1b4: {  	v47 =	vld.idx.msk [tilespmem:v43+s24+$0x0], $0xffff;
	[tilespmem:s31+$0x29B0] =	vst v32  }
0x1b5: {  	v48 =	vld.idx.msk [tilespmem:v43+s25+$0x0], $0xffff;
	[tilespmem:s31+$0x2DB0] =	vst v33  }
0x1b6: {  	v49 =	vld.idx.msk [tilespmem:v43+s26+$0x0], $0xffff;
	[tilespmem:s31+$0x31B0] =	vst v22  }
0x1b7: {  	v23 =	vld.idx.msk [tilespmem:v43+s28+$0x0], $0xffff;
	[tilespmem:s31+$0x25B0] =	vst v20  }
0x1b8: {  	v40 =	vld.idx.msk [tilespmem:v36+s24+$0x0], $0xffff  }
0x1b9: {  	[tilespmem:s31+$0x26A0] =	vst v47;
	v41 =	vld.idx.msk [tilespmem:v36+s25+$0x0], $0xffff  }
0x1ba: {  	[tilespmem:s31+$0x2AA0] =	vst v48;
	v42 =	vld.idx.msk [tilespmem:v36+s26+$0x0], $0xffff  }
0x1bb: {  	[tilespmem:s31+$0x2EA0] =	vst v49;
	v22 =	vld.idx.msk [tilespmem:v36+s28+$0x0], $0xffff  }
0x1bc: {  	v24 =	vld.idx.msk [tilespmem:v46+s28+$0x0], $0xffff;
	[tilespmem:s31+$0x2680] =	vst v58  }
0x1bd: {  	v20 =	vld [tilespmem:s31+$0xB00];
	[tilespmem:s31+$0x2630] =	vst v40  }
0x1be: {  	v55 =	vld.idx.msk [tilespmem:v46+s24+$0x0], $0xffff;
	[tilespmem:s31+$0x2A30] =	vst v41  }
0x1bf: {  	v56 =	vld [tilespmem:s31+$0xB30];
	[tilespmem:s31+$0x2E30] =	vst v42  }
0x1c0: {  	v58 =	vld.idx.msk [tilespmem:v46+s26+$0x0], $0xffff;
	[tilespmem:s31+$0x3230] =	vst v22  }
0x1c1: {  	[tilespmem:s31+$0x32A0] =	vst v23;
	v28 =	vld.idx.msk [tilespmem:v44+s24+$0x0], $0xffff  }
0x1c2: {  	[tilespmem:s31+$0x2A80] =	vst v59;
	v50 =	vld.idx.msk [tilespmem:v44+s25+$0x0], $0xffff  }
0x1c3: {  	[tilespmem:s31+$0x2E80] =	vst v61;
	v51 =	vld.idx.msk [tilespmem:v44+s26+$0x0], $0xffff  }
0x1c4: {  	[tilespmem:s31+$0x2710] =	vst v55;
	v21 =	vld.idx.msk [tilespmem:v44+s28+$0x0], $0xffff  }
0x1c5: {  	[tilespmem:s31+$0x2B10] =	vst v57;
	v45 =	vld.idx.msk [tilespmem:v20+s24+$0x0], $0xffff  }
0x1c6: {  	[tilespmem:s31+$0x3310] =	vst v24;
	v52 =	vld.idx.msk [tilespmem:v20+s25+$0x0], $0xffff  }
0x1c7: {  	[tilespmem:s31+$0x2F10] =	vst v58;
	v54 =	vld.idx.msk [tilespmem:v20+s26+$0x0], $0xffff  }
0x1c8: {  	v20 =	vld.idx.msk [tilespmem:v20+s28+$0x0], $0xffff;
	[tilespmem:s31+$0x26B0] =	vst v28  }
0x1c9: {  	[tilespmem:s31+$0x2AB0] =	vst v50  }
0x1ca: {  	[tilespmem:s31+$0x2EB0] =	vst v51  }
0x1cb: {  	v59 =	vld.idx.msk [tilespmem:v53+s25+$0x0], $0xffff;
	[tilespmem:s31+$0x32B0] =	vst v21  }
0x1cc: {  	v60 =	vld.idx.msk [tilespmem:v53+s26+$0x0], $0xffff;
	[tilespmem:s31+$0x2700] =	vst v45  }
0x1cd: {  	[tilespmem:s31+$0x3300] =	vst v20;
	v20 =	vld.idx.msk [tilespmem:v53+s24+$0x0], $0xffff  }
0x1ce: {  	v61 =	vld.idx.msk [tilespmem:v53+s28+$0x0], $0xffff;
	[tilespmem:s31+$0x2B00] =	vst v52  }
0x1cf: {  	[tilespmem:s31+$0x2F00] =	vst v54;
	v62 =	vld.idx.msk [tilespmem:v56+s24+$0x0], $0xffff  }
0x1d0: {  	[tilespmem:s31+$0x2B20] =	vst v59;
	v63 =	vld.idx.msk [tilespmem:v56+s26+$0x0], $0xffff  }
0x1d1: {  	[tilespmem:s31+$0x2F20] =	vst v60;
	v21 =	vld.idx.msk [tilespmem:v56+s28+$0x0], $0xffff  }
0x1d2: {  	p2 =	por p1, p1;
	[tilespmem:s31+$0x2720] =	vst v20;
	v20 =	vld.idx.msk [tilespmem:v56+s25+$0x0], $0xffff  }
.Ltmp0:
0x1d3: {  	[tilespmem:s31+$0x3320] =	vst v61;
	(pc) =	sbr.rel @p2 .LBB2_3-.Ltmp0, $4  }
0x1d4: {  	[tilespmem:s31+$0x2730] =	vst v62  }
0x1d5: {  	[tilespmem:s31+$0x2F30] =	vst v63  }
0x1d6: {  	[tilespmem:s31+$0x3330] =	vst v21  }
0x1d7: {  	p1 =	por $0x0, $0x0;
	[tilespmem:s31+$0x2B30] =	vst v20;
	s31 =	simm.s32 $0x40  }
0x1d8: {  	s29 =	sshll.u32 s29, $0xA  }
0x1d9: {  	s29 =	sand.u32 $0xFFF0000, s29  }
0x1da: {  	s29 =	sor.u32 s30, s29  }
0x1db: {  	s31 =	simm.s32 $0x1380;
	s30 =	sadd.s32 s5, s29  }
0x1dc: {  	[hbm4b:s30+s6] =	stream.linear.scatter [tilespmem:s31], [sflag:$0x3], $0x80, $0x38;
	[tilespmem:$0x5380] =	vst v63  }
0x1dd: {  	s0 =	simm.s32 $0x1780;
	s31 =	sadd.s32 $0x10, s30  }
0x1de: {  	[hbm4b:s31+s6] =	stream.linear.scatter [tilespmem:s0], [sflag:$0x3], $0x80, $0x38;
	[tilespmem:$0x5380] =	vst v63  }
0x1df: {  	s31 =	sadd.s32 $0x20, s30;
	s0 =	simm.s32 $0x1B80  }
0x1e0: {  	[hbm4b:s31+s6] =	stream.linear.scatter [tilespmem:s0], [sflag:$0x3], $0x80, $0x38;
	[tilespmem:$0x5380] =	vst v63  }
0x1e1: {  	s31 =	sadd.s32 $0x30, s30;
	s0 =	simm.s32 $0x1F80  }
0x1e2: {  	[hbm4b:s31+s6] =	stream.linear.scatter [tilespmem:s0], [sflag:$0x3], $0x80, $0x38;
	[tilespmem:$0x5380] =	vst v63  }
0x1e3: {  	s31 =	sadd.s32 $0x40, s30;
	s0 =	simm.s32 $0x2380  }
0x1e4: {  	[hbm4b:s31+s6] =	stream.linear.scatter [tilespmem:s0], [sflag:$0x3], $0x80, $0x38;
	[tilespmem:$0x5380] =	vst v63  }
0x1e5: {  	s31 =	sadd.s32 $0x50, s30;
	s0 =	simm.s32 $0x2780  }
0x1e6: {  	[hbm4b:s31+s6] =	stream.linear.scatter [tilespmem:s0], [sflag:$0x3], $0x80, $0x38;
	[tilespmem:$0x5380] =	vst v63  }
0x1e7: {  	s31 =	sadd.s32 $0x60, s30;
	s0 =	simm.s32 $0x2B80  }
0x1e8: {  	[hbm4b:s31+s6] =	stream.linear.scatter [tilespmem:s0], [sflag:$0x3], $0x80, $0x38;
	[tilespmem:$0x5380] =	vst v63  }
0x1e9: {  	s30 =	sadd.s32 $0x70, s30;
	s31 =	simm.s32 $0x2F80  }
0x1ea: {  	[hbm4b:s30+s6] =	stream.linear.scatter [tilespmem:s31], [sflag:$0x3], $0x80, $0x38;
	[tilespmem:$0x5380] =	vst v63  }
0x1eb: {  	s30 =	sadd.s32 s29, s10;
	s31 =	simm.s32 $0x1400  }
0x1ec: {  	[hbm4b:s30+s6] =	stream.linear.scatter [tilespmem:s31], [sflag:$0x3], $0x80, $0x38;
	[tilespmem:$0x5380] =	vst v63  }
0x1ed: {  	s0 =	simm.s32 $0x1800;
	s31 =	sadd.s32 $0x10, s30  }
0x1ee: {  	[hbm4b:s31+s6] =	stream.linear.scatter [tilespmem:s0], [sflag:$0x3], $0x80, $0x38;
	[tilespmem:$0x5380] =	vst v63  }
0x1ef: {  	s31 =	sadd.s32 $0x20, s30;
	s0 =	simm.s32 $0x1C00  }
0x1f0: {  	[hbm4b:s31+s6] =	stream.linear.scatter [tilespmem:s0], [sflag:$0x3], $0x80, $0x38;
	[tilespmem:$0x5380] =	vst v63  }
0x1f1: {  	s31 =	sadd.s32 $0x30, s30;
	s0 =	simm.s32 $0x2000  }
0x1f2: {  	[hbm4b:s31+s6] =	stream.linear.scatter [tilespmem:s0], [sflag:$0x3], $0x80, $0x38;
	[tilespmem:$0x5380] =	vst v63  }
0x1f3: {  	s31 =	sadd.s32 $0x40, s30;
	s0 =	simm.s32 $0x2400  }
0x1f4: {  	[hbm4b:s31+s6] =	stream.linear.scatter [tilespmem:s0], [sflag:$0x3], $0x80, $0x38;
	[tilespmem:$0x5380] =	vst v63  }
0x1f5: {  	s31 =	sadd.s32 $0x50, s30;
	s0 =	simm.s32 $0x2800  }
0x1f6: {  	[hbm4b:s31+s6] =	stream.linear.scatter [tilespmem:s0], [sflag:$0x3], $0x80, $0x38;
	[tilespmem:$0x5380] =	vst v63  }
0x1f7: {  	s31 =	sadd.s32 $0x60, s30;
	s0 =	simm.s32 $0x2C00  }
0x1f8: {  	[hbm4b:s31+s6] =	stream.linear.scatter [tilespmem:s0], [sflag:$0x3], $0x80, $0x38;
	[tilespmem:$0x5380] =	vst v63  }
0x1f9: {  	s30 =	sadd.s32 $0x70, s30;
	s31 =	simm.s32 $0x3000  }
0x1fa: {  	[hbm4b:s30+s6] =	stream.linear.scatter [tilespmem:s31], [sflag:$0x3], $0x80, $0x38;
	[tilespmem:$0x5380] =	vst v63  }
0x1fb: {  	s30 =	sadd.s32 s29, s11;
	s31 =	simm.s32 $0x1480  }
0x1fc: {  	[hbm4b:s30+s6] =	stream.linear.scatter [tilespmem:s31], [sflag:$0x3], $0x80, $0x38;
	[tilespmem:$0x5380] =	vst v63  }
0x1fd: {  	s0 =	simm.s32 $0x1880;
	s31 =	sadd.s32 $0x10, s30  }
0x1fe: {  	[hbm4b:s31+s6] =	stream.linear.scatter [tilespmem:s0], [sflag:$0x3], $0x80, $0x38;
	[tilespmem:$0x5380] =	vst v63  }
0x1ff: {  	s31 =	sadd.s32 $0x20, s30;
	s0 =	simm.s32 $0x1C80  }
0x200: {  	[hbm4b:s31+s6] =	stream.linear.scatter [tilespmem:s0], [sflag:$0x3], $0x80, $0x38;
	[tilespmem:$0x5380] =	vst v63  }
0x201: {  	s31 =	sadd.s32 $0x30, s30;
	s0 =	simm.s32 $0x2080  }
0x202: {  	[hbm4b:s31+s6] =	stream.linear.scatter [tilespmem:s0], [sflag:$0x3], $0x80, $0x38;
	[tilespmem:$0x5380] =	vst v63  }
0x203: {  	s31 =	sadd.s32 $0x40, s30;
	s0 =	simm.s32 $0x2480  }
0x204: {  	[hbm4b:s31+s6] =	stream.linear.scatter [tilespmem:s0], [sflag:$0x3], $0x80, $0x38;
	[tilespmem:$0x5380] =	vst v63  }
0x205: {  	s31 =	sadd.s32 $0x50, s30;
	s0 =	simm.s32 $0x2880  }
0x206: {  	[hbm4b:s31+s6] =	stream.linear.scatter [tilespmem:s0], [sflag:$0x3], $0x80, $0x38;
	[tilespmem:$0x5380] =	vst v63  }
0x207: {  	s31 =	sadd.s32 $0x60, s30;
	s0 =	simm.s32 $0x2C80  }
0x208: {  	[hbm4b:s31+s6] =	stream.linear.scatter [tilespmem:s0], [sflag:$0x3], $0x80, $0x38;
	[tilespmem:$0x5380] =	vst v63  }
0x209: {  	s30 =	sadd.s32 $0x70, s30;
	s31 =	simm.s32 $0x3080  }
0x20a: {  	[hbm4b:s30+s6] =	stream.linear.scatter [tilespmem:s31], [sflag:$0x3], $0x80, $0x38;
	[tilespmem:$0x5380] =	vst v63  }
0x20b: {  	s30 =	sadd.s32 s29, s12;
	s31 =	simm.s32 $0x1500  }
0x20c: {  	[hbm4b:s30+s6] =	stream.linear.scatter [tilespmem:s31], [sflag:$0x3], $0x80, $0x38;
	[tilespmem:$0x5380] =	vst v63  }
0x20d: {  	s0 =	simm.s32 $0x1900;
	s31 =	sadd.s32 $0x10, s30  }
0x20e: {  	[hbm4b:s31+s6] =	stream.linear.scatter [tilespmem:s0], [sflag:$0x3], $0x80, $0x38;
	[tilespmem:$0x5380] =	vst v63  }
0x20f: {  	s31 =	sadd.s32 $0x20, s30;
	s0 =	simm.s32 $0x1D00  }
0x210: {  	[hbm4b:s31+s6] =	stream.linear.scatter [tilespmem:s0], [sflag:$0x3], $0x80, $0x38;
	[tilespmem:$0x5380] =	vst v63  }
0x211: {  	s31 =	sadd.s32 $0x30, s30;
	s0 =	simm.s32 $0x2100  }
0x212: {  	[hbm4b:s31+s6] =	stream.linear.scatter [tilespmem:s0], [sflag:$0x3], $0x80, $0x38;
	[tilespmem:$0x5380] =	vst v63  }
0x213: {  	s31 =	sadd.s32 $0x40, s30;
	s0 =	simm.s32 $0x2500  }
0x214: {  	[hbm4b:s31+s6] =	stream.linear.scatter [tilespmem:s0], [sflag:$0x3], $0x80, $0x38;
	[tilespmem:$0x5380] =	vst v63  }
0x215: {  	s31 =	sadd.s32 $0x50, s30;
	s0 =	simm.s32 $0x2900  }
0x216: {  	[hbm4b:s31+s6] =	stream.linear.scatter [tilespmem:s0], [sflag:$0x3], $0x80, $0x38;
	[tilespmem:$0x5380] =	vst v63  }
0x217: {  	s31 =	sadd.s32 $0x60, s30;
	s0 =	simm.s32 $0x2D00  }
0x218: {  	[hbm4b:s31+s6] =	stream.linear.scatter [tilespmem:s0], [sflag:$0x3], $0x80, $0x38;
	[tilespmem:$0x5380] =	vst v63  }
0x219: {  	s30 =	sadd.s32 $0x70, s30;
	s31 =	simm.s32 $0x3100  }
0x21a: {  	[hbm4b:s30+s6] =	stream.linear.scatter [tilespmem:s31], [sflag:$0x3], $0x80, $0x38;
	[tilespmem:$0x5380] =	vst v63  }
0x21b: {  	s30 =	sadd.s32 s29, s13;
	s31 =	simm.s32 $0x1580  }
0x21c: {  	[hbm4b:s30+s6] =	stream.linear.scatter [tilespmem:s31], [sflag:$0x3], $0x80, $0x38;
	[tilespmem:$0x5380] =	vst v63  }
0x21d: {  	s0 =	simm.s32 $0x1980;
	s31 =	sadd.s32 $0x10, s30  }
0x21e: {  	[hbm4b:s31+s6] =	stream.linear.scatter [tilespmem:s0], [sflag:$0x3], $0x80, $0x38;
	[tilespmem:$0x5380] =	vst v63  }
0x21f: {  	s31 =	sadd.s32 $0x20, s30;
	s0 =	simm.s32 $0x1D80  }
0x220: {  	[hbm4b:s31+s6] =	stream.linear.scatter [tilespmem:s0], [sflag:$0x3], $0x80, $0x38;
	[tilespmem:$0x5380] =	vst v63  }
0x221: {  	s31 =	sadd.s32 $0x30, s30;
	s0 =	simm.s32 $0x2180  }
0x222: {  	[hbm4b:s31+s6] =	stream.linear.scatter [tilespmem:s0], [sflag:$0x3], $0x80, $0x38;
	[tilespmem:$0x5380] =	vst v63  }
0x223: {  	s31 =	sadd.s32 $0x40, s30;
	s0 =	simm.s32 $0x2580  }
0x224: {  	[hbm4b:s31+s6] =	stream.linear.scatter [tilespmem:s0], [sflag:$0x3], $0x80, $0x38;
	[tilespmem:$0x5380] =	vst v63  }
0x225: {  	s31 =	sadd.s32 $0x50, s30;
	s0 =	simm.s32 $0x2980  }
0x226: {  	[hbm4b:s31+s6] =	stream.linear.scatter [tilespmem:s0], [sflag:$0x3], $0x80, $0x38;
	[tilespmem:$0x5380] =	vst v63  }
0x227: {  	s31 =	sadd.s32 $0x60, s30;
	s0 =	simm.s32 $0x2D80  }
0x228: {  	[hbm4b:s31+s6] =	stream.linear.scatter [tilespmem:s0], [sflag:$0x3], $0x80, $0x38;
	[tilespmem:$0x5380] =	vst v63  }
0x229: {  	s30 =	sadd.s32 $0x70, s30;
	s31 =	simm.s32 $0x3180  }
0x22a: {  	[hbm4b:s30+s6] =	stream.linear.scatter [tilespmem:s31], [sflag:$0x3], $0x80, $0x38;
	[tilespmem:$0x5380] =	vst v63  }
0x22b: {  	s30 =	sadd.s32 s29, s14;
	s31 =	simm.s32 $0x1600  }
0x22c: {  	[hbm4b:s30+s6] =	stream.linear.scatter [tilespmem:s31], [sflag:$0x3], $0x80, $0x38;
	[tilespmem:$0x5380] =	vst v63  }
0x22d: {  	s0 =	simm.s32 $0x1A00;
	s31 =	sadd.s32 $0x10, s30  }
0x22e: {  	[hbm4b:s31+s6] =	stream.linear.scatter [tilespmem:s0], [sflag:$0x3], $0x80, $0x38;
	[tilespmem:$0x5380] =	vst v63  }
0x22f: {  	s31 =	sadd.s32 $0x20, s30;
	s0 =	simm.s32 $0x1E00  }
0x230: {  	[hbm4b:s31+s6] =	stream.linear.scatter [tilespmem:s0], [sflag:$0x3], $0x80, $0x38;
	[tilespmem:$0x5380] =	vst v63  }
0x231: {  	s31 =	sadd.s32 $0x30, s30;
	s0 =	simm.s32 $0x2200  }
0x232: {  	[hbm4b:s31+s6] =	stream.linear.scatter [tilespmem:s0], [sflag:$0x3], $0x80, $0x38;
	[tilespmem:$0x5380] =	vst v63  }
0x233: {  	s31 =	sadd.s32 $0x40, s30;
	s0 =	simm.s32 $0x2600  }
0x234: {  	[hbm4b:s31+s6] =	stream.linear.scatter [tilespmem:s0], [sflag:$0x3], $0x80, $0x38;
	[tilespmem:$0x5380] =	vst v63  }
0x235: {  	s31 =	sadd.s32 $0x50, s30;
	s0 =	simm.s32 $0x2A00  }
0x236: {  	[hbm4b:s31+s6] =	stream.linear.scatter [tilespmem:s0], [sflag:$0x3], $0x80, $0x38;
	[tilespmem:$0x5380] =	vst v63  }
0x237: {  	s31 =	sadd.s32 $0x60, s30;
	s0 =	simm.s32 $0x2E00  }
0x238: {  	[hbm4b:s31+s6] =	stream.linear.scatter [tilespmem:s0], [sflag:$0x3], $0x80, $0x38;
	[tilespmem:$0x5380] =	vst v63  }
0x239: {  	s30 =	sadd.s32 $0x70, s30;
	s31 =	simm.s32 $0x3200  }
0x23a: {  	[hbm4b:s30+s6] =	stream.linear.scatter [tilespmem:s31], [sflag:$0x3], $0x80, $0x38;
	[tilespmem:$0x5380] =	vst v63  }
0x23b: {  	s30 =	sadd.s32 s29, s15;
	s31 =	simm.s32 $0x1680  }
0x23c: {  	[hbm4b:s30+s6] =	stream.linear.scatter [tilespmem:s31], [sflag:$0x3], $0x80, $0x38;
	[tilespmem:$0x5380] =	vst v63  }
0x23d: {  	s0 =	simm.s32 $0x1A80;
	s31 =	sadd.s32 $0x10, s30  }
0x23e: {  	[hbm4b:s31+s6] =	stream.linear.scatter [tilespmem:s0], [sflag:$0x3], $0x80, $0x38;
	[tilespmem:$0x5380] =	vst v63  }
0x23f: {  	s31 =	sadd.s32 $0x20, s30;
	s0 =	simm.s32 $0x1E80  }
0x240: {  	[hbm4b:s31+s6] =	stream.linear.scatter [tilespmem:s0], [sflag:$0x3], $0x80, $0x38;
	[tilespmem:$0x5380] =	vst v63  }
0x241: {  	s31 =	sadd.s32 $0x30, s30;
	s0 =	simm.s32 $0x2280  }
0x242: {  	[hbm4b:s31+s6] =	stream.linear.scatter [tilespmem:s0], [sflag:$0x3], $0x80, $0x38;
	[tilespmem:$0x5380] =	vst v63  }
0x243: {  	s31 =	sadd.s32 $0x40, s30;
	s0 =	simm.s32 $0x2680  }
0x244: {  	[hbm4b:s31+s6] =	stream.linear.scatter [tilespmem:s0], [sflag:$0x3], $0x80, $0x38;
	[tilespmem:$0x5380] =	vst v63  }
0x245: {  	s31 =	sadd.s32 $0x50, s30;
	s0 =	simm.s32 $0x2A80  }
0x246: {  	[hbm4b:s31+s6] =	stream.linear.scatter [tilespmem:s0], [sflag:$0x3], $0x80, $0x38;
	[tilespmem:$0x5380] =	vst v63  }
0x247: {  	s31 =	sadd.s32 $0x60, s30;
	s0 =	simm.s32 $0x2E80  }
0x248: {  	[hbm4b:s31+s6] =	stream.linear.scatter [tilespmem:s0], [sflag:$0x3], $0x80, $0x38;
	[tilespmem:$0x5380] =	vst v63  }
0x249: {  	s30 =	sadd.s32 $0x70, s30;
	s31 =	simm.s32 $0x3280  }
0x24a: {  	[hbm4b:s30+s6] =	stream.linear.scatter [tilespmem:s31], [sflag:$0x3], $0x80, $0x38;
	[tilespmem:$0x5380] =	vst v63  }
0x24b: {  	s29 =	sadd.s32 s29, s16;
	s31 =	simm.s32 $0x1700  }
0x24c: {  	[hbm4b:s29+s6] =	stream.linear.scatter [tilespmem:s31], [sflag:$0x3], $0x80, $0x38;
	[tilespmem:$0x5380] =	vst v63  }
0x24d: {  	s30 =	sadd.s32 $0x10, s29;
	s31 =	simm.s32 $0x1B00  }
0x24e: {  	[hbm4b:s30+s6] =	stream.linear.scatter [tilespmem:s31], [sflag:$0x3], $0x80, $0x38;
	[tilespmem:$0x5380] =	vst v63  }
0x24f: {  	s30 =	sadd.s32 $0x20, s29;
	s31 =	simm.s32 $0x1F00  }
0x250: {  	[hbm4b:s30+s6] =	stream.linear.scatter [tilespmem:s31], [sflag:$0x3], $0x80, $0x38;
	[tilespmem:$0x5380] =	vst v63  }
0x251: {  	s30 =	sadd.s32 $0x30, s29;
	s31 =	simm.s32 $0x2300  }
0x252: {  	[hbm4b:s30+s6] =	stream.linear.scatter [tilespmem:s31], [sflag:$0x3], $0x80, $0x38;
	[tilespmem:$0x5380] =	vst v63  }
0x253: {  	s30 =	sadd.s32 $0x40, s29;
	s31 =	simm.s32 $0x2700  }
0x254: {  	[hbm4b:s30+s6] =	stream.linear.scatter [tilespmem:s31], [sflag:$0x3], $0x80, $0x38;
	[tilespmem:$0x5380] =	vst v63  }
0x255: {  	s30 =	sadd.s32 $0x50, s29;
	s31 =	simm.s32 $0x2B00  }
0x256: {  	[hbm4b:s30+s6] =	stream.linear.scatter [tilespmem:s31], [sflag:$0x3], $0x80, $0x38;
	[tilespmem:$0x5380] =	vst v63  }
0x257: {  	s22 =	sadd.s32 s7, s22;
	s30 =	sadd.s32 $0x60, s29;
	s31 =	simm.s32 $0x2F00  }
0x258: {  	[hbm4b:s30+s6] =	stream.linear.scatter [tilespmem:s31], [sflag:$0x3], $0x80, $0x38;
	[tilespmem:$0x5380] =	vst v63  }
0x259: {  	p1 =	seq.s32 s19, $0x18;
	s29 =	sadd.s32 $0x70, s29;
	s31 =	simm.s32 $0x3300  }
0x25a: {  	[hbm4b:s29+s6] =	stream.linear.scatter [tilespmem:s31], [sflag:$0x3], $0x80, $0x38;
	[tilespmem:$0x5380] =	vst v63  }
0x25b: {  	s29 =	sshll.u32 @!p1 s22, $0x8  }
0x25c: {  	s30 =	simm.s32 @!p1 $0x0;
	s31 =	simm.s32 @!p1 $0x380;
	s29 =	sadd.s32 @!p1 s9, s29  }
0x25d: {  	[tilespmem:s31], [sflag:$0x1] =	stream.linear.gather @!p1 [hbm4b:s29+s30], $0x800, $0x38;
	[tilespmem:$0x5380] =	vst v63  }
0x25e: {  	_ =	swait.ge [sflag:s2], $0x800  }
0x25f: {  	[sflag:s2] =	ssyncset.done $0x0  }
0x260: {  	s30 =	simm.s32 @!p0 $0x4;
	[sflag:s2] =	ssyncadd.s32 $0xFFFFF800  }
0x261: {  	_ =	swait.ge @!p0 [sflag:s30], $0x400  }
0x262: {  	[sflag:s30] =	ssyncset.done @!p0 $0x0  }
0x263: {  	[sflag:s30] =	ssyncadd.s32 @!p0 $0xFFFFFC00  }
0x264: {  	_ =	swait.ge @!p0 [sflag:s30], $0x400  }
0x265: {  	[sflag:s30] =	ssyncset.done @!p0 $0x0  }
0x266: {  	[sflag:s30] =	ssyncadd.s32 @!p0 $0xFFFFFC00  }
0x267: {  	_ =	swait.ge @!p0 [sflag:s30], $0x400  }
0x268: {  	[sflag:s30] =	ssyncset.done @!p0 $0x0  }
0x269: {  	[sflag:s30] =	ssyncadd.s32 @!p0 $0xFFFFFC00  }
0x26a: {  	_ =	swait.ge @!p0 [sflag:s30], $0x400  }
0x26b: {  	[sflag:s30] =	ssyncset.done @!p0 $0x0  }
0x26c: {  	[sflag:s30] =	ssyncadd.s32 @!p0 $0xFFFFFC00  }
0x26d: {  	_ =	swait.ge @!p0 [sflag:s30], $0x400  }
0x26e: {  	[sflag:s30] =	ssyncset.done @!p0 $0x0  }
0x26f: {  	[sflag:s30] =	ssyncadd.s32 @!p0 $0xFFFFFC00  }
0x270: {  	_ =	swait.ge @!p0 [sflag:s30], $0x400  }
0x271: {  	[sflag:s30] =	ssyncset.done @!p0 $0x0  }
0x272: {  	[sflag:s30] =	ssyncadd.s32 @!p0 $0xFFFFFC00  }
0x273: {  	_ =	swait.ge @!p0 [sflag:s30], $0x400  }
0x274: {  	[sflag:s30] =	ssyncset.done @!p0 $0x0  }
0x275: {  	[sflag:s30] =	ssyncadd.s32 @!p0 $0xFFFFFC00  }
0x276: {  	s29 =	sshll.u32 s22, $0x7;
	_ =	swait.ge @!p0 [sflag:s30], $0x400  }
0x277: {  	s29 =	sand.u32 $0x1F80, s29;
	[sflag:s30] =	ssyncset.done @!p0 $0x0  }
0x278: {  	[sflag:s30] =	ssyncadd.s32 @!p0 $0xFFFFFC00;
	s30 =	simm.s32 $0x0;
	p0 =	por $0x1, $0x1  }
.LBB2_5:
0x279: {  	v20 =	vld [tilespmem:s30+$0xB80];
	_ =	sdelay $0x7  }
0x27a: {  	v21 =	vld.idx.msk [tilespmem:v20+s24+$0x0], $0xffff  }
0x27b: {  	v22 =	vld.idx.msk [tilespmem:v20+s25+$0x0], $0xffff  }
0x27c: {  	v23 =	vld.idx.msk [tilespmem:v20+s26+$0x0], $0xffff  }
0x27d: {  	v20 =	vld.idx.msk [tilespmem:v20+s28+$0x0], $0xffff;
	_ =	sdelay $0x4  }
0x27e: {  	[tilespmem:s30+$0x3F80] =	vst v20;
	v20 =	vld [tilespmem:s30+$0xC00];
	_ =	sdelay $0x4  }
0x27f: {  	[tilespmem:s30+$0x3380] =	vst v21  }
0x280: {  	[tilespmem:s30+$0x3780] =	vst v22  }
0x281: {  	[tilespmem:s30+$0x3B80] =	vst v23  }
0x282: {  	v21 =	vld.idx.msk [tilespmem:v20+s24+$0x0], $0xffff  }
0x283: {  	v22 =	vld.idx.msk [tilespmem:v20+s25+$0x0], $0xffff  }
0x284: {  	v23 =	vld.idx.msk [tilespmem:v20+s26+$0x0], $0xffff  }
0x285: {  	v20 =	vld.idx.msk [tilespmem:v20+s28+$0x0], $0xffff;
	_ =	sdelay $0x4  }
0x286: {  	[tilespmem:s30+$0x4000] =	vst v20;
	v20 =	vld [tilespmem:s30+$0xC80];
	_ =	sdelay $0x4  }
0x287: {  	[tilespmem:s30+$0x3400] =	vst v21  }
0x288: {  	[tilespmem:s30+$0x3800] =	vst v22  }
0x289: {  	[tilespmem:s30+$0x3C00] =	vst v23  }
0x28a: {  	v21 =	vld.idx.msk [tilespmem:v20+s24+$0x0], $0xffff  }
0x28b: {  	v22 =	vld.idx.msk [tilespmem:v20+s25+$0x0], $0xffff  }
0x28c: {  	v23 =	vld.idx.msk [tilespmem:v20+s26+$0x0], $0xffff  }
0x28d: {  	v20 =	vld.idx.msk [tilespmem:v20+s28+$0x0], $0xffff;
	_ =	sdelay $0x4  }
0x28e: {  	[tilespmem:s30+$0x4080] =	vst v20;
	v20 =	vld [tilespmem:s30+$0xD00];
	_ =	sdelay $0x4  }
0x28f: {  	[tilespmem:s30+$0x3480] =	vst v21  }
0x290: {  	[tilespmem:s30+$0x3880] =	vst v22  }
0x291: {  	[tilespmem:s30+$0x3C80] =	vst v23  }
0x292: {  	v21 =	vld.idx.msk [tilespmem:v20+s24+$0x0], $0xffff  }
0x293: {  	v22 =	vld.idx.msk [tilespmem:v20+s25+$0x0], $0xffff  }
0x294: {  	v23 =	vld.idx.msk [tilespmem:v20+s26+$0x0], $0xffff  }
0x295: {  	v20 =	vld.idx.msk [tilespmem:v20+s28+$0x0], $0xffff;
	_ =	sdelay $0x4  }
0x296: {  	[tilespmem:s30+$0x4100] =	vst v20;
	v20 =	vld [tilespmem:s30+$0xD80];
	_ =	sdelay $0x4  }
0x297: {  	[tilespmem:s30+$0x3500] =	vst v21  }
0x298: {  	[tilespmem:s30+$0x3900] =	vst v22  }
0x299: {  	[tilespmem:s30+$0x3D00] =	vst v23  }
0x29a: {  	v21 =	vld.idx.msk [tilespmem:v20+s24+$0x0], $0xffff  }
0x29b: {  	v22 =	vld.idx.msk [tilespmem:v20+s25+$0x0], $0xffff  }
0x29c: {  	v23 =	vld.idx.msk [tilespmem:v20+s26+$0x0], $0xffff  }
0x29d: {  	v20 =	vld.idx.msk [tilespmem:v20+s28+$0x0], $0xffff;
	_ =	sdelay $0x4  }
0x29e: {  	[tilespmem:s30+$0x4180] =	vst v20;
	v20 =	vld [tilespmem:s30+$0xE00];
	_ =	sdelay $0x4  }
0x29f: {  	[tilespmem:s30+$0x3580] =	vst v21  }
0x2a0: {  	[tilespmem:s30+$0x3980] =	vst v22  }
0x2a1: {  	[tilespmem:s30+$0x3D80] =	vst v23  }
0x2a2: {  	v21 =	vld.idx.msk [tilespmem:v20+s24+$0x0], $0xffff  }
0x2a3: {  	v22 =	vld.idx.msk [tilespmem:v20+s25+$0x0], $0xffff  }
0x2a4: {  	v23 =	vld.idx.msk [tilespmem:v20+s26+$0x0], $0xffff  }
0x2a5: {  	v20 =	vld.idx.msk [tilespmem:v20+s28+$0x0], $0xffff;
	_ =	sdelay $0x4  }
0x2a6: {  	[tilespmem:s30+$0x4200] =	vst v20;
	v20 =	vld [tilespmem:s30+$0xE80];
	_ =	sdelay $0x4  }
0x2a7: {  	[tilespmem:s30+$0x3600] =	vst v21  }
0x2a8: {  	[tilespmem:s30+$0x3A00] =	vst v22  }
0x2a9: {  	[tilespmem:s30+$0x3E00] =	vst v23  }
0x2aa: {  	v21 =	vld.idx.msk [tilespmem:v20+s24+$0x0], $0xffff  }
0x2ab: {  	v22 =	vld.idx.msk [tilespmem:v20+s25+$0x0], $0xffff  }
0x2ac: {  	v23 =	vld.idx.msk [tilespmem:v20+s26+$0x0], $0xffff  }
0x2ad: {  	v20 =	vld.idx.msk [tilespmem:v20+s28+$0x0], $0xffff;
	_ =	sdelay $0x4  }
0x2ae: {  	[tilespmem:s30+$0x4280] =	vst v20;
	v20 =	vld [tilespmem:s30+$0xF00];
	_ =	sdelay $0x4  }
0x2af: {  	[tilespmem:s30+$0x3680] =	vst v21  }
0x2b0: {  	[tilespmem:s30+$0x3A80] =	vst v22  }
0x2b1: {  	[tilespmem:s30+$0x3E80] =	vst v23  }
0x2b2: {  	v21 =	vld.idx.msk [tilespmem:v20+s24+$0x0], $0xffff  }
0x2b3: {  	v22 =	vld.idx.msk [tilespmem:v20+s25+$0x0], $0xffff  }
0x2b4: {  	v23 =	vld.idx.msk [tilespmem:v20+s26+$0x0], $0xffff  }
0x2b5: {  	v20 =	vld.idx.msk [tilespmem:v20+s28+$0x0], $0xffff;
	_ =	sdelay $0x4  }
0x2b6: {  	[tilespmem:s30+$0x4300] =	vst v20;
	v20 =	vld [tilespmem:s30+$0xF80];
	_ =	sdelay $0x4  }
0x2b7: {  	[tilespmem:s30+$0x3700] =	vst v21  }
0x2b8: {  	[tilespmem:s30+$0x3B00] =	vst v22  }
0x2b9: {  	[tilespmem:s30+$0x3F00] =	vst v23  }
0x2ba: {  	v21 =	vld.idx.msk [tilespmem:v20+s24+$0x0], $0xffff  }
0x2bb: {  	v22 =	vld.idx.msk [tilespmem:v20+s25+$0x0], $0xffff  }
0x2bc: {  	v23 =	vld.idx.msk [tilespmem:v20+s26+$0x0], $0xffff  }
0x2bd: {  	v20 =	vld.idx.msk [tilespmem:v20+s28+$0x0], $0xffff  }
0x2be: {  	v24 =	vld [tilespmem:s30+$0xB90]  }
0x2bf: {  	v31 =	vld [tilespmem:s30+$0xC10]  }
0x2c0: {  	v32 =	vld [tilespmem:s30+$0xC90]  }
0x2c1: {  	v33 =	vld [tilespmem:s30+$0xD10]  }
0x2c2: {  	v34 =	vld [tilespmem:s30+$0xD90]  }
0x2c3: {  	v35 =	vld [tilespmem:s30+$0xE10]  }
0x2c4: {  	v36 =	vld [tilespmem:s30+$0xE90]  }
0x2c5: {  	v37 =	vld [tilespmem:s30+$0xF10]  }
0x2c6: {  	v28 =	vld [tilespmem:s30+$0xBA0]  }
0x2c7: {  	v38 =	vld [tilespmem:s30+$0xBB0]  }
0x2c8: {  	v39 =	vld [tilespmem:s30+$0xF90]  }
0x2c9: {  	v47 =	vld [tilespmem:s30+$0xC20]  }
0x2ca: {  	v49 =	vld [tilespmem:s30+$0xC30]  }
0x2cb: {  	v57 =	vld [tilespmem:s30+$0xCA0]  }
0x2cc: {  	v60 =	vld [tilespmem:s30+$0xCB0]  }
0x2cd: {  	v62 =	vld [tilespmem:s30+$0x1010]  }
0x2ce: {  	v25 =	vld.idx.msk [tilespmem:v24+s24+$0x0], $0xffff  }
0x2cf: {  	v26 =	vld.idx.msk [tilespmem:v24+s25+$0x0], $0xffff  }
0x2d0: {  	v27 =	vld.idx.msk [tilespmem:v24+s26+$0x0], $0xffff  }
0x2d1: {  	v24 =	vld.idx.msk [tilespmem:v24+s28+$0x0], $0xffff  }
0x2d2: {  	v40 =	vld.idx.msk [tilespmem:v28+s24+$0x0], $0xffff  }
0x2d3: {  	v41 =	vld.idx.msk [tilespmem:v28+s25+$0x0], $0xffff  }
0x2d4: {  	v42 =	vld.idx.msk [tilespmem:v28+s26+$0x0], $0xffff  }
0x2d5: {  	[tilespmem:s30+$0x4F80] =	vst v20;
	v20 =	vld.idx.msk [tilespmem:v38+s24+$0x0], $0xffff  }
0x2d6: {  	v43 =	vld.idx.msk [tilespmem:v28+s28+$0x0], $0xffff;
	[tilespmem:s30+$0x3390] =	vst v25  }
0x2d7: {  	v46 =	vld.idx.msk [tilespmem:v38+s28+$0x0], $0xffff;
	[tilespmem:s30+$0x3790] =	vst v26  }
0x2d8: {  	v44 =	vld.idx.msk [tilespmem:v38+s25+$0x0], $0xffff;
	[tilespmem:s30+$0x3B90] =	vst v27  }
0x2d9: {  	v45 =	vld.idx.msk [tilespmem:v38+s26+$0x0], $0xffff;
	[tilespmem:s30+$0x3F90] =	vst v24  }
0x2da: {  	[tilespmem:s30+$0x33B0] =	vst v20;
	v20 =	vld [tilespmem:s30+$0x1000]  }
0x2db: {  	[tilespmem:s30+$0x3FA0] =	vst v43;
	v43 =	vld [tilespmem:s30+$0xDA0]  }
0x2dc: {  	[tilespmem:s30+$0x3FB0] =	vst v46;
	v46 =	vld [tilespmem:s30+$0xDB0]  }
0x2dd: {  	v25 =	vld.idx.msk [tilespmem:v31+s24+$0x0], $0xffff  }
0x2de: {  	[tilespmem:s30+$0x33A0] =	vst v40;
	v26 =	vld.idx.msk [tilespmem:v31+s25+$0x0], $0xffff  }
0x2df: {  	[tilespmem:s30+$0x37A0] =	vst v41;
	v27 =	vld.idx.msk [tilespmem:v31+s26+$0x0], $0xffff  }
0x2e0: {  	[tilespmem:s30+$0x3BA0] =	vst v42;
	v24 =	vld.idx.msk [tilespmem:v31+s28+$0x0], $0xffff  }
0x2e1: {  	[tilespmem:s30+$0x4780] =	vst v22;
	v52 =	vld.idx.msk [tilespmem:v47+s24+$0x0], $0xffff  }
0x2e2: {  	[tilespmem:s30+$0x4B80] =	vst v23;
	v53 =	vld.idx.msk [tilespmem:v47+s25+$0x0], $0xffff  }
0x2e3: {  	[tilespmem:s30+$0x37B0] =	vst v44;
	v29 =	vld.idx.msk [tilespmem:v47+s26+$0x0], $0xffff  }
0x2e4: {  	[tilespmem:s30+$0x3BB0] =	vst v45;
	v23 =	vld.idx.msk [tilespmem:v47+s28+$0x0], $0xffff  }
0x2e5: {  	v54 =	vld.idx.msk [tilespmem:v49+s24+$0x0], $0xffff;
	[tilespmem:s30+$0x3410] =	vst v25  }
0x2e6: {  	v55 =	vld.idx.msk [tilespmem:v49+s25+$0x0], $0xffff;
	[tilespmem:s30+$0x3810] =	vst v26  }
0x2e7: {  	v56 =	vld.idx.msk [tilespmem:v49+s26+$0x0], $0xffff;
	[tilespmem:s30+$0x3C10] =	vst v27  }
0x2e8: {  	v22 =	vld.idx.msk [tilespmem:v49+s28+$0x0], $0xffff;
	[tilespmem:s30+$0x4010] =	vst v24  }
0x2e9: {  	[tilespmem:s30+$0x4380] =	vst v21;
	v25 =	vld.idx.msk [tilespmem:v32+s24+$0x0], $0xffff  }
0x2ea: {  	[tilespmem:s30+$0x3420] =	vst v52;
	v26 =	vld.idx.msk [tilespmem:v32+s25+$0x0], $0xffff  }
0x2eb: {  	[tilespmem:s30+$0x3820] =	vst v53;
	v27 =	vld.idx.msk [tilespmem:v32+s26+$0x0], $0xffff  }
0x2ec: {  	[tilespmem:s30+$0x3C20] =	vst v29;
	v24 =	vld.idx.msk [tilespmem:v32+s28+$0x0], $0xffff  }
0x2ed: {  	[tilespmem:s30+$0x3430] =	vst v54;
	v54 =	vld [tilespmem:s30+$0xE20]  }
0x2ee: {  	v58 =	vld.idx.msk [tilespmem:v20+s24+$0x0], $0xffff;
	[tilespmem:s30+$0x3490] =	vst v25  }
0x2ef: {  	v59 =	vld.idx.msk [tilespmem:v20+s25+$0x0], $0xffff;
	[tilespmem:s30+$0x3890] =	vst v26  }
0x2f0: {  	v61 =	vld.idx.msk [tilespmem:v20+s26+$0x0], $0xffff;
	[tilespmem:s30+$0x3C90] =	vst v27  }
0x2f1: {  	v20 =	vld.idx.msk [tilespmem:v20+s28+$0x0], $0xffff;
	[tilespmem:s30+$0x4090] =	vst v24  }
0x2f2: {  	[tilespmem:s30+$0x4020] =	vst v23;
	v25 =	vld.idx.msk [tilespmem:v33+s24+$0x0], $0xffff  }
0x2f3: {  	[tilespmem:s30+$0x3830] =	vst v55;
	v26 =	vld.idx.msk [tilespmem:v33+s25+$0x0], $0xffff  }
0x2f4: {  	[tilespmem:s30+$0x3C30] =	vst v56;
	v27 =	vld.idx.msk [tilespmem:v33+s26+$0x0], $0xffff  }
0x2f5: {  	[tilespmem:s30+$0x4030] =	vst v22;
	v24 =	vld.idx.msk [tilespmem:v33+s28+$0x0], $0xffff  }
0x2f6: {  	v56 =	vld [tilespmem:s30+$0xE30];
	[tilespmem:s30+$0x5000] =	vst v20  }
0x2f7: {  	v63 =	vld.idx.msk [tilespmem:v57+s24+$0x0], $0xffff;
	[tilespmem:s30+$0x3510] =	vst v25  }
0x2f8: {  	v32 =	vld.idx.msk [tilespmem:v60+s25+$0x0], $0xffff;
	[tilespmem:s30+$0x3910] =	vst v26  }
0x2f9: {  	v22 =	vld.idx.msk [tilespmem:v60+s28+$0x0], $0xffff;
	[tilespmem:s30+$0x3D10] =	vst v27  }
0x2fa: {  	v20 =	vld.idx.msk [tilespmem:v60+s24+$0x0], $0xffff;
	[tilespmem:s30+$0x4110] =	vst v24  }
0x2fb: {  	v25 =	vld.idx.msk [tilespmem:v34+s24+$0x0], $0xffff  }
0x2fc: {  	v26 =	vld.idx.msk [tilespmem:v34+s25+$0x0], $0xffff  }
0x2fd: {  	v27 =	vld.idx.msk [tilespmem:v34+s26+$0x0], $0xffff  }
0x2fe: {  	v24 =	vld.idx.msk [tilespmem:v34+s28+$0x0], $0xffff  }
0x2ff: {  	v33 =	vld.idx.msk [tilespmem:v60+s26+$0x0], $0xffff;
	[tilespmem:s30+$0x34B0] =	vst v20  }
0x300: {  	v30 =	vld.idx.msk [tilespmem:v57+s25+$0x0], $0xffff;
	[tilespmem:s30+$0x3590] =	vst v25  }
0x301: {  	v31 =	vld.idx.msk [tilespmem:v57+s26+$0x0], $0xffff;
	[tilespmem:s30+$0x3990] =	vst v26  }
0x302: {  	v23 =	vld.idx.msk [tilespmem:v57+s28+$0x0], $0xffff;
	[tilespmem:s30+$0x3D90] =	vst v27  }
0x303: {  	v20 =	vld [tilespmem:s30+$0x1080];
	[tilespmem:s30+$0x4190] =	vst v24  }
0x304: {  	[tilespmem:s30+$0x34A0] =	vst v63;
	v25 =	vld.idx.msk [tilespmem:v35+s24+$0x0], $0xffff  }
0x305: {  	[tilespmem:s30+$0x4400] =	vst v58;
	v26 =	vld.idx.msk [tilespmem:v35+s25+$0x0], $0xffff  }
0x306: {  	[tilespmem:s30+$0x4800] =	vst v59;
	v27 =	vld.idx.msk [tilespmem:v35+s26+$0x0], $0xffff  }
0x307: {  	[tilespmem:s30+$0x4C00] =	vst v61;
	v24 =	vld.idx.msk [tilespmem:v35+s28+$0x0], $0xffff  }
0x308: {  	v63 =	vld [tilespmem:s30+$0xEA0];
	[tilespmem:s30+$0x38B0] =	vst v32  }
0x309: {  	v32 =	vld [tilespmem:s30+$0xEB0];
	[tilespmem:s30+$0x3610] =	vst v25  }
0x30a: {  	v34 =	vld [tilespmem:s30+$0xD20];
	[tilespmem:s30+$0x3A10] =	vst v26  }
0x30b: {  	v44 =	vld.idx.msk [tilespmem:v20+s24+$0x0], $0xffff;
	[tilespmem:s30+$0x3E10] =	vst v27  }
0x30c: {  	v45 =	vld.idx.msk [tilespmem:v20+s25+$0x0], $0xffff;
	[tilespmem:s30+$0x4210] =	vst v24  }
0x30d: {  	v25 =	vld.idx.msk [tilespmem:v36+s24+$0x0], $0xffff  }
0x30e: {  	v26 =	vld.idx.msk [tilespmem:v36+s25+$0x0], $0xffff  }
0x30f: {  	[tilespmem:s30+$0x38A0] =	vst v30;
	v27 =	vld.idx.msk [tilespmem:v36+s26+$0x0], $0xffff  }
0x310: {  	[tilespmem:s30+$0x3CA0] =	vst v31;
	v24 =	vld.idx.msk [tilespmem:v36+s28+$0x0], $0xffff  }
0x311: {  	[tilespmem:s30+$0x40A0] =	vst v23;
	v47 =	vld.idx.msk [tilespmem:v20+s26+$0x0], $0xffff  }
0x312: {  	v36 =	vld [tilespmem:s30+$0xD30];
	[tilespmem:s30+$0x3690] =	vst v25  }
0x313: {  	v20 =	vld.idx.msk [tilespmem:v20+s28+$0x0], $0xffff;
	[tilespmem:s30+$0x3A90] =	vst v26  }
0x314: {  	v29 =	vld.idx.msk [tilespmem:v34+s26+$0x0], $0xffff;
	[tilespmem:s30+$0x3E90] =	vst v27  }
0x315: {  	v23 =	vld.idx.msk [tilespmem:v34+s28+$0x0], $0xffff;
	[tilespmem:s30+$0x4290] =	vst v24  }
0x316: {  	v25 =	vld.idx.msk [tilespmem:v37+s24+$0x0], $0xffff  }
0x317: {  	v26 =	vld.idx.msk [tilespmem:v37+s25+$0x0], $0xffff  }
0x318: {  	[tilespmem:s30+$0x40B0] =	vst v22;
	v27 =	vld.idx.msk [tilespmem:v37+s26+$0x0], $0xffff  }
0x319: {  	[tilespmem:s30+$0x3CB0] =	vst v33;
	v24 =	vld.idx.msk [tilespmem:v37+s28+$0x0], $0xffff  }
0x31a: {  	v40 =	vld.idx.msk [tilespmem:v36+s24+$0x0], $0xffff  }
0x31b: {  	v41 =	vld.idx.msk [tilespmem:v36+s25+$0x0], $0xffff;
	[tilespmem:s30+$0x3710] =	vst v25  }
0x31c: {  	v42 =	vld.idx.msk [tilespmem:v36+s26+$0x0], $0xffff;
	[tilespmem:s30+$0x3B10] =	vst v26  }
0x31d: {  	v22 =	vld.idx.msk [tilespmem:v36+s28+$0x0], $0xffff;
	[tilespmem:s30+$0x3F10] =	vst v27  }
0x31e: {  	[tilespmem:s30+$0x4310] =	vst v24;
	v27 =	vld.idx.msk [tilespmem:v34+s24+$0x0], $0xffff  }
0x31f: {  	v48 =	vld.idx.msk [tilespmem:v39+s24+$0x0], $0xffff  }
0x320: {  	v50 =	vld.idx.msk [tilespmem:v39+s25+$0x0], $0xffff  }
0x321: {  	v51 =	vld.idx.msk [tilespmem:v39+s26+$0x0], $0xffff  }
0x322: {  	v24 =	vld.idx.msk [tilespmem:v39+s28+$0x0], $0xffff  }
0x323: {  	v39 =	vld.idx.msk [tilespmem:v34+s25+$0x0], $0xffff;
	[tilespmem:s30+$0x3530] =	vst v40  }
0x324: {  	v34 =	vld [tilespmem:s30+$0x1110];
	[tilespmem:s30+$0x3930] =	vst v41  }
0x325: {  	[tilespmem:s30+$0x3D30] =	vst v42;
	v40 =	vld [tilespmem:s30+$0xF20]  }
0x326: {  	[tilespmem:s30+$0x4130] =	vst v22;
	v42 =	vld [tilespmem:s30+$0xF30]  }
0x327: {  	[tilespmem:s30+$0x5080] =	vst v20;
	v20 =	vld.idx.msk [tilespmem:v46+s24+$0x0], $0xffff  }
0x328: {  	v52 =	vld.idx.msk [tilespmem:v46+s25+$0x0], $0xffff;
	[tilespmem:s30+$0x4390] =	vst v48  }
0x329: {  	v53 =	vld.idx.msk [tilespmem:v46+s26+$0x0], $0xffff;
	[tilespmem:s30+$0x4790] =	vst v50  }
0x32a: {  	v22 =	vld.idx.msk [tilespmem:v46+s28+$0x0], $0xffff;
	[tilespmem:s30+$0x4B90] =	vst v51  }
0x32b: {  	[tilespmem:s30+$0x4F90] =	vst v24;
	v48 =	vld [tilespmem:s30+$0x1090]  }
0x32c: {  	[tilespmem:s30+$0x3D20] =	vst v29;
	v35 =	vld.idx.msk [tilespmem:v62+s24+$0x0], $0xffff  }
0x32d: {  	[tilespmem:s30+$0x4120] =	vst v23;
	v37 =	vld.idx.msk [tilespmem:v62+s25+$0x0], $0xffff  }
0x32e: {  	[tilespmem:s30+$0x3520] =	vst v27;
	v38 =	vld.idx.msk [tilespmem:v62+s26+$0x0], $0xffff  }
0x32f: {  	[tilespmem:s30+$0x3920] =	vst v39;
	v24 =	vld.idx.msk [tilespmem:v62+s28+$0x0], $0xffff  }
0x330: {  	v49 =	vld.idx.msk [tilespmem:v43+s24+$0x0], $0xffff  }
0x331: {  	v50 =	vld.idx.msk [tilespmem:v43+s25+$0x0], $0xffff  }
0x332: {  	v51 =	vld.idx.msk [tilespmem:v43+s26+$0x0], $0xffff;
	[tilespmem:s30+$0x35B0] =	vst v20  }
0x333: {  	v23 =	vld.idx.msk [tilespmem:v43+s28+$0x0], $0xffff;
	[tilespmem:s30+$0x39B0] =	vst v52  }
0x334: {  	v20 =	vld [tilespmem:s30+$0x1100];
	[tilespmem:s30+$0x3DB0] =	vst v53  }
0x335: {  	[tilespmem:s30+$0x41B0] =	vst v22;
	v52 =	vld [tilespmem:s30+$0xFB0]  }
0x336: {  	v60 =	vld.idx.msk [tilespmem:v56+s24+$0x0], $0xffff  }
0x337: {  	v61 =	vld.idx.msk [tilespmem:v56+s25+$0x0], $0xffff;
	[tilespmem:s30+$0x35A0] =	vst v49  }
0x338: {  	v62 =	vld.idx.msk [tilespmem:v56+s26+$0x0], $0xffff;
	[tilespmem:s30+$0x39A0] =	vst v50  }
0x339: {  	v22 =	vld.idx.msk [tilespmem:v56+s28+$0x0], $0xffff;
	[tilespmem:s30+$0x3DA0] =	vst v51  }
0x33a: {  	[tilespmem:s30+$0x41A0] =	vst v23;
	v49 =	vld [tilespmem:s30+$0xFA0]  }
0x33b: {  	v27 =	vld.idx.msk [tilespmem:v54+s24+$0x0], $0xffff  }
0x33c: {  	[tilespmem:s30+$0x4410] =	vst v35;
	v59 =	vld.idx.msk [tilespmem:v54+s25+$0x0], $0xffff  }
0x33d: {  	[tilespmem:s30+$0x4810] =	vst v37;
	v29 =	vld.idx.msk [tilespmem:v54+s26+$0x0], $0xffff  }
0x33e: {  	[tilespmem:s30+$0x4C10] =	vst v38;
	v23 =	vld.idx.msk [tilespmem:v54+s28+$0x0], $0xffff  }
0x33f: {  	[tilespmem:s30+$0x5010] =	vst v24;
	v54 =	vld [tilespmem:s30+$0x1190]  }
0x340: {  	v55 =	vld.idx.msk [tilespmem:v48+s24+$0x0], $0xffff  }
0x341: {  	v57 =	vld.idx.msk [tilespmem:v48+s25+$0x0], $0xffff  }
0x342: {  	v58 =	vld.idx.msk [tilespmem:v48+s26+$0x0], $0xffff;
	[tilespmem:s30+$0x3630] =	vst v60  }
0x343: {  	v24 =	vld.idx.msk [tilespmem:v48+s28+$0x0], $0xffff;
	[tilespmem:s30+$0x3A30] =	vst v61  }
0x344: {  	[tilespmem:s30+$0x3E30] =	vst v62;
	v60 =	vld [tilespmem:s30+$0x1020]  }
0x345: {  	[tilespmem:s30+$0x4230] =	vst v22;
	v62 =	vld [tilespmem:s30+$0x1030]  }
0x346: {  	[tilespmem:s30+$0x4480] =	vst v44;
	v38 =	vld.idx.msk [tilespmem:v32+s25+$0x0], $0xffff  }
0x347: {  	[tilespmem:s30+$0x4880] =	vst v45;
	v39 =	vld.idx.msk [tilespmem:v32+s26+$0x0], $0xffff  }
0x348: {  	[tilespmem:s30+$0x4C80] =	vst v47;
	v22 =	vld.idx.msk [tilespmem:v32+s28+$0x0], $0xffff  }
0x349: {  	v30 =	vld.idx.msk [tilespmem:v20+s24+$0x0], $0xffff;
	[tilespmem:s30+$0x3620] =	vst v27  }
0x34a: {  	v31 =	vld.idx.msk [tilespmem:v20+s25+$0x0], $0xffff;
	[tilespmem:s30+$0x3A20] =	vst v59  }
0x34b: {  	v33 =	vld.idx.msk [tilespmem:v20+s26+$0x0], $0xffff;
	[tilespmem:s30+$0x3E20] =	vst v29  }
0x34c: {  	v20 =	vld.idx.msk [tilespmem:v20+s28+$0x0], $0xffff;
	[tilespmem:s30+$0x4220] =	vst v23  }
0x34d: {  	[tilespmem:s30+$0x4490] =	vst v55;
	v35 =	vld.idx.msk [tilespmem:v63+s24+$0x0], $0xffff  }
0x34e: {  	[tilespmem:s30+$0x4890] =	vst v57;
	v36 =	vld.idx.msk [tilespmem:v63+s25+$0x0], $0xffff  }
0x34f: {  	[tilespmem:s30+$0x4C90] =	vst v58;
	v37 =	vld.idx.msk [tilespmem:v63+s26+$0x0], $0xffff  }
0x350: {  	[tilespmem:s30+$0x5090] =	vst v24;
	v23 =	vld.idx.msk [tilespmem:v63+s28+$0x0], $0xffff  }
0x351: {  	v41 =	vld.idx.msk [tilespmem:v34+s24+$0x0], $0xffff  }
0x352: {  	v43 =	vld.idx.msk [tilespmem:v34+s25+$0x0], $0xffff;
	[tilespmem:s30+$0x5100] =	vst v20  }
0x353: {  	v44 =	vld.idx.msk [tilespmem:v34+s26+$0x0], $0xffff;
	[tilespmem:s30+$0x36A0] =	vst v35  }
0x354: {  	v24 =	vld.idx.msk [tilespmem:v34+s28+$0x0], $0xffff;
	[tilespmem:s30+$0x3AA0] =	vst v36  }
0x355: {  	v20 =	vld.idx.msk [tilespmem:v32+s24+$0x0], $0xffff;
	[tilespmem:s30+$0x3EA0] =	vst v37  }
0x356: {  	[tilespmem:s30+$0x42A0] =	vst v23;
	v37 =	vld [tilespmem:s30+$0x10A0]  }
0x357: {  	v27 =	vld.idx.msk [tilespmem:v40+s24+$0x0], $0xffff  }
0x358: {  	v45 =	vld.idx.msk [tilespmem:v40+s25+$0x0], $0xffff;
	[tilespmem:s30+$0x4510] =	vst v41  }
0x359: {  	v29 =	vld.idx.msk [tilespmem:v40+s26+$0x0], $0xffff;
	[tilespmem:s30+$0x4910] =	vst v43  }
0x35a: {  	v23 =	vld.idx.msk [tilespmem:v40+s28+$0x0], $0xffff;
	[tilespmem:s30+$0x4D10] =	vst v44  }
0x35b: {  	[tilespmem:s30+$0x5110] =	vst v24;
	v40 =	vld [tilespmem:s30+$0x10B0]  }
0x35c: {  	[tilespmem:s30+$0x36B0] =	vst v20;
	v20 =	vld [tilespmem:s30+$0x1180]  }
0x35d: {  	v61 =	vld.idx.msk [tilespmem:v54+s24+$0x0], $0xffff  }
0x35e: {  	[tilespmem:s30+$0x3AB0] =	vst v38;
	v63 =	vld.idx.msk [tilespmem:v54+s25+$0x0], $0xffff  }
0x35f: {  	[tilespmem:s30+$0x3EB0] =	vst v39;
	v32 =	vld.idx.msk [tilespmem:v54+s26+$0x0], $0xffff  }
0x360: {  	[tilespmem:s30+$0x42B0] =	vst v22;
	v24 =	vld.idx.msk [tilespmem:v54+s28+$0x0], $0xffff  }
0x361: {  	v46 =	vld.idx.msk [tilespmem:v42+s24+$0x0], $0xffff  }
0x362: {  	v47 =	vld.idx.msk [tilespmem:v42+s25+$0x0], $0xffff;
	[tilespmem:s30+$0x3720] =	vst v27  }
0x363: {  	v48 =	vld.idx.msk [tilespmem:v42+s26+$0x0], $0xffff;
	[tilespmem:s30+$0x3B20] =	vst v45  }
0x364: {  	v22 =	vld.idx.msk [tilespmem:v42+s28+$0x0], $0xffff;
	[tilespmem:s30+$0x3F20] =	vst v29  }
0x365: {  	v42 =	vld [tilespmem:s30+$0x1210];
	[tilespmem:s30+$0x4320] =	vst v23  }
0x366: {  	[tilespmem:s30+$0x4500] =	vst v30;
	v55 =	vld.idx.msk [tilespmem:v49+s24+$0x0], $0xffff  }
0x367: {  	v56 =	vld.idx.msk [tilespmem:v49+s25+$0x0], $0xffff;
	[tilespmem:s30+$0x3730] =	vst v46  }
0x368: {  	v57 =	vld.idx.msk [tilespmem:v49+s26+$0x0], $0xffff;
	[tilespmem:s30+$0x3B30] =	vst v47  }
0x369: {  	v23 =	vld.idx.msk [tilespmem:v49+s28+$0x0], $0xffff;
	[tilespmem:s30+$0x3F30] =	vst v48  }
0x36a: {  	[tilespmem:s30+$0x4330] =	vst v22;
	v48 =	vld [tilespmem:s30+$0x1120]  }
0x36b: {  	[tilespmem:s30+$0x4900] =	vst v31;
	v58 =	vld.idx.msk [tilespmem:v52+s25+$0x0], $0xffff  }
0x36c: {  	[tilespmem:s30+$0x4D00] =	vst v33;
	v59 =	vld.idx.msk [tilespmem:v52+s26+$0x0], $0xffff  }
0x36d: {  	[tilespmem:s30+$0x4590] =	vst v61;
	v22 =	vld.idx.msk [tilespmem:v52+s28+$0x0], $0xffff  }
0x36e: {  	[tilespmem:s30+$0x4990] =	vst v63;
	v50 =	vld.idx.msk [tilespmem:v20+s24+$0x0], $0xffff  }
0x36f: {  	[tilespmem:s30+$0x4D90] =	vst v32;
	v51 =	vld.idx.msk [tilespmem:v20+s25+$0x0], $0xffff  }
0x370: {  	[tilespmem:s30+$0x5190] =	vst v24;
	v53 =	vld.idx.msk [tilespmem:v20+s26+$0x0], $0xffff  }
0x371: {  	v20 =	vld.idx.msk [tilespmem:v20+s28+$0x0], $0xffff;
	[tilespmem:s30+$0x43A0] =	vst v55  }
0x372: {  	v49 =	vld.idx.msk [tilespmem:v42+s24+$0x0], $0xffff;
	[tilespmem:s30+$0x47A0] =	vst v56  }
0x373: {  	v24 =	vld.idx.msk [tilespmem:v42+s28+$0x0], $0xffff;
	[tilespmem:s30+$0x4BA0] =	vst v57  }
0x374: {  	[tilespmem:s30+$0x4FA0] =	vst v23;
	v57 =	vld [tilespmem:s30+$0x11A0]  }
0x375: {  	v27 =	vld.idx.msk [tilespmem:v60+s24+$0x0], $0xffff  }
0x376: {  	v33 =	vld.idx.msk [tilespmem:v60+s25+$0x0], $0xffff  }
0x377: {  	v29 =	vld.idx.msk [tilespmem:v60+s26+$0x0], $0xffff;
	[tilespmem:s30+$0x4580] =	vst v50  }
0x378: {  	v23 =	vld.idx.msk [tilespmem:v60+s28+$0x0], $0xffff;
	[tilespmem:s30+$0x4980] =	vst v51  }
0x379: {  	v60 =	vld [tilespmem:s30+$0x11B0];
	[tilespmem:s30+$0x5180] =	vst v20  }
0x37a: {  	v20 =	vld.idx.msk [tilespmem:v52+s24+$0x0], $0xffff;
	[tilespmem:s30+$0x4420] =	vst v27  }
0x37b: {  	v50 =	vld [tilespmem:s30+$0x1130];
	[tilespmem:s30+$0x4820] =	vst v33  }
0x37c: {  	v51 =	vld.idx.msk [tilespmem:v42+s25+$0x0], $0xffff;
	[tilespmem:s30+$0x4C20] =	vst v29  }
0x37d: {  	v52 =	vld.idx.msk [tilespmem:v42+s26+$0x0], $0xffff;
	[tilespmem:s30+$0x5020] =	vst v23  }
0x37e: {  	v43 =	vld.idx.msk [tilespmem:v37+s24+$0x0], $0xffff  }
0x37f: {  	[tilespmem:s30+$0x47B0] =	vst v58;
	v44 =	vld.idx.msk [tilespmem:v37+s25+$0x0], $0xffff  }
0x380: {  	[tilespmem:s30+$0x4BB0] =	vst v59;
	v45 =	vld.idx.msk [tilespmem:v37+s26+$0x0], $0xffff  }
0x381: {  	[tilespmem:s30+$0x4FB0] =	vst v22;
	v23 =	vld.idx.msk [tilespmem:v37+s28+$0x0], $0xffff  }
0x382: {  	[tilespmem:s30+$0x43B0] =	vst v20;
	v20 =	vld [tilespmem:s30+$0x1200]  }
0x383: {  	v34 =	vld.idx.msk [tilespmem:v62+s24+$0x0], $0xffff  }
0x384: {  	v35 =	vld.idx.msk [tilespmem:v62+s25+$0x0], $0xffff  }
0x385: {  	v36 =	vld.idx.msk [tilespmem:v62+s26+$0x0], $0xffff  }
0x386: {  	v22 =	vld.idx.msk [tilespmem:v62+s28+$0x0], $0xffff;
	[tilespmem:s30+$0x44A0] =	vst v43  }
0x387: {  	v62 =	vld [tilespmem:s30+$0x1290];
	[tilespmem:s30+$0x48A0] =	vst v44  }
0x388: {  	[tilespmem:s30+$0x4CA0] =	vst v45;
	v43 =	vld [tilespmem:s30+$0x12A0]  }
0x389: {  	[tilespmem:s30+$0x50A0] =	vst v23;
	v44 =	vld [tilespmem:s30+$0x12B0]  }
0x38a: {  	v27 =	vld.idx.msk [tilespmem:v48+s24+$0x0], $0xffff  }
0x38b: {  	[tilespmem:s30+$0x4D80] =	vst v53;
	v53 =	vld.idx.msk [tilespmem:v48+s25+$0x0], $0xffff  }
0x38c: {  	v29 =	vld.idx.msk [tilespmem:v48+s26+$0x0], $0xffff;
	[tilespmem:s30+$0x4430] =	vst v34  }
0x38d: {  	v23 =	vld.idx.msk [tilespmem:v48+s28+$0x0], $0xffff;
	[tilespmem:s30+$0x4830] =	vst v35  }
0x38e: {  	[tilespmem:s30+$0x4C30] =	vst v36;
	v34 =	vld [tilespmem:s30+$0x1220]  }
0x38f: {  	[tilespmem:s30+$0x5030] =	vst v22;
	v36 =	vld [tilespmem:s30+$0x1230]  }
0x390: {  	v46 =	vld.idx.msk [tilespmem:v40+s25+$0x0], $0xffff  }
0x391: {  	[tilespmem:s30+$0x4610] =	vst v49;
	v47 =	vld.idx.msk [tilespmem:v40+s26+$0x0], $0xffff  }
0x392: {  	[tilespmem:s30+$0x5210] =	vst v24;
	v22 =	vld.idx.msk [tilespmem:v40+s28+$0x0], $0xffff  }
0x393: {  	[tilespmem:s30+$0x4A10] =	vst v51;
	v38 =	vld.idx.msk [tilespmem:v20+s24+$0x0], $0xffff  }
0x394: {  	[tilespmem:s30+$0x4E10] =	vst v52;
	v39 =	vld.idx.msk [tilespmem:v20+s25+$0x0], $0xffff  }
0x395: {  	v41 =	vld.idx.msk [tilespmem:v20+s26+$0x0], $0xffff;
	[tilespmem:s30+$0x4520] =	vst v27  }
0x396: {  	v20 =	vld.idx.msk [tilespmem:v20+s28+$0x0], $0xffff;
	[tilespmem:s30+$0x4920] =	vst v53  }
0x397: {  	v35 =	vld.idx.msk [tilespmem:v62+s24+$0x0], $0xffff;
	[tilespmem:s30+$0x4D20] =	vst v29  }
0x398: {  	v37 =	vld.idx.msk [tilespmem:v62+s25+$0x0], $0xffff;
	[tilespmem:s30+$0x5120] =	vst v23  }
0x399: {  	v63 =	vld.idx.msk [tilespmem:v57+s24+$0x0], $0xffff  }
0x39a: {  	v30 =	vld.idx.msk [tilespmem:v57+s25+$0x0], $0xffff  }
0x39b: {  	v31 =	vld.idx.msk [tilespmem:v57+s26+$0x0], $0xffff;
	[tilespmem:s30+$0x4600] =	vst v38  }
0x39c: {  	v23 =	vld.idx.msk [tilespmem:v57+s28+$0x0], $0xffff;
	[tilespmem:s30+$0x5200] =	vst v20  }
0x39d: {  	v20 =	vld.idx.msk [tilespmem:v40+s24+$0x0], $0xffff;
	[tilespmem:s30+$0x48B0] =	vst v46  }
0x39e: {  	v24 =	vld.idx.msk [tilespmem:v62+s28+$0x0], $0xffff;
	[tilespmem:s30+$0x45A0] =	vst v63  }
0x39f: {  	v53 =	vld [tilespmem:s30+$0x1320];
	[tilespmem:s30+$0x49A0] =	vst v30  }
0x3a0: {  	v38 =	vld.idx.msk [tilespmem:v62+s26+$0x0], $0xffff;
	[tilespmem:s30+$0x4DA0] =	vst v31  }
0x3a1: {  	v46 =	vld [tilespmem:s30+$0x1310];
	[tilespmem:s30+$0x51A0] =	vst v23  }
0x3a2: {  	[tilespmem:s30+$0x44B0] =	vst v20;
	v20 =	vld [tilespmem:s30+$0x1280]  }
0x3a3: {  	[tilespmem:s30+$0x4A00] =	vst v39;
	v27 =	vld.idx.msk [tilespmem:v34+s24+$0x0], $0xffff  }
0x3a4: {  	[tilespmem:s30+$0x4CB0] =	vst v47;
	v39 =	vld.idx.msk [tilespmem:v34+s25+$0x0], $0xffff  }
0x3a5: {  	[tilespmem:s30+$0x50B0] =	vst v22;
	v29 =	vld.idx.msk [tilespmem:v34+s26+$0x0], $0xffff  }
0x3a6: {  	[tilespmem:s30+$0x4E00] =	vst v41;
	v54 =	vld.idx.msk [tilespmem:v50+s24+$0x0], $0xffff  }
0x3a7: {  	[tilespmem:s30+$0x4690] =	vst v35;
	v55 =	vld.idx.msk [tilespmem:v50+s25+$0x0], $0xffff  }
0x3a8: {  	[tilespmem:s30+$0x4A90] =	vst v37;
	v56 =	vld.idx.msk [tilespmem:v50+s26+$0x0], $0xffff  }
0x3a9: {  	[tilespmem:s30+$0x5290] =	vst v24;
	v22 =	vld.idx.msk [tilespmem:v50+s28+$0x0], $0xffff  }
0x3aa: {  	[tilespmem:s30+$0x4E90] =	vst v38;
	v58 =	vld.idx.msk [tilespmem:v20+s24+$0x0], $0xffff  }
0x3ab: {  	[tilespmem:s30+$0x4530] =	vst v54;
	v59 =	vld.idx.msk [tilespmem:v20+s25+$0x0], $0xffff  }
0x3ac: {  	[tilespmem:s30+$0x4930] =	vst v55;
	v61 =	vld.idx.msk [tilespmem:v20+s26+$0x0], $0xffff  }
0x3ad: {  	[tilespmem:s30+$0x4D30] =	vst v56;
	v20 =	vld.idx.msk [tilespmem:v20+s28+$0x0], $0xffff  }
0x3ae: {  	v23 =	vld.idx.msk [tilespmem:v34+s28+$0x0], $0xffff;
	[tilespmem:s30+$0x5130] =	vst v22  }
0x3af: {  	[tilespmem:s30+$0x4620] =	vst v27;
	v32 =	vld.idx.msk [tilespmem:v60+s25+$0x0], $0xffff  }
0x3b0: {  	[tilespmem:s30+$0x4A20] =	vst v39;
	v33 =	vld.idx.msk [tilespmem:v60+s26+$0x0], $0xffff  }
0x3b1: {  	[tilespmem:s30+$0x4E20] =	vst v29;
	v22 =	vld.idx.msk [tilespmem:v60+s28+$0x0], $0xffff  }
0x3b2: {  	[tilespmem:s30+$0x5280] =	vst v20;
	v20 =	vld.idx.msk [tilespmem:v60+s24+$0x0], $0xffff  }
0x3b3: {  	v57 =	vld.idx.msk [tilespmem:v46+s25+$0x0], $0xffff;
	[tilespmem:s30+$0x5220] =	vst v23  }
0x3b4: {  	v47 =	vld.idx.msk [tilespmem:v43+s24+$0x0], $0xffff;
	[tilespmem:s30+$0x49B0] =	vst v32  }
0x3b5: {  	v48 =	vld.idx.msk [tilespmem:v43+s25+$0x0], $0xffff;
	[tilespmem:s30+$0x4DB0] =	vst v33  }
0x3b6: {  	v49 =	vld.idx.msk [tilespmem:v43+s26+$0x0], $0xffff;
	[tilespmem:s30+$0x51B0] =	vst v22  }
0x3b7: {  	v23 =	vld.idx.msk [tilespmem:v43+s28+$0x0], $0xffff;
	[tilespmem:s30+$0x45B0] =	vst v20  }
0x3b8: {  	v40 =	vld.idx.msk [tilespmem:v36+s24+$0x0], $0xffff  }
0x3b9: {  	[tilespmem:s30+$0x46A0] =	vst v47;
	v41 =	vld.idx.msk [tilespmem:v36+s25+$0x0], $0xffff  }
0x3ba: {  	[tilespmem:s30+$0x4AA0] =	vst v48;
	v42 =	vld.idx.msk [tilespmem:v36+s26+$0x0], $0xffff  }
0x3bb: {  	[tilespmem:s30+$0x4EA0] =	vst v49;
	v22 =	vld.idx.msk [tilespmem:v36+s28+$0x0], $0xffff  }
0x3bc: {  	v24 =	vld.idx.msk [tilespmem:v46+s28+$0x0], $0xffff;
	[tilespmem:s30+$0x4680] =	vst v58  }
0x3bd: {  	v20 =	vld [tilespmem:s30+$0x1300];
	[tilespmem:s30+$0x4630] =	vst v40  }
0x3be: {  	v55 =	vld.idx.msk [tilespmem:v46+s24+$0x0], $0xffff;
	[tilespmem:s30+$0x4A30] =	vst v41  }
0x3bf: {  	v56 =	vld [tilespmem:s30+$0x1330];
	[tilespmem:s30+$0x4E30] =	vst v42  }
0x3c0: {  	v58 =	vld.idx.msk [tilespmem:v46+s26+$0x0], $0xffff;
	[tilespmem:s30+$0x5230] =	vst v22  }
0x3c1: {  	[tilespmem:s30+$0x52A0] =	vst v23;
	v28 =	vld.idx.msk [tilespmem:v44+s24+$0x0], $0xffff  }
0x3c2: {  	[tilespmem:s30+$0x4A80] =	vst v59;
	v50 =	vld.idx.msk [tilespmem:v44+s25+$0x0], $0xffff  }
0x3c3: {  	[tilespmem:s30+$0x4E80] =	vst v61;
	v51 =	vld.idx.msk [tilespmem:v44+s26+$0x0], $0xffff  }
0x3c4: {  	[tilespmem:s30+$0x4710] =	vst v55;
	v21 =	vld.idx.msk [tilespmem:v44+s28+$0x0], $0xffff  }
0x3c5: {  	[tilespmem:s30+$0x4B10] =	vst v57;
	v45 =	vld.idx.msk [tilespmem:v20+s24+$0x0], $0xffff  }
0x3c6: {  	[tilespmem:s30+$0x5310] =	vst v24;
	v52 =	vld.idx.msk [tilespmem:v20+s25+$0x0], $0xffff  }
0x3c7: {  	[tilespmem:s30+$0x4F10] =	vst v58;
	v54 =	vld.idx.msk [tilespmem:v20+s26+$0x0], $0xffff  }
0x3c8: {  	v20 =	vld.idx.msk [tilespmem:v20+s28+$0x0], $0xffff;
	[tilespmem:s30+$0x46B0] =	vst v28  }
0x3c9: {  	[tilespmem:s30+$0x4AB0] =	vst v50  }
0x3ca: {  	[tilespmem:s30+$0x4EB0] =	vst v51  }
0x3cb: {  	v59 =	vld.idx.msk [tilespmem:v53+s25+$0x0], $0xffff;
	[tilespmem:s30+$0x52B0] =	vst v21  }
0x3cc: {  	v60 =	vld.idx.msk [tilespmem:v53+s26+$0x0], $0xffff;
	[tilespmem:s30+$0x4700] =	vst v45  }
0x3cd: {  	[tilespmem:s30+$0x5300] =	vst v20;
	v20 =	vld.idx.msk [tilespmem:v53+s24+$0x0], $0xffff  }
0x3ce: {  	v61 =	vld.idx.msk [tilespmem:v53+s28+$0x0], $0xffff;
	[tilespmem:s30+$0x4B00] =	vst v52  }
0x3cf: {  	[tilespmem:s30+$0x4F00] =	vst v54;
	v62 =	vld.idx.msk [tilespmem:v56+s24+$0x0], $0xffff  }
0x3d0: {  	[tilespmem:s30+$0x4B20] =	vst v59;
	v63 =	vld.idx.msk [tilespmem:v56+s26+$0x0], $0xffff  }
0x3d1: {  	[tilespmem:s30+$0x4F20] =	vst v60;
	v21 =	vld.idx.msk [tilespmem:v56+s28+$0x0], $0xffff  }
0x3d2: {  	p1 =	por p0, p0;
	[tilespmem:s30+$0x4720] =	vst v20;
	v20 =	vld.idx.msk [tilespmem:v56+s25+$0x0], $0xffff  }
.Ltmp1:
0x3d3: {  	[tilespmem:s30+$0x5320] =	vst v61;
	(pc) =	sbr.rel @p1 .LBB2_5-.Ltmp1, $4  }
0x3d4: {  	[tilespmem:s30+$0x4730] =	vst v62  }
0x3d5: {  	[tilespmem:s30+$0x4F30] =	vst v63  }
0x3d6: {  	[tilespmem:s30+$0x5330] =	vst v21  }
0x3d7: {  	p0 =	por $0x0, $0x0;
	[tilespmem:s30+$0x4B30] =	vst v20;
	s30 =	simm.s32 $0x40  }
0x3d8: {  	s22 =	sshll.u32 s22, $0xA  }
0x3d9: {  	s22 =	sand.u32 $0xFFF0000, s22  }
0x3da: {  	s22 =	sor.u32 s29, s22  }
0x3db: {  	s0 =	simm.s32 $0x3380;
	s29 =	sadd.s32 s5, s22  }
0x3dc: {  	[hbm4b:s29+s6] =	stream.linear.scatter [tilespmem:s0], [sflag:$0x4], $0x80, $0x38;
	[tilespmem:$0x5380] =	vst v63  }
0x3dd: {  	s31 =	simm.s32 $0x3780;
	s30 =	sadd.s32 $0x10, s29  }
0x3de: {  	[hbm4b:s30+s6] =	stream.linear.scatter [tilespmem:s31], [sflag:$0x4], $0x80, $0x38;
	[tilespmem:$0x5380] =	vst v63  }
0x3df: {  	s0 =	sadd.s32 $0x20, s29;
	s31 =	simm.s32 $0x3B80  }
0x3e0: {  	[hbm4b:s0+s6] =	stream.linear.scatter [tilespmem:s31], [sflag:$0x4], $0x80, $0x38;
	[tilespmem:$0x5380] =	vst v63  }
0x3e1: {  	s0 =	sadd.s32 $0x30, s29;
	s31 =	simm.s32 $0x3F80  }
0x3e2: {  	[hbm4b:s0+s6] =	stream.linear.scatter [tilespmem:s31], [sflag:$0x4], $0x80, $0x38;
	[tilespmem:$0x5380] =	vst v63  }
0x3e3: {  	s0 =	sadd.s32 $0x40, s29;
	s31 =	simm.s32 $0x4380  }
0x3e4: {  	[hbm4b:s0+s6] =	stream.linear.scatter [tilespmem:s31], [sflag:$0x4], $0x80, $0x38;
	[tilespmem:$0x5380] =	vst v63  }
0x3e5: {  	s0 =	sadd.s32 $0x50, s29;
	s31 =	simm.s32 $0x4780  }
0x3e6: {  	[hbm4b:s0+s6] =	stream.linear.scatter [tilespmem:s31], [sflag:$0x4], $0x80, $0x38;
	[tilespmem:$0x5380] =	vst v63  }
0x3e7: {  	s0 =	sadd.s32 $0x60, s29;
	s31 =	simm.s32 $0x4B80  }
0x3e8: {  	[hbm4b:s0+s6] =	stream.linear.scatter [tilespmem:s31], [sflag:$0x4], $0x80, $0x38;
	[tilespmem:$0x5380] =	vst v63  }
0x3e9: {  	s30 =	simm.s32 $0x4F80;
	s29 =	sadd.s32 $0x70, s29  }
0x3ea: {  	[hbm4b:s29+s6] =	stream.linear.scatter [tilespmem:s30], [sflag:$0x4], $0x80, $0x38;
	[tilespmem:$0x5380] =	vst v63  }
0x3eb: {  	s31 =	simm.s32 $0x3400;
	s29 =	sadd.s32 s22, s10  }
0x3ec: {  	[hbm4b:s29+s6] =	stream.linear.scatter [tilespmem:s31], [sflag:$0x4], $0x80, $0x38;
	[tilespmem:$0x5380] =	vst v63  }
0x3ed: {  	s0 =	sadd.s32 $0x10, s29;
	s31 =	simm.s32 $0x3800  }
0x3ee: {  	[hbm4b:s0+s6] =	stream.linear.scatter [tilespmem:s31], [sflag:$0x4], $0x80, $0x38;
	[tilespmem:$0x5380] =	vst v63  }
0x3ef: {  	s0 =	sadd.s32 $0x20, s29;
	s31 =	simm.s32 $0x3C00  }
0x3f0: {  	[hbm4b:s0+s6] =	stream.linear.scatter [tilespmem:s31], [sflag:$0x4], $0x80, $0x38;
	[tilespmem:$0x5380] =	vst v63  }
0x3f1: {  	s0 =	sadd.s32 $0x30, s29;
	s31 =	simm.s32 $0x4000  }
0x3f2: {  	[hbm4b:s0+s6] =	stream.linear.scatter [tilespmem:s31], [sflag:$0x4], $0x80, $0x38;
	[tilespmem:$0x5380] =	vst v63  }
0x3f3: {  	s0 =	sadd.s32 $0x40, s29;
	s31 =	simm.s32 $0x4400  }
0x3f4: {  	[hbm4b:s0+s6] =	stream.linear.scatter [tilespmem:s31], [sflag:$0x4], $0x80, $0x38;
	[tilespmem:$0x5380] =	vst v63  }
0x3f5: {  	s0 =	sadd.s32 $0x50, s29;
	s31 =	simm.s32 $0x4800  }
0x3f6: {  	[hbm4b:s0+s6] =	stream.linear.scatter [tilespmem:s31], [sflag:$0x4], $0x80, $0x38;
	[tilespmem:$0x5380] =	vst v63  }
0x3f7: {  	s0 =	sadd.s32 $0x60, s29;
	s31 =	simm.s32 $0x4C00  }
0x3f8: {  	[hbm4b:s0+s6] =	stream.linear.scatter [tilespmem:s31], [sflag:$0x4], $0x80, $0x38;
	[tilespmem:$0x5380] =	vst v63  }
0x3f9: {  	s30 =	simm.s32 $0x5000;
	s29 =	sadd.s32 $0x70, s29  }
0x3fa: {  	[hbm4b:s29+s6] =	stream.linear.scatter [tilespmem:s30], [sflag:$0x4], $0x80, $0x38;
	[tilespmem:$0x5380] =	vst v63  }
0x3fb: {  	s31 =	simm.s32 $0x3480;
	s29 =	sadd.s32 s22, s11  }
0x3fc: {  	[hbm4b:s29+s6] =	stream.linear.scatter [tilespmem:s31], [sflag:$0x4], $0x80, $0x38;
	[tilespmem:$0x5380] =	vst v63  }
0x3fd: {  	s0 =	sadd.s32 $0x10, s29;
	s31 =	simm.s32 $0x3880  }
0x3fe: {  	[hbm4b:s0+s6] =	stream.linear.scatter [tilespmem:s31], [sflag:$0x4], $0x80, $0x38;
	[tilespmem:$0x5380] =	vst v63  }
0x3ff: {  	s0 =	sadd.s32 $0x20, s29;
	s31 =	simm.s32 $0x3C80  }
0x400: {  	[hbm4b:s0+s6] =	stream.linear.scatter [tilespmem:s31], [sflag:$0x4], $0x80, $0x38;
	[tilespmem:$0x5380] =	vst v63  }
0x401: {  	s0 =	sadd.s32 $0x30, s29;
	s31 =	simm.s32 $0x4080  }
0x402: {  	[hbm4b:s0+s6] =	stream.linear.scatter [tilespmem:s31], [sflag:$0x4], $0x80, $0x38;
	[tilespmem:$0x5380] =	vst v63  }
0x403: {  	s0 =	sadd.s32 $0x40, s29;
	s31 =	simm.s32 $0x4480  }
0x404: {  	[hbm4b:s0+s6] =	stream.linear.scatter [tilespmem:s31], [sflag:$0x4], $0x80, $0x38;
	[tilespmem:$0x5380] =	vst v63  }
0x405: {  	s0 =	sadd.s32 $0x50, s29;
	s31 =	simm.s32 $0x4880  }
0x406: {  	[hbm4b:s0+s6] =	stream.linear.scatter [tilespmem:s31], [sflag:$0x4], $0x80, $0x38;
	[tilespmem:$0x5380] =	vst v63  }
0x407: {  	s0 =	sadd.s32 $0x60, s29;
	s31 =	simm.s32 $0x4C80  }
0x408: {  	[hbm4b:s0+s6] =	stream.linear.scatter [tilespmem:s31], [sflag:$0x4], $0x80, $0x38;
	[tilespmem:$0x5380] =	vst v63  }
0x409: {  	s30 =	simm.s32 $0x5080;
	s29 =	sadd.s32 $0x70, s29  }
0x40a: {  	[hbm4b:s29+s6] =	stream.linear.scatter [tilespmem:s30], [sflag:$0x4], $0x80, $0x38;
	[tilespmem:$0x5380] =	vst v63  }
0x40b: {  	s31 =	simm.s32 $0x3500;
	s29 =	sadd.s32 s22, s12  }
0x40c: {  	[hbm4b:s29+s6] =	stream.linear.scatter [tilespmem:s31], [sflag:$0x4], $0x80, $0x38;
	[tilespmem:$0x5380] =	vst v63  }
0x40d: {  	s0 =	sadd.s32 $0x10, s29;
	s31 =	simm.s32 $0x3900  }
0x40e: {  	[hbm4b:s0+s6] =	stream.linear.scatter [tilespmem:s31], [sflag:$0x4], $0x80, $0x38;
	[tilespmem:$0x5380] =	vst v63  }
0x40f: {  	s0 =	sadd.s32 $0x20, s29;
	s31 =	simm.s32 $0x3D00  }
0x410: {  	[hbm4b:s0+s6] =	stream.linear.scatter [tilespmem:s31], [sflag:$0x4], $0x80, $0x38;
	[tilespmem:$0x5380] =	vst v63  }
0x411: {  	s0 =	sadd.s32 $0x30, s29;
	s31 =	simm.s32 $0x4100  }
0x412: {  	[hbm4b:s0+s6] =	stream.linear.scatter [tilespmem:s31], [sflag:$0x4], $0x80, $0x38;
	[tilespmem:$0x5380] =	vst v63  }
0x413: {  	s0 =	sadd.s32 $0x40, s29;
	s31 =	simm.s32 $0x4500  }
0x414: {  	[hbm4b:s0+s6] =	stream.linear.scatter [tilespmem:s31], [sflag:$0x4], $0x80, $0x38;
	[tilespmem:$0x5380] =	vst v63  }
0x415: {  	s0 =	sadd.s32 $0x50, s29;
	s31 =	simm.s32 $0x4900  }
0x416: {  	[hbm4b:s0+s6] =	stream.linear.scatter [tilespmem:s31], [sflag:$0x4], $0x80, $0x38;
	[tilespmem:$0x5380] =	vst v63  }
0x417: {  	s0 =	sadd.s32 $0x60, s29;
	s31 =	simm.s32 $0x4D00  }
0x418: {  	[hbm4b:s0+s6] =	stream.linear.scatter [tilespmem:s31], [sflag:$0x4], $0x80, $0x38;
	[tilespmem:$0x5380] =	vst v63  }
0x419: {  	s30 =	simm.s32 $0x5100;
	s29 =	sadd.s32 $0x70, s29  }
0x41a: {  	[hbm4b:s29+s6] =	stream.linear.scatter [tilespmem:s30], [sflag:$0x4], $0x80, $0x38;
	[tilespmem:$0x5380] =	vst v63  }
0x41b: {  	s31 =	simm.s32 $0x3580;
	s29 =	sadd.s32 s22, s13  }
0x41c: {  	[hbm4b:s29+s6] =	stream.linear.scatter [tilespmem:s31], [sflag:$0x4], $0x80, $0x38;
	[tilespmem:$0x5380] =	vst v63  }
0x41d: {  	s0 =	sadd.s32 $0x10, s29;
	s31 =	simm.s32 $0x3980  }
0x41e: {  	[hbm4b:s0+s6] =	stream.linear.scatter [tilespmem:s31], [sflag:$0x4], $0x80, $0x38;
	[tilespmem:$0x5380] =	vst v63  }
0x41f: {  	s0 =	sadd.s32 $0x20, s29;
	s31 =	simm.s32 $0x3D80  }
0x420: {  	[hbm4b:s0+s6] =	stream.linear.scatter [tilespmem:s31], [sflag:$0x4], $0x80, $0x38;
	[tilespmem:$0x5380] =	vst v63  }
0x421: {  	s0 =	sadd.s32 $0x30, s29;
	s31 =	simm.s32 $0x4180  }
0x422: {  	[hbm4b:s0+s6] =	stream.linear.scatter [tilespmem:s31], [sflag:$0x4], $0x80, $0x38;
	[tilespmem:$0x5380] =	vst v63  }
0x423: {  	s0 =	sadd.s32 $0x40, s29;
	s31 =	simm.s32 $0x4580  }
0x424: {  	[hbm4b:s0+s6] =	stream.linear.scatter [tilespmem:s31], [sflag:$0x4], $0x80, $0x38;
	[tilespmem:$0x5380] =	vst v63  }
0x425: {  	s0 =	sadd.s32 $0x50, s29;
	s31 =	simm.s32 $0x4980  }
0x426: {  	[hbm4b:s0+s6] =	stream.linear.scatter [tilespmem:s31], [sflag:$0x4], $0x80, $0x38;
	[tilespmem:$0x5380] =	vst v63  }
0x427: {  	s0 =	sadd.s32 $0x60, s29;
	s31 =	simm.s32 $0x4D80  }
0x428: {  	[hbm4b:s0+s6] =	stream.linear.scatter [tilespmem:s31], [sflag:$0x4], $0x80, $0x38;
	[tilespmem:$0x5380] =	vst v63  }
0x429: {  	s30 =	simm.s32 $0x5180;
	s29 =	sadd.s32 $0x70, s29  }
0x42a: {  	[hbm4b:s29+s6] =	stream.linear.scatter [tilespmem:s30], [sflag:$0x4], $0x80, $0x38;
	[tilespmem:$0x5380] =	vst v63  }
0x42b: {  	s31 =	simm.s32 $0x3600;
	s29 =	sadd.s32 s22, s14  }
0x42c: {  	[hbm4b:s29+s6] =	stream.linear.scatter [tilespmem:s31], [sflag:$0x4], $0x80, $0x38;
	[tilespmem:$0x5380] =	vst v63  }
0x42d: {  	s0 =	sadd.s32 $0x10, s29;
	s31 =	simm.s32 $0x3A00  }
0x42e: {  	[hbm4b:s0+s6] =	stream.linear.scatter [tilespmem:s31], [sflag:$0x4], $0x80, $0x38;
	[tilespmem:$0x5380] =	vst v63  }
0x42f: {  	s0 =	sadd.s32 $0x20, s29;
	s31 =	simm.s32 $0x3E00  }
0x430: {  	[hbm4b:s0+s6] =	stream.linear.scatter [tilespmem:s31], [sflag:$0x4], $0x80, $0x38;
	[tilespmem:$0x5380] =	vst v63  }
0x431: {  	s0 =	sadd.s32 $0x30, s29;
	s31 =	simm.s32 $0x4200  }
0x432: {  	[hbm4b:s0+s6] =	stream.linear.scatter [tilespmem:s31], [sflag:$0x4], $0x80, $0x38;
	[tilespmem:$0x5380] =	vst v63  }
0x433: {  	s0 =	sadd.s32 $0x40, s29;
	s31 =	simm.s32 $0x4600  }
0x434: {  	[hbm4b:s0+s6] =	stream.linear.scatter [tilespmem:s31], [sflag:$0x4], $0x80, $0x38;
	[tilespmem:$0x5380] =	vst v63  }
0x435: {  	s0 =	sadd.s32 $0x50, s29;
	s31 =	simm.s32 $0x4A00  }
0x436: {  	[hbm4b:s0+s6] =	stream.linear.scatter [tilespmem:s31], [sflag:$0x4], $0x80, $0x38;
	[tilespmem:$0x5380] =	vst v63  }
0x437: {  	s0 =	sadd.s32 $0x60, s29;
	s31 =	simm.s32 $0x4E00  }
0x438: {  	[hbm4b:s0+s6] =	stream.linear.scatter [tilespmem:s31], [sflag:$0x4], $0x80, $0x38;
	[tilespmem:$0x5380] =	vst v63  }
0x439: {  	s30 =	simm.s32 $0x5200;
	s29 =	sadd.s32 $0x70, s29  }
0x43a: {  	[hbm4b:s29+s6] =	stream.linear.scatter [tilespmem:s30], [sflag:$0x4], $0x80, $0x38;
	[tilespmem:$0x5380] =	vst v63  }
0x43b: {  	s31 =	simm.s32 $0x3680;
	s29 =	sadd.s32 s22, s15  }
0x43c: {  	[hbm4b:s29+s6] =	stream.linear.scatter [tilespmem:s31], [sflag:$0x4], $0x80, $0x38;
	[tilespmem:$0x5380] =	vst v63  }
0x43d: {  	s0 =	sadd.s32 $0x10, s29;
	s31 =	simm.s32 $0x3A80  }
0x43e: {  	[hbm4b:s0+s6] =	stream.linear.scatter [tilespmem:s31], [sflag:$0x4], $0x80, $0x38;
	[tilespmem:$0x5380] =	vst v63  }
0x43f: {  	s0 =	sadd.s32 $0x20, s29;
	s31 =	simm.s32 $0x3E80  }
0x440: {  	[hbm4b:s0+s6] =	stream.linear.scatter [tilespmem:s31], [sflag:$0x4], $0x80, $0x38;
	[tilespmem:$0x5380] =	vst v63  }
0x441: {  	s0 =	sadd.s32 $0x30, s29;
	s31 =	simm.s32 $0x4280  }
0x442: {  	[hbm4b:s0+s6] =	stream.linear.scatter [tilespmem:s31], [sflag:$0x4], $0x80, $0x38;
	[tilespmem:$0x5380] =	vst v63  }
0x443: {  	s0 =	sadd.s32 $0x40, s29;
	s31 =	simm.s32 $0x4680  }
0x444: {  	[hbm4b:s0+s6] =	stream.linear.scatter [tilespmem:s31], [sflag:$0x4], $0x80, $0x38;
	[tilespmem:$0x5380] =	vst v63  }
0x445: {  	s0 =	sadd.s32 $0x50, s29;
	s31 =	simm.s32 $0x4A80  }
0x446: {  	[hbm4b:s0+s6] =	stream.linear.scatter [tilespmem:s31], [sflag:$0x4], $0x80, $0x38;
	[tilespmem:$0x5380] =	vst v63  }
0x447: {  	s0 =	sadd.s32 $0x60, s29;
	s31 =	simm.s32 $0x4E80  }
0x448: {  	[hbm4b:s0+s6] =	stream.linear.scatter [tilespmem:s31], [sflag:$0x4], $0x80, $0x38;
	[tilespmem:$0x5380] =	vst v63  }
0x449: {  	s29 =	sadd.s32 $0x70, s29;
	s31 =	simm.s32 $0x5280  }
0x44a: {  	[hbm4b:s29+s6] =	stream.linear.scatter [tilespmem:s31], [sflag:$0x4], $0x80, $0x38;
	[tilespmem:$0x5380] =	vst v63  }
0x44b: {  	s22 =	sadd.s32 s22, s16  }
0x44c: {  	[hbm4b:s22+s6] =	stream.linear.scatter [tilespmem:s1], [sflag:$0x4], $0x80, $0x38;
	[tilespmem:$0x5380] =	vst v63  }
0x44d: {  	s0 =	sadd.s32 $0x10, s22  }
0x44e: {  	[hbm4b:s0+s6] =	stream.linear.scatter [tilespmem:s3], [sflag:$0x4], $0x80, $0x38;
	[tilespmem:$0x5380] =	vst v63  }
0x44f: {  	s30 =	sadd.s32 $0x20, s22  }
0x450: {  	[hbm4b:s30+s6] =	stream.linear.scatter [tilespmem:s4], [sflag:$0x4], $0x80, $0x38;
	[tilespmem:$0x5380] =	vst v63  }
0x451: {  	s31 =	sadd.s32 $0x30, s22  }
0x452: {  	[hbm4b:s31+s6] =	stream.linear.scatter [tilespmem:s21], [sflag:$0x4], $0x80, $0x38;
	[tilespmem:$0x5380] =	vst v63  }
0x453: {  	s19 =	sadd.s32 $0x1, s19;
	s0 =	sadd.s32 $0x40, s22  }
0x454: {  	[hbm4b:s0+s6] =	stream.linear.scatter [tilespmem:s8], [sflag:$0x4], $0x80, $0x38;
	[tilespmem:$0x5380] =	vst v63  }
0x455: {  	p0 =	sne.s32 s19, $0x19;
	s30 =	sadd.s32 $0x50, s22  }
0x456: {  	[hbm4b:s30+s6] =	stream.linear.scatter [tilespmem:s17], [sflag:$0x4], $0x80, $0x38;
	[tilespmem:$0x5380] =	vst v63  }
.Ltmp2:
0x457: {  	_ = 	snop;
	(pc) =	sbr.rel @p0 .LBB2_2-.Ltmp2, $4  }
0x458: {  	s31 =	sadd.s32 $0x60, s22  }
0x459: {  	[hbm4b:s31+s6] =	stream.linear.scatter [tilespmem:s20], [sflag:$0x4], $0x80, $0x38;
	[tilespmem:$0x5380] =	vst v63  }
0x45a: {  	s22 =	sadd.s32 $0x70, s22  }
0x45b: {  	[hbm4b:s22+s6] =	stream.linear.scatter [tilespmem:s18], [sflag:$0x4], $0x80, $0x38;
	[tilespmem:$0x5380] =	vst v63  }
0x45c: {  	s0 =	simm.s32 $0x3  }
0x45d: {  	_ =	swait.ge [sflag:s0], $0x400  }
0x45e: {  	[sflag:s0] =	ssyncset.done $0x0  }
0x45f: {  	s22 =	simm.s32 $0x4;
	[sflag:s0] =	ssyncadd.s32 $0xFFFFFC00  }
0x460: {  	_ =	swait.ge [sflag:s22], $0x400  }
0x461: {  	[sflag:s22] =	ssyncset.done $0x0  }
0x462: {  	[sflag:s22] =	ssyncadd.s32 $0xFFFFFC00  }
0x463: {  	_ =	swait.ge [sflag:s0], $0x400  }
0x464: {  	[sflag:s0] =	ssyncset.done $0x0  }
0x465: {  	[sflag:s0] =	ssyncadd.s32 $0xFFFFFC00  }
0x466: {  	_ =	swait.ge [sflag:s22], $0x400  }
0x467: {  	[sflag:s22] =	ssyncset.done $0x0  }
0x468: {  	[sflag:s22] =	ssyncadd.s32 $0xFFFFFC00  }
0x469: {  	_ =	swait.ge [sflag:s0], $0x400  }
0x46a: {  	[sflag:s0] =	ssyncset.done $0x0  }
0x46b: {  	[sflag:s0] =	ssyncadd.s32 $0xFFFFFC00  }
0x46c: {  	_ =	swait.ge [sflag:s22], $0x400  }
0x46d: {  	[sflag:s22] =	ssyncset.done $0x0  }
0x46e: {  	[sflag:s22] =	ssyncadd.s32 $0xFFFFFC00  }
0x46f: {  	_ =	swait.ge [sflag:s0], $0x400  }
0x470: {  	[sflag:s0] =	ssyncset.done $0x0  }
0x471: {  	[sflag:s0] =	ssyncadd.s32 $0xFFFFFC00  }
0x472: {  	_ =	swait.ge [sflag:s22], $0x400  }
0x473: {  	[sflag:s22] =	ssyncset.done $0x0  }
0x474: {  	[sflag:s22] =	ssyncadd.s32 $0xFFFFFC00  }
0x475: {  	_ =	swait.ge [sflag:s0], $0x400  }
0x476: {  	[sflag:s0] =	ssyncset.done $0x0  }
0x477: {  	[sflag:s0] =	ssyncadd.s32 $0xFFFFFC00  }
0x478: {  	_ =	swait.ge [sflag:s22], $0x400  }
0x479: {  	[sflag:s22] =	ssyncset.done $0x0  }
0x47a: {  	[sflag:s22] =	ssyncadd.s32 $0xFFFFFC00  }
0x47b: {  	_ =	swait.ge [sflag:s0], $0x400  }
0x47c: {  	[sflag:s0] =	ssyncset.done $0x0  }
0x47d: {  	[sflag:s0] =	ssyncadd.s32 $0xFFFFFC00  }
0x47e: {  	_ =	swait.ge [sflag:s22], $0x400  }
0x47f: {  	[sflag:s22] =	ssyncset.done $0x0  }
0x480: {  	[sflag:s22] =	ssyncadd.s32 $0xFFFFFC00  }
0x481: {  	_ =	swait.ge [sflag:s0], $0x400  }
0x482: {  	[sflag:s0] =	ssyncset.done $0x0  }
0x483: {  	[sflag:s0] =	ssyncadd.s32 $0xFFFFFC00  }
0x484: {  	_ =	swait.ge [sflag:s22], $0x400  }
0x485: {  	[sflag:s22] =	ssyncset.done $0x0  }
0x486: {  	[sflag:s22] =	ssyncadd.s32 $0xFFFFFC00  }
0x487: {  	_ =	swait.ge [sflag:s0], $0x400  }
0x488: {  	[sflag:s0] =	ssyncset.done $0x0  }
0x489: {  	[sflag:s0] =	ssyncadd.s32 $0xFFFFFC00  }
0x48a: {  	_ =	swait.ge [sflag:s22], $0x400  }
0x48b: {  	s31 =	rddreg [dreg:$0x8]  }
0x48c: {  	s19 =	rddreg [dreg:$0x7];
	s0 =	sadd.s32 $0x1, s31  }
0x48d: {  	p0 =	sne.s32 s0, s19  }
.Ltmp3:
0x48e: {  	_ = 	snop;
	(pc) =	sbr.rel @p0 .LBB2_1-.Ltmp3, $3  }
0x48f: {  	_ =	sdelay $0x1  }
0x490: {  	[sflag:s22] =	ssyncset.done $0x0  }
0x491: {  	[sflag:s22] =	ssyncadd.s32 $0xFFFFFC00  }
0x492: {  	_ =	sfence.sel $0x180000  }
0x493: {  	[bflag:$0x0] =	sbarrier.arrive $0xFFFF  }
0x494: {  	_ =	strace $0x90000047  }
0x495: {  	s0 =	stileid.u32;
	[bflag:$0x2] =	sbarrier.arrive $0xFFFF  }
0x496: {  	p0 =	sne.s32 s0, $0x0;
	s0 =	rddreg [dreg:$0x5]  }
0x497: {  	s0 =	sadd.s32 @!p0 $0x100000, s0  }
0x498: {  	[sflag:s0] =	ssyncadd.tile.s32 @!p0 $0x1;
	_ =	shalt  }
.Lfunc_end2:
_tile_overlayer_lowered:
.L_overlay_start_2:
0x499: {  	(tag) =	ssettag $0x2  }
0x49a: {  	s0 =	rddreg [dreg:$0x0];
	s2 =	stileid.u32  }
0x49b: {  	s1 =	rddreg [dreg:$0x1];
	p0 =	sne.s32 s2, $0x0  }
0x49c: {  	s3 =	rddreg [dreg:$0x2];
	[bflag:$0x3] =	sbarrier.arrive $0xFFFF;
	s2 =	simm.s32 @!p0 $0x1C05  }
0x49d: {  	[timem:s3], [sflag:s2] =	dma.local @!p0 [hbm:s0], s1  }
0x49e: {  	s0 =	simm.s32 @!p0 $0x5  }
0x49f: {  	_ =	swait.ge @!p0 [sflag:s0], s1  }
0x4a0: {  	s1 =	ssub.s32 @!p0 $0x0, s1;
	[sflag:s0] =	ssyncset.done @!p0 $0x0  }
0x4a1: {  	[sflag:s0] =	ssyncadd.s32 @!p0 s1  }
0x4a2: {  	[bflag:$0x3] =	sbarrier.arrive $0xFFFF  }
0x4a3: {  	_ =	shalt  }

</sc_bundles>
